<compile_context>
chip_gen: v7x
topology: tpu7x:2x2x1
jax: 0.10.2.dev20260603
libtpu: 0.0.44.dev20260713+nightly
codegen_flags: <defaults>
</compile_context>

<pallas_src>
import functools

import jax
import jax.numpy as jnp
from jax import lax
from jax.experimental import pallas as pl
from jax.experimental.pallas import tpu as pltpu
from jax.experimental.pallas import tpu_sc as plsc

NUM_CORES = 2
NUM_SUBCORES = 16
LANES = 16

NUM_EMB = 1000000
BATCH = 16384
DIM = 64
J_PER_CORE = DIM // NUM_CORES
PAIRS_PER_T = BATCH // NUM_SUBCORES
QROWS = PAIRS_PER_T // 128
STAGE_CHUNK = 62464
STAGE_MAIN = STAGE_CHUNK * NUM_SUBCORES
TAIL = 640
BUF_LEN = STAGE_MAIN + TAIL


def _make_dot_kernel():
    mesh = plsc.VectorSubcoreMesh(core_axis_name="c", subcore_axis_name="s")

    @functools.partial(
        pl.kernel,
        out_type=jax.ShapeDtypeStruct((NUM_CORES, BATCH), jnp.float32),
        mesh=mesh,
        compiler_params=pltpu.CompilerParams(needs_layout_passes=False),
        scratch_types=[
            pltpu.VMEM((QROWS, 128), jnp.int32),
            pltpu.VMEM((QROWS, 128), jnp.int32),
            pltpu.VMEM((QROWS, 128), jnp.float32),
            pltpu.VMEM((QROWS, 128), jnp.float32),
            pltpu.VMEM((QROWS, 128), jnp.float32),
            pltpu.VMEM_SHARED((BUF_LEN,), jnp.float32),
            pltpu.VMEM_SHARED((BUF_LEN,), jnp.float32),
            pltpu.SemaphoreType.DMA,
            pltpu.SemaphoreType.DMA,
        ],
    )
    def dot_kernel(data_hbm, table_hbm, tail_hbm, out_hbm, xidx_v, yidx_v,
                   xval_v, yval_v, acc_v, row_a, row_b, sem_stage, sem_g):
        c = lax.axis_index("c")
        s = lax.axis_index("s")

        for q in range(QROWS):
            off = s * PAIRS_PER_T + q * 128
            pltpu.async_copy(data_hbm.at[0, pl.ds(off, 128)], xidx_v.at[q],
                             sem_g)
            pltpu.async_copy(data_hbm.at[1, pl.ds(off, 128)], yidx_v.at[q],
                             sem_g)
        for q in range(QROWS):
            pltpu.make_async_copy(
                data_hbm.at[0, pl.ds(0, 128)], xidx_v.at[q], sem_g).wait()
            pltpu.make_async_copy(
                data_hbm.at[1, pl.ds(0, 128)], yidx_v.at[q], sem_g).wait()

        zeros16 = jnp.zeros((LANES,), jnp.float32)
        for q in range(QROWS):
            for h in range(128 // LANES):
                acc_v[q, pl.ds(h * LANES, LANES)] = zeros16

        def stage(jloc, buf):
            jrow = c * J_PER_CORE + jloc
            pltpu.async_copy(
                table_hbm.at[jrow, pl.ds(s * STAGE_CHUNK, STAGE_CHUNK)],
                buf.at[pl.ds(s * STAGE_CHUNK, STAGE_CHUNK)], sem_stage)

            @pl.when(s == 0)
            def _():
                pltpu.async_copy(tail_hbm.at[jrow],
                                 buf.at[pl.ds(STAGE_MAIN, TAIL)], sem_stage)

        def stage_wait(buf):
            pltpu.make_async_copy(
                table_hbm.at[0, pl.ds(0, STAGE_CHUNK)],
                buf.at[pl.ds(0, STAGE_CHUNK)], sem_stage).wait()

            @pl.when(s == 0)
            def _():
                pltpu.make_async_copy(
                    tail_hbm.at[0], buf.at[pl.ds(STAGE_MAIN, TAIL)],
                    sem_stage).wait()

        def gather_and_accum(buf):
            def fire_q(q, carry):
                pltpu.async_copy(buf.at[xidx_v.at[q]], xval_v.at[q], sem_g)
                pltpu.async_copy(buf.at[yidx_v.at[q]], yval_v.at[q], sem_g)
                return carry

            lax.fori_loop(0, QROWS, fire_q, 0)

            def accum_q(q, carry):
                pltpu.make_async_copy(
                    table_hbm.at[0, pl.ds(0, 128)], xval_v.at[q], sem_g).wait()
                pltpu.make_async_copy(
                    table_hbm.at[0, pl.ds(0, 128)], yval_v.at[q], sem_g).wait()
                for h in range(128 // LANES):
                    sl = pl.ds(h * LANES, LANES)
                    acc_v[q, sl] = acc_v[q, sl] + xval_v[q, sl] * yval_v[q, sl]
                return carry

            lax.fori_loop(0, QROWS, accum_q, 0)

        stage(0, row_a)

        def step_body(jj, carry):
            j0 = 2 * jj
            plsc.subcore_barrier()
            stage(j0 + 1, row_b)
            stage_wait(row_a)
            plsc.subcore_barrier()
            gather_and_accum(row_a)
            plsc.subcore_barrier()

            @pl.when(jj < J_PER_CORE // 2 - 1)
            def _():
                stage(j0 + 2, row_a)

            stage_wait(row_b)
            plsc.subcore_barrier()
            gather_and_accum(row_b)
            return carry

        lax.fori_loop(0, J_PER_CORE // 2, step_body, 0)

        for q in range(QROWS):
            pltpu.sync_copy(
                acc_v.at[q],
                out_hbm.at[c, pl.ds(s * PAIRS_PER_T + q * 128, 128)])

    return dot_kernel


def _make_combine_kernel():
    mesh = plsc.VectorSubcoreMesh(core_axis_name="c", subcore_axis_name="s")
    nw = NUM_CORES * NUM_SUBCORES
    per_w = BATCH // nw
    krows = per_w // 128

    @functools.partial(
        pl.kernel,
        out_type=jax.ShapeDtypeStruct((BATCH,), jnp.float32),
        mesh=mesh,
        compiler_params=pltpu.CompilerParams(needs_layout_passes=False),
        scratch_types=[
            pltpu.VMEM((krows, 128), jnp.float32),
            pltpu.VMEM((krows, 128), jnp.float32),
            pltpu.VMEM((krows, 128), jnp.float32),
            pltpu.SemaphoreType.DMA,
        ],
    )
    def combine_kernel(part_hbm, out_hbm, pa_v, pb_v, out_v, sem):
        wid = lax.axis_index("s") * NUM_CORES + lax.axis_index("c")
        base = wid * per_w
        for k in range(krows):
            pltpu.async_copy(part_hbm.at[0, pl.ds(base + k * 128, 128)],
                             pa_v.at[k], sem)
            pltpu.async_copy(part_hbm.at[1, pl.ds(base + k * 128, 128)],
                             pb_v.at[k], sem)
        for k in range(krows):
            pltpu.make_async_copy(
                part_hbm.at[0, pl.ds(0, 128)], pa_v.at[k], sem).wait()
            pltpu.make_async_copy(
                part_hbm.at[1, pl.ds(0, 128)], pb_v.at[k], sem).wait()
        for k in range(krows):
            for h in range(128 // LANES):
                sl = pl.ds(h * LANES, LANES)
                d = pa_v[k, sl] + pb_v[k, sl]
                out_v[k, sl] = 1.0 / (1.0 + jnp.exp(d))
        for k in range(krows):
            pltpu.sync_copy(out_v.at[k],
                            out_hbm.at[pl.ds(base + k * 128, 128)])

    return combine_kernel


_DOT_KERNEL = _make_dot_kernel()
_COMBINE_KERNEL = _make_combine_kernel()


def kernel(data, embeddings):
    data_t = jnp.swapaxes(data, 0, 1)
    table_t = jnp.swapaxes(embeddings, 0, 1)
    tail = jnp.pad(embeddings[STAGE_MAIN:, :], ((0, TAIL - (NUM_EMB - STAGE_MAIN)), (0, 0)))
    tail_t = jnp.swapaxes(tail, 0, 1)
    partials = _DOT_KERNEL(data_t, table_t, tail_t)
    return _COMBINE_KERNEL(partials)

# --- scband reference (transcript-rebuilt; emitter-appended) ---
"""Pipeline reference for scband-evaluation-model-54314156425230 (READ-ONLY COPY).

The authoritative reference and input builder live on the scoring server;
editing this copy changes nothing except your own understanding.
"""

import jax, jax.numpy as jnp
import numpy as np

NUM_EMBEDDINGS = 1000000
EMBED_DIM = 64
BATCH = 16384

def setup_inputs(seed: int = 0) -> dict:
    key = jax.random.key(seed)
    k1, k2 = jax.random.split(key)
    data = jax.random.randint(k1, (BATCH, 2), 0, NUM_EMBEDDINGS, dtype=jnp.int64 if jax.config.jax_enable_x64 else jnp.int32).astype(jnp.int32)
    embeddings = jax.random.normal(k2, (NUM_EMBEDDINGS, EMBED_DIM), dtype=jnp.float32)
    return {"data": data, "embeddings": embeddings}

def reference(data, embeddings):
    # Faithful translation of EvaluationModel.forward
    x_idx = data[:, 0]
    y_idx = data[:, 1]
    x = jnp.take(embeddings, x_idx, axis=0)
    y = jnp.take(embeddings, y_idx, axis=0)
    dot_product = jnp.sum(x * y, axis=1)
    return 1.0 - jax.nn.sigmoid(dot_product)

if __name__ == "__main__":
    import jax
    _d = setup_inputs()
    print(jax.jit(kernel)(*tuple(_d.values())))

</pallas_src>

<mosaic_0001>
#map = affine_map<(d0, d1) -> (0, 0)>
module attributes {stable_mosaic.version = 14 : i64} {
  func.func @dot_kernel(%arg0: i32, %arg1: i32, %arg2: memref<2x16384xi32, #tpu.memory_space<hbm>>, %arg3: memref<64x1000000xf32, #tpu.memory_space<hbm>>, %arg4: memref<64x640xf32, #tpu.memory_space<hbm>>, %arg5: memref<2x16384xf32, #tpu.memory_space<hbm>>, %arg6: memref<8x128xi32, #tpu.memory_space<vmem>>, %arg7: memref<8x128xi32, #tpu.memory_space<vmem>>, %arg8: memref<8x128xf32, #tpu.memory_space<vmem>>, %arg9: memref<8x128xf32, #tpu.memory_space<vmem>>, %arg10: memref<8x128xf32, #tpu.memory_space<vmem>>, %arg11: memref<1000064xf32, #tpu.memory_space<vmem_shared>>, %arg12: memref<1000064xf32, #tpu.memory_space<vmem_shared>>, %arg13: memref<!tpu.dma_semaphore, #tpu.memory_space<semaphore_mem>>, %arg14: memref<!tpu.dma_semaphore, #tpu.memory_space<semaphore_mem>>) attributes {dimension_semantics = [#tpu.dimension_semantics<core_parallel>, #tpu.dimension_semantics<subcore_parallel>], iteration_bounds = array<i64: 2, 16>, scalar_prefetch = 0 : i64, scratch_operands = 9 : i64, tpu.core_type = #tpu.core_type<sc_vector_subcore>, window_params = [{transform_indices = #map}, {transform_indices = #map}, {transform_indices = #map}, {transform_indices = #map}]} {
    %mul3A = arith.constant 1024 : i32
    %mul3A_0 = arith.muli %arg1, %mul3A : i32
    %add3A = arith.constant 0 : i32
    %add3A_1 = arith.addi %mul3A_0, %add3A : i32
    %dma_start3A = arith.constant 0 : i32
    %dma_start3A_2 = arith.constant 0 : i32
    %dma_start3A_3 = arith.constant 0 : i32
    %dma_start3A_4 = tpu.memref_slice %arg6[%dma_start3A_2, %dma_start3A_3] : memref<8x128xi32, #tpu.memory_space<vmem>> -> memref<1x128xi32, #tpu.memory_space<vmem>>
    %dma_start3A_5 = tpu.memref_squeeze %dma_start3A_4 : memref<1x128xi32, #tpu.memory_space<vmem>> -> memref<128xi32, #tpu.memory_space<vmem>>
    %dma_start3A_6 = tpu.memref_slice %arg2[%dma_start3A, %add3A_1] : memref<2x16384xi32, #tpu.memory_space<hbm>> -> memref<1x128xi32, #tpu.memory_space<hbm>>
    %dma_start3A_7 = tpu.memref_squeeze %dma_start3A_6 : memref<1x128xi32, #tpu.memory_space<hbm>> -> memref<128xi32, #tpu.memory_space<hbm>>
    %dma_start3A_8 = arith.constant 0 : i32
    %dma_start3A_9 = tpu.memref_slice %arg6[%dma_start3A_2, %dma_start3A_8] : memref<8x128xi32, #tpu.memory_space<vmem>> -> memref<1x128xi32, #tpu.memory_space<vmem>>
    %dma_start3A_10 = tpu.memref_squeeze %dma_start3A_9 : memref<1x128xi32, #tpu.memory_space<vmem>> -> memref<128xi32, #tpu.memory_space<vmem>>
    %dma_start3A_11 = tpu.memref_slice %arg2[%dma_start3A, %add3A_1] : memref<2x16384xi32, #tpu.memory_space<hbm>> -> memref<1x128xi32, #tpu.memory_space<hbm>>
    %dma_start3A_12 = tpu.memref_squeeze %dma_start3A_11 : memref<1x128xi32, #tpu.memory_space<hbm>> -> memref<128xi32, #tpu.memory_space<hbm>>
    tpu.enqueue_dma source(%dma_start3A_12 : memref<128xi32, #tpu.memory_space<hbm>>) target(%dma_start3A_10 : memref<128xi32, #tpu.memory_space<vmem>>) target_semaphore(%arg14 : memref<!tpu.dma_semaphore, #tpu.memory_space<semaphore_mem>>)
    %dma_start3A_13 = arith.constant 1 : i32
    %dma_start3A_14 = arith.constant 0 : i32
    %dma_start3A_15 = arith.constant 0 : i32
    %dma_start3A_16 = tpu.memref_slice %arg7[%dma_start3A_14, %dma_start3A_15] : memref<8x128xi32, #tpu.memory_space<vmem>> -> memref<1x128xi32, #tpu.memory_space<vmem>>
    %dma_start3A_17 = tpu.memref_squeeze %dma_start3A_16 : memref<1x128xi32, #tpu.memory_space<vmem>> -> memref<128xi32, #tpu.memory_space<vmem>>
    %dma_start3A_18 = tpu.memref_slice %arg2[%dma_start3A_13, %add3A_1] : memref<2x16384xi32, #tpu.memory_space<hbm>> -> memref<1x128xi32, #tpu.memory_space<hbm>>
    %dma_start3A_19 = tpu.memref_squeeze %dma_start3A_18 : memref<1x128xi32, #tpu.memory_space<hbm>> -> memref<128xi32, #tpu.memory_space<hbm>>
    %dma_start3A_20 = arith.constant 0 : i32
    %dma_start3A_21 = tpu.memref_slice %arg7[%dma_start3A_14, %dma_start3A_20] : memref<8x128xi32, #tpu.memory_space<vmem>> -> memref<1x128xi32, #tpu.memory_space<vmem>>
    %dma_start3A_22 = tpu.memref_squeeze %dma_start3A_21 : memref<1x128xi32, #tpu.memory_space<vmem>> -> memref<128xi32, #tpu.memory_space<vmem>>
    %dma_start3A_23 = tpu.memref_slice %arg2[%dma_start3A_13, %add3A_1] : memref<2x16384xi32, #tpu.memory_space<hbm>> -> memref<1x128xi32, #tpu.memory_space<hbm>>
    %dma_start3A_24 = tpu.memref_squeeze %dma_start3A_23 : memref<1x128xi32, #tpu.memory_space<hbm>> -> memref<128xi32, #tpu.memory_space<hbm>>
    tpu.enqueue_dma source(%dma_start3A_24 : memref<128xi32, #tpu.memory_space<hbm>>) target(%dma_start3A_22 : memref<128xi32, #tpu.memory_space<vmem>>) target_semaphore(%arg14 : memref<!tpu.dma_semaphore, #tpu.memory_space<semaphore_mem>>)
    %mul3A_25 = arith.constant 1024 : i32
    %mul3A_26 = arith.muli %arg1, %mul3A_25 : i32
    %add3A_27 = arith.constant 128 : i32
    %add3A_28 = arith.addi %mul3A_26, %add3A_27 : i32
    %dma_start3A_29 = arith.constant 0 : i32
    %dma_start3A_30 = arith.constant 1 : i32
    %dma_start3A_31 = arith.constant 0 : i32
    %dma_start3A_32 = tpu.memref_slice %arg6[%dma_start3A_30, %dma_start3A_31] : memref<8x128xi32, #tpu.memory_space<vmem>> -> memref<1x128xi32, #tpu.memory_space<vmem>>
    %dma_start3A_33 = tpu.memref_squeeze %dma_start3A_32 : memref<1x128xi32, #tpu.memory_space<vmem>> -> memref<128xi32, #tpu.memory_space<vmem>>
    %dma_start3A_34 = tpu.memref_slice %arg2[%dma_start3A_29, %add3A_28] : memref<2x16384xi32, #tpu.memory_space<hbm>> -> memref<1x128xi32, #tpu.memory_space<hbm>>
    %dma_start3A_35 = tpu.memref_squeeze %dma_start3A_34 : memref<1x128xi32, #tpu.memory_space<hbm>> -> memref<128xi32, #tpu.memory_space<hbm>>
    %dma_start3A_36 = arith.constant 0 : i32
    %dma_start3A_37 = tpu.memref_slice %arg6[%dma_start3A_30, %dma_start3A_36] : memref<8x128xi32, #tpu.memory_space<vmem>> -> memref<1x128xi32, #tpu.memory_space<vmem>>
    %dma_start3A_38 = tpu.memref_squeeze %dma_start3A_37 : memref<1x128xi32, #tpu.memory_space<vmem>> -> memref<128xi32, #tpu.memory_space<vmem>>
    %dma_start3A_39 = tpu.memref_slice %arg2[%dma_start3A_29, %add3A_28] : memref<2x16384xi32, #tpu.memory_space<hbm>> -> memref<1x128xi32, #tpu.memory_space<hbm>>
    %dma_start3A_40 = tpu.memref_squeeze %dma_start3A_39 : memref<1x128xi32, #tpu.memory_space<hbm>> -> memref<128xi32, #tpu.memory_space<hbm>>
    tpu.enqueue_dma source(%dma_start3A_40 : memref<128xi32, #tpu.memory_space<hbm>>) target(%dma_start3A_38 : memref<128xi32, #tpu.memory_space<vmem>>) target_semaphore(%arg14 : memref<!tpu.dma_semaphore, #tpu.memory_space<semaphore_mem>>)
    %dma_start3A_41 = arith.constant 1 : i32
    %dma_start3A_42 = arith.constant 1 : i32
    %dma_start3A_43 = arith.constant 0 : i32
    %dma_start3A_44 = tpu.memref_slice %arg7[%dma_start3A_42, %dma_start3A_43] : memref<8x128xi32, #tpu.memory_space<vmem>> -> memref<1x128xi32, #tpu.memory_space<vmem>>
    %dma_start3A_45 = tpu.memref_squeeze %dma_start3A_44 : memref<1x128xi32, #tpu.memory_space<vmem>> -> memref<128xi32, #tpu.memory_space<vmem>>
    %dma_start3A_46 = tpu.memref_slice %arg2[%dma_start3A_41, %add3A_28] : memref<2x16384xi32, #tpu.memory_space<hbm>> -> memref<1x128xi32, #tpu.memory_space<hbm>>
    %dma_start3A_47 = tpu.memref_squeeze %dma_start3A_46 : memref<1x128xi32, #tpu.memory_space<hbm>> -> memref<128xi32, #tpu.memory_space<hbm>>
    %dma_start3A_48 = arith.constant 0 : i32
    %dma_start3A_49 = tpu.memref_slice %arg7[%dma_start3A_42, %dma_start3A_48] : memref<8x128xi32, #tpu.memory_space<vmem>> -> memref<1x128xi32, #tpu.memory_space<vmem>>
    %dma_start3A_50 = tpu.memref_squeeze %dma_start3A_49 : memref<1x128xi32, #tpu.memory_space<vmem>> -> memref<128xi32, #tpu.memory_space<vmem>>
    %dma_start3A_51 = tpu.memref_slice %arg2[%dma_start3A_41, %add3A_28] : memref<2x16384xi32, #tpu.memory_space<hbm>> -> memref<1x128xi32, #tpu.memory_space<hbm>>
    %dma_start3A_52 = tpu.memref_squeeze %dma_start3A_51 : memref<1x128xi32, #tpu.memory_space<hbm>> -> memref<128xi32, #tpu.memory_space<hbm>>
    tpu.enqueue_dma source(%dma_start3A_52 : memref<128xi32, #tpu.memory_space<hbm>>) target(%dma_start3A_50 : memref<128xi32, #tpu.memory_space<vmem>>) target_semaphore(%arg14 : memref<!tpu.dma_semaphore, #tpu.memory_space<semaphore_mem>>)
    %mul3A_53 = arith.constant 1024 : i32
    %mul3A_54 = arith.muli %arg1, %mul3A_53 : i32
    %add3A_55 = arith.constant 256 : i32
    %add3A_56 = arith.addi %mul3A_54, %add3A_55 : i32
    %dma_start3A_57 = arith.constant 0 : i32
    %dma_start3A_58 = arith.constant 2 : i32
    %dma_start3A_59 = arith.constant 0 : i32
    %dma_start3A_60 = tpu.memref_slice %arg6[%dma_start3A_58, %dma_start3A_59] : memref<8x128xi32, #tpu.memory_space<vmem>> -> memref<1x128xi32, #tpu.memory_space<vmem>>
    %dma_start3A_61 = tpu.memref_squeeze %dma_start3A_60 : memref<1x128xi32, #tpu.memory_space<vmem>> -> memref<128xi32, #tpu.memory_space<vmem>>
    %dma_start3A_62 = tpu.memref_slice %arg2[%dma_start3A_57, %add3A_56] : memref<2x16384xi32, #tpu.memory_space<hbm>> -> memref<1x128xi32, #tpu.memory_space<hbm>>
    %dma_start3A_63 = tpu.memref_squeeze %dma_start3A_62 : memref<1x128xi32, #tpu.memory_space<hbm>> -> memref<128xi32, #tpu.memory_space<hbm>>
    %dma_start3A_64 = arith.constant 0 : i32
    %dma_start3A_65 = tpu.memref_slice %arg6[%dma_start3A_58, %dma_start3A_64] : memref<8x128xi32, #tpu.memory_space<vmem>> -> memref<1x128xi32, #tpu.memory_space<vmem>>
    %dma_start3A_66 = tpu.memref_squeeze %dma_start3A_65 : memref<1x128xi32, #tpu.memory_space<vmem>> -> memref<128xi32, #tpu.memory_space<vmem>>
    %dma_start3A_67 = tpu.memref_slice %arg2[%dma_start3A_57, %add3A_56] : memref<2x16384xi32, #tpu.memory_space<hbm>> -> memref<1x128xi32, #tpu.memory_space<hbm>>
    %dma_start3A_68 = tpu.memref_squeeze %dma_start3A_67 : memref<1x128xi32, #tpu.memory_space<hbm>> -> memref<128xi32, #tpu.memory_space<hbm>>
    tpu.enqueue_dma source(%dma_start3A_68 : memref<128xi32, #tpu.memory_space<hbm>>) target(%dma_start3A_66 : memref<128xi32, #tpu.memory_space<vmem>>) target_semaphore(%arg14 : memref<!tpu.dma_semaphore, #tpu.memory_space<semaphore_mem>>)
    %dma_start3A_69 = arith.constant 1 : i32
    %dma_start3A_70 = arith.constant 2 : i32
    %dma_start3A_71 = arith.constant 0 : i32
    %dma_start3A_72 = tpu.memref_slice %arg7[%dma_start3A_70, %dma_start3A_71] : memref<8x128xi32, #tpu.memory_space<vmem>> -> memref<1x128xi32, #tpu.memory_space<vmem>>
    %dma_start3A_73 = tpu.memref_squeeze %dma_start3A_72 : memref<1x128xi32, #tpu.memory_space<vmem>> -> memref<128xi32, #tpu.memory_space<vmem>>
    %dma_start3A_74 = tpu.memref_slice %arg2[%dma_start3A_69, %add3A_56] : memref<2x16384xi32, #tpu.memory_space<hbm>> -> memref<1x128xi32, #tpu.memory_space<hbm>>
    %dma_start3A_75 = tpu.memref_squeeze %dma_start3A_74 : memref<1x128xi32, #tpu.memory_space<hbm>> -> memref<128xi32, #tpu.memory_space<hbm>>
    %dma_start3A_76 = arith.constant 0 : i32
    %dma_start3A_77 = tpu.memref_slice %arg7[%dma_start3A_70, %dma_start3A_76] : memref<8x128xi32, #tpu.memory_space<vmem>> -> memref<1x128xi32, #tpu.memory_space<vmem>>
    %dma_start3A_78 = tpu.memref_squeeze %dma_start3A_77 : memref<1x128xi32, #tpu.memory_space<vmem>> -> memref<128xi32, #tpu.memory_space<vmem>>
    %dma_start3A_79 = tpu.memref_slice %arg2[%dma_start3A_69, %add3A_56] : memref<2x16384xi32, #tpu.memory_space<hbm>> -> memref<1x128xi32, #tpu.memory_space<hbm>>
    %dma_start3A_80 = tpu.memref_squeeze %dma_start3A_79 : memref<1x128xi32, #tpu.memory_space<hbm>> -> memref<128xi32, #tpu.memory_space<hbm>>
    tpu.enqueue_dma source(%dma_start3A_80 : memref<128xi32, #tpu.memory_space<hbm>>) target(%dma_start3A_78 : memref<128xi32, #tpu.memory_space<vmem>>) target_semaphore(%arg14 : memref<!tpu.dma_semaphore, #tpu.memory_space<semaphore_mem>>)
    %mul3A_81 = arith.constant 1024 : i32
    %mul3A_82 = arith.muli %arg1, %mul3A_81 : i32
    %add3A_83 = arith.constant 384 : i32
    %add3A_84 = arith.addi %mul3A_82, %add3A_83 : i32
    %dma_start3A_85 = arith.constant 0 : i32
    %dma_start3A_86 = arith.constant 3 : i32
    %dma_start3A_87 = arith.constant 0 : i32
    %dma_start3A_88 = tpu.memref_slice %arg6[%dma_start3A_86, %dma_start3A_87] : memref<8x128xi32, #tpu.memory_space<vmem>> -> memref<1x128xi32, #tpu.memory_space<vmem>>
    %dma_start3A_89 = tpu.memref_squeeze %dma_start3A_88 : memref<1x128xi32, #tpu.memory_space<vmem>> -> memref<128xi32, #tpu.memory_space<vmem>>
    %dma_start3A_90 = tpu.memref_slice %arg2[%dma_start3A_85, %add3A_84] : memref<2x16384xi32, #tpu.memory_space<hbm>> -> memref<1x128xi32, #tpu.memory_space<hbm>>
    %dma_start3A_91 = tpu.memref_squeeze %dma_start3A_90 : memref<1x128xi32, #tpu.memory_space<hbm>> -> memref<128xi32, #tpu.memory_space<hbm>>
    %dma_start3A_92 = arith.constant 0 : i32
    %dma_start3A_93 = tpu.memref_slice %arg6[%dma_start3A_86, %dma_start3A_92] : memref<8x128xi32, #tpu.memory_space<vmem>> -> memref<1x128xi32, #tpu.memory_space<vmem>>
    %dma_start3A_94 = tpu.memref_squeeze %dma_start3A_93 : memref<1x128xi32, #tpu.memory_space<vmem>> -> memref<128xi32, #tpu.memory_space<vmem>>
    %dma_start3A_95 = tpu.memref_slice %arg2[%dma_start3A_85, %add3A_84] : memref<2x16384xi32, #tpu.memory_space<hbm>> -> memref<1x128xi32, #tpu.memory_space<hbm>>
    %dma_start3A_96 = tpu.memref_squeeze %dma_start3A_95 : memref<1x128xi32, #tpu.memory_space<hbm>> -> memref<128xi32, #tpu.memory_space<hbm>>
    tpu.enqueue_dma source(%dma_start3A_96 : memref<128xi32, #tpu.memory_space<hbm>>) target(%dma_start3A_94 : memref<128xi32, #tpu.memory_space<vmem>>) target_semaphore(%arg14 : memref<!tpu.dma_semaphore, #tpu.memory_space<semaphore_mem>>)
    %dma_start3A_97 = arith.constant 1 : i32
    %dma_start3A_98 = arith.constant 3 : i32
    %dma_start3A_99 = arith.constant 0 : i32
    %dma_start3A_100 = tpu.memref_slice %arg7[%dma_start3A_98, %dma_start3A_99] : memref<8x128xi32, #tpu.memory_space<vmem>> -> memref<1x128xi32, #tpu.memory_space<vmem>>
    %dma_start3A_101 = tpu.memref_squeeze %dma_start3A_100 : memref<1x128xi32, #tpu.memory_space<vmem>> -> memref<128xi32, #tpu.memory_space<vmem>>
    %dma_start3A_102 = tpu.memref_slice %arg2[%dma_start3A_97, %add3A_84] : memref<2x16384xi32, #tpu.memory_space<hbm>> -> memref<1x128xi32, #tpu.memory_space<hbm>>
    %dma_start3A_103 = tpu.memref_squeeze %dma_start3A_102 : memref<1x128xi32, #tpu.memory_space<hbm>> -> memref<128xi32, #tpu.memory_space<hbm>>
    %dma_start3A_104 = arith.constant 0 : i32
    %dma_start3A_105 = tpu.memref_slice %arg7[%dma_start3A_98, %dma_start3A_104] : memref<8x128xi32, #tpu.memory_space<vmem>> -> memref<1x128xi32, #tpu.memory_space<vmem>>
    %dma_start3A_106 = tpu.memref_squeeze %dma_start3A_105 : memref<1x128xi32, #tpu.memory_space<vmem>> -> memref<128xi32, #tpu.memory_space<vmem>>
    %dma_start3A_107 = tpu.memref_slice %arg2[%dma_start3A_97, %add3A_84] : memref<2x16384xi32, #tpu.memory_space<hbm>> -> memref<1x128xi32, #tpu.memory_space<hbm>>
    %dma_start3A_108 = tpu.memref_squeeze %dma_start3A_107 : memref<1x128xi32, #tpu.memory_space<hbm>> -> memref<128xi32, #tpu.memory_space<hbm>>
    tpu.enqueue_dma source(%dma_start3A_108 : memref<128xi32, #tpu.memory_space<hbm>>) target(%dma_start3A_106 : memref<128xi32, #tpu.memory_space<vmem>>) target_semaphore(%arg14 : memref<!tpu.dma_semaphore, #tpu.memory_space<semaphore_mem>>)
    %mul3A_109 = arith.constant 1024 : i32
    %mul3A_110 = arith.muli %arg1, %mul3A_109 : i32
    %add3A_111 = arith.constant 512 : i32
    %add3A_112 = arith.addi %mul3A_110, %add3A_111 : i32
    %dma_start3A_113 = arith.constant 0 : i32
    %dma_start3A_114 = arith.constant 4 : i32
    %dma_start3A_115 = arith.constant 0 : i32
    %dma_start3A_116 = tpu.memref_slice %arg6[%dma_start3A_114, %dma_start3A_115] : memref<8x128xi32, #tpu.memory_space<vmem>> -> memref<1x128xi32, #tpu.memory_space<vmem>>
    %dma_start3A_117 = tpu.memref_squeeze %dma_start3A_116 : memref<1x128xi32, #tpu.memory_space<vmem>> -> memref<128xi32, #tpu.memory_space<vmem>>
    %dma_start3A_118 = tpu.memref_slice %arg2[%dma_start3A_113, %add3A_112] : memref<2x16384xi32, #tpu.memory_space<hbm>> -> memref<1x128xi32, #tpu.memory_space<hbm>>
    %dma_start3A_119 = tpu.memref_squeeze %dma_start3A_118 : memref<1x128xi32, #tpu.memory_space<hbm>> -> memref<128xi32, #tpu.memory_space<hbm>>
    %dma_start3A_120 = arith.constant 0 : i32
    %dma_start3A_121 = tpu.memref_slice %arg6[%dma_start3A_114, %dma_start3A_120] : memref<8x128xi32, #tpu.memory_space<vmem>> -> memref<1x128xi32, #tpu.memory_space<vmem>>
    %dma_start3A_122 = tpu.memref_squeeze %dma_start3A_121 : memref<1x128xi32, #tpu.memory_space<vmem>> -> memref<128xi32, #tpu.memory_space<vmem>>
    %dma_start3A_123 = tpu.memref_slice %arg2[%dma_start3A_113, %add3A_112] : memref<2x16384xi32, #tpu.memory_space<hbm>> -> memref<1x128xi32, #tpu.memory_space<hbm>>
    %dma_start3A_124 = tpu.memref_squeeze %dma_start3A_123 : memref<1x128xi32, #tpu.memory_space<hbm>> -> memref<128xi32, #tpu.memory_space<hbm>>
    tpu.enqueue_dma source(%dma_start3A_124 : memref<128xi32, #tpu.memory_space<hbm>>) target(%dma_start3A_122 : memref<128xi32, #tpu.memory_space<vmem>>) target_semaphore(%arg14 : memref<!tpu.dma_semaphore, #tpu.memory_space<semaphore_mem>>)
    %dma_start3A_125 = arith.constant 1 : i32
    %dma_start3A_126 = arith.constant 4 : i32
    %dma_start3A_127 = arith.constant 0 : i32
    %dma_start3A_128 = tpu.memref_slice %arg7[%dma_start3A_126, %dma_start3A_127] : memref<8x128xi32, #tpu.memory_space<vmem>> -> memref<1x128xi32, #tpu.memory_space<vmem>>
    %dma_start3A_129 = tpu.memref_squeeze %dma_start3A_128 : memref<1x128xi32, #tpu.memory_space<vmem>> -> memref<128xi32, #tpu.memory_space<vmem>>
    %dma_start3A_130 = tpu.memref_slice %arg2[%dma_start3A_125, %add3A_112] : memref<2x16384xi32, #tpu.memory_space<hbm>> -> memref<1x128xi32, #tpu.memory_space<hbm>>
    %dma_start3A_131 = tpu.memref_squeeze %dma_start3A_130 : memref<1x128xi32, #tpu.memory_space<hbm>> -> memref<128xi32, #tpu.memory_space<hbm>>
    %dma_start3A_132 = arith.constant 0 : i32
    %dma_start3A_133 = tpu.memref_slice %arg7[%dma_start3A_126, %dma_start3A_132] : memref<8x128xi32, #tpu.memory_space<vmem>> -> memref<1x128xi32, #tpu.memory_space<vmem>>
    %dma_start3A_134 = tpu.memref_squeeze %dma_start3A_133 : memref<1x128xi32, #tpu.memory_space<vmem>> -> memref<128xi32, #tpu.memory_space<vmem>>
    %dma_start3A_135 = tpu.memref_slice %arg2[%dma_start3A_125, %add3A_112] : memref<2x16384xi32, #tpu.memory_space<hbm>> -> memref<1x128xi32, #tpu.memory_space<hbm>>
    %dma_start3A_136 = tpu.memref_squeeze %dma_start3A_135 : memref<1x128xi32, #tpu.memory_space<hbm>> -> memref<128xi32, #tpu.memory_space<hbm>>
    tpu.enqueue_dma source(%dma_start3A_136 : memref<128xi32, #tpu.memory_space<hbm>>) target(%dma_start3A_134 : memref<128xi32, #tpu.memory_space<vmem>>) target_semaphore(%arg14 : memref<!tpu.dma_semaphore, #tpu.memory_space<semaphore_mem>>)
    %mul3A_137 = arith.constant 1024 : i32
    %mul3A_138 = arith.muli %arg1, %mul3A_137 : i32
    %add3A_139 = arith.constant 640 : i32
    %add3A_140 = arith.addi %mul3A_138, %add3A_139 : i32
    %dma_start3A_141 = arith.constant 0 : i32
    %dma_start3A_142 = arith.constant 5 : i32
    %dma_start3A_143 = arith.constant 0 : i32
    %dma_start3A_144 = tpu.memref_slice %arg6[%dma_start3A_142, %dma_start3A_143] : memref<8x128xi32, #tpu.memory_space<vmem>> -> memref<1x128xi32, #tpu.memory_space<vmem>>
    %dma_start3A_145 = tpu.memref_squeeze %dma_start3A_144 : memref<1x128xi32, #tpu.memory_space<vmem>> -> memref<128xi32, #tpu.memory_space<vmem>>
    %dma_start3A_146 = tpu.memref_slice %arg2[%dma_start3A_141, %add3A_140] : memref<2x16384xi32, #tpu.memory_space<hbm>> -> memref<1x128xi32, #tpu.memory_space<hbm>>
    %dma_start3A_147 = tpu.memref_squeeze %dma_start3A_146 : memref<1x128xi32, #tpu.memory_space<hbm>> -> memref<128xi32, #tpu.memory_space<hbm>>
    %dma_start3A_148 = arith.constant 0 : i32
    %dma_start3A_149 = tpu.memref_slice %arg6[%dma_start3A_142, %dma_start3A_148] : memref<8x128xi32, #tpu.memory_space<vmem>> -> memref<1x128xi32, #tpu.memory_space<vmem>>
    %dma_start3A_150 = tpu.memref_squeeze %dma_start3A_149 : memref<1x128xi32, #tpu.memory_space<vmem>> -> memref<128xi32, #tpu.memory_space<vmem>>
    %dma_start3A_151 = tpu.memref_slice %arg2[%dma_start3A_141, %add3A_140] : memref<2x16384xi32, #tpu.memory_space<hbm>> -> memref<1x128xi32, #tpu.memory_space<hbm>>
    %dma_start3A_152 = tpu.memref_squeeze %dma_start3A_151 : memref<1x128xi32, #tpu.memory_space<hbm>> -> memref<128xi32, #tpu.memory_space<hbm>>
    tpu.enqueue_dma source(%dma_start3A_152 : memref<128xi32, #tpu.memory_space<hbm>>) target(%dma_start3A_150 : memref<128xi32, #tpu.memory_space<vmem>>) target_semaphore(%arg14 : memref<!tpu.dma_semaphore, #tpu.memory_space<semaphore_mem>>)
    %dma_start3A_153 = arith.constant 1 : i32
    %dma_start3A_154 = arith.constant 5 : i32
    %dma_start3A_155 = arith.constant 0 : i32
    %dma_start3A_156 = tpu.memref_slice %arg7[%dma_start3A_154, %dma_start3A_155] : memref<8x128xi32, #tpu.memory_space<vmem>> -> memref<1x128xi32, #tpu.memory_space<vmem>>
    %dma_start3A_157 = tpu.memref_squeeze %dma_start3A_156 : memref<1x128xi32, #tpu.memory_space<vmem>> -> memref<128xi32, #tpu.memory_space<vmem>>
    %dma_start3A_158 = tpu.memref_slice %arg2[%dma_start3A_153, %add3A_140] : memref<2x16384xi32, #tpu.memory_space<hbm>> -> memref<1x128xi32, #tpu.memory_space<hbm>>
    %dma_start3A_159 = tpu.memref_squeeze %dma_start3A_158 : memref<1x128xi32, #tpu.memory_space<hbm>> -> memref<128xi32, #tpu.memory_space<hbm>>
    %dma_start3A_160 = arith.constant 0 : i32
    %dma_start3A_161 = tpu.memref_slice %arg7[%dma_start3A_154, %dma_start3A_160] : memref<8x128xi32, #tpu.memory_space<vmem>> -> memref<1x128xi32, #tpu.memory_space<vmem>>
    %dma_start3A_162 = tpu.memref_squeeze %dma_start3A_161 : memref<1x128xi32, #tpu.memory_space<vmem>> -> memref<128xi32, #tpu.memory_space<vmem>>
    %dma_start3A_163 = tpu.memref_slice %arg2[%dma_start3A_153, %add3A_140] : memref<2x16384xi32, #tpu.memory_space<hbm>> -> memref<1x128xi32, #tpu.memory_space<hbm>>
    %dma_start3A_164 = tpu.memref_squeeze %dma_start3A_163 : memref<1x128xi32, #tpu.memory_space<hbm>> -> memref<128xi32, #tpu.memory_space<hbm>>
    tpu.enqueue_dma source(%dma_start3A_164 : memref<128xi32, #tpu.memory_space<hbm>>) target(%dma_start3A_162 : memref<128xi32, #tpu.memory_space<vmem>>) target_semaphore(%arg14 : memref<!tpu.dma_semaphore, #tpu.memory_space<semaphore_mem>>)
    %mul3A_165 = arith.constant 1024 : i32
    %mul3A_166 = arith.muli %arg1, %mul3A_165 : i32
    %add3A_167 = arith.constant 768 : i32
    %add3A_168 = arith.addi %mul3A_166, %add3A_167 : i32
    %dma_start3A_169 = arith.constant 0 : i32
    %dma_start3A_170 = arith.constant 6 : i32
    %dma_start3A_171 = arith.constant 0 : i32
    %dma_start3A_172 = tpu.memref_slice %arg6[%dma_start3A_170, %dma_start3A_171] : memref<8x128xi32, #tpu.memory_space<vmem>> -> memref<1x128xi32, #tpu.memory_space<vmem>>
    %dma_start3A_173 = tpu.memref_squeeze %dma_start3A_172 : memref<1x128xi32, #tpu.memory_space<vmem>> -> memref<128xi32, #tpu.memory_space<vmem>>
    %dma_start3A_174 = tpu.memref_slice %arg2[%dma_start3A_169, %add3A_168] : memref<2x16384xi32, #tpu.memory_space<hbm>> -> memref<1x128xi32, #tpu.memory_space<hbm>>
    %dma_start3A_175 = tpu.memref_squeeze %dma_start3A_174 : memref<1x128xi32, #tpu.memory_space<hbm>> -> memref<128xi32, #tpu.memory_space<hbm>>
    %dma_start3A_176 = arith.constant 0 : i32
    %dma_start3A_177 = tpu.memref_slice %arg6[%dma_start3A_170, %dma_start3A_176] : memref<8x128xi32, #tpu.memory_space<vmem>> -> memref<1x128xi32, #tpu.memory_space<vmem>>
    %dma_start3A_178 = tpu.memref_squeeze %dma_start3A_177 : memref<1x128xi32, #tpu.memory_space<vmem>> -> memref<128xi32, #tpu.memory_space<vmem>>
    %dma_start3A_179 = tpu.memref_slice %arg2[%dma_start3A_169, %add3A_168] : memref<2x16384xi32, #tpu.memory_space<hbm>> -> memref<1x128xi32, #tpu.memory_space<hbm>>
    %dma_start3A_180 = tpu.memref_squeeze %dma_start3A_179 : memref<1x128xi32, #tpu.memory_space<hbm>> -> memref<128xi32, #tpu.memory_space<hbm>>
    tpu.enqueue_dma source(%dma_start3A_180 : memref<128xi32, #tpu.memory_space<hbm>>) target(%dma_start3A_178 : memref<128xi32, #tpu.memory_space<vmem>>) target_semaphore(%arg14 : memref<!tpu.dma_semaphore, #tpu.memory_space<semaphore_mem>>)
    %dma_start3A_181 = arith.constant 1 : i32
    %dma_start3A_182 = arith.constant 6 : i32
    %dma_start3A_183 = arith.constant 0 : i32
    %dma_start3A_184 = tpu.memref_slice %arg7[%dma_start3A_182, %dma_start3A_183] : memref<8x128xi32, #tpu.memory_space<vmem>> -> memref<1x128xi32, #tpu.memory_space<vmem>>
    %dma_start3A_185 = tpu.memref_squeeze %dma_start3A_184 : memref<1x128xi32, #tpu.memory_space<vmem>> -> memref<128xi32, #tpu.memory_space<vmem>>
    %dma_start3A_186 = tpu.memref_slice %arg2[%dma_start3A_181, %add3A_168] : memref<2x16384xi32, #tpu.memory_space<hbm>> -> memref<1x128xi32, #tpu.memory_space<hbm>>
    %dma_start3A_187 = tpu.memref_squeeze %dma_start3A_186 : memref<1x128xi32, #tpu.memory_space<hbm>> -> memref<128xi32, #tpu.memory_space<hbm>>
    %dma_start3A_188 = arith.constant 0 : i32
    %dma_start3A_189 = tpu.memref_slice %arg7[%dma_start3A_182, %dma_start3A_188] : memref<8x128xi32, #tpu.memory_space<vmem>> -> memref<1x128xi32, #tpu.memory_space<vmem>>
    %dma_start3A_190 = tpu.memref_squeeze %dma_start3A_189 : memref<1x128xi32, #tpu.memory_space<vmem>> -> memref<128xi32, #tpu.memory_space<vmem>>
    %dma_start3A_191 = tpu.memref_slice %arg2[%dma_start3A_181, %add3A_168] : memref<2x16384xi32, #tpu.memory_space<hbm>> -> memref<1x128xi32, #tpu.memory_space<hbm>>
    %dma_start3A_192 = tpu.memref_squeeze %dma_start3A_191 : memref<1x128xi32, #tpu.memory_space<hbm>> -> memref<128xi32, #tpu.memory_space<hbm>>
    tpu.enqueue_dma source(%dma_start3A_192 : memref<128xi32, #tpu.memory_space<hbm>>) target(%dma_start3A_190 : memref<128xi32, #tpu.memory_space<vmem>>) target_semaphore(%arg14 : memref<!tpu.dma_semaphore, #tpu.memory_space<semaphore_mem>>)
    %mul3A_193 = arith.constant 1024 : i32
    %mul3A_194 = arith.muli %arg1, %mul3A_193 : i32
    %add3A_195 = arith.constant 896 : i32
    %add3A_196 = arith.addi %mul3A_194, %add3A_195 : i32
    %dma_start3A_197 = arith.constant 0 : i32
    %dma_start3A_198 = arith.constant 7 : i32
    %dma_start3A_199 = arith.constant 0 : i32
    %dma_start3A_200 = tpu.memref_slice %arg6[%dma_start3A_198, %dma_start3A_199] : memref<8x128xi32, #tpu.memory_space<vmem>> -> memref<1x128xi32, #tpu.memory_space<vmem>>
    %dma_start3A_201 = tpu.memref_squeeze %dma_start3A_200 : memref<1x128xi32, #tpu.memory_space<vmem>> -> memref<128xi32, #tpu.memory_space<vmem>>
    %dma_start3A_202 = tpu.memref_slice %arg2[%dma_start3A_197, %add3A_196] : memref<2x16384xi32, #tpu.memory_space<hbm>> -> memref<1x128xi32, #tpu.memory_space<hbm>>
    %dma_start3A_203 = tpu.memref_squeeze %dma_start3A_202 : memref<1x128xi32, #tpu.memory_space<hbm>> -> memref<128xi32, #tpu.memory_space<hbm>>
    %dma_start3A_204 = arith.constant 0 : i32
    %dma_start3A_205 = tpu.memref_slice %arg6[%dma_start3A_198, %dma_start3A_204] : memref<8x128xi32, #tpu.memory_space<vmem>> -> memref<1x128xi32, #tpu.memory_space<vmem>>
    %dma_start3A_206 = tpu.memref_squeeze %dma_start3A_205 : memref<1x128xi32, #tpu.memory_space<vmem>> -> memref<128xi32, #tpu.memory_space<vmem>>
    %dma_start3A_207 = tpu.memref_slice %arg2[%dma_start3A_197, %add3A_196] : memref<2x16384xi32, #tpu.memory_space<hbm>> -> memref<1x128xi32, #tpu.memory_space<hbm>>
    %dma_start3A_208 = tpu.memref_squeeze %dma_start3A_207 : memref<1x128xi32, #tpu.memory_space<hbm>> -> memref<128xi32, #tpu.memory_space<hbm>>
    tpu.enqueue_dma source(%dma_start3A_208 : memref<128xi32, #tpu.memory_space<hbm>>) target(%dma_start3A_206 : memref<128xi32, #tpu.memory_space<vmem>>) target_semaphore(%arg14 : memref<!tpu.dma_semaphore, #tpu.memory_space<semaphore_mem>>)
    %dma_start3A_209 = arith.constant 1 : i32
    %dma_start3A_210 = arith.constant 7 : i32
    %dma_start3A_211 = arith.constant 0 : i32
    %dma_start3A_212 = tpu.memref_slice %arg7[%dma_start3A_210, %dma_start3A_211] : memref<8x128xi32, #tpu.memory_space<vmem>> -> memref<1x128xi32, #tpu.memory_space<vmem>>
    %dma_start3A_213 = tpu.memref_squeeze %dma_start3A_212 : memref<1x128xi32, #tpu.memory_space<vmem>> -> memref<128xi32, #tpu.memory_space<vmem>>
    %dma_start3A_214 = tpu.memref_slice %arg2[%dma_start3A_209, %add3A_196] : memref<2x16384xi32, #tpu.memory_space<hbm>> -> memref<1x128xi32, #tpu.memory_space<hbm>>
    %dma_start3A_215 = tpu.memref_squeeze %dma_start3A_214 : memref<1x128xi32, #tpu.memory_space<hbm>> -> memref<128xi32, #tpu.memory_space<hbm>>
    %dma_start3A_216 = arith.constant 0 : i32
    %dma_start3A_217 = tpu.memref_slice %arg7[%dma_start3A_210, %dma_start3A_216] : memref<8x128xi32, #tpu.memory_space<vmem>> -> memref<1x128xi32, #tpu.memory_space<vmem>>
    %dma_start3A_218 = tpu.memref_squeeze %dma_start3A_217 : memref<1x128xi32, #tpu.memory_space<vmem>> -> memref<128xi32, #tpu.memory_space<vmem>>
    %dma_start3A_219 = tpu.memref_slice %arg2[%dma_start3A_209, %add3A_196] : memref<2x16384xi32, #tpu.memory_space<hbm>> -> memref<1x128xi32, #tpu.memory_space<hbm>>
    %dma_start3A_220 = tpu.memref_squeeze %dma_start3A_219 : memref<1x128xi32, #tpu.memory_space<hbm>> -> memref<128xi32, #tpu.memory_space<hbm>>
    tpu.enqueue_dma source(%dma_start3A_220 : memref<128xi32, #tpu.memory_space<hbm>>) target(%dma_start3A_218 : memref<128xi32, #tpu.memory_space<vmem>>) target_semaphore(%arg14 : memref<!tpu.dma_semaphore, #tpu.memory_space<semaphore_mem>>)
    %dma_wait3A = arith.constant 0 : i32
    %dma_wait3A_221 = arith.constant 0 : i32
    %dma_wait3A_222 = arith.constant 0 : i32
    %dma_wait3A_223 = tpu.memref_slice %arg6[%dma_wait3A_221, %dma_wait3A_222] : memref<8x128xi32, #tpu.memory_space<vmem>> -> memref<1x128xi32, #tpu.memory_space<vmem>>
    %dma_wait3A_224 = tpu.memref_squeeze %dma_wait3A_223 : memref<1x128xi32, #tpu.memory_space<vmem>> -> memref<128xi32, #tpu.memory_space<vmem>>
    %dma_wait3A_225 = arith.constant 0 : i32
    %dma_wait3A_226 = tpu.memref_slice %arg2[%dma_wait3A, %dma_wait3A_225] : memref<2x16384xi32, #tpu.memory_space<hbm>> -> memref<1x128xi32, #tpu.memory_space<hbm>>
    %dma_wait3A_227 = tpu.memref_squeeze %dma_wait3A_226 : memref<1x128xi32, #tpu.memory_space<hbm>> -> memref<128xi32, #tpu.memory_space<hbm>>
    %dma_wait3A_228 = arith.constant 0 : i32
    %dma_wait3A_229 = tpu.memref_slice %arg6[%dma_wait3A_221, %dma_wait3A_228] : memref<8x128xi32, #tpu.memory_space<vmem>> -> memref<1x128xi32, #tpu.memory_space<vmem>>
    %dma_wait3A_230 = tpu.memref_squeeze %dma_wait3A_229 : memref<1x128xi32, #tpu.memory_space<vmem>> -> memref<128xi32, #tpu.memory_space<vmem>>
    %dma_wait3A_231 = arith.constant 0 : i32
    %dma_wait3A_232 = tpu.memref_slice %arg2[%dma_wait3A, %dma_wait3A_231] : memref<2x16384xi32, #tpu.memory_space<hbm>> -> memref<1x128xi32, #tpu.memory_space<hbm>>
    %dma_wait3A_233 = tpu.memref_squeeze %dma_wait3A_232 : memref<1x128xi32, #tpu.memory_space<hbm>> -> memref<128xi32, #tpu.memory_space<hbm>>
    tpu.wait_dma2 semaphore(%arg14 : memref<!tpu.dma_semaphore, #tpu.memory_space<semaphore_mem>>) src(%dma_wait3A_233 : memref<128xi32, #tpu.memory_space<hbm>>) dst(%dma_wait3A_230 : memref<128xi32, #tpu.memory_space<vmem>>)
    %dma_wait3A_234 = arith.constant 1 : i32
    %dma_wait3A_235 = arith.constant 0 : i32
    %dma_wait3A_236 = arith.constant 0 : i32
    %dma_wait3A_237 = tpu.memref_slice %arg7[%dma_wait3A_235, %dma_wait3A_236] : memref<8x128xi32, #tpu.memory_space<vmem>> -> memref<1x128xi32, #tpu.memory_space<vmem>>
    %dma_wait3A_238 = tpu.memref_squeeze %dma_wait3A_237 : memref<1x128xi32, #tpu.memory_space<vmem>> -> memref<128xi32, #tpu.memory_space<vmem>>
    %dma_wait3A_239 = arith.constant 0 : i32
    %dma_wait3A_240 = tpu.memref_slice %arg2[%dma_wait3A_234, %dma_wait3A_239] : memref<2x16384xi32, #tpu.memory_space<hbm>> -> memref<1x128xi32, #tpu.memory_space<hbm>>
    %dma_wait3A_241 = tpu.memref_squeeze %dma_wait3A_240 : memref<1x128xi32, #tpu.memory_space<hbm>> -> memref<128xi32, #tpu.memory_space<hbm>>
    %dma_wait3A_242 = arith.constant 0 : i32
    %dma_wait3A_243 = tpu.memref_slice %arg7[%dma_wait3A_235, %dma_wait3A_242] : memref<8x128xi32, #tpu.memory_space<vmem>> -> memref<1x128xi32, #tpu.memory_space<vmem>>
    %dma_wait3A_244 = tpu.memref_squeeze %dma_wait3A_243 : memref<1x128xi32, #tpu.memory_space<vmem>> -> memref<128xi32, #tpu.memory_space<vmem>>
    %dma_wait3A_245 = arith.constant 0 : i32
    %dma_wait3A_246 = tpu.memref_slice %arg2[%dma_wait3A_234, %dma_wait3A_245] : memref<2x16384xi32, #tpu.memory_space<hbm>> -> memref<1x128xi32, #tpu.memory_space<hbm>>
    %dma_wait3A_247 = tpu.memref_squeeze %dma_wait3A_246 : memref<1x128xi32, #tpu.memory_space<hbm>> -> memref<128xi32, #tpu.memory_space<hbm>>
    tpu.wait_dma2 semaphore(%arg14 : memref<!tpu.dma_semaphore, #tpu.memory_space<semaphore_mem>>) src(%dma_wait3A_247 : memref<128xi32, #tpu.memory_space<hbm>>) dst(%dma_wait3A_244 : memref<128xi32, #tpu.memory_space<vmem>>)
    %dma_wait3A_248 = arith.constant 0 : i32
    %dma_wait3A_249 = arith.constant 1 : i32
    %dma_wait3A_250 = arith.constant 0 : i32
    %dma_wait3A_251 = tpu.memref_slice %arg6[%dma_wait3A_249, %dma_wait3A_250] : memref<8x128xi32, #tpu.memory_space<vmem>> -> memref<1x128xi32, #tpu.memory_space<vmem>>
    %dma_wait3A_252 = tpu.memref_squeeze %dma_wait3A_251 : memref<1x128xi32, #tpu.memory_space<vmem>> -> memref<128xi32, #tpu.memory_space<vmem>>
    %dma_wait3A_253 = arith.constant 0 : i32
    %dma_wait3A_254 = tpu.memref_slice %arg2[%dma_wait3A_248, %dma_wait3A_253] : memref<2x16384xi32, #tpu.memory_space<hbm>> -> memref<1x128xi32, #tpu.memory_space<hbm>>
    %dma_wait3A_255 = tpu.memref_squeeze %dma_wait3A_254 : memref<1x128xi32, #tpu.memory_space<hbm>> -> memref<128xi32, #tpu.memory_space<hbm>>
    %dma_wait3A_256 = arith.constant 0 : i32
    %dma_wait3A_257 = tpu.memref_slice %arg6[%dma_wait3A_249, %dma_wait3A_256] : memref<8x128xi32, #tpu.memory_space<vmem>> -> memref<1x128xi32, #tpu.memory_space<vmem>>
    %dma_wait3A_258 = tpu.memref_squeeze %dma_wait3A_257 : memref<1x128xi32, #tpu.memory_space<vmem>> -> memref<128xi32, #tpu.memory_space<vmem>>
    %dma_wait3A_259 = arith.constant 0 : i32
    %dma_wait3A_260 = tpu.memref_slice %arg2[%dma_wait3A_248, %dma_wait3A_259] : memref<2x16384xi32, #tpu.memory_space<hbm>> -> memref<1x128xi32, #tpu.memory_space<hbm>>
    %dma_wait3A_261 = tpu.memref_squeeze %dma_wait3A_260 : memref<1x128xi32, #tpu.memory_space<hbm>> -> memref<128xi32, #tpu.memory_space<hbm>>
    tpu.wait_dma2 semaphore(%arg14 : memref<!tpu.dma_semaphore, #tpu.memory_space<semaphore_mem>>) src(%dma_wait3A_261 : memref<128xi32, #tpu.memory_space<hbm>>) dst(%dma_wait3A_258 : memref<128xi32, #tpu.memory_space<vmem>>)
    %dma_wait3A_262 = arith.constant 1 : i32
    %dma_wait3A_263 = arith.constant 1 : i32
    %dma_wait3A_264 = arith.constant 0 : i32
    %dma_wait3A_265 = tpu.memref_slice %arg7[%dma_wait3A_263, %dma_wait3A_264] : memref<8x128xi32, #tpu.memory_space<vmem>> -> memref<1x128xi32, #tpu.memory_space<vmem>>
    %dma_wait3A_266 = tpu.memref_squeeze %dma_wait3A_265 : memref<1x128xi32, #tpu.memory_space<vmem>> -> memref<128xi32, #tpu.memory_space<vmem>>
    %dma_wait3A_267 = arith.constant 0 : i32
    %dma_wait3A_268 = tpu.memref_slice %arg2[%dma_wait3A_262, %dma_wait3A_267] : memref<2x16384xi32, #tpu.memory_space<hbm>> -> memref<1x128xi32, #tpu.memory_space<hbm>>
    %dma_wait3A_269 = tpu.memref_squeeze %dma_wait3A_268 : memref<1x128xi32, #tpu.memory_space<hbm>> -> memref<128xi32, #tpu.memory_space<hbm>>
    %dma_wait3A_270 = arith.constant 0 : i32
    %dma_wait3A_271 = tpu.memref_slice %arg7[%dma_wait3A_263, %dma_wait3A_270] : memref<8x128xi32, #tpu.memory_space<vmem>> -> memref<1x128xi32, #tpu.memory_space<vmem>>
    %dma_wait3A_272 = tpu.memref_squeeze %dma_wait3A_271 : memref<1x128xi32, #tpu.memory_space<vmem>> -> memref<128xi32, #tpu.memory_space<vmem>>
    %dma_wait3A_273 = arith.constant 0 : i32
    %dma_wait3A_274 = tpu.memref_slice %arg2[%dma_wait3A_262, %dma_wait3A_273] : memref<2x16384xi32, #tpu.memory_space<hbm>> -> memref<1x128xi32, #tpu.memory_space<hbm>>
    %dma_wait3A_275 = tpu.memref_squeeze %dma_wait3A_274 : memref<1x128xi32, #tpu.memory_space<hbm>> -> memref<128xi32, #tpu.memory_space<hbm>>
    tpu.wait_dma2 semaphore(%arg14 : memref<!tpu.dma_semaphore, #tpu.memory_space<semaphore_mem>>) src(%dma_wait3A_275 : memref<128xi32, #tpu.memory_space<hbm>>) dst(%dma_wait3A_272 : memref<128xi32, #tpu.memory_space<vmem>>)
    %dma_wait3A_276 = arith.constant 0 : i32
    %dma_wait3A_277 = arith.constant 2 : i32
    %dma_wait3A_278 = arith.constant 0 : i32
    %dma_wait3A_279 = tpu.memref_slice %arg6[%dma_wait3A_277, %dma_wait3A_278] : memref<8x128xi32, #tpu.memory_space<vmem>> -> memref<1x128xi32, #tpu.memory_space<vmem>>
    %dma_wait3A_280 = tpu.memref_squeeze %dma_wait3A_279 : memref<1x128xi32, #tpu.memory_space<vmem>> -> memref<128xi32, #tpu.memory_space<vmem>>
    %dma_wait3A_281 = arith.constant 0 : i32
    %dma_wait3A_282 = tpu.memref_slice %arg2[%dma_wait3A_276, %dma_wait3A_281] : memref<2x16384xi32, #tpu.memory_space<hbm>> -> memref<1x128xi32, #tpu.memory_space<hbm>>
    %dma_wait3A_283 = tpu.memref_squeeze %dma_wait3A_282 : memref<1x128xi32, #tpu.memory_space<hbm>> -> memref<128xi32, #tpu.memory_space<hbm>>
    %dma_wait3A_284 = arith.constant 0 : i32
    %dma_wait3A_285 = tpu.memref_slice %arg6[%dma_wait3A_277, %dma_wait3A_284] : memref<8x128xi32, #tpu.memory_space<vmem>> -> memref<1x128xi32, #tpu.memory_space<vmem>>
    %dma_wait3A_286 = tpu.memref_squeeze %dma_wait3A_285 : memref<1x128xi32, #tpu.memory_space<vmem>> -> memref<128xi32, #tpu.memory_space<vmem>>
    %dma_wait3A_287 = arith.constant 0 : i32
    %dma_wait3A_288 = tpu.memref_slice %arg2[%dma_wait3A_276, %dma_wait3A_287] : memref<2x16384xi32, #tpu.memory_space<hbm>> -> memref<1x128xi32, #tpu.memory_space<hbm>>
    %dma_wait3A_289 = tpu.memref_squeeze %dma_wait3A_288 : memref<1x128xi32, #tpu.memory_space<hbm>> -> memref<128xi32, #tpu.memory_space<hbm>>
    tpu.wait_dma2 semaphore(%arg14 : memref<!tpu.dma_semaphore, #tpu.memory_space<semaphore_mem>>) src(%dma_wait3A_289 : memref<128xi32, #tpu.memory_space<hbm>>) dst(%dma_wait3A_286 : memref<128xi32, #tpu.memory_space<vmem>>)
    %dma_wait3A_290 = arith.constant 1 : i32
    %dma_wait3A_291 = arith.constant 2 : i32
    %dma_wait3A_292 = arith.constant 0 : i32
    %dma_wait3A_293 = tpu.memref_slice %arg7[%dma_wait3A_291, %dma_wait3A_292] : memref<8x128xi32, #tpu.memory_space<vmem>> -> memref<1x128xi32, #tpu.memory_space<vmem>>
    %dma_wait3A_294 = tpu.memref_squeeze %dma_wait3A_293 : memref<1x128xi32, #tpu.memory_space<vmem>> -> memref<128xi32, #tpu.memory_space<vmem>>
    %dma_wait3A_295 = arith.constant 0 : i32
    %dma_wait3A_296 = tpu.memref_slice %arg2[%dma_wait3A_290, %dma_wait3A_295] : memref<2x16384xi32, #tpu.memory_space<hbm>> -> memref<1x128xi32, #tpu.memory_space<hbm>>
    %dma_wait3A_297 = tpu.memref_squeeze %dma_wait3A_296 : memref<1x128xi32, #tpu.memory_space<hbm>> -> memref<128xi32, #tpu.memory_space<hbm>>
    %dma_wait3A_298 = arith.constant 0 : i32
    %dma_wait3A_299 = tpu.memref_slice %arg7[%dma_wait3A_291, %dma_wait3A_298] : memref<8x128xi32, #tpu.memory_space<vmem>> -> memref<1x128xi32, #tpu.memory_space<vmem>>
    %dma_wait3A_300 = tpu.memref_squeeze %dma_wait3A_299 : memref<1x128xi32, #tpu.memory_space<vmem>> -> memref<128xi32, #tpu.memory_space<vmem>>
    %dma_wait3A_301 = arith.constant 0 : i32
    %dma_wait3A_302 = tpu.memref_slice %arg2[%dma_wait3A_290, %dma_wait3A_301] : memref<2x16384xi32, #tpu.memory_space<hbm>> -> memref<1x128xi32, #tpu.memory_space<hbm>>
    %dma_wait3A_303 = tpu.memref_squeeze %dma_wait3A_302 : memref<1x128xi32, #tpu.memory_space<hbm>> -> memref<128xi32, #tpu.memory_space<hbm>>
    tpu.wait_dma2 semaphore(%arg14 : memref<!tpu.dma_semaphore, #tpu.memory_space<semaphore_mem>>) src(%dma_wait3A_303 : memref<128xi32, #tpu.memory_space<hbm>>) dst(%dma_wait3A_300 : memref<128xi32, #tpu.memory_space<vmem>>)
    %dma_wait3A_304 = arith.constant 0 : i32
    %dma_wait3A_305 = arith.constant 3 : i32
    %dma_wait3A_306 = arith.constant 0 : i32
    %dma_wait3A_307 = tpu.memref_slice %arg6[%dma_wait3A_305, %dma_wait3A_306] : memref<8x128xi32, #tpu.memory_space<vmem>> -> memref<1x128xi32, #tpu.memory_space<vmem>>
    %dma_wait3A_308 = tpu.memref_squeeze %dma_wait3A_307 : memref<1x128xi32, #tpu.memory_space<vmem>> -> memref<128xi32, #tpu.memory_space<vmem>>
    %dma_wait3A_309 = arith.constant 0 : i32
    %dma_wait3A_310 = tpu.memref_slice %arg2[%dma_wait3A_304, %dma_wait3A_309] : memref<2x16384xi32, #tpu.memory_space<hbm>> -> memref<1x128xi32, #tpu.memory_space<hbm>>
    %dma_wait3A_311 = tpu.memref_squeeze %dma_wait3A_310 : memref<1x128xi32, #tpu.memory_space<hbm>> -> memref<128xi32, #tpu.memory_space<hbm>>
    %dma_wait3A_312 = arith.constant 0 : i32
    %dma_wait3A_313 = tpu.memref_slice %arg6[%dma_wait3A_305, %dma_wait3A_312] : memref<8x128xi32, #tpu.memory_space<vmem>> -> memref<1x128xi32, #tpu.memory_space<vmem>>
    %dma_wait3A_314 = tpu.memref_squeeze %dma_wait3A_313 : memref<1x128xi32, #tpu.memory_space<vmem>> -> memref<128xi32, #tpu.memory_space<vmem>>
    %dma_wait3A_315 = arith.constant 0 : i32
    %dma_wait3A_316 = tpu.memref_slice %arg2[%dma_wait3A_304, %dma_wait3A_315] : memref<2x16384xi32, #tpu.memory_space<hbm>> -> memref<1x128xi32, #tpu.memory_space<hbm>>
    %dma_wait3A_317 = tpu.memref_squeeze %dma_wait3A_316 : memref<1x128xi32, #tpu.memory_space<hbm>> -> memref<128xi32, #tpu.memory_space<hbm>>
    tpu.wait_dma2 semaphore(%arg14 : memref<!tpu.dma_semaphore, #tpu.memory_space<semaphore_mem>>) src(%dma_wait3A_317 : memref<128xi32, #tpu.memory_space<hbm>>) dst(%dma_wait3A_314 : memref<128xi32, #tpu.memory_space<vmem>>)
    %dma_wait3A_318 = arith.constant 1 : i32
    %dma_wait3A_319 = arith.constant 3 : i32
    %dma_wait3A_320 = arith.constant 0 : i32
    %dma_wait3A_321 = tpu.memref_slice %arg7[%dma_wait3A_319, %dma_wait3A_320] : memref<8x128xi32, #tpu.memory_space<vmem>> -> memref<1x128xi32, #tpu.memory_space<vmem>>
    %dma_wait3A_322 = tpu.memref_squeeze %dma_wait3A_321 : memref<1x128xi32, #tpu.memory_space<vmem>> -> memref<128xi32, #tpu.memory_space<vmem>>
    %dma_wait3A_323 = arith.constant 0 : i32
    %dma_wait3A_324 = tpu.memref_slice %arg2[%dma_wait3A_318, %dma_wait3A_323] : memref<2x16384xi32, #tpu.memory_space<hbm>> -> memref<1x128xi32, #tpu.memory_space<hbm>>
    %dma_wait3A_325 = tpu.memref_squeeze %dma_wait3A_324 : memref<1x128xi32, #tpu.memory_space<hbm>> -> memref<128xi32, #tpu.memory_space<hbm>>
    %dma_wait3A_326 = arith.constant 0 : i32
    %dma_wait3A_327 = tpu.memref_slice %arg7[%dma_wait3A_319, %dma_wait3A_326] : memref<8x128xi32, #tpu.memory_space<vmem>> -> memref<1x128xi32, #tpu.memory_space<vmem>>
    %dma_wait3A_328 = tpu.memref_squeeze %dma_wait3A_327 : memref<1x128xi32, #tpu.memory_space<vmem>> -> memref<128xi32, #tpu.memory_space<vmem>>
    %dma_wait3A_329 = arith.constant 0 : i32
    %dma_wait3A_330 = tpu.memref_slice %arg2[%dma_wait3A_318, %dma_wait3A_329] : memref<2x16384xi32, #tpu.memory_space<hbm>> -> memref<1x128xi32, #tpu.memory_space<hbm>>
    %dma_wait3A_331 = tpu.memref_squeeze %dma_wait3A_330 : memref<1x128xi32, #tpu.memory_space<hbm>> -> memref<128xi32, #tpu.memory_space<hbm>>
    tpu.wait_dma2 semaphore(%arg14 : memref<!tpu.dma_semaphore, #tpu.memory_space<semaphore_mem>>) src(%dma_wait3A_331 : memref<128xi32, #tpu.memory_space<hbm>>) dst(%dma_wait3A_328 : memref<128xi32, #tpu.memory_space<vmem>>)
    %dma_wait3A_332 = arith.constant 0 : i32
    %dma_wait3A_333 = arith.constant 4 : i32
    %dma_wait3A_334 = arith.constant 0 : i32
    %dma_wait3A_335 = tpu.memref_slice %arg6[%dma_wait3A_333, %dma_wait3A_334] : memref<8x128xi32, #tpu.memory_space<vmem>> -> memref<1x128xi32, #tpu.memory_space<vmem>>
    %dma_wait3A_336 = tpu.memref_squeeze %dma_wait3A_335 : memref<1x128xi32, #tpu.memory_space<vmem>> -> memref<128xi32, #tpu.memory_space<vmem>>
    %dma_wait3A_337 = arith.constant 0 : i32
    %dma_wait3A_338 = tpu.memref_slice %arg2[%dma_wait3A_332, %dma_wait3A_337] : memref<2x16384xi32, #tpu.memory_space<hbm>> -> memref<1x128xi32, #tpu.memory_space<hbm>>
    %dma_wait3A_339 = tpu.memref_squeeze %dma_wait3A_338 : memref<1x128xi32, #tpu.memory_space<hbm>> -> memref<128xi32, #tpu.memory_space<hbm>>
    %dma_wait3A_340 = arith.constant 0 : i32
    %dma_wait3A_341 = tpu.memref_slice %arg6[%dma_wait3A_333, %dma_wait3A_340] : memref<8x128xi32, #tpu.memory_space<vmem>> -> memref<1x128xi32, #tpu.memory_space<vmem>>
    %dma_wait3A_342 = tpu.memref_squeeze %dma_wait3A_341 : memref<1x128xi32, #tpu.memory_space<vmem>> -> memref<128xi32, #tpu.memory_space<vmem>>
    %dma_wait3A_343 = arith.constant 0 : i32
    %dma_wait3A_344 = tpu.memref_slice %arg2[%dma_wait3A_332, %dma_wait3A_343] : memref<2x16384xi32, #tpu.memory_space<hbm>> -> memref<1x128xi32, #tpu.memory_space<hbm>>
    %dma_wait3A_345 = tpu.memref_squeeze %dma_wait3A_344 : memref<1x128xi32, #tpu.memory_space<hbm>> -> memref<128xi32, #tpu.memory_space<hbm>>
    tpu.wait_dma2 semaphore(%arg14 : memref<!tpu.dma_semaphore, #tpu.memory_space<semaphore_mem>>) src(%dma_wait3A_345 : memref<128xi32, #tpu.memory_space<hbm>>) dst(%dma_wait3A_342 : memref<128xi32, #tpu.memory_space<vmem>>)
    %dma_wait3A_346 = arith.constant 1 : i32
    %dma_wait3A_347 = arith.constant 4 : i32
    %dma_wait3A_348 = arith.constant 0 : i32
    %dma_wait3A_349 = tpu.memref_slice %arg7[%dma_wait3A_347, %dma_wait3A_348] : memref<8x128xi32, #tpu.memory_space<vmem>> -> memref<1x128xi32, #tpu.memory_space<vmem>>
    %dma_wait3A_350 = tpu.memref_squeeze %dma_wait3A_349 : memref<1x128xi32, #tpu.memory_space<vmem>> -> memref<128xi32, #tpu.memory_space<vmem>>
    %dma_wait3A_351 = arith.constant 0 : i32
    %dma_wait3A_352 = tpu.memref_slice %arg2[%dma_wait3A_346, %dma_wait3A_351] : memref<2x16384xi32, #tpu.memory_space<hbm>> -> memref<1x128xi32, #tpu.memory_space<hbm>>
    %dma_wait3A_353 = tpu.memref_squeeze %dma_wait3A_352 : memref<1x128xi32, #tpu.memory_space<hbm>> -> memref<128xi32, #tpu.memory_space<hbm>>
    %dma_wait3A_354 = arith.constant 0 : i32
    %dma_wait3A_355 = tpu.memref_slice %arg7[%dma_wait3A_347, %dma_wait3A_354] : memref<8x128xi32, #tpu.memory_space<vmem>> -> memref<1x128xi32, #tpu.memory_space<vmem>>
    %dma_wait3A_356 = tpu.memref_squeeze %dma_wait3A_355 : memref<1x128xi32, #tpu.memory_space<vmem>> -> memref<128xi32, #tpu.memory_space<vmem>>
    %dma_wait3A_357 = arith.constant 0 : i32
    %dma_wait3A_358 = tpu.memref_slice %arg2[%dma_wait3A_346, %dma_wait3A_357] : memref<2x16384xi32, #tpu.memory_space<hbm>> -> memref<1x128xi32, #tpu.memory_space<hbm>>
    %dma_wait3A_359 = tpu.memref_squeeze %dma_wait3A_358 : memref<1x128xi32, #tpu.memory_space<hbm>> -> memref<128xi32, #tpu.memory_space<hbm>>
    tpu.wait_dma2 semaphore(%arg14 : memref<!tpu.dma_semaphore, #tpu.memory_space<semaphore_mem>>) src(%dma_wait3A_359 : memref<128xi32, #tpu.memory_space<hbm>>) dst(%dma_wait3A_356 : memref<128xi32, #tpu.memory_space<vmem>>)
    %dma_wait3A_360 = arith.constant 0 : i32
    %dma_wait3A_361 = arith.constant 5 : i32
    %dma_wait3A_362 = arith.constant 0 : i32
    %dma_wait3A_363 = tpu.memref_slice %arg6[%dma_wait3A_361, %dma_wait3A_362] : memref<8x128xi32, #tpu.memory_space<vmem>> -> memref<1x128xi32, #tpu.memory_space<vmem>>
    %dma_wait3A_364 = tpu.memref_squeeze %dma_wait3A_363 : memref<1x128xi32, #tpu.memory_space<vmem>> -> memref<128xi32, #tpu.memory_space<vmem>>
    %dma_wait3A_365 = arith.constant 0 : i32
    %dma_wait3A_366 = tpu.memref_slice %arg2[%dma_wait3A_360, %dma_wait3A_365] : memref<2x16384xi32, #tpu.memory_space<hbm>> -> memref<1x128xi32, #tpu.memory_space<hbm>>
    %dma_wait3A_367 = tpu.memref_squeeze %dma_wait3A_366 : memref<1x128xi32, #tpu.memory_space<hbm>> -> memref<128xi32, #tpu.memory_space<hbm>>
    %dma_wait3A_368 = arith.constant 0 : i32
    %dma_wait3A_369 = tpu.memref_slice %arg6[%dma_wait3A_361, %dma_wait3A_368] : memref<8x128xi32, #tpu.memory_space<vmem>> -> memref<1x128xi32, #tpu.memory_space<vmem>>
    %dma_wait3A_370 = tpu.memref_squeeze %dma_wait3A_369 : memref<1x128xi32, #tpu.memory_space<vmem>> -> memref<128xi32, #tpu.memory_space<vmem>>
    %dma_wait3A_371 = arith.constant 0 : i32
    %dma_wait3A_372 = tpu.memref_slice %arg2[%dma_wait3A_360, %dma_wait3A_371] : memref<2x16384xi32, #tpu.memory_space<hbm>> -> memref<1x128xi32, #tpu.memory_space<hbm>>
    %dma_wait3A_373 = tpu.memref_squeeze %dma_wait3A_372 : memref<1x128xi32, #tpu.memory_space<hbm>> -> memref<128xi32, #tpu.memory_space<hbm>>
    tpu.wait_dma2 semaphore(%arg14 : memref<!tpu.dma_semaphore, #tpu.memory_space<semaphore_mem>>) src(%dma_wait3A_373 : memref<128xi32, #tpu.memory_space<hbm>>) dst(%dma_wait3A_370 : memref<128xi32, #tpu.memory_space<vmem>>)
    %dma_wait3A_374 = arith.constant 1 : i32
    %dma_wait3A_375 = arith.constant 5 : i32
    %dma_wait3A_376 = arith.constant 0 : i32
    %dma_wait3A_377 = tpu.memref_slice %arg7[%dma_wait3A_375, %dma_wait3A_376] : memref<8x128xi32, #tpu.memory_space<vmem>> -> memref<1x128xi32, #tpu.memory_space<vmem>>
    %dma_wait3A_378 = tpu.memref_squeeze %dma_wait3A_377 : memref<1x128xi32, #tpu.memory_space<vmem>> -> memref<128xi32, #tpu.memory_space<vmem>>
    %dma_wait3A_379 = arith.constant 0 : i32
    %dma_wait3A_380 = tpu.memref_slice %arg2[%dma_wait3A_374, %dma_wait3A_379] : memref<2x16384xi32, #tpu.memory_space<hbm>> -> memref<1x128xi32, #tpu.memory_space<hbm>>
    %dma_wait3A_381 = tpu.memref_squeeze %dma_wait3A_380 : memref<1x128xi32, #tpu.memory_space<hbm>> -> memref<128xi32, #tpu.memory_space<hbm>>
    %dma_wait3A_382 = arith.constant 0 : i32
    %dma_wait3A_383 = tpu.memref_slice %arg7[%dma_wait3A_375, %dma_wait3A_382] : memref<8x128xi32, #tpu.memory_space<vmem>> -> memref<1x128xi32, #tpu.memory_space<vmem>>
    %dma_wait3A_384 = tpu.memref_squeeze %dma_wait3A_383 : memref<1x128xi32, #tpu.memory_space<vmem>> -> memref<128xi32, #tpu.memory_space<vmem>>
    %dma_wait3A_385 = arith.constant 0 : i32
    %dma_wait3A_386 = tpu.memref_slice %arg2[%dma_wait3A_374, %dma_wait3A_385] : memref<2x16384xi32, #tpu.memory_space<hbm>> -> memref<1x128xi32, #tpu.memory_space<hbm>>
    %dma_wait3A_387 = tpu.memref_squeeze %dma_wait3A_386 : memref<1x128xi32, #tpu.memory_space<hbm>> -> memref<128xi32, #tpu.memory_space<hbm>>
    tpu.wait_dma2 semaphore(%arg14 : memref<!tpu.dma_semaphore, #tpu.memory_space<semaphore_mem>>) src(%dma_wait3A_387 : memref<128xi32, #tpu.memory_space<hbm>>) dst(%dma_wait3A_384 : memref<128xi32, #tpu.memory_space<vmem>>)
    %dma_wait3A_388 = arith.constant 0 : i32
    %dma_wait3A_389 = arith.constant 6 : i32
    %dma_wait3A_390 = arith.constant 0 : i32
    %dma_wait3A_391 = tpu.memref_slice %arg6[%dma_wait3A_389, %dma_wait3A_390] : memref<8x128xi32, #tpu.memory_space<vmem>> -> memref<1x128xi32, #tpu.memory_space<vmem>>
    %dma_wait3A_392 = tpu.memref_squeeze %dma_wait3A_391 : memref<1x128xi32, #tpu.memory_space<vmem>> -> memref<128xi32, #tpu.memory_space<vmem>>
    %dma_wait3A_393 = arith.constant 0 : i32
    %dma_wait3A_394 = tpu.memref_slice %arg2[%dma_wait3A_388, %dma_wait3A_393] : memref<2x16384xi32, #tpu.memory_space<hbm>> -> memref<1x128xi32, #tpu.memory_space<hbm>>
    %dma_wait3A_395 = tpu.memref_squeeze %dma_wait3A_394 : memref<1x128xi32, #tpu.memory_space<hbm>> -> memref<128xi32, #tpu.memory_space<hbm>>
    %dma_wait3A_396 = arith.constant 0 : i32
    %dma_wait3A_397 = tpu.memref_slice %arg6[%dma_wait3A_389, %dma_wait3A_396] : memref<8x128xi32, #tpu.memory_space<vmem>> -> memref<1x128xi32, #tpu.memory_space<vmem>>
    %dma_wait3A_398 = tpu.memref_squeeze %dma_wait3A_397 : memref<1x128xi32, #tpu.memory_space<vmem>> -> memref<128xi32, #tpu.memory_space<vmem>>
    %dma_wait3A_399 = arith.constant 0 : i32
    %dma_wait3A_400 = tpu.memref_slice %arg2[%dma_wait3A_388, %dma_wait3A_399] : memref<2x16384xi32, #tpu.memory_space<hbm>> -> memref<1x128xi32, #tpu.memory_space<hbm>>
    %dma_wait3A_401 = tpu.memref_squeeze %dma_wait3A_400 : memref<1x128xi32, #tpu.memory_space<hbm>> -> memref<128xi32, #tpu.memory_space<hbm>>
    tpu.wait_dma2 semaphore(%arg14 : memref<!tpu.dma_semaphore, #tpu.memory_space<semaphore_mem>>) src(%dma_wait3A_401 : memref<128xi32, #tpu.memory_space<hbm>>) dst(%dma_wait3A_398 : memref<128xi32, #tpu.memory_space<vmem>>)
    %dma_wait3A_402 = arith.constant 1 : i32
    %dma_wait3A_403 = arith.constant 6 : i32
    %dma_wait3A_404 = arith.constant 0 : i32
    %dma_wait3A_405 = tpu.memref_slice %arg7[%dma_wait3A_403, %dma_wait3A_404] : memref<8x128xi32, #tpu.memory_space<vmem>> -> memref<1x128xi32, #tpu.memory_space<vmem>>
    %dma_wait3A_406 = tpu.memref_squeeze %dma_wait3A_405 : memref<1x128xi32, #tpu.memory_space<vmem>> -> memref<128xi32, #tpu.memory_space<vmem>>
    %dma_wait3A_407 = arith.constant 0 : i32
    %dma_wait3A_408 = tpu.memref_slice %arg2[%dma_wait3A_402, %dma_wait3A_407] : memref<2x16384xi32, #tpu.memory_space<hbm>> -> memref<1x128xi32, #tpu.memory_space<hbm>>
    %dma_wait3A_409 = tpu.memref_squeeze %dma_wait3A_408 : memref<1x128xi32, #tpu.memory_space<hbm>> -> memref<128xi32, #tpu.memory_space<hbm>>
    %dma_wait3A_410 = arith.constant 0 : i32
    %dma_wait3A_411 = tpu.memref_slice %arg7[%dma_wait3A_403, %dma_wait3A_410] : memref<8x128xi32, #tpu.memory_space<vmem>> -> memref<1x128xi32, #tpu.memory_space<vmem>>
    %dma_wait3A_412 = tpu.memref_squeeze %dma_wait3A_411 : memref<1x128xi32, #tpu.memory_space<vmem>> -> memref<128xi32, #tpu.memory_space<vmem>>
    %dma_wait3A_413 = arith.constant 0 : i32
    %dma_wait3A_414 = tpu.memref_slice %arg2[%dma_wait3A_402, %dma_wait3A_413] : memref<2x16384xi32, #tpu.memory_space<hbm>> -> memref<1x128xi32, #tpu.memory_space<hbm>>
    %dma_wait3A_415 = tpu.memref_squeeze %dma_wait3A_414 : memref<1x128xi32, #tpu.memory_space<hbm>> -> memref<128xi32, #tpu.memory_space<hbm>>
    tpu.wait_dma2 semaphore(%arg14 : memref<!tpu.dma_semaphore, #tpu.memory_space<semaphore_mem>>) src(%dma_wait3A_415 : memref<128xi32, #tpu.memory_space<hbm>>) dst(%dma_wait3A_412 : memref<128xi32, #tpu.memory_space<vmem>>)
    %dma_wait3A_416 = arith.constant 0 : i32
    %dma_wait3A_417 = arith.constant 7 : i32
    %dma_wait3A_418 = arith.constant 0 : i32
    %dma_wait3A_419 = tpu.memref_slice %arg6[%dma_wait3A_417, %dma_wait3A_418] : memref<8x128xi32, #tpu.memory_space<vmem>> -> memref<1x128xi32, #tpu.memory_space<vmem>>
    %dma_wait3A_420 = tpu.memref_squeeze %dma_wait3A_419 : memref<1x128xi32, #tpu.memory_space<vmem>> -> memref<128xi32, #tpu.memory_space<vmem>>
    %dma_wait3A_421 = arith.constant 0 : i32
    %dma_wait3A_422 = tpu.memref_slice %arg2[%dma_wait3A_416, %dma_wait3A_421] : memref<2x16384xi32, #tpu.memory_space<hbm>> -> memref<1x128xi32, #tpu.memory_space<hbm>>
    %dma_wait3A_423 = tpu.memref_squeeze %dma_wait3A_422 : memref<1x128xi32, #tpu.memory_space<hbm>> -> memref<128xi32, #tpu.memory_space<hbm>>
    %dma_wait3A_424 = arith.constant 0 : i32
    %dma_wait3A_425 = tpu.memref_slice %arg6[%dma_wait3A_417, %dma_wait3A_424] : memref<8x128xi32, #tpu.memory_space<vmem>> -> memref<1x128xi32, #tpu.memory_space<vmem>>
    %dma_wait3A_426 = tpu.memref_squeeze %dma_wait3A_425 : memref<1x128xi32, #tpu.memory_space<vmem>> -> memref<128xi32, #tpu.memory_space<vmem>>
    %dma_wait3A_427 = arith.constant 0 : i32
    %dma_wait3A_428 = tpu.memref_slice %arg2[%dma_wait3A_416, %dma_wait3A_427] : memref<2x16384xi32, #tpu.memory_space<hbm>> -> memref<1x128xi32, #tpu.memory_space<hbm>>
    %dma_wait3A_429 = tpu.memref_squeeze %dma_wait3A_428 : memref<1x128xi32, #tpu.memory_space<hbm>> -> memref<128xi32, #tpu.memory_space<hbm>>
    tpu.wait_dma2 semaphore(%arg14 : memref<!tpu.dma_semaphore, #tpu.memory_space<semaphore_mem>>) src(%dma_wait3A_429 : memref<128xi32, #tpu.memory_space<hbm>>) dst(%dma_wait3A_426 : memref<128xi32, #tpu.memory_space<vmem>>)
    %dma_wait3A_430 = arith.constant 1 : i32
    %dma_wait3A_431 = arith.constant 7 : i32
    %dma_wait3A_432 = arith.constant 0 : i32
    %dma_wait3A_433 = tpu.memref_slice %arg7[%dma_wait3A_431, %dma_wait3A_432] : memref<8x128xi32, #tpu.memory_space<vmem>> -> memref<1x128xi32, #tpu.memory_space<vmem>>
    %dma_wait3A_434 = tpu.memref_squeeze %dma_wait3A_433 : memref<1x128xi32, #tpu.memory_space<vmem>> -> memref<128xi32, #tpu.memory_space<vmem>>
    %dma_wait3A_435 = arith.constant 0 : i32
    %dma_wait3A_436 = tpu.memref_slice %arg2[%dma_wait3A_430, %dma_wait3A_435] : memref<2x16384xi32, #tpu.memory_space<hbm>> -> memref<1x128xi32, #tpu.memory_space<hbm>>
    %dma_wait3A_437 = tpu.memref_squeeze %dma_wait3A_436 : memref<1x128xi32, #tpu.memory_space<hbm>> -> memref<128xi32, #tpu.memory_space<hbm>>
    %dma_wait3A_438 = arith.constant 0 : i32
    %dma_wait3A_439 = tpu.memref_slice %arg7[%dma_wait3A_431, %dma_wait3A_438] : memref<8x128xi32, #tpu.memory_space<vmem>> -> memref<1x128xi32, #tpu.memory_space<vmem>>
    %dma_wait3A_440 = tpu.memref_squeeze %dma_wait3A_439 : memref<1x128xi32, #tpu.memory_space<vmem>> -> memref<128xi32, #tpu.memory_space<vmem>>
    %dma_wait3A_441 = arith.constant 0 : i32
    %dma_wait3A_442 = tpu.memref_slice %arg2[%dma_wait3A_430, %dma_wait3A_441] : memref<2x16384xi32, #tpu.memory_space<hbm>> -> memref<1x128xi32, #tpu.memory_space<hbm>>
    %dma_wait3A_443 = tpu.memref_squeeze %dma_wait3A_442 : memref<1x128xi32, #tpu.memory_space<hbm>> -> memref<128xi32, #tpu.memory_space<hbm>>
    tpu.wait_dma2 semaphore(%arg14 : memref<!tpu.dma_semaphore, #tpu.memory_space<semaphore_mem>>) src(%dma_wait3A_443 : memref<128xi32, #tpu.memory_space<hbm>>) dst(%dma_wait3A_440 : memref<128xi32, #tpu.memory_space<vmem>>)
    %broadcast_in_dim3A = arith.constant 0.000000e+00 : f32
    %broadcast_in_dim3A_444 = vector.broadcast %broadcast_in_dim3A : f32 to vector<16xf32>
    %swap3A = arith.constant 0 : i32
    %swap3A_445 = arith.index_cast %swap3A : i32 to index
    %swap3A_446 = arith.constant 0 : index
    %swap3A_447 = tpu.vector_load %arg10[%swap3A_445, %swap3A_446] {strides = array<i32>} : memref<8x128xf32, #tpu.memory_space<vmem>>, vector<16xf32>,
    tpu.vector_store %arg10[%swap3A_445, %swap3A_446], %broadcast_in_dim3A_444 {strides = array<i32>} : memref<8x128xf32, #tpu.memory_space<vmem>>, vector<16xf32>,
    %swap3A_448 = arith.constant 0 : i32
    %swap3A_449 = arith.index_cast %swap3A_448 : i32 to index
    %swap3A_450 = arith.constant 16 : index
    %swap3A_451 = tpu.vector_load %arg10[%swap3A_449, %swap3A_450] {strides = array<i32>} : memref<8x128xf32, #tpu.memory_space<vmem>>, vector<16xf32>,
    tpu.vector_store %arg10[%swap3A_449, %swap3A_450], %broadcast_in_dim3A_444 {strides = array<i32>} : memref<8x128xf32, #tpu.memory_space<vmem>>, vector<16xf32>,
    %swap3A_452 = arith.constant 0 : i32
    %swap3A_453 = arith.index_cast %swap3A_452 : i32 to index
    %swap3A_454 = arith.constant 32 : index
    %swap3A_455 = tpu.vector_load %arg10[%swap3A_453, %swap3A_454] {strides = array<i32>} : memref<8x128xf32, #tpu.memory_space<vmem>>, vector<16xf32>,
    tpu.vector_store %arg10[%swap3A_453, %swap3A_454], %broadcast_in_dim3A_444 {strides = array<i32>} : memref<8x128xf32, #tpu.memory_space<vmem>>, vector<16xf32>,
    %swap3A_456 = arith.constant 0 : i32
    %swap3A_457 = arith.index_cast %swap3A_456 : i32 to index
    %swap3A_458 = arith.constant 48 : index
    %swap3A_459 = tpu.vector_load %arg10[%swap3A_457, %swap3A_458] {strides = array<i32>} : memref<8x128xf32, #tpu.memory_space<vmem>>, vector<16xf32>,
    tpu.vector_store %arg10[%swap3A_457, %swap3A_458], %broadcast_in_dim3A_444 {strides = array<i32>} : memref<8x128xf32, #tpu.memory_space<vmem>>, vector<16xf32>,
    %swap3A_460 = arith.constant 0 : i32
    %swap3A_461 = arith.index_cast %swap3A_460 : i32 to index
    %swap3A_462 = arith.constant 64 : index
    %swap3A_463 = tpu.vector_load %arg10[%swap3A_461, %swap3A_462] {strides = array<i32>} : memref<8x128xf32, #tpu.memory_space<vmem>>, vector<16xf32>,
    tpu.vector_store %arg10[%swap3A_461, %swap3A_462], %broadcast_in_dim3A_444 {strides = array<i32>} : memref<8x128xf32, #tpu.memory_space<vmem>>, vector<16xf32>,
    %swap3A_464 = arith.constant 0 : i32
    %swap3A_465 = arith.index_cast %swap3A_464 : i32 to index
    %swap3A_466 = arith.constant 80 : index
    %swap3A_467 = tpu.vector_load %arg10[%swap3A_465, %swap3A_466] {strides = array<i32>} : memref<8x128xf32, #tpu.memory_space<vmem>>, vector<16xf32>,
    tpu.vector_store %arg10[%swap3A_465, %swap3A_466], %broadcast_in_dim3A_444 {strides = array<i32>} : memref<8x128xf32, #tpu.memory_space<vmem>>, vector<16xf32>,
    %swap3A_468 = arith.constant 0 : i32
    %swap3A_469 = arith.index_cast %swap3A_468 : i32 to index
    %swap3A_470 = arith.constant 96 : index
    %swap3A_471 = tpu.vector_load %arg10[%swap3A_469, %swap3A_470] {strides = array<i32>} : memref<8x128xf32, #tpu.memory_space<vmem>>, vector<16xf32>,
    tpu.vector_store %arg10[%swap3A_469, %swap3A_470], %broadcast_in_dim3A_444 {strides = array<i32>} : memref<8x128xf32, #tpu.memory_space<vmem>>, vector<16xf32>,
    %swap3A_472 = arith.constant 0 : i32
    %swap3A_473 = arith.index_cast %swap3A_472 : i32 to index
    %swap3A_474 = arith.constant 112 : index
    %swap3A_475 = tpu.vector_load %arg10[%swap3A_473, %swap3A_474] {strides = array<i32>} : memref<8x128xf32, #tpu.memory_space<vmem>>, vector<16xf32>,
    tpu.vector_store %arg10[%swap3A_473, %swap3A_474], %broadcast_in_dim3A_444 {strides = array<i32>} : memref<8x128xf32, #tpu.memory_space<vmem>>, vector<16xf32>,
    %swap3A_476 = arith.constant 1 : i32
    %swap3A_477 = arith.index_cast %swap3A_476 : i32 to index
    %swap3A_478 = arith.constant 0 : index
    %swap3A_479 = tpu.vector_load %arg10[%swap3A_477, %swap3A_478] {strides = array<i32>} : memref<8x128xf32, #tpu.memory_space<vmem>>, vector<16xf32>,
    tpu.vector_store %arg10[%swap3A_477, %swap3A_478], %broadcast_in_dim3A_444 {strides = array<i32>} : memref<8x128xf32, #tpu.memory_space<vmem>>, vector<16xf32>,
    %swap3A_480 = arith.constant 1 : i32
    %swap3A_481 = arith.index_cast %swap3A_480 : i32 to index
    %swap3A_482 = arith.constant 16 : index
    %swap3A_483 = tpu.vector_load %arg10[%swap3A_481, %swap3A_482] {strides = array<i32>} : memref<8x128xf32, #tpu.memory_space<vmem>>, vector<16xf32>,
    tpu.vector_store %arg10[%swap3A_481, %swap3A_482], %broadcast_in_dim3A_444 {strides = array<i32>} : memref<8x128xf32, #tpu.memory_space<vmem>>, vector<16xf32>,
    %swap3A_484 = arith.constant 1 : i32
    %swap3A_485 = arith.index_cast %swap3A_484 : i32 to index
    %swap3A_486 = arith.constant 32 : index
    %swap3A_487 = tpu.vector_load %arg10[%swap3A_485, %swap3A_486] {strides = array<i32>} : memref<8x128xf32, #tpu.memory_space<vmem>>, vector<16xf32>,
    tpu.vector_store %arg10[%swap3A_485, %swap3A_486], %broadcast_in_dim3A_444 {strides = array<i32>} : memref<8x128xf32, #tpu.memory_space<vmem>>, vector<16xf32>,
    %swap3A_488 = arith.constant 1 : i32
    %swap3A_489 = arith.index_cast %swap3A_488 : i32 to index
    %swap3A_490 = arith.constant 48 : index
    %swap3A_491 = tpu.vector_load %arg10[%swap3A_489, %swap3A_490] {strides = array<i32>} : memref<8x128xf32, #tpu.memory_space<vmem>>, vector<16xf32>,
    tpu.vector_store %arg10[%swap3A_489, %swap3A_490], %broadcast_in_dim3A_444 {strides = array<i32>} : memref<8x128xf32, #tpu.memory_space<vmem>>, vector<16xf32>,
    %swap3A_492 = arith.constant 1 : i32
    %swap3A_493 = arith.index_cast %swap3A_492 : i32 to index
    %swap3A_494 = arith.constant 64 : index
    %swap3A_495 = tpu.vector_load %arg10[%swap3A_493, %swap3A_494] {strides = array<i32>} : memref<8x128xf32, #tpu.memory_space<vmem>>, vector<16xf32>,
    tpu.vector_store %arg10[%swap3A_493, %swap3A_494], %broadcast_in_dim3A_444 {strides = array<i32>} : memref<8x128xf32, #tpu.memory_space<vmem>>, vector<16xf32>,
    %swap3A_496 = arith.constant 1 : i32
    %swap3A_497 = arith.index_cast %swap3A_496 : i32 to index
    %swap3A_498 = arith.constant 80 : index
    %swap3A_499 = tpu.vector_load %arg10[%swap3A_497, %swap3A_498] {strides = array<i32>} : memref<8x128xf32, #tpu.memory_space<vmem>>, vector<16xf32>,
    tpu.vector_store %arg10[%swap3A_497, %swap3A_498], %broadcast_in_dim3A_444 {strides = array<i32>} : memref<8x128xf32, #tpu.memory_space<vmem>>, vector<16xf32>,
    %swap3A_500 = arith.constant 1 : i32
    %swap3A_501 = arith.index_cast %swap3A_500 : i32 to index
    %swap3A_502 = arith.constant 96 : index
    %swap3A_503 = tpu.vector_load %arg10[%swap3A_501, %swap3A_502] {strides = array<i32>} : memref<8x128xf32, #tpu.memory_space<vmem>>, vector<16xf32>,
    tpu.vector_store %arg10[%swap3A_501, %swap3A_502], %broadcast_in_dim3A_444 {strides = array<i32>} : memref<8x128xf32, #tpu.memory_space<vmem>>, vector<16xf32>,
    %swap3A_504 = arith.constant 1 : i32
    %swap3A_505 = arith.index_cast %swap3A_504 : i32 to index
    %swap3A_506 = arith.constant 112 : index
    %swap3A_507 = tpu.vector_load %arg10[%swap3A_505, %swap3A_506] {strides = array<i32>} : memref<8x128xf32, #tpu.memory_space<vmem>>, vector<16xf32>,
    tpu.vector_store %arg10[%swap3A_505, %swap3A_506], %broadcast_in_dim3A_444 {strides = array<i32>} : memref<8x128xf32, #tpu.memory_space<vmem>>, vector<16xf32>,
    %swap3A_508 = arith.constant 2 : i32
    %swap3A_509 = arith.index_cast %swap3A_508 : i32 to index
    %swap3A_510 = arith.constant 0 : index
    %swap3A_511 = tpu.vector_load %arg10[%swap3A_509, %swap3A_510] {strides = array<i32>} : memref<8x128xf32, #tpu.memory_space<vmem>>, vector<16xf32>,
    tpu.vector_store %arg10[%swap3A_509, %swap3A_510], %broadcast_in_dim3A_444 {strides = array<i32>} : memref<8x128xf32, #tpu.memory_space<vmem>>, vector<16xf32>,
    %swap3A_512 = arith.constant 2 : i32
    %swap3A_513 = arith.index_cast %swap3A_512 : i32 to index
    %swap3A_514 = arith.constant 16 : index
    %swap3A_515 = tpu.vector_load %arg10[%swap3A_513, %swap3A_514] {strides = array<i32>} : memref<8x128xf32, #tpu.memory_space<vmem>>, vector<16xf32>,
    tpu.vector_store %arg10[%swap3A_513, %swap3A_514], %broadcast_in_dim3A_444 {strides = array<i32>} : memref<8x128xf32, #tpu.memory_space<vmem>>, vector<16xf32>,
    %swap3A_516 = arith.constant 2 : i32
    %swap3A_517 = arith.index_cast %swap3A_516 : i32 to index
    %swap3A_518 = arith.constant 32 : index
    %swap3A_519 = tpu.vector_load %arg10[%swap3A_517, %swap3A_518] {strides = array<i32>} : memref<8x128xf32, #tpu.memory_space<vmem>>, vector<16xf32>,
    tpu.vector_store %arg10[%swap3A_517, %swap3A_518], %broadcast_in_dim3A_444 {strides = array<i32>} : memref<8x128xf32, #tpu.memory_space<vmem>>, vector<16xf32>,
    %swap3A_520 = arith.constant 2 : i32
    %swap3A_521 = arith.index_cast %swap3A_520 : i32 to index
    %swap3A_522 = arith.constant 48 : index
    %swap3A_523 = tpu.vector_load %arg10[%swap3A_521, %swap3A_522] {strides = array<i32>} : memref<8x128xf32, #tpu.memory_space<vmem>>, vector<16xf32>,
    tpu.vector_store %arg10[%swap3A_521, %swap3A_522], %broadcast_in_dim3A_444 {strides = array<i32>} : memref<8x128xf32, #tpu.memory_space<vmem>>, vector<16xf32>,
    %swap3A_524 = arith.constant 2 : i32
    %swap3A_525 = arith.index_cast %swap3A_524 : i32 to index
    %swap3A_526 = arith.constant 64 : index
    %swap3A_527 = tpu.vector_load %arg10[%swap3A_525, %swap3A_526] {strides = array<i32>} : memref<8x128xf32, #tpu.memory_space<vmem>>, vector<16xf32>,
    tpu.vector_store %arg10[%swap3A_525, %swap3A_526], %broadcast_in_dim3A_444 {strides = array<i32>} : memref<8x128xf32, #tpu.memory_space<vmem>>, vector<16xf32>,
    %swap3A_528 = arith.constant 2 : i32
    %swap3A_529 = arith.index_cast %swap3A_528 : i32 to index
    %swap3A_530 = arith.constant 80 : index
    %swap3A_531 = tpu.vector_load %arg10[%swap3A_529, %swap3A_530] {strides = array<i32>} : memref<8x128xf32, #tpu.memory_space<vmem>>, vector<16xf32>,
    tpu.vector_store %arg10[%swap3A_529, %swap3A_530], %broadcast_in_dim3A_444 {strides = array<i32>} : memref<8x128xf32, #tpu.memory_space<vmem>>, vector<16xf32>,
    %swap3A_532 = arith.constant 2 : i32
    %swap3A_533 = arith.index_cast %swap3A_532 : i32 to index
    %swap3A_534 = arith.constant 96 : index
    %swap3A_535 = tpu.vector_load %arg10[%swap3A_533, %swap3A_534] {strides = array<i32>} : memref<8x128xf32, #tpu.memory_space<vmem>>, vector<16xf32>,
    tpu.vector_store %arg10[%swap3A_533, %swap3A_534], %broadcast_in_dim3A_444 {strides = array<i32>} : memref<8x128xf32, #tpu.memory_space<vmem>>, vector<16xf32>,
    %swap3A_536 = arith.constant 2 : i32
    %swap3A_537 = arith.index_cast %swap3A_536 : i32 to index
    %swap3A_538 = arith.constant 112 : index
    %swap3A_539 = tpu.vector_load %arg10[%swap3A_537, %swap3A_538] {strides = array<i32>} : memref<8x128xf32, #tpu.memory_space<vmem>>, vector<16xf32>,
    tpu.vector_store %arg10[%swap3A_537, %swap3A_538], %broadcast_in_dim3A_444 {strides = array<i32>} : memref<8x128xf32, #tpu.memory_space<vmem>>, vector<16xf32>,
    %swap3A_540 = arith.constant 3 : i32
    %swap3A_541 = arith.index_cast %swap3A_540 : i32 to index
    %swap3A_542 = arith.constant 0 : index
    %swap3A_543 = tpu.vector_load %arg10[%swap3A_541, %swap3A_542] {strides = array<i32>} : memref<8x128xf32, #tpu.memory_space<vmem>>, vector<16xf32>,
    tpu.vector_store %arg10[%swap3A_541, %swap3A_542], %broadcast_in_dim3A_444 {strides = array<i32>} : memref<8x128xf32, #tpu.memory_space<vmem>>, vector<16xf32>,
    %swap3A_544 = arith.constant 3 : i32
    %swap3A_545 = arith.index_cast %swap3A_544 : i32 to index
    %swap3A_546 = arith.constant 16 : index
    %swap3A_547 = tpu.vector_load %arg10[%swap3A_545, %swap3A_546] {strides = array<i32>} : memref<8x128xf32, #tpu.memory_space<vmem>>, vector<16xf32>,
    tpu.vector_store %arg10[%swap3A_545, %swap3A_546], %broadcast_in_dim3A_444 {strides = array<i32>} : memref<8x128xf32, #tpu.memory_space<vmem>>, vector<16xf32>,
    %swap3A_548 = arith.constant 3 : i32
    %swap3A_549 = arith.index_cast %swap3A_548 : i32 to index
    %swap3A_550 = arith.constant 32 : index
    %swap3A_551 = tpu.vector_load %arg10[%swap3A_549, %swap3A_550] {strides = array<i32>} : memref<8x128xf32, #tpu.memory_space<vmem>>, vector<16xf32>,
    tpu.vector_store %arg10[%swap3A_549, %swap3A_550], %broadcast_in_dim3A_444 {strides = array<i32>} : memref<8x128xf32, #tpu.memory_space<vmem>>, vector<16xf32>,
    %swap3A_552 = arith.constant 3 : i32
    %swap3A_553 = arith.index_cast %swap3A_552 : i32 to index
    %swap3A_554 = arith.constant 48 : index
    %swap3A_555 = tpu.vector_load %arg10[%swap3A_553, %swap3A_554] {strides = array<i32>} : memref<8x128xf32, #tpu.memory_space<vmem>>, vector<16xf32>,
    tpu.vector_store %arg10[%swap3A_553, %swap3A_554], %broadcast_in_dim3A_444 {strides = array<i32>} : memref<8x128xf32, #tpu.memory_space<vmem>>, vector<16xf32>,
    %swap3A_556 = arith.constant 3 : i32
    %swap3A_557 = arith.index_cast %swap3A_556 : i32 to index
    %swap3A_558 = arith.constant 64 : index
    %swap3A_559 = tpu.vector_load %arg10[%swap3A_557, %swap3A_558] {strides = array<i32>} : memref<8x128xf32, #tpu.memory_space<vmem>>, vector<16xf32>,
    tpu.vector_store %arg10[%swap3A_557, %swap3A_558], %broadcast_in_dim3A_444 {strides = array<i32>} : memref<8x128xf32, #tpu.memory_space<vmem>>, vector<16xf32>,
    %swap3A_560 = arith.constant 3 : i32
    %swap3A_561 = arith.index_cast %swap3A_560 : i32 to index
    %swap3A_562 = arith.constant 80 : index
    %swap3A_563 = tpu.vector_load %arg10[%swap3A_561, %swap3A_562] {strides = array<i32>} : memref<8x128xf32, #tpu.memory_space<vmem>>, vector<16xf32>,
    tpu.vector_store %arg10[%swap3A_561, %swap3A_562], %broadcast_in_dim3A_444 {strides = array<i32>} : memref<8x128xf32, #tpu.memory_space<vmem>>, vector<16xf32>,
    %swap3A_564 = arith.constant 3 : i32
    %swap3A_565 = arith.index_cast %swap3A_564 : i32 to index
    %swap3A_566 = arith.constant 96 : index
    %swap3A_567 = tpu.vector_load %arg10[%swap3A_565, %swap3A_566] {strides = array<i32>} : memref<8x128xf32, #tpu.memory_space<vmem>>, vector<16xf32>,
    tpu.vector_store %arg10[%swap3A_565, %swap3A_566], %broadcast_in_dim3A_444 {strides = array<i32>} : memref<8x128xf32, #tpu.memory_space<vmem>>, vector<16xf32>,
    %swap3A_568 = arith.constant 3 : i32
    %swap3A_569 = arith.index_cast %swap3A_568 : i32 to index
    %swap3A_570 = arith.constant 112 : index
    %swap3A_571 = tpu.vector_load %arg10[%swap3A_569, %swap3A_570] {strides = array<i32>} : memref<8x128xf32, #tpu.memory_space<vmem>>, vector<16xf32>,
    tpu.vector_store %arg10[%swap3A_569, %swap3A_570], %broadcast_in_dim3A_444 {strides = array<i32>} : memref<8x128xf32, #tpu.memory_space<vmem>>, vector<16xf32>,
    %swap3A_572 = arith.constant 4 : i32
    %swap3A_573 = arith.index_cast %swap3A_572 : i32 to index
    %swap3A_574 = arith.constant 0 : index
    %swap3A_575 = tpu.vector_load %arg10[%swap3A_573, %swap3A_574] {strides = array<i32>} : memref<8x128xf32, #tpu.memory_space<vmem>>, vector<16xf32>,
    tpu.vector_store %arg10[%swap3A_573, %swap3A_574], %broadcast_in_dim3A_444 {strides = array<i32>} : memref<8x128xf32, #tpu.memory_space<vmem>>, vector<16xf32>,
    %swap3A_576 = arith.constant 4 : i32
    %swap3A_577 = arith.index_cast %swap3A_576 : i32 to index
    %swap3A_578 = arith.constant 16 : index
    %swap3A_579 = tpu.vector_load %arg10[%swap3A_577, %swap3A_578] {strides = array<i32>} : memref<8x128xf32, #tpu.memory_space<vmem>>, vector<16xf32>,
    tpu.vector_store %arg10[%swap3A_577, %swap3A_578], %broadcast_in_dim3A_444 {strides = array<i32>} : memref<8x128xf32, #tpu.memory_space<vmem>>, vector<16xf32>,
    %swap3A_580 = arith.constant 4 : i32
    %swap3A_581 = arith.index_cast %swap3A_580 : i32 to index
    %swap3A_582 = arith.constant 32 : index
    %swap3A_583 = tpu.vector_load %arg10[%swap3A_581, %swap3A_582] {strides = array<i32>} : memref<8x128xf32, #tpu.memory_space<vmem>>, vector<16xf32>,
    tpu.vector_store %arg10[%swap3A_581, %swap3A_582], %broadcast_in_dim3A_444 {strides = array<i32>} : memref<8x128xf32, #tpu.memory_space<vmem>>, vector<16xf32>,
    %swap3A_584 = arith.constant 4 : i32
    %swap3A_585 = arith.index_cast %swap3A_584 : i32 to index
    %swap3A_586 = arith.constant 48 : index
    %swap3A_587 = tpu.vector_load %arg10[%swap3A_585, %swap3A_586] {strides = array<i32>} : memref<8x128xf32, #tpu.memory_space<vmem>>, vector<16xf32>,
    tpu.vector_store %arg10[%swap3A_585, %swap3A_586], %broadcast_in_dim3A_444 {strides = array<i32>} : memref<8x128xf32, #tpu.memory_space<vmem>>, vector<16xf32>,
    %swap3A_588 = arith.constant 4 : i32
    %swap3A_589 = arith.index_cast %swap3A_588 : i32 to index
    %swap3A_590 = arith.constant 64 : index
    %swap3A_591 = tpu.vector_load %arg10[%swap3A_589, %swap3A_590] {strides = array<i32>} : memref<8x128xf32, #tpu.memory_space<vmem>>, vector<16xf32>,
    tpu.vector_store %arg10[%swap3A_589, %swap3A_590], %broadcast_in_dim3A_444 {strides = array<i32>} : memref<8x128xf32, #tpu.memory_space<vmem>>, vector<16xf32>,
    %swap3A_592 = arith.constant 4 : i32
    %swap3A_593 = arith.index_cast %swap3A_592 : i32 to index
    %swap3A_594 = arith.constant 80 : index
    %swap3A_595 = tpu.vector_load %arg10[%swap3A_593, %swap3A_594] {strides = array<i32>} : memref<8x128xf32, #tpu.memory_space<vmem>>, vector<16xf32>,
    tpu.vector_store %arg10[%swap3A_593, %swap3A_594], %broadcast_in_dim3A_444 {strides = array<i32>} : memref<8x128xf32, #tpu.memory_space<vmem>>, vector<16xf32>,
    %swap3A_596 = arith.constant 4 : i32
    %swap3A_597 = arith.index_cast %swap3A_596 : i32 to index
    %swap3A_598 = arith.constant 96 : index
    %swap3A_599 = tpu.vector_load %arg10[%swap3A_597, %swap3A_598] {strides = array<i32>} : memref<8x128xf32, #tpu.memory_space<vmem>>, vector<16xf32>,
    tpu.vector_store %arg10[%swap3A_597, %swap3A_598], %broadcast_in_dim3A_444 {strides = array<i32>} : memref<8x128xf32, #tpu.memory_space<vmem>>, vector<16xf32>,
    %swap3A_600 = arith.constant 4 : i32
    %swap3A_601 = arith.index_cast %swap3A_600 : i32 to index
    %swap3A_602 = arith.constant 112 : index
    %swap3A_603 = tpu.vector_load %arg10[%swap3A_601, %swap3A_602] {strides = array<i32>} : memref<8x128xf32, #tpu.memory_space<vmem>>, vector<16xf32>,
    tpu.vector_store %arg10[%swap3A_601, %swap3A_602], %broadcast_in_dim3A_444 {strides = array<i32>} : memref<8x128xf32, #tpu.memory_space<vmem>>, vector<16xf32>,
    %swap3A_604 = arith.constant 5 : i32
    %swap3A_605 = arith.index_cast %swap3A_604 : i32 to index
    %swap3A_606 = arith.constant 0 : index
    %swap3A_607 = tpu.vector_load %arg10[%swap3A_605, %swap3A_606] {strides = array<i32>} : memref<8x128xf32, #tpu.memory_space<vmem>>, vector<16xf32>,
    tpu.vector_store %arg10[%swap3A_605, %swap3A_606], %broadcast_in_dim3A_444 {strides = array<i32>} : memref<8x128xf32, #tpu.memory_space<vmem>>, vector<16xf32>,
    %swap3A_608 = arith.constant 5 : i32
    %swap3A_609 = arith.index_cast %swap3A_608 : i32 to index
    %swap3A_610 = arith.constant 16 : index
    %swap3A_611 = tpu.vector_load %arg10[%swap3A_609, %swap3A_610] {strides = array<i32>} : memref<8x128xf32, #tpu.memory_space<vmem>>, vector<16xf32>,
    tpu.vector_store %arg10[%swap3A_609, %swap3A_610], %broadcast_in_dim3A_444 {strides = array<i32>} : memref<8x128xf32, #tpu.memory_space<vmem>>, vector<16xf32>,
    %swap3A_612 = arith.constant 5 : i32
    %swap3A_613 = arith.index_cast %swap3A_612 : i32 to index
    %swap3A_614 = arith.constant 32 : index
    %swap3A_615 = tpu.vector_load %arg10[%swap3A_613, %swap3A_614] {strides = array<i32>} : memref<8x128xf32, #tpu.memory_space<vmem>>, vector<16xf32>,
    tpu.vector_store %arg10[%swap3A_613, %swap3A_614], %broadcast_in_dim3A_444 {strides = array<i32>} : memref<8x128xf32, #tpu.memory_space<vmem>>, vector<16xf32>,
    %swap3A_616 = arith.constant 5 : i32
    %swap3A_617 = arith.index_cast %swap3A_616 : i32 to index
    %swap3A_618 = arith.constant 48 : index
    %swap3A_619 = tpu.vector_load %arg10[%swap3A_617, %swap3A_618] {strides = array<i32>} : memref<8x128xf32, #tpu.memory_space<vmem>>, vector<16xf32>,
    tpu.vector_store %arg10[%swap3A_617, %swap3A_618], %broadcast_in_dim3A_444 {strides = array<i32>} : memref<8x128xf32, #tpu.memory_space<vmem>>, vector<16xf32>,
    %swap3A_620 = arith.constant 5 : i32
    %swap3A_621 = arith.index_cast %swap3A_620 : i32 to index
    %swap3A_622 = arith.constant 64 : index
    %swap3A_623 = tpu.vector_load %arg10[%swap3A_621, %swap3A_622] {strides = array<i32>} : memref<8x128xf32, #tpu.memory_space<vmem>>, vector<16xf32>,
    tpu.vector_store %arg10[%swap3A_621, %swap3A_622], %broadcast_in_dim3A_444 {strides = array<i32>} : memref<8x128xf32, #tpu.memory_space<vmem>>, vector<16xf32>,
    %swap3A_624 = arith.constant 5 : i32
    %swap3A_625 = arith.index_cast %swap3A_624 : i32 to index
    %swap3A_626 = arith.constant 80 : index
    %swap3A_627 = tpu.vector_load %arg10[%swap3A_625, %swap3A_626] {strides = array<i32>} : memref<8x128xf32, #tpu.memory_space<vmem>>, vector<16xf32>,
    tpu.vector_store %arg10[%swap3A_625, %swap3A_626], %broadcast_in_dim3A_444 {strides = array<i32>} : memref<8x128xf32, #tpu.memory_space<vmem>>, vector<16xf32>,
    %swap3A_628 = arith.constant 5 : i32
    %swap3A_629 = arith.index_cast %swap3A_628 : i32 to index
    %swap3A_630 = arith.constant 96 : index
    %swap3A_631 = tpu.vector_load %arg10[%swap3A_629, %swap3A_630] {strides = array<i32>} : memref<8x128xf32, #tpu.memory_space<vmem>>, vector<16xf32>,
    tpu.vector_store %arg10[%swap3A_629, %swap3A_630], %broadcast_in_dim3A_444 {strides = array<i32>} : memref<8x128xf32, #tpu.memory_space<vmem>>, vector<16xf32>,
    %swap3A_632 = arith.constant 5 : i32
    %swap3A_633 = arith.index_cast %swap3A_632 : i32 to index
    %swap3A_634 = arith.constant 112 : index
    %swap3A_635 = tpu.vector_load %arg10[%swap3A_633, %swap3A_634] {strides = array<i32>} : memref<8x128xf32, #tpu.memory_space<vmem>>, vector<16xf32>,
    tpu.vector_store %arg10[%swap3A_633, %swap3A_634], %broadcast_in_dim3A_444 {strides = array<i32>} : memref<8x128xf32, #tpu.memory_space<vmem>>, vector<16xf32>,
    %swap3A_636 = arith.constant 6 : i32
    %swap3A_637 = arith.index_cast %swap3A_636 : i32 to index
    %swap3A_638 = arith.constant 0 : index
    %swap3A_639 = tpu.vector_load %arg10[%swap3A_637, %swap3A_638] {strides = array<i32>} : memref<8x128xf32, #tpu.memory_space<vmem>>, vector<16xf32>,
    tpu.vector_store %arg10[%swap3A_637, %swap3A_638], %broadcast_in_dim3A_444 {strides = array<i32>} : memref<8x128xf32, #tpu.memory_space<vmem>>, vector<16xf32>,
    %swap3A_640 = arith.constant 6 : i32
    %swap3A_641 = arith.index_cast %swap3A_640 : i32 to index
    %swap3A_642 = arith.constant 16 : index
    %swap3A_643 = tpu.vector_load %arg10[%swap3A_641, %swap3A_642] {strides = array<i32>} : memref<8x128xf32, #tpu.memory_space<vmem>>, vector<16xf32>,
    tpu.vector_store %arg10[%swap3A_641, %swap3A_642], %broadcast_in_dim3A_444 {strides = array<i32>} : memref<8x128xf32, #tpu.memory_space<vmem>>, vector<16xf32>,
    %swap3A_644 = arith.constant 6 : i32
    %swap3A_645 = arith.index_cast %swap3A_644 : i32 to index
    %swap3A_646 = arith.constant 32 : index
    %swap3A_647 = tpu.vector_load %arg10[%swap3A_645, %swap3A_646] {strides = array<i32>} : memref<8x128xf32, #tpu.memory_space<vmem>>, vector<16xf32>,
    tpu.vector_store %arg10[%swap3A_645, %swap3A_646], %broadcast_in_dim3A_444 {strides = array<i32>} : memref<8x128xf32, #tpu.memory_space<vmem>>, vector<16xf32>,
    %swap3A_648 = arith.constant 6 : i32
    %swap3A_649 = arith.index_cast %swap3A_648 : i32 to index
    %swap3A_650 = arith.constant 48 : index
    %swap3A_651 = tpu.vector_load %arg10[%swap3A_649, %swap3A_650] {strides = array<i32>} : memref<8x128xf32, #tpu.memory_space<vmem>>, vector<16xf32>,
    tpu.vector_store %arg10[%swap3A_649, %swap3A_650], %broadcast_in_dim3A_444 {strides = array<i32>} : memref<8x128xf32, #tpu.memory_space<vmem>>, vector<16xf32>,
    %swap3A_652 = arith.constant 6 : i32
    %swap3A_653 = arith.index_cast %swap3A_652 : i32 to index
    %swap3A_654 = arith.constant 64 : index
    %swap3A_655 = tpu.vector_load %arg10[%swap3A_653, %swap3A_654] {strides = array<i32>} : memref<8x128xf32, #tpu.memory_space<vmem>>, vector<16xf32>,
    tpu.vector_store %arg10[%swap3A_653, %swap3A_654], %broadcast_in_dim3A_444 {strides = array<i32>} : memref<8x128xf32, #tpu.memory_space<vmem>>, vector<16xf32>,
    %swap3A_656 = arith.constant 6 : i32
    %swap3A_657 = arith.index_cast %swap3A_656 : i32 to index
    %swap3A_658 = arith.constant 80 : index
    %swap3A_659 = tpu.vector_load %arg10[%swap3A_657, %swap3A_658] {strides = array<i32>} : memref<8x128xf32, #tpu.memory_space<vmem>>, vector<16xf32>,
    tpu.vector_store %arg10[%swap3A_657, %swap3A_658], %broadcast_in_dim3A_444 {strides = array<i32>} : memref<8x128xf32, #tpu.memory_space<vmem>>, vector<16xf32>,
    %swap3A_660 = arith.constant 6 : i32
    %swap3A_661 = arith.index_cast %swap3A_660 : i32 to index
    %swap3A_662 = arith.constant 96 : index
    %swap3A_663 = tpu.vector_load %arg10[%swap3A_661, %swap3A_662] {strides = array<i32>} : memref<8x128xf32, #tpu.memory_space<vmem>>, vector<16xf32>,
    tpu.vector_store %arg10[%swap3A_661, %swap3A_662], %broadcast_in_dim3A_444 {strides = array<i32>} : memref<8x128xf32, #tpu.memory_space<vmem>>, vector<16xf32>,
    %swap3A_664 = arith.constant 6 : i32
    %swap3A_665 = arith.index_cast %swap3A_664 : i32 to index
    %swap3A_666 = arith.constant 112 : index
    %swap3A_667 = tpu.vector_load %arg10[%swap3A_665, %swap3A_666] {strides = array<i32>} : memref<8x128xf32, #tpu.memory_space<vmem>>, vector<16xf32>,
    tpu.vector_store %arg10[%swap3A_665, %swap3A_666], %broadcast_in_dim3A_444 {strides = array<i32>} : memref<8x128xf32, #tpu.memory_space<vmem>>, vector<16xf32>,
    %swap3A_668 = arith.constant 7 : i32
    %swap3A_669 = arith.index_cast %swap3A_668 : i32 to index
    %swap3A_670 = arith.constant 0 : index
    %swap3A_671 = tpu.vector_load %arg10[%swap3A_669, %swap3A_670] {strides = array<i32>} : memref<8x128xf32, #tpu.memory_space<vmem>>, vector<16xf32>,
    tpu.vector_store %arg10[%swap3A_669, %swap3A_670], %broadcast_in_dim3A_444 {strides = array<i32>} : memref<8x128xf32, #tpu.memory_space<vmem>>, vector<16xf32>,
    %swap3A_672 = arith.constant 7 : i32
    %swap3A_673 = arith.index_cast %swap3A_672 : i32 to index
    %swap3A_674 = arith.constant 16 : index
    %swap3A_675 = tpu.vector_load %arg10[%swap3A_673, %swap3A_674] {strides = array<i32>} : memref<8x128xf32, #tpu.memory_space<vmem>>, vector<16xf32>,
    tpu.vector_store %arg10[%swap3A_673, %swap3A_674], %broadcast_in_dim3A_444 {strides = array<i32>} : memref<8x128xf32, #tpu.memory_space<vmem>>, vector<16xf32>,
    %swap3A_676 = arith.constant 7 : i32
    %swap3A_677 = arith.index_cast %swap3A_676 : i32 to index
    %swap3A_678 = arith.constant 32 : index
    %swap3A_679 = tpu.vector_load %arg10[%swap3A_677, %swap3A_678] {strides = array<i32>} : memref<8x128xf32, #tpu.memory_space<vmem>>, vector<16xf32>,
    tpu.vector_store %arg10[%swap3A_677, %swap3A_678], %broadcast_in_dim3A_444 {strides = array<i32>} : memref<8x128xf32, #tpu.memory_space<vmem>>, vector<16xf32>,
    %swap3A_680 = arith.constant 7 : i32
    %swap3A_681 = arith.index_cast %swap3A_680 : i32 to index
    %swap3A_682 = arith.constant 48 : index
    %swap3A_683 = tpu.vector_load %arg10[%swap3A_681, %swap3A_682] {strides = array<i32>} : memref<8x128xf32, #tpu.memory_space<vmem>>, vector<16xf32>,
    tpu.vector_store %arg10[%swap3A_681, %swap3A_682], %broadcast_in_dim3A_444 {strides = array<i32>} : memref<8x128xf32, #tpu.memory_space<vmem>>, vector<16xf32>,
    %swap3A_684 = arith.constant 7 : i32
    %swap3A_685 = arith.index_cast %swap3A_684 : i32 to index
    %swap3A_686 = arith.constant 64 : index
    %swap3A_687 = tpu.vector_load %arg10[%swap3A_685, %swap3A_686] {strides = array<i32>} : memref<8x128xf32, #tpu.memory_space<vmem>>, vector<16xf32>,
    tpu.vector_store %arg10[%swap3A_685, %swap3A_686], %broadcast_in_dim3A_444 {strides = array<i32>} : memref<8x128xf32, #tpu.memory_space<vmem>>, vector<16xf32>,
    %swap3A_688 = arith.constant 7 : i32
    %swap3A_689 = arith.index_cast %swap3A_688 : i32 to index
    %swap3A_690 = arith.constant 80 : index
    %swap3A_691 = tpu.vector_load %arg10[%swap3A_689, %swap3A_690] {strides = array<i32>} : memref<8x128xf32, #tpu.memory_space<vmem>>, vector<16xf32>,
    tpu.vector_store %arg10[%swap3A_689, %swap3A_690], %broadcast_in_dim3A_444 {strides = array<i32>} : memref<8x128xf32, #tpu.memory_space<vmem>>, vector<16xf32>,
    %swap3A_692 = arith.constant 7 : i32
    %swap3A_693 = arith.index_cast %swap3A_692 : i32 to index
    %swap3A_694 = arith.constant 96 : index
    %swap3A_695 = tpu.vector_load %arg10[%swap3A_693, %swap3A_694] {strides = array<i32>} : memref<8x128xf32, #tpu.memory_space<vmem>>, vector<16xf32>,
    tpu.vector_store %arg10[%swap3A_693, %swap3A_694], %broadcast_in_dim3A_444 {strides = array<i32>} : memref<8x128xf32, #tpu.memory_space<vmem>>, vector<16xf32>,
    %swap3A_696 = arith.constant 7 : i32
    %swap3A_697 = arith.index_cast %swap3A_696 : i32 to index
    %swap3A_698 = arith.constant 112 : index
    %swap3A_699 = tpu.vector_load %arg10[%swap3A_697, %swap3A_698] {strides = array<i32>} : memref<8x128xf32, #tpu.memory_space<vmem>>, vector<16xf32>,
    tpu.vector_store %arg10[%swap3A_697, %swap3A_698], %broadcast_in_dim3A_444 {strides = array<i32>} : memref<8x128xf32, #tpu.memory_space<vmem>>, vector<16xf32>,
    %mul3A_700 = arith.constant 32 : i32
    %mul3A_701 = arith.muli %arg0, %mul3A_700 : i32
    %add3A_702 = arith.constant 0 : i32
    %add3A_703 = arith.addi %mul3A_701, %add3A_702 : i32
    %mul3A_704 = arith.constant 62464 : i32
    %mul3A_705 = arith.muli %arg1, %mul3A_704 : i32
    %mul3A_706 = arith.constant 62464 : i32
    %mul3A_707 = arith.muli %arg1, %mul3A_706 : i32
    %dma_start3A_708 = tpu.memref_slice %arg11[%mul3A_707] : memref<1000064xf32, #tpu.memory_space<vmem_shared>> -> memref<62464xf32, #tpu.memory_space<vmem_shared>>
    %dma_start3A_709 = tpu.memref_slice %arg3[%add3A_703, %mul3A_705] : memref<64x1000000xf32, #tpu.memory_space<hbm>> -> memref<1x62464xf32, #tpu.memory_space<hbm>>
    %dma_start3A_710 = tpu.memref_squeeze %dma_start3A_709 : memref<1x62464xf32, #tpu.memory_space<hbm>> -> memref<62464xf32, #tpu.memory_space<hbm>>
    tpu.enqueue_dma source(%dma_start3A_710 : memref<62464xf32, #tpu.memory_space<hbm>>) target(%dma_start3A_708 : memref<62464xf32, #tpu.memory_space<vmem_shared>>) target_semaphore(%arg13 : memref<!tpu.dma_semaphore, #tpu.memory_space<semaphore_mem>>)
    %eq3A = arith.constant 0 : i32
    %eq3A_711 = arith.cmpi eq, %arg1, %eq3A : i32
    %convert_element_type3A = arith.extui %eq3A_711 : i1 to i32
    %cond3A = arith.constant 0 : i32
    %cond3A_712 = arith.cmpi ne, %convert_element_type3A, %cond3A : i32
    scf.if %cond3A_712 {
      %dma_start3A_757 = arith.constant 999424 : i32
      %dma_start3A_758 = tpu.memref_slice %arg11[%dma_start3A_757] : memref<1000064xf32, #tpu.memory_space<vmem_shared>> -> memref<640xf32, #tpu.memory_space<vmem_shared>>
      %dma_start3A_759 = arith.constant 0 : i32
      %dma_start3A_760 = tpu.memref_slice %arg4[%add3A_703, %dma_start3A_759] : memref<64x640xf32, #tpu.memory_space<hbm>> -> memref<1x640xf32, #tpu.memory_space<hbm>>
      %dma_start3A_761 = tpu.memref_squeeze %dma_start3A_760 : memref<1x640xf32, #tpu.memory_space<hbm>> -> memref<640xf32, #tpu.memory_space<hbm>>
      tpu.enqueue_dma source(%dma_start3A_761 : memref<640xf32, #tpu.memory_space<hbm>>) target(%dma_start3A_758 : memref<640xf32, #tpu.memory_space<vmem_shared>>) target_semaphore(%arg13 : memref<!tpu.dma_semaphore, #tpu.memory_space<semaphore_mem>>)
    } else {
    }
    %scan3A = arith.constant 0 : i32
    %scan3A_713 = arith.constant 0 : i32
    %scan3A_714 = arith.constant 16 : i32
    %scan3A_715 = arith.addi %scan3A_713, %scan3A_714 : i32
    %scan3A_716 = arith.constant 1 : i32
    scf.for %scan3A_757 = %scan3A_713 to %scan3A_715 step %scan3A_716  : i32 {
      %mul3A_758 = arith.constant 2 : i32
      %mul3A_759 = arith.muli %mul3A_758, %scan3A_757 : i32
      %barrier3A = arith.constant 0 : index
      tpu.barrier barrier_id(%barrier3A)
      %add3A_760 = arith.constant 1 : i32
      %add3A_761 = arith.addi %mul3A_759, %add3A_760 : i32
      %mul3A_762 = arith.constant 32 : i32
      %mul3A_763 = arith.muli %arg0, %mul3A_762 : i32
      %add3A_764 = arith.addi %mul3A_763, %add3A_761 : i32
      %mul3A_765 = arith.constant 62464 : i32
      %mul3A_766 = arith.muli %arg1, %mul3A_765 : i32
      %mul3A_767 = arith.constant 62464 : i32
      %mul3A_768 = arith.muli %arg1, %mul3A_767 : i32
      %dma_start3A_769 = tpu.memref_slice %arg12[%mul3A_768] : memref<1000064xf32, #tpu.memory_space<vmem_shared>> -> memref<62464xf32, #tpu.memory_space<vmem_shared>>
      %dma_start3A_770 = tpu.memref_slice %arg3[%add3A_764, %mul3A_766] : memref<64x1000000xf32, #tpu.memory_space<hbm>> -> memref<1x62464xf32, #tpu.memory_space<hbm>>
      %dma_start3A_771 = tpu.memref_squeeze %dma_start3A_770 : memref<1x62464xf32, #tpu.memory_space<hbm>> -> memref<62464xf32, #tpu.memory_space<hbm>>
      tpu.enqueue_dma source(%dma_start3A_771 : memref<62464xf32, #tpu.memory_space<hbm>>) target(%dma_start3A_769 : memref<62464xf32, #tpu.memory_space<vmem_shared>>) target_semaphore(%arg13 : memref<!tpu.dma_semaphore, #tpu.memory_space<semaphore_mem>>)
      %eq3A_772 = arith.constant 0 : i32
      %eq3A_773 = arith.cmpi eq, %arg1, %eq3A_772 : i32
      %convert_element_type3A_774 = arith.extui %eq3A_773 : i1 to i32
      %cond3A_775 = arith.constant 0 : i32
      %cond3A_776 = arith.cmpi ne, %convert_element_type3A_774, %cond3A_775 : i32
      scf.if %cond3A_776 {
        %dma_start3A_830 = arith.constant 999424 : i32
        %dma_start3A_831 = tpu.memref_slice %arg12[%dma_start3A_830] : memref<1000064xf32, #tpu.memory_space<vmem_shared>> -> memref<640xf32, #tpu.memory_space<vmem_shared>>
        %dma_start3A_832 = arith.constant 0 : i32
        %dma_start3A_833 = tpu.memref_slice %arg4[%add3A_764, %dma_start3A_832] : memref<64x640xf32, #tpu.memory_space<hbm>> -> memref<1x640xf32, #tpu.memory_space<hbm>>
        %dma_start3A_834 = tpu.memref_squeeze %dma_start3A_833 : memref<1x640xf32, #tpu.memory_space<hbm>> -> memref<640xf32, #tpu.memory_space<hbm>>
        tpu.enqueue_dma source(%dma_start3A_834 : memref<640xf32, #tpu.memory_space<hbm>>) target(%dma_start3A_831 : memref<640xf32, #tpu.memory_space<vmem_shared>>) target_semaphore(%arg13 : memref<!tpu.dma_semaphore, #tpu.memory_space<semaphore_mem>>)
      } else {
      }
      %dma_wait3A_777 = arith.constant 0 : i32
      %dma_wait3A_778 = arith.constant 0 : i32
      %dma_wait3A_779 = tpu.memref_slice %arg11[%dma_wait3A_778] : memref<1000064xf32, #tpu.memory_space<vmem_shared>> -> memref<62464xf32, #tpu.memory_space<vmem_shared>>
      %dma_wait3A_780 = arith.constant 0 : i32
      %dma_wait3A_781 = tpu.memref_slice %arg3[%dma_wait3A_777, %dma_wait3A_780] : memref<64x1000000xf32, #tpu.memory_space<hbm>> -> memref<1x62464xf32, #tpu.memory_space<hbm>>
      %dma_wait3A_782 = tpu.memref_squeeze %dma_wait3A_781 : memref<1x62464xf32, #tpu.memory_space<hbm>> -> memref<62464xf32, #tpu.memory_space<hbm>>
      tpu.wait_dma2 semaphore(%arg13 : memref<!tpu.dma_semaphore, #tpu.memory_space<semaphore_mem>>) src(%dma_wait3A_782 : memref<62464xf32, #tpu.memory_space<hbm>>) dst(%dma_wait3A_779 : memref<62464xf32, #tpu.memory_space<vmem_shared>>)
      %eq3A_783 = arith.constant 0 : i32
      %eq3A_784 = arith.cmpi eq, %arg1, %eq3A_783 : i32
      %convert_element_type3A_785 = arith.extui %eq3A_784 : i1 to i32
      %cond3A_786 = arith.constant 0 : i32
      %cond3A_787 = arith.cmpi ne, %convert_element_type3A_785, %cond3A_786 : i32
      scf.if %cond3A_787 {
        %dma_wait3A_830 = arith.constant 0 : i32
        %dma_wait3A_831 = arith.constant 999424 : i32
        %dma_wait3A_832 = tpu.memref_slice %arg11[%dma_wait3A_831] : memref<1000064xf32, #tpu.memory_space<vmem_shared>> -> memref<640xf32, #tpu.memory_space<vmem_shared>>
        %dma_wait3A_833 = arith.constant 0 : i32
        %dma_wait3A_834 = tpu.memref_slice %arg4[%dma_wait3A_830, %dma_wait3A_833] : memref<64x640xf32, #tpu.memory_space<hbm>> -> memref<1x640xf32, #tpu.memory_space<hbm>>
        %dma_wait3A_835 = tpu.memref_squeeze %dma_wait3A_834 : memref<1x640xf32, #tpu.memory_space<hbm>> -> memref<640xf32, #tpu.memory_space<hbm>>
        tpu.wait_dma2 semaphore(%arg13 : memref<!tpu.dma_semaphore, #tpu.memory_space<semaphore_mem>>) src(%dma_wait3A_835 : memref<640xf32, #tpu.memory_space<hbm>>) dst(%dma_wait3A_832 : memref<640xf32, #tpu.memory_space<vmem_shared>>)
      } else {
      }
      %barrier3A_788 = arith.constant 0 : index
      tpu.barrier barrier_id(%barrier3A_788)
      %scan3A_789 = arith.constant 0 : i32
      %scan3A_790 = arith.constant 0 : i32
      %scan3A_791 = arith.constant 8 : i32
      %scan3A_792 = arith.addi %scan3A_790, %scan3A_791 : i32
      %scan3A_793 = arith.constant 1 : i32
      scf.for %scan3A_830 = %scan3A_790 to %scan3A_792 step %scan3A_793  : i32 {
        %dma_start3A_831 = arith.constant 0 : i32
        %dma_start3A_832 = tpu.memref_slice %arg8[%scan3A_830, %dma_start3A_831] : memref<8x128xf32, #tpu.memory_space<vmem>> -> memref<1x128xf32, #tpu.memory_space<vmem>>
        %dma_start3A_833 = tpu.memref_squeeze %dma_start3A_832 : memref<1x128xf32, #tpu.memory_space<vmem>> -> memref<128xf32, #tpu.memory_space<vmem>>
        %dma_start3A_834 = arith.constant 0 : i32
        %dma_start3A_835 = tpu.memref_slice %arg6[%scan3A_830, %dma_start3A_834] : memref<8x128xi32, #tpu.memory_space<vmem>> -> memref<1x128xi32, #tpu.memory_space<vmem>>
        %dma_start3A_836 = tpu.memref_squeeze %dma_start3A_835 : memref<1x128xi32, #tpu.memory_space<vmem>> -> memref<128xi32, #tpu.memory_space<vmem>>
        %dma_start3A_837 = arith.constant 0 : i32
        %dma_start3A_838 = tpu.memref_slice %arg11[%dma_start3A_837] : memref<1000064xf32, #tpu.memory_space<vmem_shared>> -> memref<1000064xf32, #tpu.memory_space<vmem_shared>>
        tpu.enqueue_indirect_dma source(%dma_start3A_838 : memref<1000064xf32, #tpu.memory_space<vmem_shared>>) target(%dma_start3A_833 : memref<128xf32, #tpu.memory_space<vmem>>) offsets(%dma_start3A_836 : memref<128xi32, #tpu.memory_space<vmem>>) semaphore(%arg14 : memref<!tpu.dma_semaphore, #tpu.memory_space<semaphore_mem>>)
        %dma_start3A_839 = arith.constant 0 : i32
        %dma_start3A_840 = tpu.memref_slice %arg9[%scan3A_830, %dma_start3A_839] : memref<8x128xf32, #tpu.memory_space<vmem>> -> memref<1x128xf32, #tpu.memory_space<vmem>>
        %dma_start3A_841 = tpu.memref_squeeze %dma_start3A_840 : memref<1x128xf32, #tpu.memory_space<vmem>> -> memref<128xf32, #tpu.memory_space<vmem>>
        %dma_start3A_842 = arith.constant 0 : i32
        %dma_start3A_843 = tpu.memref_slice %arg7[%scan3A_830, %dma_start3A_842] : memref<8x128xi32, #tpu.memory_space<vmem>> -> memref<1x128xi32, #tpu.memory_space<vmem>>
        %dma_start3A_844 = tpu.memref_squeeze %dma_start3A_843 : memref<1x128xi32, #tpu.memory_space<vmem>> -> memref<128xi32, #tpu.memory_space<vmem>>
        %dma_start3A_845 = arith.constant 0 : i32
        %dma_start3A_846 = tpu.memref_slice %arg11[%dma_start3A_845] : memref<1000064xf32, #tpu.memory_space<vmem_shared>> -> memref<1000064xf32, #tpu.memory_space<vmem_shared>>
        tpu.enqueue_indirect_dma source(%dma_start3A_846 : memref<1000064xf32, #tpu.memory_space<vmem_shared>>) target(%dma_start3A_841 : memref<128xf32, #tpu.memory_space<vmem>>) offsets(%dma_start3A_844 : memref<128xi32, #tpu.memory_space<vmem>>) semaphore(%arg14 : memref<!tpu.dma_semaphore, #tpu.memory_space<semaphore_mem>>)
      }
      %scan3A_794 = arith.constant 8 : i32
      %scan3A_795 = arith.constant 0 : i32
      %scan3A_796 = arith.constant 0 : i32
      %scan3A_797 = arith.constant 8 : i32
      %scan3A_798 = arith.addi %scan3A_796, %scan3A_797 : i32
      %scan3A_799 = arith.constant 1 : i32
      scf.for %scan3A_830 = %scan3A_796 to %scan3A_798 step %scan3A_799  : i32 {
        %dma_wait3A_831 = arith.constant 0 : i32
        %dma_wait3A_832 = arith.constant 0 : i32
        %dma_wait3A_833 = tpu.memref_slice %arg8[%scan3A_830, %dma_wait3A_832] : memref<8x128xf32, #tpu.memory_space<vmem>> -> memref<1x128xf32, #tpu.memory_space<vmem>>
        %dma_wait3A_834 = tpu.memref_squeeze %dma_wait3A_833 : memref<1x128xf32, #tpu.memory_space<vmem>> -> memref<128xf32, #tpu.memory_space<vmem>>
        %dma_wait3A_835 = arith.constant 0 : i32
        %dma_wait3A_836 = tpu.memref_slice %arg3[%dma_wait3A_831, %dma_wait3A_835] : memref<64x1000000xf32, #tpu.memory_space<hbm>> -> memref<1x128xf32, #tpu.memory_space<hbm>>
        %dma_wait3A_837 = tpu.memref_squeeze %dma_wait3A_836 : memref<1x128xf32, #tpu.memory_space<hbm>> -> memref<128xf32, #tpu.memory_space<hbm>>
        %dma_wait3A_838 = arith.constant 0 : i32
        %dma_wait3A_839 = tpu.memref_slice %arg8[%scan3A_830, %dma_wait3A_838] : memref<8x128xf32, #tpu.memory_space<vmem>> -> memref<1x128xf32, #tpu.memory_space<vmem>>
        %dma_wait3A_840 = tpu.memref_squeeze %dma_wait3A_839 : memref<1x128xf32, #tpu.memory_space<vmem>> -> memref<128xf32, #tpu.memory_space<vmem>>
        %dma_wait3A_841 = arith.constant 0 : i32
        %dma_wait3A_842 = tpu.memref_slice %arg3[%dma_wait3A_831, %dma_wait3A_841] : memref<64x1000000xf32, #tpu.memory_space<hbm>> -> memref<1x128xf32, #tpu.memory_space<hbm>>
        %dma_wait3A_843 = tpu.memref_squeeze %dma_wait3A_842 : memref<1x128xf32, #tpu.memory_space<hbm>> -> memref<128xf32, #tpu.memory_space<hbm>>
        tpu.wait_dma2 semaphore(%arg14 : memref<!tpu.dma_semaphore, #tpu.memory_space<semaphore_mem>>) src(%dma_wait3A_843 : memref<128xf32, #tpu.memory_space<hbm>>) dst(%dma_wait3A_840 : memref<128xf32, #tpu.memory_space<vmem>>)
        %dma_wait3A_844 = arith.constant 0 : i32
        %dma_wait3A_845 = arith.constant 0 : i32
        %dma_wait3A_846 = tpu.memref_slice %arg9[%scan3A_830, %dma_wait3A_845] : memref<8x128xf32, #tpu.memory_space<vmem>> -> memref<1x128xf32, #tpu.memory_space<vmem>>
        %dma_wait3A_847 = tpu.memref_squeeze %dma_wait3A_846 : memref<1x128xf32, #tpu.memory_space<vmem>> -> memref<128xf32, #tpu.memory_space<vmem>>
        %dma_wait3A_848 = arith.constant 0 : i32
        %dma_wait3A_849 = tpu.memref_slice %arg3[%dma_wait3A_844, %dma_wait3A_848] : memref<64x1000000xf32, #tpu.memory_space<hbm>> -> memref<1x128xf32, #tpu.memory_space<hbm>>
        %dma_wait3A_850 = tpu.memref_squeeze %dma_wait3A_849 : memref<1x128xf32, #tpu.memory_space<hbm>> -> memref<128xf32, #tpu.memory_space<hbm>>
        %dma_wait3A_851 = arith.constant 0 : i32
        %dma_wait3A_852 = tpu.memref_slice %arg9[%scan3A_830, %dma_wait3A_851] : memref<8x128xf32, #tpu.memory_space<vmem>> -> memref<1x128xf32, #tpu.memory_space<vmem>>
        %dma_wait3A_853 = tpu.memref_squeeze %dma_wait3A_852 : memref<1x128xf32, #tpu.memory_space<vmem>> -> memref<128xf32, #tpu.memory_space<vmem>>
        %dma_wait3A_854 = arith.constant 0 : i32
        %dma_wait3A_855 = tpu.memref_slice %arg3[%dma_wait3A_844, %dma_wait3A_854] : memref<64x1000000xf32, #tpu.memory_space<hbm>> -> memref<1x128xf32, #tpu.memory_space<hbm>>
        %dma_wait3A_856 = tpu.memref_squeeze %dma_wait3A_855 : memref<1x128xf32, #tpu.memory_space<hbm>> -> memref<128xf32, #tpu.memory_space<hbm>>
        tpu.wait_dma2 semaphore(%arg14 : memref<!tpu.dma_semaphore, #tpu.memory_space<semaphore_mem>>) src(%dma_wait3A_856 : memref<128xf32, #tpu.memory_space<hbm>>) dst(%dma_wait3A_853 : memref<128xf32, #tpu.memory_space<vmem>>)
        %get3A = arith.index_cast %scan3A_830 : i32 to index
        %get3A_857 = arith.constant 0 : index
        %get3A_858 = tpu.vector_load %arg10[%get3A, %get3A_857] {strides = array<i32>} : memref<8x128xf32, #tpu.memory_space<vmem>>, vector<16xf32>,
        %get3A_859 = arith.index_cast %scan3A_830 : i32 to index
        %get3A_860 = arith.constant 0 : index
        %get3A_861 = tpu.vector_load %arg8[%get3A_859, %get3A_860] {strides = array<i32>} : memref<8x128xf32, #tpu.memory_space<vmem>>, vector<16xf32>,
        %get3A_862 = arith.index_cast %scan3A_830 : i32 to index
        %get3A_863 = arith.constant 0 : index
        %get3A_864 = tpu.vector_load %arg9[%get3A_862, %get3A_863] {strides = array<i32>} : memref<8x128xf32, #tpu.memory_space<vmem>>, vector<16xf32>,
        %mul3A_865 = arith.mulf %get3A_861, %get3A_864 : vector<16xf32>
        %add3A_866 = arith.addf %get3A_858, %mul3A_865 : vector<16xf32>
        %swap3A_867 = arith.index_cast %scan3A_830 : i32 to index
        %swap3A_868 = arith.constant 0 : index
        %swap3A_869 = tpu.vector_load %arg10[%swap3A_867, %swap3A_868] {strides = array<i32>} : memref<8x128xf32, #tpu.memory_space<vmem>>, vector<16xf32>,
        tpu.vector_store %arg10[%swap3A_867, %swap3A_868], %add3A_866 {strides = array<i32>} : memref<8x128xf32, #tpu.memory_space<vmem>>, vector<16xf32>,
        %get3A_870 = arith.index_cast %scan3A_830 : i32 to index
        %get3A_871 = arith.constant 16 : index
        %get3A_872 = tpu.vector_load %arg10[%get3A_870, %get3A_871] {strides = array<i32>} : memref<8x128xf32, #tpu.memory_space<vmem>>, vector<16xf32>,
        %get3A_873 = arith.index_cast %scan3A_830 : i32 to index
        %get3A_874 = arith.constant 16 : index
        %get3A_875 = tpu.vector_load %arg8[%get3A_873, %get3A_874] {strides = array<i32>} : memref<8x128xf32, #tpu.memory_space<vmem>>, vector<16xf32>,
        %get3A_876 = arith.index_cast %scan3A_830 : i32 to index
        %get3A_877 = arith.constant 16 : index
        %get3A_878 = tpu.vector_load %arg9[%get3A_876, %get3A_877] {strides = array<i32>} : memref<8x128xf32, #tpu.memory_space<vmem>>, vector<16xf32>,
        %mul3A_879 = arith.mulf %get3A_875, %get3A_878 : vector<16xf32>
        %add3A_880 = arith.addf %get3A_872, %mul3A_879 : vector<16xf32>
        %swap3A_881 = arith.index_cast %scan3A_830 : i32 to index
        %swap3A_882 = arith.constant 16 : index
        %swap3A_883 = tpu.vector_load %arg10[%swap3A_881, %swap3A_882] {strides = array<i32>} : memref<8x128xf32, #tpu.memory_space<vmem>>, vector<16xf32>,
        tpu.vector_store %arg10[%swap3A_881, %swap3A_882], %add3A_880 {strides = array<i32>} : memref<8x128xf32, #tpu.memory_space<vmem>>, vector<16xf32>,
        %get3A_884 = arith.index_cast %scan3A_830 : i32 to index
        %get3A_885 = arith.constant 32 : index
        %get3A_886 = tpu.vector_load %arg10[%get3A_884, %get3A_885] {strides = array<i32>} : memref<8x128xf32, #tpu.memory_space<vmem>>, vector<16xf32>,
        %get3A_887 = arith.index_cast %scan3A_830 : i32 to index
        %get3A_888 = arith.constant 32 : index
        %get3A_889 = tpu.vector_load %arg8[%get3A_887, %get3A_888] {strides = array<i32>} : memref<8x128xf32, #tpu.memory_space<vmem>>, vector<16xf32>,
        %get3A_890 = arith.index_cast %scan3A_830 : i32 to index
        %get3A_891 = arith.constant 32 : index
        %get3A_892 = tpu.vector_load %arg9[%get3A_890, %get3A_891] {strides = array<i32>} : memref<8x128xf32, #tpu.memory_space<vmem>>, vector<16xf32>,
        %mul3A_893 = arith.mulf %get3A_889, %get3A_892 : vector<16xf32>
        %add3A_894 = arith.addf %get3A_886, %mul3A_893 : vector<16xf32>
        %swap3A_895 = arith.index_cast %scan3A_830 : i32 to index
        %swap3A_896 = arith.constant 32 : index
        %swap3A_897 = tpu.vector_load %arg10[%swap3A_895, %swap3A_896] {strides = array<i32>} : memref<8x128xf32, #tpu.memory_space<vmem>>, vector<16xf32>,
        tpu.vector_store %arg10[%swap3A_895, %swap3A_896], %add3A_894 {strides = array<i32>} : memref<8x128xf32, #tpu.memory_space<vmem>>, vector<16xf32>,
        %get3A_898 = arith.index_cast %scan3A_830 : i32 to index
        %get3A_899 = arith.constant 48 : index
        %get3A_900 = tpu.vector_load %arg10[%get3A_898, %get3A_899] {strides = array<i32>} : memref<8x128xf32, #tpu.memory_space<vmem>>, vector<16xf32>,
        %get3A_901 = arith.index_cast %scan3A_830 : i32 to index
        %get3A_902 = arith.constant 48 : index
        %get3A_903 = tpu.vector_load %arg8[%get3A_901, %get3A_902] {strides = array<i32>} : memref<8x128xf32, #tpu.memory_space<vmem>>, vector<16xf32>,
        %get3A_904 = arith.index_cast %scan3A_830 : i32 to index
        %get3A_905 = arith.constant 48 : index
        %get3A_906 = tpu.vector_load %arg9[%get3A_904, %get3A_905] {strides = array<i32>} : memref<8x128xf32, #tpu.memory_space<vmem>>, vector<16xf32>,
        %mul3A_907 = arith.mulf %get3A_903, %get3A_906 : vector<16xf32>
        %add3A_908 = arith.addf %get3A_900, %mul3A_907 : vector<16xf32>
        %swap3A_909 = arith.index_cast %scan3A_830 : i32 to index
        %swap3A_910 = arith.constant 48 : index
        %swap3A_911 = tpu.vector_load %arg10[%swap3A_909, %swap3A_910] {strides = array<i32>} : memref<8x128xf32, #tpu.memory_space<vmem>>, vector<16xf32>,
        tpu.vector_store %arg10[%swap3A_909, %swap3A_910], %add3A_908 {strides = array<i32>} : memref<8x128xf32, #tpu.memory_space<vmem>>, vector<16xf32>,
        %get3A_912 = arith.index_cast %scan3A_830 : i32 to index
        %get3A_913 = arith.constant 64 : index
        %get3A_914 = tpu.vector_load %arg10[%get3A_912, %get3A_913] {strides = array<i32>} : memref<8x128xf32, #tpu.memory_space<vmem>>, vector<16xf32>,
        %get3A_915 = arith.index_cast %scan3A_830 : i32 to index
        %get3A_916 = arith.constant 64 : index
        %get3A_917 = tpu.vector_load %arg8[%get3A_915, %get3A_916] {strides = array<i32>} : memref<8x128xf32, #tpu.memory_space<vmem>>, vector<16xf32>,
        %get3A_918 = arith.index_cast %scan3A_830 : i32 to index
        %get3A_919 = arith.constant 64 : index
        %get3A_920 = tpu.vector_load %arg9[%get3A_918, %get3A_919] {strides = array<i32>} : memref<8x128xf32, #tpu.memory_space<vmem>>, vector<16xf32>,
        %mul3A_921 = arith.mulf %get3A_917, %get3A_920 : vector<16xf32>
        %add3A_922 = arith.addf %get3A_914, %mul3A_921 : vector<16xf32>
        %swap3A_923 = arith.index_cast %scan3A_830 : i32 to index
        %swap3A_924 = arith.constant 64 : index
        %swap3A_925 = tpu.vector_load %arg10[%swap3A_923, %swap3A_924] {strides = array<i32>} : memref<8x128xf32, #tpu.memory_space<vmem>>, vector<16xf32>,
        tpu.vector_store %arg10[%swap3A_923, %swap3A_924], %add3A_922 {strides = array<i32>} : memref<8x128xf32, #tpu.memory_space<vmem>>, vector<16xf32>,
        %get3A_926 = arith.index_cast %scan3A_830 : i32 to index
        %get3A_927 = arith.constant 80 : index
        %get3A_928 = tpu.vector_load %arg10[%get3A_926, %get3A_927] {strides = array<i32>} : memref<8x128xf32, #tpu.memory_space<vmem>>, vector<16xf32>,
        %get3A_929 = arith.index_cast %scan3A_830 : i32 to index
        %get3A_930 = arith.constant 80 : index
        %get3A_931 = tpu.vector_load %arg8[%get3A_929, %get3A_930] {strides = array<i32>} : memref<8x128xf32, #tpu.memory_space<vmem>>, vector<16xf32>,
        %get3A_932 = arith.index_cast %scan3A_830 : i32 to index
        %get3A_933 = arith.constant 80 : index
        %get3A_934 = tpu.vector_load %arg9[%get3A_932, %get3A_933] {strides = array<i32>} : memref<8x128xf32, #tpu.memory_space<vmem>>, vector<16xf32>,
        %mul3A_935 = arith.mulf %get3A_931, %get3A_934 : vector<16xf32>
        %add3A_936 = arith.addf %get3A_928, %mul3A_935 : vector<16xf32>
        %swap3A_937 = arith.index_cast %scan3A_830 : i32 to index
        %swap3A_938 = arith.constant 80 : index
        %swap3A_939 = tpu.vector_load %arg10[%swap3A_937, %swap3A_938] {strides = array<i32>} : memref<8x128xf32, #tpu.memory_space<vmem>>, vector<16xf32>,
        tpu.vector_store %arg10[%swap3A_937, %swap3A_938], %add3A_936 {strides = array<i32>} : memref<8x128xf32, #tpu.memory_space<vmem>>, vector<16xf32>,
        %get3A_940 = arith.index_cast %scan3A_830 : i32 to index
        %get3A_941 = arith.constant 96 : index
        %get3A_942 = tpu.vector_load %arg10[%get3A_940, %get3A_941] {strides = array<i32>} : memref<8x128xf32, #tpu.memory_space<vmem>>, vector<16xf32>,
        %get3A_943 = arith.index_cast %scan3A_830 : i32 to index
        %get3A_944 = arith.constant 96 : index
        %get3A_945 = tpu.vector_load %arg8[%get3A_943, %get3A_944] {strides = array<i32>} : memref<8x128xf32, #tpu.memory_space<vmem>>, vector<16xf32>,
        %get3A_946 = arith.index_cast %scan3A_830 : i32 to index
        %get3A_947 = arith.constant 96 : index
        %get3A_948 = tpu.vector_load %arg9[%get3A_946, %get3A_947] {strides = array<i32>} : memref<8x128xf32, #tpu.memory_space<vmem>>, vector<16xf32>,
        %mul3A_949 = arith.mulf %get3A_945, %get3A_948 : vector<16xf32>
        %add3A_950 = arith.addf %get3A_942, %mul3A_949 : vector<16xf32>
        %swap3A_951 = arith.index_cast %scan3A_830 : i32 to index
        %swap3A_952 = arith.constant 96 : index
        %swap3A_953 = tpu.vector_load %arg10[%swap3A_951, %swap3A_952] {strides = array<i32>} : memref<8x128xf32, #tpu.memory_space<vmem>>, vector<16xf32>,
        tpu.vector_store %arg10[%swap3A_951, %swap3A_952], %add3A_950 {strides = array<i32>} : memref<8x128xf32, #tpu.memory_space<vmem>>, vector<16xf32>,
        %get3A_954 = arith.index_cast %scan3A_830 : i32 to index
        %get3A_955 = arith.constant 112 : index
        %get3A_956 = tpu.vector_load %arg10[%get3A_954, %get3A_955] {strides = array<i32>} : memref<8x128xf32, #tpu.memory_space<vmem>>, vector<16xf32>,
        %get3A_957 = arith.index_cast %scan3A_830 : i32 to index
        %get3A_958 = arith.constant 112 : index
        %get3A_959 = tpu.vector_load %arg8[%get3A_957, %get3A_958] {strides = array<i32>} : memref<8x128xf32, #tpu.memory_space<vmem>>, vector<16xf32>,
        %get3A_960 = arith.index_cast %scan3A_830 : i32 to index
        %get3A_961 = arith.constant 112 : index
        %get3A_962 = tpu.vector_load %arg9[%get3A_960, %get3A_961] {strides = array<i32>} : memref<8x128xf32, #tpu.memory_space<vmem>>, vector<16xf32>,
        %mul3A_963 = arith.mulf %get3A_959, %get3A_962 : vector<16xf32>
        %add3A_964 = arith.addf %get3A_956, %mul3A_963 : vector<16xf32>
        %swap3A_965 = arith.index_cast %scan3A_830 : i32 to index
        %swap3A_966 = arith.constant 112 : index
        %swap3A_967 = tpu.vector_load %arg10[%swap3A_965, %swap3A_966] {strides = array<i32>} : memref<8x128xf32, #tpu.memory_space<vmem>>, vector<16xf32>,
        tpu.vector_store %arg10[%swap3A_965, %swap3A_966], %add3A_964 {strides = array<i32>} : memref<8x128xf32, #tpu.memory_space<vmem>>, vector<16xf32>,
      }
      %scan3A_800 = arith.constant 8 : i32
      %barrier3A_801 = arith.constant 0 : index
      tpu.barrier barrier_id(%barrier3A_801)
      %lt3A = arith.constant 15 : i32
      %lt3A_802 = arith.cmpi slt, %scan3A_757, %lt3A : i32
      %convert_element_type3A_803 = arith.extui %lt3A_802 : i1 to i32
      %cond3A_804 = arith.constant 0 : i32
      %cond3A_805 = arith.cmpi ne, %convert_element_type3A_803, %cond3A_804 : i32
      scf.if %cond3A_805 {
        %add3A_830 = arith.constant 2 : i32
        %add3A_831 = arith.addi %mul3A_759, %add3A_830 : i32
        %mul3A_832 = arith.constant 32 : i32
        %mul3A_833 = arith.muli %arg0, %mul3A_832 : i32
        %add3A_834 = arith.addi %mul3A_833, %add3A_831 : i32
        %mul3A_835 = arith.constant 62464 : i32
        %mul3A_836 = arith.muli %arg1, %mul3A_835 : i32
        %mul3A_837 = arith.constant 62464 : i32
        %mul3A_838 = arith.muli %arg1, %mul3A_837 : i32
        %dma_start3A_839 = tpu.memref_slice %arg11[%mul3A_838] : memref<1000064xf32, #tpu.memory_space<vmem_shared>> -> memref<62464xf32, #tpu.memory_space<vmem_shared>>
        %dma_start3A_840 = tpu.memref_slice %arg3[%add3A_834, %mul3A_836] : memref<64x1000000xf32, #tpu.memory_space<hbm>> -> memref<1x62464xf32, #tpu.memory_space<hbm>>
        %dma_start3A_841 = tpu.memref_squeeze %dma_start3A_840 : memref<1x62464xf32, #tpu.memory_space<hbm>> -> memref<62464xf32, #tpu.memory_space<hbm>>
        tpu.enqueue_dma source(%dma_start3A_841 : memref<62464xf32, #tpu.memory_space<hbm>>) target(%dma_start3A_839 : memref<62464xf32, #tpu.memory_space<vmem_shared>>) target_semaphore(%arg13 : memref<!tpu.dma_semaphore, #tpu.memory_space<semaphore_mem>>)
        %eq3A_842 = arith.constant 0 : i32
        %eq3A_843 = arith.cmpi eq, %arg1, %eq3A_842 : i32
        %convert_element_type3A_844 = arith.extui %eq3A_843 : i1 to i32
        %cond3A_845 = arith.constant 0 : i32
        %cond3A_846 = arith.cmpi ne, %convert_element_type3A_844, %cond3A_845 : i32
        scf.if %cond3A_846 {
          %dma_start3A_847 = arith.constant 999424 : i32
          %dma_start3A_848 = tpu.memref_slice %arg11[%dma_start3A_847] : memref<1000064xf32, #tpu.memory_space<vmem_shared>> -> memref<640xf32, #tpu.memory_space<vmem_shared>>
          %dma_start3A_849 = arith.constant 0 : i32
          %dma_start3A_850 = tpu.memref_slice %arg4[%add3A_834, %dma_start3A_849] : memref<64x640xf32, #tpu.memory_space<hbm>> -> memref<1x640xf32, #tpu.memory_space<hbm>>
          %dma_start3A_851 = tpu.memref_squeeze %dma_start3A_850 : memref<1x640xf32, #tpu.memory_space<hbm>> -> memref<640xf32, #tpu.memory_space<hbm>>
          tpu.enqueue_dma source(%dma_start3A_851 : memref<640xf32, #tpu.memory_space<hbm>>) target(%dma_start3A_848 : memref<640xf32, #tpu.memory_space<vmem_shared>>) target_semaphore(%arg13 : memref<!tpu.dma_semaphore, #tpu.memory_space<semaphore_mem>>)
        } else {
        }
      } else {
      }
      %dma_wait3A_806 = arith.constant 0 : i32
      %dma_wait3A_807 = arith.constant 0 : i32
      %dma_wait3A_808 = tpu.memref_slice %arg12[%dma_wait3A_807] : memref<1000064xf32, #tpu.memory_space<vmem_shared>> -> memref<62464xf32, #tpu.memory_space<vmem_shared>>
      %dma_wait3A_809 = arith.constant 0 : i32
      %dma_wait3A_810 = tpu.memref_slice %arg3[%dma_wait3A_806, %dma_wait3A_809] : memref<64x1000000xf32, #tpu.memory_space<hbm>> -> memref<1x62464xf32, #tpu.memory_space<hbm>>
      %dma_wait3A_811 = tpu.memref_squeeze %dma_wait3A_810 : memref<1x62464xf32, #tpu.memory_space<hbm>> -> memref<62464xf32, #tpu.memory_space<hbm>>
      tpu.wait_dma2 semaphore(%arg13 : memref<!tpu.dma_semaphore, #tpu.memory_space<semaphore_mem>>) src(%dma_wait3A_811 : memref<62464xf32, #tpu.memory_space<hbm>>) dst(%dma_wait3A_808 : memref<62464xf32, #tpu.memory_space<vmem_shared>>)
      %eq3A_812 = arith.constant 0 : i32
      %eq3A_813 = arith.cmpi eq, %arg1, %eq3A_812 : i32
      %convert_element_type3A_814 = arith.extui %eq3A_813 : i1 to i32
      %cond3A_815 = arith.constant 0 : i32
      %cond3A_816 = arith.cmpi ne, %convert_element_type3A_814, %cond3A_815 : i32
      scf.if %cond3A_816 {
        %dma_wait3A_830 = arith.constant 0 : i32
        %dma_wait3A_831 = arith.constant 999424 : i32
        %dma_wait3A_832 = tpu.memref_slice %arg12[%dma_wait3A_831] : memref<1000064xf32, #tpu.memory_space<vmem_shared>> -> memref<640xf32, #tpu.memory_space<vmem_shared>>
        %dma_wait3A_833 = arith.constant 0 : i32
        %dma_wait3A_834 = tpu.memref_slice %arg4[%dma_wait3A_830, %dma_wait3A_833] : memref<64x640xf32, #tpu.memory_space<hbm>> -> memref<1x640xf32, #tpu.memory_space<hbm>>
        %dma_wait3A_835 = tpu.memref_squeeze %dma_wait3A_834 : memref<1x640xf32, #tpu.memory_space<hbm>> -> memref<640xf32, #tpu.memory_space<hbm>>
        tpu.wait_dma2 semaphore(%arg13 : memref<!tpu.dma_semaphore, #tpu.memory_space<semaphore_mem>>) src(%dma_wait3A_835 : memref<640xf32, #tpu.memory_space<hbm>>) dst(%dma_wait3A_832 : memref<640xf32, #tpu.memory_space<vmem_shared>>)
      } else {
      }
      %barrier3A_817 = arith.constant 0 : index
      tpu.barrier barrier_id(%barrier3A_817)
      %scan3A_818 = arith.constant 0 : i32
      %scan3A_819 = arith.constant 0 : i32
      %scan3A_820 = arith.constant 8 : i32
      %scan3A_821 = arith.addi %scan3A_819, %scan3A_820 : i32
      %scan3A_822 = arith.constant 1 : i32
      scf.for %scan3A_830 = %scan3A_819 to %scan3A_821 step %scan3A_822  : i32 {
        %dma_start3A_831 = arith.constant 0 : i32
        %dma_start3A_832 = tpu.memref_slice %arg8[%scan3A_830, %dma_start3A_831] : memref<8x128xf32, #tpu.memory_space<vmem>> -> memref<1x128xf32, #tpu.memory_space<vmem>>
        %dma_start3A_833 = tpu.memref_squeeze %dma_start3A_832 : memref<1x128xf32, #tpu.memory_space<vmem>> -> memref<128xf32, #tpu.memory_space<vmem>>
        %dma_start3A_834 = arith.constant 0 : i32
        %dma_start3A_835 = tpu.memref_slice %arg6[%scan3A_830, %dma_start3A_834] : memref<8x128xi32, #tpu.memory_space<vmem>> -> memref<1x128xi32, #tpu.memory_space<vmem>>
        %dma_start3A_836 = tpu.memref_squeeze %dma_start3A_835 : memref<1x128xi32, #tpu.memory_space<vmem>> -> memref<128xi32, #tpu.memory_space<vmem>>
        %dma_start3A_837 = arith.constant 0 : i32
        %dma_start3A_838 = tpu.memref_slice %arg12[%dma_start3A_837] : memref<1000064xf32, #tpu.memory_space<vmem_shared>> -> memref<1000064xf32, #tpu.memory_space<vmem_shared>>
        tpu.enqueue_indirect_dma source(%dma_start3A_838 : memref<1000064xf32, #tpu.memory_space<vmem_shared>>) target(%dma_start3A_833 : memref<128xf32, #tpu.memory_space<vmem>>) offsets(%dma_start3A_836 : memref<128xi32, #tpu.memory_space<vmem>>) semaphore(%arg14 : memref<!tpu.dma_semaphore, #tpu.memory_space<semaphore_mem>>)
        %dma_start3A_839 = arith.constant 0 : i32
        %dma_start3A_840 = tpu.memref_slice %arg9[%scan3A_830, %dma_start3A_839] : memref<8x128xf32, #tpu.memory_space<vmem>> -> memref<1x128xf32, #tpu.memory_space<vmem>>
        %dma_start3A_841 = tpu.memref_squeeze %dma_start3A_840 : memref<1x128xf32, #tpu.memory_space<vmem>> -> memref<128xf32, #tpu.memory_space<vmem>>
        %dma_start3A_842 = arith.constant 0 : i32
        %dma_start3A_843 = tpu.memref_slice %arg7[%scan3A_830, %dma_start3A_842] : memref<8x128xi32, #tpu.memory_space<vmem>> -> memref<1x128xi32, #tpu.memory_space<vmem>>
        %dma_start3A_844 = tpu.memref_squeeze %dma_start3A_843 : memref<1x128xi32, #tpu.memory_space<vmem>> -> memref<128xi32, #tpu.memory_space<vmem>>
        %dma_start3A_845 = arith.constant 0 : i32
        %dma_start3A_846 = tpu.memref_slice %arg12[%dma_start3A_845] : memref<1000064xf32, #tpu.memory_space<vmem_shared>> -> memref<1000064xf32, #tpu.memory_space<vmem_shared>>
        tpu.enqueue_indirect_dma source(%dma_start3A_846 : memref<1000064xf32, #tpu.memory_space<vmem_shared>>) target(%dma_start3A_841 : memref<128xf32, #tpu.memory_space<vmem>>) offsets(%dma_start3A_844 : memref<128xi32, #tpu.memory_space<vmem>>) semaphore(%arg14 : memref<!tpu.dma_semaphore, #tpu.memory_space<semaphore_mem>>)
      }
      %scan3A_823 = arith.constant 8 : i32
      %scan3A_824 = arith.constant 0 : i32
      %scan3A_825 = arith.constant 0 : i32
      %scan3A_826 = arith.constant 8 : i32
      %scan3A_827 = arith.addi %scan3A_825, %scan3A_826 : i32
      %scan3A_828 = arith.constant 1 : i32
      scf.for %scan3A_830 = %scan3A_825 to %scan3A_827 step %scan3A_828  : i32 {
        %dma_wait3A_831 = arith.constant 0 : i32
        %dma_wait3A_832 = arith.constant 0 : i32
        %dma_wait3A_833 = tpu.memref_slice %arg8[%scan3A_830, %dma_wait3A_832] : memref<8x128xf32, #tpu.memory_space<vmem>> -> memref<1x128xf32, #tpu.memory_space<vmem>>
        %dma_wait3A_834 = tpu.memref_squeeze %dma_wait3A_833 : memref<1x128xf32, #tpu.memory_space<vmem>> -> memref<128xf32, #tpu.memory_space<vmem>>
        %dma_wait3A_835 = arith.constant 0 : i32
        %dma_wait3A_836 = tpu.memref_slice %arg3[%dma_wait3A_831, %dma_wait3A_835] : memref<64x1000000xf32, #tpu.memory_space<hbm>> -> memref<1x128xf32, #tpu.memory_space<hbm>>
        %dma_wait3A_837 = tpu.memref_squeeze %dma_wait3A_836 : memref<1x128xf32, #tpu.memory_space<hbm>> -> memref<128xf32, #tpu.memory_space<hbm>>
        %dma_wait3A_838 = arith.constant 0 : i32
        %dma_wait3A_839 = tpu.memref_slice %arg8[%scan3A_830, %dma_wait3A_838] : memref<8x128xf32, #tpu.memory_space<vmem>> -> memref<1x128xf32, #tpu.memory_space<vmem>>
        %dma_wait3A_840 = tpu.memref_squeeze %dma_wait3A_839 : memref<1x128xf32, #tpu.memory_space<vmem>> -> memref<128xf32, #tpu.memory_space<vmem>>
        %dma_wait3A_841 = arith.constant 0 : i32
        %dma_wait3A_842 = tpu.memref_slice %arg3[%dma_wait3A_831, %dma_wait3A_841] : memref<64x1000000xf32, #tpu.memory_space<hbm>> -> memref<1x128xf32, #tpu.memory_space<hbm>>
        %dma_wait3A_843 = tpu.memref_squeeze %dma_wait3A_842 : memref<1x128xf32, #tpu.memory_space<hbm>> -> memref<128xf32, #tpu.memory_space<hbm>>
        tpu.wait_dma2 semaphore(%arg14 : memref<!tpu.dma_semaphore, #tpu.memory_space<semaphore_mem>>) src(%dma_wait3A_843 : memref<128xf32, #tpu.memory_space<hbm>>) dst(%dma_wait3A_840 : memref<128xf32, #tpu.memory_space<vmem>>)
        %dma_wait3A_844 = arith.constant 0 : i32
        %dma_wait3A_845 = arith.constant 0 : i32
        %dma_wait3A_846 = tpu.memref_slice %arg9[%scan3A_830, %dma_wait3A_845] : memref<8x128xf32, #tpu.memory_space<vmem>> -> memref<1x128xf32, #tpu.memory_space<vmem>>
        %dma_wait3A_847 = tpu.memref_squeeze %dma_wait3A_846 : memref<1x128xf32, #tpu.memory_space<vmem>> -> memref<128xf32, #tpu.memory_space<vmem>>
        %dma_wait3A_848 = arith.constant 0 : i32
        %dma_wait3A_849 = tpu.memref_slice %arg3[%dma_wait3A_844, %dma_wait3A_848] : memref<64x1000000xf32, #tpu.memory_space<hbm>> -> memref<1x128xf32, #tpu.memory_space<hbm>>
        %dma_wait3A_850 = tpu.memref_squeeze %dma_wait3A_849 : memref<1x128xf32, #tpu.memory_space<hbm>> -> memref<128xf32, #tpu.memory_space<hbm>>
        %dma_wait3A_851 = arith.constant 0 : i32
        %dma_wait3A_852 = tpu.memref_slice %arg9[%scan3A_830, %dma_wait3A_851] : memref<8x128xf32, #tpu.memory_space<vmem>> -> memref<1x128xf32, #tpu.memory_space<vmem>>
        %dma_wait3A_853 = tpu.memref_squeeze %dma_wait3A_852 : memref<1x128xf32, #tpu.memory_space<vmem>> -> memref<128xf32, #tpu.memory_space<vmem>>
        %dma_wait3A_854 = arith.constant 0 : i32
        %dma_wait3A_855 = tpu.memref_slice %arg3[%dma_wait3A_844, %dma_wait3A_854] : memref<64x1000000xf32, #tpu.memory_space<hbm>> -> memref<1x128xf32, #tpu.memory_space<hbm>>
        %dma_wait3A_856 = tpu.memref_squeeze %dma_wait3A_855 : memref<1x128xf32, #tpu.memory_space<hbm>> -> memref<128xf32, #tpu.memory_space<hbm>>
        tpu.wait_dma2 semaphore(%arg14 : memref<!tpu.dma_semaphore, #tpu.memory_space<semaphore_mem>>) src(%dma_wait3A_856 : memref<128xf32, #tpu.memory_space<hbm>>) dst(%dma_wait3A_853 : memref<128xf32, #tpu.memory_space<vmem>>)
        %get3A = arith.index_cast %scan3A_830 : i32 to index
        %get3A_857 = arith.constant 0 : index
        %get3A_858 = tpu.vector_load %arg10[%get3A, %get3A_857] {strides = array<i32>} : memref<8x128xf32, #tpu.memory_space<vmem>>, vector<16xf32>,
        %get3A_859 = arith.index_cast %scan3A_830 : i32 to index
        %get3A_860 = arith.constant 0 : index
        %get3A_861 = tpu.vector_load %arg8[%get3A_859, %get3A_860] {strides = array<i32>} : memref<8x128xf32, #tpu.memory_space<vmem>>, vector<16xf32>,
        %get3A_862 = arith.index_cast %scan3A_830 : i32 to index
        %get3A_863 = arith.constant 0 : index
        %get3A_864 = tpu.vector_load %arg9[%get3A_862, %get3A_863] {strides = array<i32>} : memref<8x128xf32, #tpu.memory_space<vmem>>, vector<16xf32>,
        %mul3A_865 = arith.mulf %get3A_861, %get3A_864 : vector<16xf32>
        %add3A_866 = arith.addf %get3A_858, %mul3A_865 : vector<16xf32>
        %swap3A_867 = arith.index_cast %scan3A_830 : i32 to index
        %swap3A_868 = arith.constant 0 : index
        %swap3A_869 = tpu.vector_load %arg10[%swap3A_867, %swap3A_868] {strides = array<i32>} : memref<8x128xf32, #tpu.memory_space<vmem>>, vector<16xf32>,
        tpu.vector_store %arg10[%swap3A_867, %swap3A_868], %add3A_866 {strides = array<i32>} : memref<8x128xf32, #tpu.memory_space<vmem>>, vector<16xf32>,
        %get3A_870 = arith.index_cast %scan3A_830 : i32 to index
        %get3A_871 = arith.constant 16 : index
        %get3A_872 = tpu.vector_load %arg10[%get3A_870, %get3A_871] {strides = array<i32>} : memref<8x128xf32, #tpu.memory_space<vmem>>, vector<16xf32>,
        %get3A_873 = arith.index_cast %scan3A_830 : i32 to index
        %get3A_874 = arith.constant 16 : index
        %get3A_875 = tpu.vector_load %arg8[%get3A_873, %get3A_874] {strides = array<i32>} : memref<8x128xf32, #tpu.memory_space<vmem>>, vector<16xf32>,
        %get3A_876 = arith.index_cast %scan3A_830 : i32 to index
        %get3A_877 = arith.constant 16 : index
        %get3A_878 = tpu.vector_load %arg9[%get3A_876, %get3A_877] {strides = array<i32>} : memref<8x128xf32, #tpu.memory_space<vmem>>, vector<16xf32>,
        %mul3A_879 = arith.mulf %get3A_875, %get3A_878 : vector<16xf32>
        %add3A_880 = arith.addf %get3A_872, %mul3A_879 : vector<16xf32>
        %swap3A_881 = arith.index_cast %scan3A_830 : i32 to index
        %swap3A_882 = arith.constant 16 : index
        %swap3A_883 = tpu.vector_load %arg10[%swap3A_881, %swap3A_882] {strides = array<i32>} : memref<8x128xf32, #tpu.memory_space<vmem>>, vector<16xf32>,
        tpu.vector_store %arg10[%swap3A_881, %swap3A_882], %add3A_880 {strides = array<i32>} : memref<8x128xf32, #tpu.memory_space<vmem>>, vector<16xf32>,
        %get3A_884 = arith.index_cast %scan3A_830 : i32 to index
        %get3A_885 = arith.constant 32 : index
        %get3A_886 = tpu.vector_load %arg10[%get3A_884, %get3A_885] {strides = array<i32>} : memref<8x128xf32, #tpu.memory_space<vmem>>, vector<16xf32>,
        %get3A_887 = arith.index_cast %scan3A_830 : i32 to index
        %get3A_888 = arith.constant 32 : index
        %get3A_889 = tpu.vector_load %arg8[%get3A_887, %get3A_888] {strides = array<i32>} : memref<8x128xf32, #tpu.memory_space<vmem>>, vector<16xf32>,
        %get3A_890 = arith.index_cast %scan3A_830 : i32 to index
        %get3A_891 = arith.constant 32 : index
        %get3A_892 = tpu.vector_load %arg9[%get3A_890, %get3A_891] {strides = array<i32>} : memref<8x128xf32, #tpu.memory_space<vmem>>, vector<16xf32>,
        %mul3A_893 = arith.mulf %get3A_889, %get3A_892 : vector<16xf32>
        %add3A_894 = arith.addf %get3A_886, %mul3A_893 : vector<16xf32>
        %swap3A_895 = arith.index_cast %scan3A_830 : i32 to index
        %swap3A_896 = arith.constant 32 : index
        %swap3A_897 = tpu.vector_load %arg10[%swap3A_895, %swap3A_896] {strides = array<i32>} : memref<8x128xf32, #tpu.memory_space<vmem>>, vector<16xf32>,
        tpu.vector_store %arg10[%swap3A_895, %swap3A_896], %add3A_894 {strides = array<i32>} : memref<8x128xf32, #tpu.memory_space<vmem>>, vector<16xf32>,
        %get3A_898 = arith.index_cast %scan3A_830 : i32 to index
        %get3A_899 = arith.constant 48 : index
        %get3A_900 = tpu.vector_load %arg10[%get3A_898, %get3A_899] {strides = array<i32>} : memref<8x128xf32, #tpu.memory_space<vmem>>, vector<16xf32>,
        %get3A_901 = arith.index_cast %scan3A_830 : i32 to index
        %get3A_902 = arith.constant 48 : index
        %get3A_903 = tpu.vector_load %arg8[%get3A_901, %get3A_902] {strides = array<i32>} : memref<8x128xf32, #tpu.memory_space<vmem>>, vector<16xf32>,
        %get3A_904 = arith.index_cast %scan3A_830 : i32 to index
        %get3A_905 = arith.constant 48 : index
        %get3A_906 = tpu.vector_load %arg9[%get3A_904, %get3A_905] {strides = array<i32>} : memref<8x128xf32, #tpu.memory_space<vmem>>, vector<16xf32>,
        %mul3A_907 = arith.mulf %get3A_903, %get3A_906 : vector<16xf32>
        %add3A_908 = arith.addf %get3A_900, %mul3A_907 : vector<16xf32>
        %swap3A_909 = arith.index_cast %scan3A_830 : i32 to index
        %swap3A_910 = arith.constant 48 : index
        %swap3A_911 = tpu.vector_load %arg10[%swap3A_909, %swap3A_910] {strides = array<i32>} : memref<8x128xf32, #tpu.memory_space<vmem>>, vector<16xf32>,
        tpu.vector_store %arg10[%swap3A_909, %swap3A_910], %add3A_908 {strides = array<i32>} : memref<8x128xf32, #tpu.memory_space<vmem>>, vector<16xf32>,
        %get3A_912 = arith.index_cast %scan3A_830 : i32 to index
        %get3A_913 = arith.constant 64 : index
        %get3A_914 = tpu.vector_load %arg10[%get3A_912, %get3A_913] {strides = array<i32>} : memref<8x128xf32, #tpu.memory_space<vmem>>, vector<16xf32>,
        %get3A_915 = arith.index_cast %scan3A_830 : i32 to index
        %get3A_916 = arith.constant 64 : index
        %get3A_917 = tpu.vector_load %arg8[%get3A_915, %get3A_916] {strides = array<i32>} : memref<8x128xf32, #tpu.memory_space<vmem>>, vector<16xf32>,
        %get3A_918 = arith.index_cast %scan3A_830 : i32 to index
        %get3A_919 = arith.constant 64 : index
        %get3A_920 = tpu.vector_load %arg9[%get3A_918, %get3A_919] {strides = array<i32>} : memref<8x128xf32, #tpu.memory_space<vmem>>, vector<16xf32>,
        %mul3A_921 = arith.mulf %get3A_917, %get3A_920 : vector<16xf32>
        %add3A_922 = arith.addf %get3A_914, %mul3A_921 : vector<16xf32>
        %swap3A_923 = arith.index_cast %scan3A_830 : i32 to index
        %swap3A_924 = arith.constant 64 : index
        %swap3A_925 = tpu.vector_load %arg10[%swap3A_923, %swap3A_924] {strides = array<i32>} : memref<8x128xf32, #tpu.memory_space<vmem>>, vector<16xf32>,
        tpu.vector_store %arg10[%swap3A_923, %swap3A_924], %add3A_922 {strides = array<i32>} : memref<8x128xf32, #tpu.memory_space<vmem>>, vector<16xf32>,
        %get3A_926 = arith.index_cast %scan3A_830 : i32 to index
        %get3A_927 = arith.constant 80 : index
        %get3A_928 = tpu.vector_load %arg10[%get3A_926, %get3A_927] {strides = array<i32>} : memref<8x128xf32, #tpu.memory_space<vmem>>, vector<16xf32>,
        %get3A_929 = arith.index_cast %scan3A_830 : i32 to index
        %get3A_930 = arith.constant 80 : index
        %get3A_931 = tpu.vector_load %arg8[%get3A_929, %get3A_930] {strides = array<i32>} : memref<8x128xf32, #tpu.memory_space<vmem>>, vector<16xf32>,
        %get3A_932 = arith.index_cast %scan3A_830 : i32 to index
        %get3A_933 = arith.constant 80 : index
        %get3A_934 = tpu.vector_load %arg9[%get3A_932, %get3A_933] {strides = array<i32>} : memref<8x128xf32, #tpu.memory_space<vmem>>, vector<16xf32>,
        %mul3A_935 = arith.mulf %get3A_931, %get3A_934 : vector<16xf32>
        %add3A_936 = arith.addf %get3A_928, %mul3A_935 : vector<16xf32>
        %swap3A_937 = arith.index_cast %scan3A_830 : i32 to index
        %swap3A_938 = arith.constant 80 : index
        %swap3A_939 = tpu.vector_load %arg10[%swap3A_937, %swap3A_938] {strides = array<i32>} : memref<8x128xf32, #tpu.memory_space<vmem>>, vector<16xf32>,
        tpu.vector_store %arg10[%swap3A_937, %swap3A_938], %add3A_936 {strides = array<i32>} : memref<8x128xf32, #tpu.memory_space<vmem>>, vector<16xf32>,
        %get3A_940 = arith.index_cast %scan3A_830 : i32 to index
        %get3A_941 = arith.constant 96 : index
        %get3A_942 = tpu.vector_load %arg10[%get3A_940, %get3A_941] {strides = array<i32>} : memref<8x128xf32, #tpu.memory_space<vmem>>, vector<16xf32>,
        %get3A_943 = arith.index_cast %scan3A_830 : i32 to index
        %get3A_944 = arith.constant 96 : index
        %get3A_945 = tpu.vector_load %arg8[%get3A_943, %get3A_944] {strides = array<i32>} : memref<8x128xf32, #tpu.memory_space<vmem>>, vector<16xf32>,
        %get3A_946 = arith.index_cast %scan3A_830 : i32 to index
        %get3A_947 = arith.constant 96 : index
        %get3A_948 = tpu.vector_load %arg9[%get3A_946, %get3A_947] {strides = array<i32>} : memref<8x128xf32, #tpu.memory_space<vmem>>, vector<16xf32>,
        %mul3A_949 = arith.mulf %get3A_945, %get3A_948 : vector<16xf32>
        %add3A_950 = arith.addf %get3A_942, %mul3A_949 : vector<16xf32>
        %swap3A_951 = arith.index_cast %scan3A_830 : i32 to index
        %swap3A_952 = arith.constant 96 : index
        %swap3A_953 = tpu.vector_load %arg10[%swap3A_951, %swap3A_952] {strides = array<i32>} : memref<8x128xf32, #tpu.memory_space<vmem>>, vector<16xf32>,
        tpu.vector_store %arg10[%swap3A_951, %swap3A_952], %add3A_950 {strides = array<i32>} : memref<8x128xf32, #tpu.memory_space<vmem>>, vector<16xf32>,
        %get3A_954 = arith.index_cast %scan3A_830 : i32 to index
        %get3A_955 = arith.constant 112 : index
        %get3A_956 = tpu.vector_load %arg10[%get3A_954, %get3A_955] {strides = array<i32>} : memref<8x128xf32, #tpu.memory_space<vmem>>, vector<16xf32>,
        %get3A_957 = arith.index_cast %scan3A_830 : i32 to index
        %get3A_958 = arith.constant 112 : index
        %get3A_959 = tpu.vector_load %arg8[%get3A_957, %get3A_958] {strides = array<i32>} : memref<8x128xf32, #tpu.memory_space<vmem>>, vector<16xf32>,
        %get3A_960 = arith.index_cast %scan3A_830 : i32 to index
        %get3A_961 = arith.constant 112 : index
        %get3A_962 = tpu.vector_load %arg9[%get3A_960, %get3A_961] {strides = array<i32>} : memref<8x128xf32, #tpu.memory_space<vmem>>, vector<16xf32>,
        %mul3A_963 = arith.mulf %get3A_959, %get3A_962 : vector<16xf32>
        %add3A_964 = arith.addf %get3A_956, %mul3A_963 : vector<16xf32>
        %swap3A_965 = arith.index_cast %scan3A_830 : i32 to index
        %swap3A_966 = arith.constant 112 : index
        %swap3A_967 = tpu.vector_load %arg10[%swap3A_965, %swap3A_966] {strides = array<i32>} : memref<8x128xf32, #tpu.memory_space<vmem>>, vector<16xf32>,
        tpu.vector_store %arg10[%swap3A_965, %swap3A_966], %add3A_964 {strides = array<i32>} : memref<8x128xf32, #tpu.memory_space<vmem>>, vector<16xf32>,
      }
      %scan3A_829 = arith.constant 8 : i32
    }
    %scan3A_717 = arith.constant 16 : i32
    %mul3A_718 = arith.constant 1024 : i32
    %mul3A_719 = arith.muli %arg1, %mul3A_718 : i32
    %add3A_720 = arith.constant 0 : i32
    %add3A_721 = arith.addi %mul3A_719, %add3A_720 : i32
    %run_scoped3A = arith.constant 0 : i32
    "tpu.region"() ({
      %run_scoped3A_757 = tpu.sem_alloc : memref<!tpu.dma_semaphore, #tpu.memory_space<semaphore_mem>>
      %dma_start3A_758 = arith.constant 0 : i32
      %dma_start3A_759 = tpu.memref_slice %arg10[%run_scoped3A, %dma_start3A_758] : memref<8x128xf32, #tpu.memory_space<vmem>> -> memref<1x128xf32, #tpu.memory_space<vmem>>
      %dma_start3A_760 = tpu.memref_squeeze %dma_start3A_759 : memref<1x128xf32, #tpu.memory_space<vmem>> -> memref<128xf32, #tpu.memory_space<vmem>>
      %dma_start3A_761 = tpu.memref_slice %arg5[%arg0, %add3A_721] : memref<2x16384xf32, #tpu.memory_space<hbm>> -> memref<1x128xf32, #tpu.memory_space<hbm>>
      %dma_start3A_762 = tpu.memref_squeeze %dma_start3A_761 : memref<1x128xf32, #tpu.memory_space<hbm>> -> memref<128xf32, #tpu.memory_space<hbm>>
      %dma_start3A_763 = tpu.memref_slice %arg5[%arg0, %add3A_721] : memref<2x16384xf32, #tpu.memory_space<hbm>> -> memref<1x128xf32, #tpu.memory_space<hbm>>
      %dma_start3A_764 = tpu.memref_squeeze %dma_start3A_763 : memref<1x128xf32, #tpu.memory_space<hbm>> -> memref<128xf32, #tpu.memory_space<hbm>>
      %dma_start3A_765 = arith.constant 0 : i32
      %dma_start3A_766 = tpu.memref_slice %arg10[%run_scoped3A, %dma_start3A_765] : memref<8x128xf32, #tpu.memory_space<vmem>> -> memref<1x128xf32, #tpu.memory_space<vmem>>
      %dma_start3A_767 = tpu.memref_squeeze %dma_start3A_766 : memref<1x128xf32, #tpu.memory_space<vmem>> -> memref<128xf32, #tpu.memory_space<vmem>>
      tpu.enqueue_dma source(%dma_start3A_767 : memref<128xf32, #tpu.memory_space<vmem>>) target(%dma_start3A_764 : memref<128xf32, #tpu.memory_space<hbm>>) target_semaphore(%run_scoped3A_757 : memref<!tpu.dma_semaphore, #tpu.memory_space<semaphore_mem>>)
      %dma_wait3A_768 = arith.constant 0 : i32
      %dma_wait3A_769 = tpu.memref_slice %arg10[%run_scoped3A, %dma_wait3A_768] : memref<8x128xf32, #tpu.memory_space<vmem>> -> memref<1x128xf32, #tpu.memory_space<vmem>>
      %dma_wait3A_770 = tpu.memref_squeeze %dma_wait3A_769 : memref<1x128xf32, #tpu.memory_space<vmem>> -> memref<128xf32, #tpu.memory_space<vmem>>
      %dma_wait3A_771 = tpu.memref_slice %arg5[%arg0, %add3A_721] : memref<2x16384xf32, #tpu.memory_space<hbm>> -> memref<1x128xf32, #tpu.memory_space<hbm>>
      %dma_wait3A_772 = tpu.memref_squeeze %dma_wait3A_771 : memref<1x128xf32, #tpu.memory_space<hbm>> -> memref<128xf32, #tpu.memory_space<hbm>>
      %dma_wait3A_773 = tpu.memref_slice %arg5[%arg0, %add3A_721] : memref<2x16384xf32, #tpu.memory_space<hbm>> -> memref<1x128xf32, #tpu.memory_space<hbm>>
      %dma_wait3A_774 = tpu.memref_squeeze %dma_wait3A_773 : memref<1x128xf32, #tpu.memory_space<hbm>> -> memref<128xf32, #tpu.memory_space<hbm>>
      %dma_wait3A_775 = arith.constant 0 : i32
      %dma_wait3A_776 = tpu.memref_slice %arg10[%run_scoped3A, %dma_wait3A_775] : memref<8x128xf32, #tpu.memory_space<vmem>> -> memref<1x128xf32, #tpu.memory_space<vmem>>
      %dma_wait3A_777 = tpu.memref_squeeze %dma_wait3A_776 : memref<1x128xf32, #tpu.memory_space<vmem>> -> memref<128xf32, #tpu.memory_space<vmem>>
      tpu.wait_dma2 semaphore(%run_scoped3A_757 : memref<!tpu.dma_semaphore, #tpu.memory_space<semaphore_mem>>) src(%dma_wait3A_777 : memref<128xf32, #tpu.memory_space<vmem>>) dst(%dma_wait3A_774 : memref<128xf32, #tpu.memory_space<hbm>>)
      tpu.yield
    }) : () -> ()
    %mul3A_722 = arith.constant 1024 : i32
    %mul3A_723 = arith.muli %arg1, %mul3A_722 : i32
    %add3A_724 = arith.constant 128 : i32
    %add3A_725 = arith.addi %mul3A_723, %add3A_724 : i32
    %run_scoped3A_726 = arith.constant 1 : i32
    "tpu.region"() ({
      %run_scoped3A_757 = tpu.sem_alloc : memref<!tpu.dma_semaphore, #tpu.memory_space<semaphore_mem>>
      %dma_start3A_758 = arith.constant 0 : i32
      %dma_start3A_759 = tpu.memref_slice %arg10[%run_scoped3A_726, %dma_start3A_758] : memref<8x128xf32, #tpu.memory_space<vmem>> -> memref<1x128xf32, #tpu.memory_space<vmem>>
      %dma_start3A_760 = tpu.memref_squeeze %dma_start3A_759 : memref<1x128xf32, #tpu.memory_space<vmem>> -> memref<128xf32, #tpu.memory_space<vmem>>
      %dma_start3A_761 = tpu.memref_slice %arg5[%arg0, %add3A_725] : memref<2x16384xf32, #tpu.memory_space<hbm>> -> memref<1x128xf32, #tpu.memory_space<hbm>>
      %dma_start3A_762 = tpu.memref_squeeze %dma_start3A_761 : memref<1x128xf32, #tpu.memory_space<hbm>> -> memref<128xf32, #tpu.memory_space<hbm>>
      %dma_start3A_763 = tpu.memref_slice %arg5[%arg0, %add3A_725] : memref<2x16384xf32, #tpu.memory_space<hbm>> -> memref<1x128xf32, #tpu.memory_space<hbm>>
      %dma_start3A_764 = tpu.memref_squeeze %dma_start3A_763 : memref<1x128xf32, #tpu.memory_space<hbm>> -> memref<128xf32, #tpu.memory_space<hbm>>
      %dma_start3A_765 = arith.constant 0 : i32
      %dma_start3A_766 = tpu.memref_slice %arg10[%run_scoped3A_726, %dma_start3A_765] : memref<8x128xf32, #tpu.memory_space<vmem>> -> memref<1x128xf32, #tpu.memory_space<vmem>>
      %dma_start3A_767 = tpu.memref_squeeze %dma_start3A_766 : memref<1x128xf32, #tpu.memory_space<vmem>> -> memref<128xf32, #tpu.memory_space<vmem>>
      tpu.enqueue_dma source(%dma_start3A_767 : memref<128xf32, #tpu.memory_space<vmem>>) target(%dma_start3A_764 : memref<128xf32, #tpu.memory_space<hbm>>) target_semaphore(%run_scoped3A_757 : memref<!tpu.dma_semaphore, #tpu.memory_space<semaphore_mem>>)
      %dma_wait3A_768 = arith.constant 0 : i32
      %dma_wait3A_769 = tpu.memref_slice %arg10[%run_scoped3A_726, %dma_wait3A_768] : memref<8x128xf32, #tpu.memory_space<vmem>> -> memref<1x128xf32, #tpu.memory_space<vmem>>
      %dma_wait3A_770 = tpu.memref_squeeze %dma_wait3A_769 : memref<1x128xf32, #tpu.memory_space<vmem>> -> memref<128xf32, #tpu.memory_space<vmem>>
      %dma_wait3A_771 = tpu.memref_slice %arg5[%arg0, %add3A_725] : memref<2x16384xf32, #tpu.memory_space<hbm>> -> memref<1x128xf32, #tpu.memory_space<hbm>>
      %dma_wait3A_772 = tpu.memref_squeeze %dma_wait3A_771 : memref<1x128xf32, #tpu.memory_space<hbm>> -> memref<128xf32, #tpu.memory_space<hbm>>
      %dma_wait3A_773 = tpu.memref_slice %arg5[%arg0, %add3A_725] : memref<2x16384xf32, #tpu.memory_space<hbm>> -> memref<1x128xf32, #tpu.memory_space<hbm>>
      %dma_wait3A_774 = tpu.memref_squeeze %dma_wait3A_773 : memref<1x128xf32, #tpu.memory_space<hbm>> -> memref<128xf32, #tpu.memory_space<hbm>>
      %dma_wait3A_775 = arith.constant 0 : i32
      %dma_wait3A_776 = tpu.memref_slice %arg10[%run_scoped3A_726, %dma_wait3A_775] : memref<8x128xf32, #tpu.memory_space<vmem>> -> memref<1x128xf32, #tpu.memory_space<vmem>>
      %dma_wait3A_777 = tpu.memref_squeeze %dma_wait3A_776 : memref<1x128xf32, #tpu.memory_space<vmem>> -> memref<128xf32, #tpu.memory_space<vmem>>
      tpu.wait_dma2 semaphore(%run_scoped3A_757 : memref<!tpu.dma_semaphore, #tpu.memory_space<semaphore_mem>>) src(%dma_wait3A_777 : memref<128xf32, #tpu.memory_space<vmem>>) dst(%dma_wait3A_774 : memref<128xf32, #tpu.memory_space<hbm>>)
      tpu.yield
    }) : () -> ()
    %mul3A_727 = arith.constant 1024 : i32
    %mul3A_728 = arith.muli %arg1, %mul3A_727 : i32
    %add3A_729 = arith.constant 256 : i32
    %add3A_730 = arith.addi %mul3A_728, %add3A_729 : i32
    %run_scoped3A_731 = arith.constant 2 : i32
    "tpu.region"() ({
      %run_scoped3A_757 = tpu.sem_alloc : memref<!tpu.dma_semaphore, #tpu.memory_space<semaphore_mem>>
      %dma_start3A_758 = arith.constant 0 : i32
      %dma_start3A_759 = tpu.memref_slice %arg10[%run_scoped3A_731, %dma_start3A_758] : memref<8x128xf32, #tpu.memory_space<vmem>> -> memref<1x128xf32, #tpu.memory_space<vmem>>
      %dma_start3A_760 = tpu.memref_squeeze %dma_start3A_759 : memref<1x128xf32, #tpu.memory_space<vmem>> -> memref<128xf32, #tpu.memory_space<vmem>>
      %dma_start3A_761 = tpu.memref_slice %arg5[%arg0, %add3A_730] : memref<2x16384xf32, #tpu.memory_space<hbm>> -> memref<1x128xf32, #tpu.memory_space<hbm>>
      %dma_start3A_762 = tpu.memref_squeeze %dma_start3A_761 : memref<1x128xf32, #tpu.memory_space<hbm>> -> memref<128xf32, #tpu.memory_space<hbm>>
      %dma_start3A_763 = tpu.memref_slice %arg5[%arg0, %add3A_730] : memref<2x16384xf32, #tpu.memory_space<hbm>> -> memref<1x128xf32, #tpu.memory_space<hbm>>
      %dma_start3A_764 = tpu.memref_squeeze %dma_start3A_763 : memref<1x128xf32, #tpu.memory_space<hbm>> -> memref<128xf32, #tpu.memory_space<hbm>>
      %dma_start3A_765 = arith.constant 0 : i32
      %dma_start3A_766 = tpu.memref_slice %arg10[%run_scoped3A_731, %dma_start3A_765] : memref<8x128xf32, #tpu.memory_space<vmem>> -> memref<1x128xf32, #tpu.memory_space<vmem>>
      %dma_start3A_767 = tpu.memref_squeeze %dma_start3A_766 : memref<1x128xf32, #tpu.memory_space<vmem>> -> memref<128xf32, #tpu.memory_space<vmem>>
      tpu.enqueue_dma source(%dma_start3A_767 : memref<128xf32, #tpu.memory_space<vmem>>) target(%dma_start3A_764 : memref<128xf32, #tpu.memory_space<hbm>>) target_semaphore(%run_scoped3A_757 : memref<!tpu.dma_semaphore, #tpu.memory_space<semaphore_mem>>)
      %dma_wait3A_768 = arith.constant 0 : i32
      %dma_wait3A_769 = tpu.memref_slice %arg10[%run_scoped3A_731, %dma_wait3A_768] : memref<8x128xf32, #tpu.memory_space<vmem>> -> memref<1x128xf32, #tpu.memory_space<vmem>>
      %dma_wait3A_770 = tpu.memref_squeeze %dma_wait3A_769 : memref<1x128xf32, #tpu.memory_space<vmem>> -> memref<128xf32, #tpu.memory_space<vmem>>
      %dma_wait3A_771 = tpu.memref_slice %arg5[%arg0, %add3A_730] : memref<2x16384xf32, #tpu.memory_space<hbm>> -> memref<1x128xf32, #tpu.memory_space<hbm>>
      %dma_wait3A_772 = tpu.memref_squeeze %dma_wait3A_771 : memref<1x128xf32, #tpu.memory_space<hbm>> -> memref<128xf32, #tpu.memory_space<hbm>>
      %dma_wait3A_773 = tpu.memref_slice %arg5[%arg0, %add3A_730] : memref<2x16384xf32, #tpu.memory_space<hbm>> -> memref<1x128xf32, #tpu.memory_space<hbm>>
      %dma_wait3A_774 = tpu.memref_squeeze %dma_wait3A_773 : memref<1x128xf32, #tpu.memory_space<hbm>> -> memref<128xf32, #tpu.memory_space<hbm>>
      %dma_wait3A_775 = arith.constant 0 : i32
      %dma_wait3A_776 = tpu.memref_slice %arg10[%run_scoped3A_731, %dma_wait3A_775] : memref<8x128xf32, #tpu.memory_space<vmem>> -> memref<1x128xf32, #tpu.memory_space<vmem>>
      %dma_wait3A_777 = tpu.memref_squeeze %dma_wait3A_776 : memref<1x128xf32, #tpu.memory_space<vmem>> -> memref<128xf32, #tpu.memory_space<vmem>>
      tpu.wait_dma2 semaphore(%run_scoped3A_757 : memref<!tpu.dma_semaphore, #tpu.memory_space<semaphore_mem>>) src(%dma_wait3A_777 : memref<128xf32, #tpu.memory_space<vmem>>) dst(%dma_wait3A_774 : memref<128xf32, #tpu.memory_space<hbm>>)
      tpu.yield
    }) : () -> ()
    %mul3A_732 = arith.constant 1024 : i32
    %mul3A_733 = arith.muli %arg1, %mul3A_732 : i32
    %add3A_734 = arith.constant 384 : i32
    %add3A_735 = arith.addi %mul3A_733, %add3A_734 : i32
    %run_scoped3A_736 = arith.constant 3 : i32
    "tpu.region"() ({
      %run_scoped3A_757 = tpu.sem_alloc : memref<!tpu.dma_semaphore, #tpu.memory_space<semaphore_mem>>
      %dma_start3A_758 = arith.constant 0 : i32
      %dma_start3A_759 = tpu.memref_slice %arg10[%run_scoped3A_736, %dma_start3A_758] : memref<8x128xf32, #tpu.memory_space<vmem>> -> memref<1x128xf32, #tpu.memory_space<vmem>>
      %dma_start3A_760 = tpu.memref_squeeze %dma_start3A_759 : memref<1x128xf32, #tpu.memory_space<vmem>> -> memref<128xf32, #tpu.memory_space<vmem>>
      %dma_start3A_761 = tpu.memref_slice %arg5[%arg0, %add3A_735] : memref<2x16384xf32, #tpu.memory_space<hbm>> -> memref<1x128xf32, #tpu.memory_space<hbm>>
      %dma_start3A_762 = tpu.memref_squeeze %dma_start3A_761 : memref<1x128xf32, #tpu.memory_space<hbm>> -> memref<128xf32, #tpu.memory_space<hbm>>
      %dma_start3A_763 = tpu.memref_slice %arg5[%arg0, %add3A_735] : memref<2x16384xf32, #tpu.memory_space<hbm>> -> memref<1x128xf32, #tpu.memory_space<hbm>>
      %dma_start3A_764 = tpu.memref_squeeze %dma_start3A_763 : memref<1x128xf32, #tpu.memory_space<hbm>> -> memref<128xf32, #tpu.memory_space<hbm>>
      %dma_start3A_765 = arith.constant 0 : i32
      %dma_start3A_766 = tpu.memref_slice %arg10[%run_scoped3A_736, %dma_start3A_765] : memref<8x128xf32, #tpu.memory_space<vmem>> -> memref<1x128xf32, #tpu.memory_space<vmem>>
      %dma_start3A_767 = tpu.memref_squeeze %dma_start3A_766 : memref<1x128xf32, #tpu.memory_space<vmem>> -> memref<128xf32, #tpu.memory_space<vmem>>
      tpu.enqueue_dma source(%dma_start3A_767 : memref<128xf32, #tpu.memory_space<vmem>>) target(%dma_start3A_764 : memref<128xf32, #tpu.memory_space<hbm>>) target_semaphore(%run_scoped3A_757 : memref<!tpu.dma_semaphore, #tpu.memory_space<semaphore_mem>>)
      %dma_wait3A_768 = arith.constant 0 : i32
      %dma_wait3A_769 = tpu.memref_slice %arg10[%run_scoped3A_736, %dma_wait3A_768] : memref<8x128xf32, #tpu.memory_space<vmem>> -> memref<1x128xf32, #tpu.memory_space<vmem>>
      %dma_wait3A_770 = tpu.memref_squeeze %dma_wait3A_769 : memref<1x128xf32, #tpu.memory_space<vmem>> -> memref<128xf32, #tpu.memory_space<vmem>>
      %dma_wait3A_771 = tpu.memref_slice %arg5[%arg0, %add3A_735] : memref<2x16384xf32, #tpu.memory_space<hbm>> -> memref<1x128xf32, #tpu.memory_space<hbm>>
      %dma_wait3A_772 = tpu.memref_squeeze %dma_wait3A_771 : memref<1x128xf32, #tpu.memory_space<hbm>> -> memref<128xf32, #tpu.memory_space<hbm>>
      %dma_wait3A_773 = tpu.memref_slice %arg5[%arg0, %add3A_735] : memref<2x16384xf32, #tpu.memory_space<hbm>> -> memref<1x128xf32, #tpu.memory_space<hbm>>
      %dma_wait3A_774 = tpu.memref_squeeze %dma_wait3A_773 : memref<1x128xf32, #tpu.memory_space<hbm>> -> memref<128xf32, #tpu.memory_space<hbm>>
      %dma_wait3A_775 = arith.constant 0 : i32
      %dma_wait3A_776 = tpu.memref_slice %arg10[%run_scoped3A_736, %dma_wait3A_775] : memref<8x128xf32, #tpu.memory_space<vmem>> -> memref<1x128xf32, #tpu.memory_space<vmem>>
      %dma_wait3A_777 = tpu.memref_squeeze %dma_wait3A_776 : memref<1x128xf32, #tpu.memory_space<vmem>> -> memref<128xf32, #tpu.memory_space<vmem>>
      tpu.wait_dma2 semaphore(%run_scoped3A_757 : memref<!tpu.dma_semaphore, #tpu.memory_space<semaphore_mem>>) src(%dma_wait3A_777 : memref<128xf32, #tpu.memory_space<vmem>>) dst(%dma_wait3A_774 : memref<128xf32, #tpu.memory_space<hbm>>)
      tpu.yield
    }) : () -> ()
    %mul3A_737 = arith.constant 1024 : i32
    %mul3A_738 = arith.muli %arg1, %mul3A_737 : i32
    %add3A_739 = arith.constant 512 : i32
    %add3A_740 = arith.addi %mul3A_738, %add3A_739 : i32
    %run_scoped3A_741 = arith.constant 4 : i32
    "tpu.region"() ({
      %run_scoped3A_757 = tpu.sem_alloc : memref<!tpu.dma_semaphore, #tpu.memory_space<semaphore_mem>>
      %dma_start3A_758 = arith.constant 0 : i32
      %dma_start3A_759 = tpu.memref_slice %arg10[%run_scoped3A_741, %dma_start3A_758] : memref<8x128xf32, #tpu.memory_space<vmem>> -> memref<1x128xf32, #tpu.memory_space<vmem>>
      %dma_start3A_760 = tpu.memref_squeeze %dma_start3A_759 : memref<1x128xf32, #tpu.memory_space<vmem>> -> memref<128xf32, #tpu.memory_space<vmem>>
      %dma_start3A_761 = tpu.memref_slice %arg5[%arg0, %add3A_740] : memref<2x16384xf32, #tpu.memory_space<hbm>> -> memref<1x128xf32, #tpu.memory_space<hbm>>
      %dma_start3A_762 = tpu.memref_squeeze %dma_start3A_761 : memref<1x128xf32, #tpu.memory_space<hbm>> -> memref<128xf32, #tpu.memory_space<hbm>>
      %dma_start3A_763 = tpu.memref_slice %arg5[%arg0, %add3A_740] : memref<2x16384xf32, #tpu.memory_space<hbm>> -> memref<1x128xf32, #tpu.memory_space<hbm>>
      %dma_start3A_764 = tpu.memref_squeeze %dma_start3A_763 : memref<1x128xf32, #tpu.memory_space<hbm>> -> memref<128xf32, #tpu.memory_space<hbm>>
      %dma_start3A_765 = arith.constant 0 : i32
      %dma_start3A_766 = tpu.memref_slice %arg10[%run_scoped3A_741, %dma_start3A_765] : memref<8x128xf32, #tpu.memory_space<vmem>> -> memref<1x128xf32, #tpu.memory_space<vmem>>
      %dma_start3A_767 = tpu.memref_squeeze %dma_start3A_766 : memref<1x128xf32, #tpu.memory_space<vmem>> -> memref<128xf32, #tpu.memory_space<vmem>>
      tpu.enqueue_dma source(%dma_start3A_767 : memref<128xf32, #tpu.memory_space<vmem>>) target(%dma_start3A_764 : memref<128xf32, #tpu.memory_space<hbm>>) target_semaphore(%run_scoped3A_757 : memref<!tpu.dma_semaphore, #tpu.memory_space<semaphore_mem>>)
      %dma_wait3A_768 = arith.constant 0 : i32
      %dma_wait3A_769 = tpu.memref_slice %arg10[%run_scoped3A_741, %dma_wait3A_768] : memref<8x128xf32, #tpu.memory_space<vmem>> -> memref<1x128xf32, #tpu.memory_space<vmem>>
      %dma_wait3A_770 = tpu.memref_squeeze %dma_wait3A_769 : memref<1x128xf32, #tpu.memory_space<vmem>> -> memref<128xf32, #tpu.memory_space<vmem>>
      %dma_wait3A_771 = tpu.memref_slice %arg5[%arg0, %add3A_740] : memref<2x16384xf32, #tpu.memory_space<hbm>> -> memref<1x128xf32, #tpu.memory_space<hbm>>
      %dma_wait3A_772 = tpu.memref_squeeze %dma_wait3A_771 : memref<1x128xf32, #tpu.memory_space<hbm>> -> memref<128xf32, #tpu.memory_space<hbm>>
      %dma_wait3A_773 = tpu.memref_slice %arg5[%arg0, %add3A_740] : memref<2x16384xf32, #tpu.memory_space<hbm>> -> memref<1x128xf32, #tpu.memory_space<hbm>>
      %dma_wait3A_774 = tpu.memref_squeeze %dma_wait3A_773 : memref<1x128xf32, #tpu.memory_space<hbm>> -> memref<128xf32, #tpu.memory_space<hbm>>
      %dma_wait3A_775 = arith.constant 0 : i32
      %dma_wait3A_776 = tpu.memref_slice %arg10[%run_scoped3A_741, %dma_wait3A_775] : memref<8x128xf32, #tpu.memory_space<vmem>> -> memref<1x128xf32, #tpu.memory_space<vmem>>
      %dma_wait3A_777 = tpu.memref_squeeze %dma_wait3A_776 : memref<1x128xf32, #tpu.memory_space<vmem>> -> memref<128xf32, #tpu.memory_space<vmem>>
      tpu.wait_dma2 semaphore(%run_scoped3A_757 : memref<!tpu.dma_semaphore, #tpu.memory_space<semaphore_mem>>) src(%dma_wait3A_777 : memref<128xf32, #tpu.memory_space<vmem>>) dst(%dma_wait3A_774 : memref<128xf32, #tpu.memory_space<hbm>>)
      tpu.yield
    }) : () -> ()
    %mul3A_742 = arith.constant 1024 : i32
    %mul3A_743 = arith.muli %arg1, %mul3A_742 : i32
    %add3A_744 = arith.constant 640 : i32
    %add3A_745 = arith.addi %mul3A_743, %add3A_744 : i32
    %run_scoped3A_746 = arith.constant 5 : i32
    "tpu.region"() ({
      %run_scoped3A_757 = tpu.sem_alloc : memref<!tpu.dma_semaphore, #tpu.memory_space<semaphore_mem>>
      %dma_start3A_758 = arith.constant 0 : i32
      %dma_start3A_759 = tpu.memref_slice %arg10[%run_scoped3A_746, %dma_start3A_758] : memref<8x128xf32, #tpu.memory_space<vmem>> -> memref<1x128xf32, #tpu.memory_space<vmem>>
      %dma_start3A_760 = tpu.memref_squeeze %dma_start3A_759 : memref<1x128xf32, #tpu.memory_space<vmem>> -> memref<128xf32, #tpu.memory_space<vmem>>
      %dma_start3A_761 = tpu.memref_slice %arg5[%arg0, %add3A_745] : memref<2x16384xf32, #tpu.memory_space<hbm>> -> memref<1x128xf32, #tpu.memory_space<hbm>>
      %dma_start3A_762 = tpu.memref_squeeze %dma_start3A_761 : memref<1x128xf32, #tpu.memory_space<hbm>> -> memref<128xf32, #tpu.memory_space<hbm>>
      %dma_start3A_763 = tpu.memref_slice %arg5[%arg0, %add3A_745] : memref<2x16384xf32, #tpu.memory_space<hbm>> -> memref<1x128xf32, #tpu.memory_space<hbm>>
      %dma_start3A_764 = tpu.memref_squeeze %dma_start3A_763 : memref<1x128xf32, #tpu.memory_space<hbm>> -> memref<128xf32, #tpu.memory_space<hbm>>
      %dma_start3A_765 = arith.constant 0 : i32
      %dma_start3A_766 = tpu.memref_slice %arg10[%run_scoped3A_746, %dma_start3A_765] : memref<8x128xf32, #tpu.memory_space<vmem>> -> memref<1x128xf32, #tpu.memory_space<vmem>>
      %dma_start3A_767 = tpu.memref_squeeze %dma_start3A_766 : memref<1x128xf32, #tpu.memory_space<vmem>> -> memref<128xf32, #tpu.memory_space<vmem>>
      tpu.enqueue_dma source(%dma_start3A_767 : memref<128xf32, #tpu.memory_space<vmem>>) target(%dma_start3A_764 : memref<128xf32, #tpu.memory_space<hbm>>) target_semaphore(%run_scoped3A_757 : memref<!tpu.dma_semaphore, #tpu.memory_space<semaphore_mem>>)
      %dma_wait3A_768 = arith.constant 0 : i32
      %dma_wait3A_769 = tpu.memref_slice %arg10[%run_scoped3A_746, %dma_wait3A_768] : memref<8x128xf32, #tpu.memory_space<vmem>> -> memref<1x128xf32, #tpu.memory_space<vmem>>
      %dma_wait3A_770 = tpu.memref_squeeze %dma_wait3A_769 : memref<1x128xf32, #tpu.memory_space<vmem>> -> memref<128xf32, #tpu.memory_space<vmem>>
      %dma_wait3A_771 = tpu.memref_slice %arg5[%arg0, %add3A_745] : memref<2x16384xf32, #tpu.memory_space<hbm>> -> memref<1x128xf32, #tpu.memory_space<hbm>>
      %dma_wait3A_772 = tpu.memref_squeeze %dma_wait3A_771 : memref<1x128xf32, #tpu.memory_space<hbm>> -> memref<128xf32, #tpu.memory_space<hbm>>
      %dma_wait3A_773 = tpu.memref_slice %arg5[%arg0, %add3A_745] : memref<2x16384xf32, #tpu.memory_space<hbm>> -> memref<1x128xf32, #tpu.memory_space<hbm>>
      %dma_wait3A_774 = tpu.memref_squeeze %dma_wait3A_773 : memref<1x128xf32, #tpu.memory_space<hbm>> -> memref<128xf32, #tpu.memory_space<hbm>>
      %dma_wait3A_775 = arith.constant 0 : i32
      %dma_wait3A_776 = tpu.memref_slice %arg10[%run_scoped3A_746, %dma_wait3A_775] : memref<8x128xf32, #tpu.memory_space<vmem>> -> memref<1x128xf32, #tpu.memory_space<vmem>>
      %dma_wait3A_777 = tpu.memref_squeeze %dma_wait3A_776 : memref<1x128xf32, #tpu.memory_space<vmem>> -> memref<128xf32, #tpu.memory_space<vmem>>
      tpu.wait_dma2 semaphore(%run_scoped3A_757 : memref<!tpu.dma_semaphore, #tpu.memory_space<semaphore_mem>>) src(%dma_wait3A_777 : memref<128xf32, #tpu.memory_space<vmem>>) dst(%dma_wait3A_774 : memref<128xf32, #tpu.memory_space<hbm>>)
      tpu.yield
    }) : () -> ()
    %mul3A_747 = arith.constant 1024 : i32
    %mul3A_748 = arith.muli %arg1, %mul3A_747 : i32
    %add3A_749 = arith.constant 768 : i32
    %add3A_750 = arith.addi %mul3A_748, %add3A_749 : i32
    %run_scoped3A_751 = arith.constant 6 : i32
    "tpu.region"() ({
      %run_scoped3A_757 = tpu.sem_alloc : memref<!tpu.dma_semaphore, #tpu.memory_space<semaphore_mem>>
      %dma_start3A_758 = arith.constant 0 : i32
      %dma_start3A_759 = tpu.memref_slice %arg10[%run_scoped3A_751, %dma_start3A_758] : memref<8x128xf32, #tpu.memory_space<vmem>> -> memref<1x128xf32, #tpu.memory_space<vmem>>
      %dma_start3A_760 = tpu.memref_squeeze %dma_start3A_759 : memref<1x128xf32, #tpu.memory_space<vmem>> -> memref<128xf32, #tpu.memory_space<vmem>>
      %dma_start3A_761 = tpu.memref_slice %arg5[%arg0, %add3A_750] : memref<2x16384xf32, #tpu.memory_space<hbm>> -> memref<1x128xf32, #tpu.memory_space<hbm>>
      %dma_start3A_762 = tpu.memref_squeeze %dma_start3A_761 : memref<1x128xf32, #tpu.memory_space<hbm>> -> memref<128xf32, #tpu.memory_space<hbm>>
      %dma_start3A_763 = tpu.memref_slice %arg5[%arg0, %add3A_750] : memref<2x16384xf32, #tpu.memory_space<hbm>> -> memref<1x128xf32, #tpu.memory_space<hbm>>
      %dma_start3A_764 = tpu.memref_squeeze %dma_start3A_763 : memref<1x128xf32, #tpu.memory_space<hbm>> -> memref<128xf32, #tpu.memory_space<hbm>>
      %dma_start3A_765 = arith.constant 0 : i32
      %dma_start3A_766 = tpu.memref_slice %arg10[%run_scoped3A_751, %dma_start3A_765] : memref<8x128xf32, #tpu.memory_space<vmem>> -> memref<1x128xf32, #tpu.memory_space<vmem>>
      %dma_start3A_767 = tpu.memref_squeeze %dma_start3A_766 : memref<1x128xf32, #tpu.memory_space<vmem>> -> memref<128xf32, #tpu.memory_space<vmem>>
      tpu.enqueue_dma source(%dma_start3A_767 : memref<128xf32, #tpu.memory_space<vmem>>) target(%dma_start3A_764 : memref<128xf32, #tpu.memory_space<hbm>>) target_semaphore(%run_scoped3A_757 : memref<!tpu.dma_semaphore, #tpu.memory_space<semaphore_mem>>)
      %dma_wait3A_768 = arith.constant 0 : i32
      %dma_wait3A_769 = tpu.memref_slice %arg10[%run_scoped3A_751, %dma_wait3A_768] : memref<8x128xf32, #tpu.memory_space<vmem>> -> memref<1x128xf32, #tpu.memory_space<vmem>>
      %dma_wait3A_770 = tpu.memref_squeeze %dma_wait3A_769 : memref<1x128xf32, #tpu.memory_space<vmem>> -> memref<128xf32, #tpu.memory_space<vmem>>
      %dma_wait3A_771 = tpu.memref_slice %arg5[%arg0, %add3A_750] : memref<2x16384xf32, #tpu.memory_space<hbm>> -> memref<1x128xf32, #tpu.memory_space<hbm>>
      %dma_wait3A_772 = tpu.memref_squeeze %dma_wait3A_771 : memref<1x128xf32, #tpu.memory_space<hbm>> -> memref<128xf32, #tpu.memory_space<hbm>>
      %dma_wait3A_773 = tpu.memref_slice %arg5[%arg0, %add3A_750] : memref<2x16384xf32, #tpu.memory_space<hbm>> -> memref<1x128xf32, #tpu.memory_space<hbm>>
      %dma_wait3A_774 = tpu.memref_squeeze %dma_wait3A_773 : memref<1x128xf32, #tpu.memory_space<hbm>> -> memref<128xf32, #tpu.memory_space<hbm>>
      %dma_wait3A_775 = arith.constant 0 : i32
      %dma_wait3A_776 = tpu.memref_slice %arg10[%run_scoped3A_751, %dma_wait3A_775] : memref<8x128xf32, #tpu.memory_space<vmem>> -> memref<1x128xf32, #tpu.memory_space<vmem>>
      %dma_wait3A_777 = tpu.memref_squeeze %dma_wait3A_776 : memref<1x128xf32, #tpu.memory_space<vmem>> -> memref<128xf32, #tpu.memory_space<vmem>>
      tpu.wait_dma2 semaphore(%run_scoped3A_757 : memref<!tpu.dma_semaphore, #tpu.memory_space<semaphore_mem>>) src(%dma_wait3A_777 : memref<128xf32, #tpu.memory_space<vmem>>) dst(%dma_wait3A_774 : memref<128xf32, #tpu.memory_space<hbm>>)
      tpu.yield
    }) : () -> ()
    %mul3A_752 = arith.constant 1024 : i32
    %mul3A_753 = arith.muli %arg1, %mul3A_752 : i32
    %add3A_754 = arith.constant 896 : i32
    %add3A_755 = arith.addi %mul3A_753, %add3A_754 : i32
    %run_scoped3A_756 = arith.constant 7 : i32
    "tpu.region"() ({
      %run_scoped3A_757 = tpu.sem_alloc : memref<!tpu.dma_semaphore, #tpu.memory_space<semaphore_mem>>
      %dma_start3A_758 = arith.constant 0 : i32
      %dma_start3A_759 = tpu.memref_slice %arg10[%run_scoped3A_756, %dma_start3A_758] : memref<8x128xf32, #tpu.memory_space<vmem>> -> memref<1x128xf32, #tpu.memory_space<vmem>>
      %dma_start3A_760 = tpu.memref_squeeze %dma_start3A_759 : memref<1x128xf32, #tpu.memory_space<vmem>> -> memref<128xf32, #tpu.memory_space<vmem>>
      %dma_start3A_761 = tpu.memref_slice %arg5[%arg0, %add3A_755] : memref<2x16384xf32, #tpu.memory_space<hbm>> -> memref<1x128xf32, #tpu.memory_space<hbm>>
      %dma_start3A_762 = tpu.memref_squeeze %dma_start3A_761 : memref<1x128xf32, #tpu.memory_space<hbm>> -> memref<128xf32, #tpu.memory_space<hbm>>
      %dma_start3A_763 = tpu.memref_slice %arg5[%arg0, %add3A_755] : memref<2x16384xf32, #tpu.memory_space<hbm>> -> memref<1x128xf32, #tpu.memory_space<hbm>>
      %dma_start3A_764 = tpu.memref_squeeze %dma_start3A_763 : memref<1x128xf32, #tpu.memory_space<hbm>> -> memref<128xf32, #tpu.memory_space<hbm>>
      %dma_start3A_765 = arith.constant 0 : i32
      %dma_start3A_766 = tpu.memref_slice %arg10[%run_scoped3A_756, %dma_start3A_765] : memref<8x128xf32, #tpu.memory_space<vmem>> -> memref<1x128xf32, #tpu.memory_space<vmem>>
      %dma_start3A_767 = tpu.memref_squeeze %dma_start3A_766 : memref<1x128xf32, #tpu.memory_space<vmem>> -> memref<128xf32, #tpu.memory_space<vmem>>
      tpu.enqueue_dma source(%dma_start3A_767 : memref<128xf32, #tpu.memory_space<vmem>>) target(%dma_start3A_764 : memref<128xf32, #tpu.memory_space<hbm>>) target_semaphore(%run_scoped3A_757 : memref<!tpu.dma_semaphore, #tpu.memory_space<semaphore_mem>>)
      %dma_wait3A_768 = arith.constant 0 : i32
      %dma_wait3A_769 = tpu.memref_slice %arg10[%run_scoped3A_756, %dma_wait3A_768] : memref<8x128xf32, #tpu.memory_space<vmem>> -> memref<1x128xf32, #tpu.memory_space<vmem>>
      %dma_wait3A_770 = tpu.memref_squeeze %dma_wait3A_769 : memref<1x128xf32, #tpu.memory_space<vmem>> -> memref<128xf32, #tpu.memory_space<vmem>>
      %dma_wait3A_771 = tpu.memref_slice %arg5[%arg0, %add3A_755] : memref<2x16384xf32, #tpu.memory_space<hbm>> -> memref<1x128xf32, #tpu.memory_space<hbm>>
      %dma_wait3A_772 = tpu.memref_squeeze %dma_wait3A_771 : memref<1x128xf32, #tpu.memory_space<hbm>> -> memref<128xf32, #tpu.memory_space<hbm>>
      %dma_wait3A_773 = tpu.memref_slice %arg5[%arg0, %add3A_755] : memref<2x16384xf32, #tpu.memory_space<hbm>> -> memref<1x128xf32, #tpu.memory_space<hbm>>
      %dma_wait3A_774 = tpu.memref_squeeze %dma_wait3A_773 : memref<1x128xf32, #tpu.memory_space<hbm>> -> memref<128xf32, #tpu.memory_space<hbm>>
      %dma_wait3A_775 = arith.constant 0 : i32
      %dma_wait3A_776 = tpu.memref_slice %arg10[%run_scoped3A_756, %dma_wait3A_775] : memref<8x128xf32, #tpu.memory_space<vmem>> -> memref<1x128xf32, #tpu.memory_space<vmem>>
      %dma_wait3A_777 = tpu.memref_squeeze %dma_wait3A_776 : memref<1x128xf32, #tpu.memory_space<vmem>> -> memref<128xf32, #tpu.memory_space<vmem>>
      tpu.wait_dma2 semaphore(%run_scoped3A_757 : memref<!tpu.dma_semaphore, #tpu.memory_space<semaphore_mem>>) src(%dma_wait3A_777 : memref<128xf32, #tpu.memory_space<vmem>>) dst(%dma_wait3A_774 : memref<128xf32, #tpu.memory_space<hbm>>)
      tpu.yield
    }) : () -> ()
    return
  }
}

#map = affine_map<(d0, d1) -> (0, 0)>
#map1 = affine_map<(d0, d1) -> (0)>
module attributes {stable_mosaic.version = 14 : i64} {
  func.func @combine_kernel(%arg0: i32, %arg1: i32, %arg2: memref<2x16384xf32, #tpu.memory_space<hbm>>, %arg3: memref<16384xf32, #tpu.memory_space<hbm>>, %arg4: memref<4x128xf32, #tpu.memory_space<vmem>>, %arg5: memref<4x128xf32, #tpu.memory_space<vmem>>, %arg6: memref<4x128xf32, #tpu.memory_space<vmem>>, %arg7: memref<!tpu.dma_semaphore, #tpu.memory_space<semaphore_mem>>) attributes {dimension_semantics = [#tpu.dimension_semantics<core_parallel>, #tpu.dimension_semantics<subcore_parallel>], iteration_bounds = array<i64: 2, 16>, scalar_prefetch = 0 : i64, scratch_operands = 4 : i64, tpu.core_type = #tpu.core_type<sc_vector_subcore>, window_params = [{transform_indices = #map}, {transform_indices = #map1}]} {
    %mul3A = arith.constant 2 : i32
    %mul3A_0 = arith.muli %arg1, %mul3A : i32
    %add3A = arith.addi %mul3A_0, %arg0 : i32
    %mul3A_1 = arith.constant 512 : i32
    %mul3A_2 = arith.muli %add3A, %mul3A_1 : i32
    %add3A_3 = arith.constant 0 : i32
    %add3A_4 = arith.addi %mul3A_2, %add3A_3 : i32
    %dma_start3A = arith.constant 0 : i32
    %dma_start3A_5 = arith.constant 0 : i32
    %dma_start3A_6 = arith.constant 0 : i32
    %dma_start3A_7 = tpu.memref_slice %arg4[%dma_start3A_5, %dma_start3A_6] : memref<4x128xf32, #tpu.memory_space<vmem>> -> memref<1x128xf32, #tpu.memory_space<vmem>>
    %dma_start3A_8 = tpu.memref_squeeze %dma_start3A_7 : memref<1x128xf32, #tpu.memory_space<vmem>> -> memref<128xf32, #tpu.memory_space<vmem>>
    %dma_start3A_9 = tpu.memref_slice %arg2[%dma_start3A, %add3A_4] : memref<2x16384xf32, #tpu.memory_space<hbm>> -> memref<1x128xf32, #tpu.memory_space<hbm>>
    %dma_start3A_10 = tpu.memref_squeeze %dma_start3A_9 : memref<1x128xf32, #tpu.memory_space<hbm>> -> memref<128xf32, #tpu.memory_space<hbm>>
    %dma_start3A_11 = arith.constant 0 : i32
    %dma_start3A_12 = tpu.memref_slice %arg4[%dma_start3A_5, %dma_start3A_11] : memref<4x128xf32, #tpu.memory_space<vmem>> -> memref<1x128xf32, #tpu.memory_space<vmem>>
    %dma_start3A_13 = tpu.memref_squeeze %dma_start3A_12 : memref<1x128xf32, #tpu.memory_space<vmem>> -> memref<128xf32, #tpu.memory_space<vmem>>
    %dma_start3A_14 = tpu.memref_slice %arg2[%dma_start3A, %add3A_4] : memref<2x16384xf32, #tpu.memory_space<hbm>> -> memref<1x128xf32, #tpu.memory_space<hbm>>
    %dma_start3A_15 = tpu.memref_squeeze %dma_start3A_14 : memref<1x128xf32, #tpu.memory_space<hbm>> -> memref<128xf32, #tpu.memory_space<hbm>>
    tpu.enqueue_dma source(%dma_start3A_15 : memref<128xf32, #tpu.memory_space<hbm>>) target(%dma_start3A_13 : memref<128xf32, #tpu.memory_space<vmem>>) target_semaphore(%arg7 : memref<!tpu.dma_semaphore, #tpu.memory_space<semaphore_mem>>)
    %add3A_16 = arith.constant 0 : i32
    %add3A_17 = arith.addi %mul3A_2, %add3A_16 : i32
    %dma_start3A_18 = arith.constant 1 : i32
    %dma_start3A_19 = arith.constant 0 : i32
    %dma_start3A_20 = arith.constant 0 : i32
    %dma_start3A_21 = tpu.memref_slice %arg5[%dma_start3A_19, %dma_start3A_20] : memref<4x128xf32, #tpu.memory_space<vmem>> -> memref<1x128xf32, #tpu.memory_space<vmem>>
    %dma_start3A_22 = tpu.memref_squeeze %dma_start3A_21 : memref<1x128xf32, #tpu.memory_space<vmem>> -> memref<128xf32, #tpu.memory_space<vmem>>
    %dma_start3A_23 = tpu.memref_slice %arg2[%dma_start3A_18, %add3A_17] : memref<2x16384xf32, #tpu.memory_space<hbm>> -> memref<1x128xf32, #tpu.memory_space<hbm>>
    %dma_start3A_24 = tpu.memref_squeeze %dma_start3A_23 : memref<1x128xf32, #tpu.memory_space<hbm>> -> memref<128xf32, #tpu.memory_space<hbm>>
    %dma_start3A_25 = arith.constant 0 : i32
    %dma_start3A_26 = tpu.memref_slice %arg5[%dma_start3A_19, %dma_start3A_25] : memref<4x128xf32, #tpu.memory_space<vmem>> -> memref<1x128xf32, #tpu.memory_space<vmem>>
    %dma_start3A_27 = tpu.memref_squeeze %dma_start3A_26 : memref<1x128xf32, #tpu.memory_space<vmem>> -> memref<128xf32, #tpu.memory_space<vmem>>
    %dma_start3A_28 = tpu.memref_slice %arg2[%dma_start3A_18, %add3A_17] : memref<2x16384xf32, #tpu.memory_space<hbm>> -> memref<1x128xf32, #tpu.memory_space<hbm>>
    %dma_start3A_29 = tpu.memref_squeeze %dma_start3A_28 : memref<1x128xf32, #tpu.memory_space<hbm>> -> memref<128xf32, #tpu.memory_space<hbm>>
    tpu.enqueue_dma source(%dma_start3A_29 : memref<128xf32, #tpu.memory_space<hbm>>) target(%dma_start3A_27 : memref<128xf32, #tpu.memory_space<vmem>>) target_semaphore(%arg7 : memref<!tpu.dma_semaphore, #tpu.memory_space<semaphore_mem>>)
    %add3A_30 = arith.constant 128 : i32
    %add3A_31 = arith.addi %mul3A_2, %add3A_30 : i32
    %dma_start3A_32 = arith.constant 0 : i32
    %dma_start3A_33 = arith.constant 1 : i32
    %dma_start3A_34 = arith.constant 0 : i32
    %dma_start3A_35 = tpu.memref_slice %arg4[%dma_start3A_33, %dma_start3A_34] : memref<4x128xf32, #tpu.memory_space<vmem>> -> memref<1x128xf32, #tpu.memory_space<vmem>>
    %dma_start3A_36 = tpu.memref_squeeze %dma_start3A_35 : memref<1x128xf32, #tpu.memory_space<vmem>> -> memref<128xf32, #tpu.memory_space<vmem>>
    %dma_start3A_37 = tpu.memref_slice %arg2[%dma_start3A_32, %add3A_31] : memref<2x16384xf32, #tpu.memory_space<hbm>> -> memref<1x128xf32, #tpu.memory_space<hbm>>
    %dma_start3A_38 = tpu.memref_squeeze %dma_start3A_37 : memref<1x128xf32, #tpu.memory_space<hbm>> -> memref<128xf32, #tpu.memory_space<hbm>>
    %dma_start3A_39 = arith.constant 0 : i32
    %dma_start3A_40 = tpu.memref_slice %arg4[%dma_start3A_33, %dma_start3A_39] : memref<4x128xf32, #tpu.memory_space<vmem>> -> memref<1x128xf32, #tpu.memory_space<vmem>>
    %dma_start3A_41 = tpu.memref_squeeze %dma_start3A_40 : memref<1x128xf32, #tpu.memory_space<vmem>> -> memref<128xf32, #tpu.memory_space<vmem>>
    %dma_start3A_42 = tpu.memref_slice %arg2[%dma_start3A_32, %add3A_31] : memref<2x16384xf32, #tpu.memory_space<hbm>> -> memref<1x128xf32, #tpu.memory_space<hbm>>
    %dma_start3A_43 = tpu.memref_squeeze %dma_start3A_42 : memref<1x128xf32, #tpu.memory_space<hbm>> -> memref<128xf32, #tpu.memory_space<hbm>>
    tpu.enqueue_dma source(%dma_start3A_43 : memref<128xf32, #tpu.memory_space<hbm>>) target(%dma_start3A_41 : memref<128xf32, #tpu.memory_space<vmem>>) target_semaphore(%arg7 : memref<!tpu.dma_semaphore, #tpu.memory_space<semaphore_mem>>)
    %add3A_44 = arith.constant 128 : i32
    %add3A_45 = arith.addi %mul3A_2, %add3A_44 : i32
    %dma_start3A_46 = arith.constant 1 : i32
    %dma_start3A_47 = arith.constant 1 : i32
    %dma_start3A_48 = arith.constant 0 : i32
    %dma_start3A_49 = tpu.memref_slice %arg5[%dma_start3A_47, %dma_start3A_48] : memref<4x128xf32, #tpu.memory_space<vmem>> -> memref<1x128xf32, #tpu.memory_space<vmem>>
    %dma_start3A_50 = tpu.memref_squeeze %dma_start3A_49 : memref<1x128xf32, #tpu.memory_space<vmem>> -> memref<128xf32, #tpu.memory_space<vmem>>
    %dma_start3A_51 = tpu.memref_slice %arg2[%dma_start3A_46, %add3A_45] : memref<2x16384xf32, #tpu.memory_space<hbm>> -> memref<1x128xf32, #tpu.memory_space<hbm>>
    %dma_start3A_52 = tpu.memref_squeeze %dma_start3A_51 : memref<1x128xf32, #tpu.memory_space<hbm>> -> memref<128xf32, #tpu.memory_space<hbm>>
    %dma_start3A_53 = arith.constant 0 : i32
    %dma_start3A_54 = tpu.memref_slice %arg5[%dma_start3A_47, %dma_start3A_53] : memref<4x128xf32, #tpu.memory_space<vmem>> -> memref<1x128xf32, #tpu.memory_space<vmem>>
    %dma_start3A_55 = tpu.memref_squeeze %dma_start3A_54 : memref<1x128xf32, #tpu.memory_space<vmem>> -> memref<128xf32, #tpu.memory_space<vmem>>
    %dma_start3A_56 = tpu.memref_slice %arg2[%dma_start3A_46, %add3A_45] : memref<2x16384xf32, #tpu.memory_space<hbm>> -> memref<1x128xf32, #tpu.memory_space<hbm>>
    %dma_start3A_57 = tpu.memref_squeeze %dma_start3A_56 : memref<1x128xf32, #tpu.memory_space<hbm>> -> memref<128xf32, #tpu.memory_space<hbm>>
    tpu.enqueue_dma source(%dma_start3A_57 : memref<128xf32, #tpu.memory_space<hbm>>) target(%dma_start3A_55 : memref<128xf32, #tpu.memory_space<vmem>>) target_semaphore(%arg7 : memref<!tpu.dma_semaphore, #tpu.memory_space<semaphore_mem>>)
    %add3A_58 = arith.constant 256 : i32
    %add3A_59 = arith.addi %mul3A_2, %add3A_58 : i32
    %dma_start3A_60 = arith.constant 0 : i32
    %dma_start3A_61 = arith.constant 2 : i32
    %dma_start3A_62 = arith.constant 0 : i32
    %dma_start3A_63 = tpu.memref_slice %arg4[%dma_start3A_61, %dma_start3A_62] : memref<4x128xf32, #tpu.memory_space<vmem>> -> memref<1x128xf32, #tpu.memory_space<vmem>>
    %dma_start3A_64 = tpu.memref_squeeze %dma_start3A_63 : memref<1x128xf32, #tpu.memory_space<vmem>> -> memref<128xf32, #tpu.memory_space<vmem>>
    %dma_start3A_65 = tpu.memref_slice %arg2[%dma_start3A_60, %add3A_59] : memref<2x16384xf32, #tpu.memory_space<hbm>> -> memref<1x128xf32, #tpu.memory_space<hbm>>
    %dma_start3A_66 = tpu.memref_squeeze %dma_start3A_65 : memref<1x128xf32, #tpu.memory_space<hbm>> -> memref<128xf32, #tpu.memory_space<hbm>>
    %dma_start3A_67 = arith.constant 0 : i32
    %dma_start3A_68 = tpu.memref_slice %arg4[%dma_start3A_61, %dma_start3A_67] : memref<4x128xf32, #tpu.memory_space<vmem>> -> memref<1x128xf32, #tpu.memory_space<vmem>>
    %dma_start3A_69 = tpu.memref_squeeze %dma_start3A_68 : memref<1x128xf32, #tpu.memory_space<vmem>> -> memref<128xf32, #tpu.memory_space<vmem>>
    %dma_start3A_70 = tpu.memref_slice %arg2[%dma_start3A_60, %add3A_59] : memref<2x16384xf32, #tpu.memory_space<hbm>> -> memref<1x128xf32, #tpu.memory_space<hbm>>
    %dma_start3A_71 = tpu.memref_squeeze %dma_start3A_70 : memref<1x128xf32, #tpu.memory_space<hbm>> -> memref<128xf32, #tpu.memory_space<hbm>>
    tpu.enqueue_dma source(%dma_start3A_71 : memref<128xf32, #tpu.memory_space<hbm>>) target(%dma_start3A_69 : memref<128xf32, #tpu.memory_space<vmem>>) target_semaphore(%arg7 : memref<!tpu.dma_semaphore, #tpu.memory_space<semaphore_mem>>)
    %add3A_72 = arith.constant 256 : i32
    %add3A_73 = arith.addi %mul3A_2, %add3A_72 : i32
    %dma_start3A_74 = arith.constant 1 : i32
    %dma_start3A_75 = arith.constant 2 : i32
    %dma_start3A_76 = arith.constant 0 : i32
    %dma_start3A_77 = tpu.memref_slice %arg5[%dma_start3A_75, %dma_start3A_76] : memref<4x128xf32, #tpu.memory_space<vmem>> -> memref<1x128xf32, #tpu.memory_space<vmem>>
    %dma_start3A_78 = tpu.memref_squeeze %dma_start3A_77 : memref<1x128xf32, #tpu.memory_space<vmem>> -> memref<128xf32, #tpu.memory_space<vmem>>
    %dma_start3A_79 = tpu.memref_slice %arg2[%dma_start3A_74, %add3A_73] : memref<2x16384xf32, #tpu.memory_space<hbm>> -> memref<1x128xf32, #tpu.memory_space<hbm>>
    %dma_start3A_80 = tpu.memref_squeeze %dma_start3A_79 : memref<1x128xf32, #tpu.memory_space<hbm>> -> memref<128xf32, #tpu.memory_space<hbm>>
    %dma_start3A_81 = arith.constant 0 : i32
    %dma_start3A_82 = tpu.memref_slice %arg5[%dma_start3A_75, %dma_start3A_81] : memref<4x128xf32, #tpu.memory_space<vmem>> -> memref<1x128xf32, #tpu.memory_space<vmem>>
    %dma_start3A_83 = tpu.memref_squeeze %dma_start3A_82 : memref<1x128xf32, #tpu.memory_space<vmem>> -> memref<128xf32, #tpu.memory_space<vmem>>
    %dma_start3A_84 = tpu.memref_slice %arg2[%dma_start3A_74, %add3A_73] : memref<2x16384xf32, #tpu.memory_space<hbm>> -> memref<1x128xf32, #tpu.memory_space<hbm>>
    %dma_start3A_85 = tpu.memref_squeeze %dma_start3A_84 : memref<1x128xf32, #tpu.memory_space<hbm>> -> memref<128xf32, #tpu.memory_space<hbm>>
    tpu.enqueue_dma source(%dma_start3A_85 : memref<128xf32, #tpu.memory_space<hbm>>) target(%dma_start3A_83 : memref<128xf32, #tpu.memory_space<vmem>>) target_semaphore(%arg7 : memref<!tpu.dma_semaphore, #tpu.memory_space<semaphore_mem>>)
    %add3A_86 = arith.constant 384 : i32
    %add3A_87 = arith.addi %mul3A_2, %add3A_86 : i32
    %dma_start3A_88 = arith.constant 0 : i32
    %dma_start3A_89 = arith.constant 3 : i32
    %dma_start3A_90 = arith.constant 0 : i32
    %dma_start3A_91 = tpu.memref_slice %arg4[%dma_start3A_89, %dma_start3A_90] : memref<4x128xf32, #tpu.memory_space<vmem>> -> memref<1x128xf32, #tpu.memory_space<vmem>>
    %dma_start3A_92 = tpu.memref_squeeze %dma_start3A_91 : memref<1x128xf32, #tpu.memory_space<vmem>> -> memref<128xf32, #tpu.memory_space<vmem>>
    %dma_start3A_93 = tpu.memref_slice %arg2[%dma_start3A_88, %add3A_87] : memref<2x16384xf32, #tpu.memory_space<hbm>> -> memref<1x128xf32, #tpu.memory_space<hbm>>
    %dma_start3A_94 = tpu.memref_squeeze %dma_start3A_93 : memref<1x128xf32, #tpu.memory_space<hbm>> -> memref<128xf32, #tpu.memory_space<hbm>>
    %dma_start3A_95 = arith.constant 0 : i32
    %dma_start3A_96 = tpu.memref_slice %arg4[%dma_start3A_89, %dma_start3A_95] : memref<4x128xf32, #tpu.memory_space<vmem>> -> memref<1x128xf32, #tpu.memory_space<vmem>>
    %dma_start3A_97 = tpu.memref_squeeze %dma_start3A_96 : memref<1x128xf32, #tpu.memory_space<vmem>> -> memref<128xf32, #tpu.memory_space<vmem>>
    %dma_start3A_98 = tpu.memref_slice %arg2[%dma_start3A_88, %add3A_87] : memref<2x16384xf32, #tpu.memory_space<hbm>> -> memref<1x128xf32, #tpu.memory_space<hbm>>
    %dma_start3A_99 = tpu.memref_squeeze %dma_start3A_98 : memref<1x128xf32, #tpu.memory_space<hbm>> -> memref<128xf32, #tpu.memory_space<hbm>>
    tpu.enqueue_dma source(%dma_start3A_99 : memref<128xf32, #tpu.memory_space<hbm>>) target(%dma_start3A_97 : memref<128xf32, #tpu.memory_space<vmem>>) target_semaphore(%arg7 : memref<!tpu.dma_semaphore, #tpu.memory_space<semaphore_mem>>)
    %add3A_100 = arith.constant 384 : i32
    %add3A_101 = arith.addi %mul3A_2, %add3A_100 : i32
    %dma_start3A_102 = arith.constant 1 : i32
    %dma_start3A_103 = arith.constant 3 : i32
    %dma_start3A_104 = arith.constant 0 : i32
    %dma_start3A_105 = tpu.memref_slice %arg5[%dma_start3A_103, %dma_start3A_104] : memref<4x128xf32, #tpu.memory_space<vmem>> -> memref<1x128xf32, #tpu.memory_space<vmem>>
    %dma_start3A_106 = tpu.memref_squeeze %dma_start3A_105 : memref<1x128xf32, #tpu.memory_space<vmem>> -> memref<128xf32, #tpu.memory_space<vmem>>
    %dma_start3A_107 = tpu.memref_slice %arg2[%dma_start3A_102, %add3A_101] : memref<2x16384xf32, #tpu.memory_space<hbm>> -> memref<1x128xf32, #tpu.memory_space<hbm>>
    %dma_start3A_108 = tpu.memref_squeeze %dma_start3A_107 : memref<1x128xf32, #tpu.memory_space<hbm>> -> memref<128xf32, #tpu.memory_space<hbm>>
    %dma_start3A_109 = arith.constant 0 : i32
    %dma_start3A_110 = tpu.memref_slice %arg5[%dma_start3A_103, %dma_start3A_109] : memref<4x128xf32, #tpu.memory_space<vmem>> -> memref<1x128xf32, #tpu.memory_space<vmem>>
    %dma_start3A_111 = tpu.memref_squeeze %dma_start3A_110 : memref<1x128xf32, #tpu.memory_space<vmem>> -> memref<128xf32, #tpu.memory_space<vmem>>
    %dma_start3A_112 = tpu.memref_slice %arg2[%dma_start3A_102, %add3A_101] : memref<2x16384xf32, #tpu.memory_space<hbm>> -> memref<1x128xf32, #tpu.memory_space<hbm>>
    %dma_start3A_113 = tpu.memref_squeeze %dma_start3A_112 : memref<1x128xf32, #tpu.memory_space<hbm>> -> memref<128xf32, #tpu.memory_space<hbm>>
    tpu.enqueue_dma source(%dma_start3A_113 : memref<128xf32, #tpu.memory_space<hbm>>) target(%dma_start3A_111 : memref<128xf32, #tpu.memory_space<vmem>>) target_semaphore(%arg7 : memref<!tpu.dma_semaphore, #tpu.memory_space<semaphore_mem>>)
    %dma_wait3A = arith.constant 0 : i32
    %dma_wait3A_114 = arith.constant 0 : i32
    %dma_wait3A_115 = arith.constant 0 : i32
    %dma_wait3A_116 = tpu.memref_slice %arg4[%dma_wait3A_114, %dma_wait3A_115] : memref<4x128xf32, #tpu.memory_space<vmem>> -> memref<1x128xf32, #tpu.memory_space<vmem>>
    %dma_wait3A_117 = tpu.memref_squeeze %dma_wait3A_116 : memref<1x128xf32, #tpu.memory_space<vmem>> -> memref<128xf32, #tpu.memory_space<vmem>>
    %dma_wait3A_118 = arith.constant 0 : i32
    %dma_wait3A_119 = tpu.memref_slice %arg2[%dma_wait3A, %dma_wait3A_118] : memref<2x16384xf32, #tpu.memory_space<hbm>> -> memref<1x128xf32, #tpu.memory_space<hbm>>
    %dma_wait3A_120 = tpu.memref_squeeze %dma_wait3A_119 : memref<1x128xf32, #tpu.memory_space<hbm>> -> memref<128xf32, #tpu.memory_space<hbm>>
    %dma_wait3A_121 = arith.constant 0 : i32
    %dma_wait3A_122 = tpu.memref_slice %arg4[%dma_wait3A_114, %dma_wait3A_121] : memref<4x128xf32, #tpu.memory_space<vmem>> -> memref<1x128xf32, #tpu.memory_space<vmem>>
    %dma_wait3A_123 = tpu.memref_squeeze %dma_wait3A_122 : memref<1x128xf32, #tpu.memory_space<vmem>> -> memref<128xf32, #tpu.memory_space<vmem>>
    %dma_wait3A_124 = arith.constant 0 : i32
    %dma_wait3A_125 = tpu.memref_slice %arg2[%dma_wait3A, %dma_wait3A_124] : memref<2x16384xf32, #tpu.memory_space<hbm>> -> memref<1x128xf32, #tpu.memory_space<hbm>>
    %dma_wait3A_126 = tpu.memref_squeeze %dma_wait3A_125 : memref<1x128xf32, #tpu.memory_space<hbm>> -> memref<128xf32, #tpu.memory_space<hbm>>
    tpu.wait_dma2 semaphore(%arg7 : memref<!tpu.dma_semaphore, #tpu.memory_space<semaphore_mem>>) src(%dma_wait3A_126 : memref<128xf32, #tpu.memory_space<hbm>>) dst(%dma_wait3A_123 : memref<128xf32, #tpu.memory_space<vmem>>)
    %dma_wait3A_127 = arith.constant 1 : i32
    %dma_wait3A_128 = arith.constant 0 : i32
    %dma_wait3A_129 = arith.constant 0 : i32
    %dma_wait3A_130 = tpu.memref_slice %arg5[%dma_wait3A_128, %dma_wait3A_129] : memref<4x128xf32, #tpu.memory_space<vmem>> -> memref<1x128xf32, #tpu.memory_space<vmem>>
    %dma_wait3A_131 = tpu.memref_squeeze %dma_wait3A_130 : memref<1x128xf32, #tpu.memory_space<vmem>> -> memref<128xf32, #tpu.memory_space<vmem>>
    %dma_wait3A_132 = arith.constant 0 : i32
    %dma_wait3A_133 = tpu.memref_slice %arg2[%dma_wait3A_127, %dma_wait3A_132] : memref<2x16384xf32, #tpu.memory_space<hbm>> -> memref<1x128xf32, #tpu.memory_space<hbm>>
    %dma_wait3A_134 = tpu.memref_squeeze %dma_wait3A_133 : memref<1x128xf32, #tpu.memory_space<hbm>> -> memref<128xf32, #tpu.memory_space<hbm>>
    %dma_wait3A_135 = arith.constant 0 : i32
    %dma_wait3A_136 = tpu.memref_slice %arg5[%dma_wait3A_128, %dma_wait3A_135] : memref<4x128xf32, #tpu.memory_space<vmem>> -> memref<1x128xf32, #tpu.memory_space<vmem>>
    %dma_wait3A_137 = tpu.memref_squeeze %dma_wait3A_136 : memref<1x128xf32, #tpu.memory_space<vmem>> -> memref<128xf32, #tpu.memory_space<vmem>>
    %dma_wait3A_138 = arith.constant 0 : i32
    %dma_wait3A_139 = tpu.memref_slice %arg2[%dma_wait3A_127, %dma_wait3A_138] : memref<2x16384xf32, #tpu.memory_space<hbm>> -> memref<1x128xf32, #tpu.memory_space<hbm>>
    %dma_wait3A_140 = tpu.memref_squeeze %dma_wait3A_139 : memref<1x128xf32, #tpu.memory_space<hbm>> -> memref<128xf32, #tpu.memory_space<hbm>>
    tpu.wait_dma2 semaphore(%arg7 : memref<!tpu.dma_semaphore, #tpu.memory_space<semaphore_mem>>) src(%dma_wait3A_140 : memref<128xf32, #tpu.memory_space<hbm>>) dst(%dma_wait3A_137 : memref<128xf32, #tpu.memory_space<vmem>>)
    %dma_wait3A_141 = arith.constant 0 : i32
    %dma_wait3A_142 = arith.constant 1 : i32
    %dma_wait3A_143 = arith.constant 0 : i32
    %dma_wait3A_144 = tpu.memref_slice %arg4[%dma_wait3A_142, %dma_wait3A_143] : memref<4x128xf32, #tpu.memory_space<vmem>> -> memref<1x128xf32, #tpu.memory_space<vmem>>
    %dma_wait3A_145 = tpu.memref_squeeze %dma_wait3A_144 : memref<1x128xf32, #tpu.memory_space<vmem>> -> memref<128xf32, #tpu.memory_space<vmem>>
    %dma_wait3A_146 = arith.constant 0 : i32
    %dma_wait3A_147 = tpu.memref_slice %arg2[%dma_wait3A_141, %dma_wait3A_146] : memref<2x16384xf32, #tpu.memory_space<hbm>> -> memref<1x128xf32, #tpu.memory_space<hbm>>
    %dma_wait3A_148 = tpu.memref_squeeze %dma_wait3A_147 : memref<1x128xf32, #tpu.memory_space<hbm>> -> memref<128xf32, #tpu.memory_space<hbm>>
    %dma_wait3A_149 = arith.constant 0 : i32
    %dma_wait3A_150 = tpu.memref_slice %arg4[%dma_wait3A_142, %dma_wait3A_149] : memref<4x128xf32, #tpu.memory_space<vmem>> -> memref<1x128xf32, #tpu.memory_space<vmem>>
    %dma_wait3A_151 = tpu.memref_squeeze %dma_wait3A_150 : memref<1x128xf32, #tpu.memory_space<vmem>> -> memref<128xf32, #tpu.memory_space<vmem>>
    %dma_wait3A_152 = arith.constant 0 : i32
    %dma_wait3A_153 = tpu.memref_slice %arg2[%dma_wait3A_141, %dma_wait3A_152] : memref<2x16384xf32, #tpu.memory_space<hbm>> -> memref<1x128xf32, #tpu.memory_space<hbm>>
    %dma_wait3A_154 = tpu.memref_squeeze %dma_wait3A_153 : memref<1x128xf32, #tpu.memory_space<hbm>> -> memref<128xf32, #tpu.memory_space<hbm>>
    tpu.wait_dma2 semaphore(%arg7 : memref<!tpu.dma_semaphore, #tpu.memory_space<semaphore_mem>>) src(%dma_wait3A_154 : memref<128xf32, #tpu.memory_space<hbm>>) dst(%dma_wait3A_151 : memref<128xf32, #tpu.memory_space<vmem>>)
    %dma_wait3A_155 = arith.constant 1 : i32
    %dma_wait3A_156 = arith.constant 1 : i32
    %dma_wait3A_157 = arith.constant 0 : i32
    %dma_wait3A_158 = tpu.memref_slice %arg5[%dma_wait3A_156, %dma_wait3A_157] : memref<4x128xf32, #tpu.memory_space<vmem>> -> memref<1x128xf32, #tpu.memory_space<vmem>>
    %dma_wait3A_159 = tpu.memref_squeeze %dma_wait3A_158 : memref<1x128xf32, #tpu.memory_space<vmem>> -> memref<128xf32, #tpu.memory_space<vmem>>
    %dma_wait3A_160 = arith.constant 0 : i32
    %dma_wait3A_161 = tpu.memref_slice %arg2[%dma_wait3A_155, %dma_wait3A_160] : memref<2x16384xf32, #tpu.memory_space<hbm>> -> memref<1x128xf32, #tpu.memory_space<hbm>>
    %dma_wait3A_162 = tpu.memref_squeeze %dma_wait3A_161 : memref<1x128xf32, #tpu.memory_space<hbm>> -> memref<128xf32, #tpu.memory_space<hbm>>
    %dma_wait3A_163 = arith.constant 0 : i32
    %dma_wait3A_164 = tpu.memref_slice %arg5[%dma_wait3A_156, %dma_wait3A_163] : memref<4x128xf32, #tpu.memory_space<vmem>> -> memref<1x128xf32, #tpu.memory_space<vmem>>
    %dma_wait3A_165 = tpu.memref_squeeze %dma_wait3A_164 : memref<1x128xf32, #tpu.memory_space<vmem>> -> memref<128xf32, #tpu.memory_space<vmem>>
    %dma_wait3A_166 = arith.constant 0 : i32
    %dma_wait3A_167 = tpu.memref_slice %arg2[%dma_wait3A_155, %dma_wait3A_166] : memref<2x16384xf32, #tpu.memory_space<hbm>> -> memref<1x128xf32, #tpu.memory_space<hbm>>
    %dma_wait3A_168 = tpu.memref_squeeze %dma_wait3A_167 : memref<1x128xf32, #tpu.memory_space<hbm>> -> memref<128xf32, #tpu.memory_space<hbm>>
    tpu.wait_dma2 semaphore(%arg7 : memref<!tpu.dma_semaphore, #tpu.memory_space<semaphore_mem>>) src(%dma_wait3A_168 : memref<128xf32, #tpu.memory_space<hbm>>) dst(%dma_wait3A_165 : memref<128xf32, #tpu.memory_space<vmem>>)
    %dma_wait3A_169 = arith.constant 0 : i32
    %dma_wait3A_170 = arith.constant 2 : i32
    %dma_wait3A_171 = arith.constant 0 : i32
    %dma_wait3A_172 = tpu.memref_slice %arg4[%dma_wait3A_170, %dma_wait3A_171] : memref<4x128xf32, #tpu.memory_space<vmem>> -> memref<1x128xf32, #tpu.memory_space<vmem>>
    %dma_wait3A_173 = tpu.memref_squeeze %dma_wait3A_172 : memref<1x128xf32, #tpu.memory_space<vmem>> -> memref<128xf32, #tpu.memory_space<vmem>>
    %dma_wait3A_174 = arith.constant 0 : i32
    %dma_wait3A_175 = tpu.memref_slice %arg2[%dma_wait3A_169, %dma_wait3A_174] : memref<2x16384xf32, #tpu.memory_space<hbm>> -> memref<1x128xf32, #tpu.memory_space<hbm>>
    %dma_wait3A_176 = tpu.memref_squeeze %dma_wait3A_175 : memref<1x128xf32, #tpu.memory_space<hbm>> -> memref<128xf32, #tpu.memory_space<hbm>>
    %dma_wait3A_177 = arith.constant 0 : i32
    %dma_wait3A_178 = tpu.memref_slice %arg4[%dma_wait3A_170, %dma_wait3A_177] : memref<4x128xf32, #tpu.memory_space<vmem>> -> memref<1x128xf32, #tpu.memory_space<vmem>>
    %dma_wait3A_179 = tpu.memref_squeeze %dma_wait3A_178 : memref<1x128xf32, #tpu.memory_space<vmem>> -> memref<128xf32, #tpu.memory_space<vmem>>
    %dma_wait3A_180 = arith.constant 0 : i32
    %dma_wait3A_181 = tpu.memref_slice %arg2[%dma_wait3A_169, %dma_wait3A_180] : memref<2x16384xf32, #tpu.memory_space<hbm>> -> memref<1x128xf32, #tpu.memory_space<hbm>>
    %dma_wait3A_182 = tpu.memref_squeeze %dma_wait3A_181 : memref<1x128xf32, #tpu.memory_space<hbm>> -> memref<128xf32, #tpu.memory_space<hbm>>
    tpu.wait_dma2 semaphore(%arg7 : memref<!tpu.dma_semaphore, #tpu.memory_space<semaphore_mem>>) src(%dma_wait3A_182 : memref<128xf32, #tpu.memory_space<hbm>>) dst(%dma_wait3A_179 : memref<128xf32, #tpu.memory_space<vmem>>)
    %dma_wait3A_183 = arith.constant 1 : i32
    %dma_wait3A_184 = arith.constant 2 : i32
    %dma_wait3A_185 = arith.constant 0 : i32
    %dma_wait3A_186 = tpu.memref_slice %arg5[%dma_wait3A_184, %dma_wait3A_185] : memref<4x128xf32, #tpu.memory_space<vmem>> -> memref<1x128xf32, #tpu.memory_space<vmem>>
    %dma_wait3A_187 = tpu.memref_squeeze %dma_wait3A_186 : memref<1x128xf32, #tpu.memory_space<vmem>> -> memref<128xf32, #tpu.memory_space<vmem>>
    %dma_wait3A_188 = arith.constant 0 : i32
    %dma_wait3A_189 = tpu.memref_slice %arg2[%dma_wait3A_183, %dma_wait3A_188] : memref<2x16384xf32, #tpu.memory_space<hbm>> -> memref<1x128xf32, #tpu.memory_space<hbm>>
    %dma_wait3A_190 = tpu.memref_squeeze %dma_wait3A_189 : memref<1x128xf32, #tpu.memory_space<hbm>> -> memref<128xf32, #tpu.memory_space<hbm>>
    %dma_wait3A_191 = arith.constant 0 : i32
    %dma_wait3A_192 = tpu.memref_slice %arg5[%dma_wait3A_184, %dma_wait3A_191] : memref<4x128xf32, #tpu.memory_space<vmem>> -> memref<1x128xf32, #tpu.memory_space<vmem>>
    %dma_wait3A_193 = tpu.memref_squeeze %dma_wait3A_192 : memref<1x128xf32, #tpu.memory_space<vmem>> -> memref<128xf32, #tpu.memory_space<vmem>>
    %dma_wait3A_194 = arith.constant 0 : i32
    %dma_wait3A_195 = tpu.memref_slice %arg2[%dma_wait3A_183, %dma_wait3A_194] : memref<2x16384xf32, #tpu.memory_space<hbm>> -> memref<1x128xf32, #tpu.memory_space<hbm>>
    %dma_wait3A_196 = tpu.memref_squeeze %dma_wait3A_195 : memref<1x128xf32, #tpu.memory_space<hbm>> -> memref<128xf32, #tpu.memory_space<hbm>>
    tpu.wait_dma2 semaphore(%arg7 : memref<!tpu.dma_semaphore, #tpu.memory_space<semaphore_mem>>) src(%dma_wait3A_196 : memref<128xf32, #tpu.memory_space<hbm>>) dst(%dma_wait3A_193 : memref<128xf32, #tpu.memory_space<vmem>>)
    %dma_wait3A_197 = arith.constant 0 : i32
    %dma_wait3A_198 = arith.constant 3 : i32
    %dma_wait3A_199 = arith.constant 0 : i32
    %dma_wait3A_200 = tpu.memref_slice %arg4[%dma_wait3A_198, %dma_wait3A_199] : memref<4x128xf32, #tpu.memory_space<vmem>> -> memref<1x128xf32, #tpu.memory_space<vmem>>
    %dma_wait3A_201 = tpu.memref_squeeze %dma_wait3A_200 : memref<1x128xf32, #tpu.memory_space<vmem>> -> memref<128xf32, #tpu.memory_space<vmem>>
    %dma_wait3A_202 = arith.constant 0 : i32
    %dma_wait3A_203 = tpu.memref_slice %arg2[%dma_wait3A_197, %dma_wait3A_202] : memref<2x16384xf32, #tpu.memory_space<hbm>> -> memref<1x128xf32, #tpu.memory_space<hbm>>
    %dma_wait3A_204 = tpu.memref_squeeze %dma_wait3A_203 : memref<1x128xf32, #tpu.memory_space<hbm>> -> memref<128xf32, #tpu.memory_space<hbm>>
    %dma_wait3A_205 = arith.constant 0 : i32
    %dma_wait3A_206 = tpu.memref_slice %arg4[%dma_wait3A_198, %dma_wait3A_205] : memref<4x128xf32, #tpu.memory_space<vmem>> -> memref<1x128xf32, #tpu.memory_space<vmem>>
    %dma_wait3A_207 = tpu.memref_squeeze %dma_wait3A_206 : memref<1x128xf32, #tpu.memory_space<vmem>> -> memref<128xf32, #tpu.memory_space<vmem>>
    %dma_wait3A_208 = arith.constant 0 : i32
    %dma_wait3A_209 = tpu.memref_slice %arg2[%dma_wait3A_197, %dma_wait3A_208] : memref<2x16384xf32, #tpu.memory_space<hbm>> -> memref<1x128xf32, #tpu.memory_space<hbm>>
    %dma_wait3A_210 = tpu.memref_squeeze %dma_wait3A_209 : memref<1x128xf32, #tpu.memory_space<hbm>> -> memref<128xf32, #tpu.memory_space<hbm>>
    tpu.wait_dma2 semaphore(%arg7 : memref<!tpu.dma_semaphore, #tpu.memory_space<semaphore_mem>>) src(%dma_wait3A_210 : memref<128xf32, #tpu.memory_space<hbm>>) dst(%dma_wait3A_207 : memref<128xf32, #tpu.memory_space<vmem>>)
    %dma_wait3A_211 = arith.constant 1 : i32
    %dma_wait3A_212 = arith.constant 3 : i32
    %dma_wait3A_213 = arith.constant 0 : i32
    %dma_wait3A_214 = tpu.memref_slice %arg5[%dma_wait3A_212, %dma_wait3A_213] : memref<4x128xf32, #tpu.memory_space<vmem>> -> memref<1x128xf32, #tpu.memory_space<vmem>>
    %dma_wait3A_215 = tpu.memref_squeeze %dma_wait3A_214 : memref<1x128xf32, #tpu.memory_space<vmem>> -> memref<128xf32, #tpu.memory_space<vmem>>
    %dma_wait3A_216 = arith.constant 0 : i32
    %dma_wait3A_217 = tpu.memref_slice %arg2[%dma_wait3A_211, %dma_wait3A_216] : memref<2x16384xf32, #tpu.memory_space<hbm>> -> memref<1x128xf32, #tpu.memory_space<hbm>>
    %dma_wait3A_218 = tpu.memref_squeeze %dma_wait3A_217 : memref<1x128xf32, #tpu.memory_space<hbm>> -> memref<128xf32, #tpu.memory_space<hbm>>
    %dma_wait3A_219 = arith.constant 0 : i32
    %dma_wait3A_220 = tpu.memref_slice %arg5[%dma_wait3A_212, %dma_wait3A_219] : memref<4x128xf32, #tpu.memory_space<vmem>> -> memref<1x128xf32, #tpu.memory_space<vmem>>
    %dma_wait3A_221 = tpu.memref_squeeze %dma_wait3A_220 : memref<1x128xf32, #tpu.memory_space<vmem>> -> memref<128xf32, #tpu.memory_space<vmem>>
    %dma_wait3A_222 = arith.constant 0 : i32
    %dma_wait3A_223 = tpu.memref_slice %arg2[%dma_wait3A_211, %dma_wait3A_222] : memref<2x16384xf32, #tpu.memory_space<hbm>> -> memref<1x128xf32, #tpu.memory_space<hbm>>
    %dma_wait3A_224 = tpu.memref_squeeze %dma_wait3A_223 : memref<1x128xf32, #tpu.memory_space<hbm>> -> memref<128xf32, #tpu.memory_space<hbm>>
    tpu.wait_dma2 semaphore(%arg7 : memref<!tpu.dma_semaphore, #tpu.memory_space<semaphore_mem>>) src(%dma_wait3A_224 : memref<128xf32, #tpu.memory_space<hbm>>) dst(%dma_wait3A_221 : memref<128xf32, #tpu.memory_space<vmem>>)
    %get3A = arith.constant 0 : i32
    %get3A_225 = arith.index_cast %get3A : i32 to index
    %get3A_226 = arith.constant 0 : index
    %get3A_227 = tpu.vector_load %arg4[%get3A_225, %get3A_226] {strides = array<i32>} : memref<4x128xf32, #tpu.memory_space<vmem>>, vector<16xf32>,
    %get3A_228 = arith.constant 0 : i32
    %get3A_229 = arith.index_cast %get3A_228 : i32 to index
    %get3A_230 = arith.constant 0 : index
    %get3A_231 = tpu.vector_load %arg5[%get3A_229, %get3A_230] {strides = array<i32>} : memref<4x128xf32, #tpu.memory_space<vmem>>, vector<16xf32>,
    %add3A_232 = arith.addf %get3A_227, %get3A_231 : vector<16xf32>
    %exp3A = math.exp %add3A_232 : vector<16xf32>
    %add3A_233 = arith.constant 1.000000e+00 : f32
    %add3A_234 = vector.broadcast %add3A_233 : f32 to vector<16xf32>
    %add3A_235 = arith.addf %add3A_234, %exp3A : vector<16xf32>
    %div3A = arith.constant 1.000000e+00 : f32
    %div3A_236 = vector.broadcast %div3A : f32 to vector<16xf32>
    %div3A_237 = arith.divf %div3A_236, %add3A_235 : vector<16xf32>
    %swap3A = arith.constant 0 : i32
    %swap3A_238 = arith.index_cast %swap3A : i32 to index
    %swap3A_239 = arith.constant 0 : index
    %swap3A_240 = tpu.vector_load %arg6[%swap3A_238, %swap3A_239] {strides = array<i32>} : memref<4x128xf32, #tpu.memory_space<vmem>>, vector<16xf32>,
    tpu.vector_store %arg6[%swap3A_238, %swap3A_239], %div3A_237 {strides = array<i32>} : memref<4x128xf32, #tpu.memory_space<vmem>>, vector<16xf32>,
    %get3A_241 = arith.constant 0 : i32
    %get3A_242 = arith.index_cast %get3A_241 : i32 to index
    %get3A_243 = arith.constant 16 : index
    %get3A_244 = tpu.vector_load %arg4[%get3A_242, %get3A_243] {strides = array<i32>} : memref<4x128xf32, #tpu.memory_space<vmem>>, vector<16xf32>,
    %get3A_245 = arith.constant 0 : i32
    %get3A_246 = arith.index_cast %get3A_245 : i32 to index
    %get3A_247 = arith.constant 16 : index
    %get3A_248 = tpu.vector_load %arg5[%get3A_246, %get3A_247] {strides = array<i32>} : memref<4x128xf32, #tpu.memory_space<vmem>>, vector<16xf32>,
    %add3A_249 = arith.addf %get3A_244, %get3A_248 : vector<16xf32>
    %exp3A_250 = math.exp %add3A_249 : vector<16xf32>
    %add3A_251 = arith.constant 1.000000e+00 : f32
    %add3A_252 = vector.broadcast %add3A_251 : f32 to vector<16xf32>
    %add3A_253 = arith.addf %add3A_252, %exp3A_250 : vector<16xf32>
    %div3A_254 = arith.constant 1.000000e+00 : f32
    %div3A_255 = vector.broadcast %div3A_254 : f32 to vector<16xf32>
    %div3A_256 = arith.divf %div3A_255, %add3A_253 : vector<16xf32>
    %swap3A_257 = arith.constant 0 : i32
    %swap3A_258 = arith.index_cast %swap3A_257 : i32 to index
    %swap3A_259 = arith.constant 16 : index
    %swap3A_260 = tpu.vector_load %arg6[%swap3A_258, %swap3A_259] {strides = array<i32>} : memref<4x128xf32, #tpu.memory_space<vmem>>, vector<16xf32>,
    tpu.vector_store %arg6[%swap3A_258, %swap3A_259], %div3A_256 {strides = array<i32>} : memref<4x128xf32, #tpu.memory_space<vmem>>, vector<16xf32>,
    %get3A_261 = arith.constant 0 : i32
    %get3A_262 = arith.index_cast %get3A_261 : i32 to index
    %get3A_263 = arith.constant 32 : index
    %get3A_264 = tpu.vector_load %arg4[%get3A_262, %get3A_263] {strides = array<i32>} : memref<4x128xf32, #tpu.memory_space<vmem>>, vector<16xf32>,
    %get3A_265 = arith.constant 0 : i32
    %get3A_266 = arith.index_cast %get3A_265 : i32 to index
    %get3A_267 = arith.constant 32 : index
    %get3A_268 = tpu.vector_load %arg5[%get3A_266, %get3A_267] {strides = array<i32>} : memref<4x128xf32, #tpu.memory_space<vmem>>, vector<16xf32>,
    %add3A_269 = arith.addf %get3A_264, %get3A_268 : vector<16xf32>
    %exp3A_270 = math.exp %add3A_269 : vector<16xf32>
    %add3A_271 = arith.constant 1.000000e+00 : f32
    %add3A_272 = vector.broadcast %add3A_271 : f32 to vector<16xf32>
    %add3A_273 = arith.addf %add3A_272, %exp3A_270 : vector<16xf32>
    %div3A_274 = arith.constant 1.000000e+00 : f32
    %div3A_275 = vector.broadcast %div3A_274 : f32 to vector<16xf32>
    %div3A_276 = arith.divf %div3A_275, %add3A_273 : vector<16xf32>
    %swap3A_277 = arith.constant 0 : i32
    %swap3A_278 = arith.index_cast %swap3A_277 : i32 to index
    %swap3A_279 = arith.constant 32 : index
    %swap3A_280 = tpu.vector_load %arg6[%swap3A_278, %swap3A_279] {strides = array<i32>} : memref<4x128xf32, #tpu.memory_space<vmem>>, vector<16xf32>,
    tpu.vector_store %arg6[%swap3A_278, %swap3A_279], %div3A_276 {strides = array<i32>} : memref<4x128xf32, #tpu.memory_space<vmem>>, vector<16xf32>,
    %get3A_281 = arith.constant 0 : i32
    %get3A_282 = arith.index_cast %get3A_281 : i32 to index
    %get3A_283 = arith.constant 48 : index
    %get3A_284 = tpu.vector_load %arg4[%get3A_282, %get3A_283] {strides = array<i32>} : memref<4x128xf32, #tpu.memory_space<vmem>>, vector<16xf32>,
    %get3A_285 = arith.constant 0 : i32
    %get3A_286 = arith.index_cast %get3A_285 : i32 to index
    %get3A_287 = arith.constant 48 : index
    %get3A_288 = tpu.vector_load %arg5[%get3A_286, %get3A_287] {strides = array<i32>} : memref<4x128xf32, #tpu.memory_space<vmem>>, vector<16xf32>,
    %add3A_289 = arith.addf %get3A_284, %get3A_288 : vector<16xf32>
    %exp3A_290 = math.exp %add3A_289 : vector<16xf32>
    %add3A_291 = arith.constant 1.000000e+00 : f32
    %add3A_292 = vector.broadcast %add3A_291 : f32 to vector<16xf32>
    %add3A_293 = arith.addf %add3A_292, %exp3A_290 : vector<16xf32>
    %div3A_294 = arith.constant 1.000000e+00 : f32
    %div3A_295 = vector.broadcast %div3A_294 : f32 to vector<16xf32>
    %div3A_296 = arith.divf %div3A_295, %add3A_293 : vector<16xf32>
    %swap3A_297 = arith.constant 0 : i32
    %swap3A_298 = arith.index_cast %swap3A_297 : i32 to index
    %swap3A_299 = arith.constant 48 : index
    %swap3A_300 = tpu.vector_load %arg6[%swap3A_298, %swap3A_299] {strides = array<i32>} : memref<4x128xf32, #tpu.memory_space<vmem>>, vector<16xf32>,
    tpu.vector_store %arg6[%swap3A_298, %swap3A_299], %div3A_296 {strides = array<i32>} : memref<4x128xf32, #tpu.memory_space<vmem>>, vector<16xf32>,
    %get3A_301 = arith.constant 0 : i32
    %get3A_302 = arith.index_cast %get3A_301 : i32 to index
    %get3A_303 = arith.constant 64 : index
    %get3A_304 = tpu.vector_load %arg4[%get3A_302, %get3A_303] {strides = array<i32>} : memref<4x128xf32, #tpu.memory_space<vmem>>, vector<16xf32>,
    %get3A_305 = arith.constant 0 : i32
    %get3A_306 = arith.index_cast %get3A_305 : i32 to index
    %get3A_307 = arith.constant 64 : index
    %get3A_308 = tpu.vector_load %arg5[%get3A_306, %get3A_307] {strides = array<i32>} : memref<4x128xf32, #tpu.memory_space<vmem>>, vector<16xf32>,
    %add3A_309 = arith.addf %get3A_304, %get3A_308 : vector<16xf32>
    %exp3A_310 = math.exp %add3A_309 : vector<16xf32>
    %add3A_311 = arith.constant 1.000000e+00 : f32
    %add3A_312 = vector.broadcast %add3A_311 : f32 to vector<16xf32>
    %add3A_313 = arith.addf %add3A_312, %exp3A_310 : vector<16xf32>
    %div3A_314 = arith.constant 1.000000e+00 : f32
    %div3A_315 = vector.broadcast %div3A_314 : f32 to vector<16xf32>
    %div3A_316 = arith.divf %div3A_315, %add3A_313 : vector<16xf32>
    %swap3A_317 = arith.constant 0 : i32
    %swap3A_318 = arith.index_cast %swap3A_317 : i32 to index
    %swap3A_319 = arith.constant 64 : index
    %swap3A_320 = tpu.vector_load %arg6[%swap3A_318, %swap3A_319] {strides = array<i32>} : memref<4x128xf32, #tpu.memory_space<vmem>>, vector<16xf32>,
    tpu.vector_store %arg6[%swap3A_318, %swap3A_319], %div3A_316 {strides = array<i32>} : memref<4x128xf32, #tpu.memory_space<vmem>>, vector<16xf32>,
    %get3A_321 = arith.constant 0 : i32
    %get3A_322 = arith.index_cast %get3A_321 : i32 to index
    %get3A_323 = arith.constant 80 : index
    %get3A_324 = tpu.vector_load %arg4[%get3A_322, %get3A_323] {strides = array<i32>} : memref<4x128xf32, #tpu.memory_space<vmem>>, vector<16xf32>,
    %get3A_325 = arith.constant 0 : i32
    %get3A_326 = arith.index_cast %get3A_325 : i32 to index
    %get3A_327 = arith.constant 80 : index
    %get3A_328 = tpu.vector_load %arg5[%get3A_326, %get3A_327] {strides = array<i32>} : memref<4x128xf32, #tpu.memory_space<vmem>>, vector<16xf32>,
    %add3A_329 = arith.addf %get3A_324, %get3A_328 : vector<16xf32>
    %exp3A_330 = math.exp %add3A_329 : vector<16xf32>
    %add3A_331 = arith.constant 1.000000e+00 : f32
    %add3A_332 = vector.broadcast %add3A_331 : f32 to vector<16xf32>
    %add3A_333 = arith.addf %add3A_332, %exp3A_330 : vector<16xf32>
    %div3A_334 = arith.constant 1.000000e+00 : f32
    %div3A_335 = vector.broadcast %div3A_334 : f32 to vector<16xf32>
    %div3A_336 = arith.divf %div3A_335, %add3A_333 : vector<16xf32>
    %swap3A_337 = arith.constant 0 : i32
    %swap3A_338 = arith.index_cast %swap3A_337 : i32 to index
    %swap3A_339 = arith.constant 80 : index
    %swap3A_340 = tpu.vector_load %arg6[%swap3A_338, %swap3A_339] {strides = array<i32>} : memref<4x128xf32, #tpu.memory_space<vmem>>, vector<16xf32>,
    tpu.vector_store %arg6[%swap3A_338, %swap3A_339], %div3A_336 {strides = array<i32>} : memref<4x128xf32, #tpu.memory_space<vmem>>, vector<16xf32>,
    %get3A_341 = arith.constant 0 : i32
    %get3A_342 = arith.index_cast %get3A_341 : i32 to index
    %get3A_343 = arith.constant 96 : index
    %get3A_344 = tpu.vector_load %arg4[%get3A_342, %get3A_343] {strides = array<i32>} : memref<4x128xf32, #tpu.memory_space<vmem>>, vector<16xf32>,
    %get3A_345 = arith.constant 0 : i32
    %get3A_346 = arith.index_cast %get3A_345 : i32 to index
    %get3A_347 = arith.constant 96 : index
    %get3A_348 = tpu.vector_load %arg5[%get3A_346, %get3A_347] {strides = array<i32>} : memref<4x128xf32, #tpu.memory_space<vmem>>, vector<16xf32>,
    %add3A_349 = arith.addf %get3A_344, %get3A_348 : vector<16xf32>
    %exp3A_350 = math.exp %add3A_349 : vector<16xf32>
    %add3A_351 = arith.constant 1.000000e+00 : f32
    %add3A_352 = vector.broadcast %add3A_351 : f32 to vector<16xf32>
    %add3A_353 = arith.addf %add3A_352, %exp3A_350 : vector<16xf32>
    %div3A_354 = arith.constant 1.000000e+00 : f32
    %div3A_355 = vector.broadcast %div3A_354 : f32 to vector<16xf32>
    %div3A_356 = arith.divf %div3A_355, %add3A_353 : vector<16xf32>
    %swap3A_357 = arith.constant 0 : i32
    %swap3A_358 = arith.index_cast %swap3A_357 : i32 to index
    %swap3A_359 = arith.constant 96 : index
    %swap3A_360 = tpu.vector_load %arg6[%swap3A_358, %swap3A_359] {strides = array<i32>} : memref<4x128xf32, #tpu.memory_space<vmem>>, vector<16xf32>,
    tpu.vector_store %arg6[%swap3A_358, %swap3A_359], %div3A_356 {strides = array<i32>} : memref<4x128xf32, #tpu.memory_space<vmem>>, vector<16xf32>,
    %get3A_361 = arith.constant 0 : i32
    %get3A_362 = arith.index_cast %get3A_361 : i32 to index
    %get3A_363 = arith.constant 112 : index
    %get3A_364 = tpu.vector_load %arg4[%get3A_362, %get3A_363] {strides = array<i32>} : memref<4x128xf32, #tpu.memory_space<vmem>>, vector<16xf32>,
    %get3A_365 = arith.constant 0 : i32
    %get3A_366 = arith.index_cast %get3A_365 : i32 to index
    %get3A_367 = arith.constant 112 : index
    %get3A_368 = tpu.vector_load %arg5[%get3A_366, %get3A_367] {strides = array<i32>} : memref<4x128xf32, #tpu.memory_space<vmem>>, vector<16xf32>,
    %add3A_369 = arith.addf %get3A_364, %get3A_368 : vector<16xf32>
    %exp3A_370 = math.exp %add3A_369 : vector<16xf32>
    %add3A_371 = arith.constant 1.000000e+00 : f32
    %add3A_372 = vector.broadcast %add3A_371 : f32 to vector<16xf32>
    %add3A_373 = arith.addf %add3A_372, %exp3A_370 : vector<16xf32>
    %div3A_374 = arith.constant 1.000000e+00 : f32
    %div3A_375 = vector.broadcast %div3A_374 : f32 to vector<16xf32>
    %div3A_376 = arith.divf %div3A_375, %add3A_373 : vector<16xf32>
    %swap3A_377 = arith.constant 0 : i32
    %swap3A_378 = arith.index_cast %swap3A_377 : i32 to index
    %swap3A_379 = arith.constant 112 : index
    %swap3A_380 = tpu.vector_load %arg6[%swap3A_378, %swap3A_379] {strides = array<i32>} : memref<4x128xf32, #tpu.memory_space<vmem>>, vector<16xf32>,
    tpu.vector_store %arg6[%swap3A_378, %swap3A_379], %div3A_376 {strides = array<i32>} : memref<4x128xf32, #tpu.memory_space<vmem>>, vector<16xf32>,
    %get3A_381 = arith.constant 1 : i32
    %get3A_382 = arith.index_cast %get3A_381 : i32 to index
    %get3A_383 = arith.constant 0 : index
    %get3A_384 = tpu.vector_load %arg4[%get3A_382, %get3A_383] {strides = array<i32>} : memref<4x128xf32, #tpu.memory_space<vmem>>, vector<16xf32>,
    %get3A_385 = arith.constant 1 : i32
    %get3A_386 = arith.index_cast %get3A_385 : i32 to index
    %get3A_387 = arith.constant 0 : index
    %get3A_388 = tpu.vector_load %arg5[%get3A_386, %get3A_387] {strides = array<i32>} : memref<4x128xf32, #tpu.memory_space<vmem>>, vector<16xf32>,
    %add3A_389 = arith.addf %get3A_384, %get3A_388 : vector<16xf32>
    %exp3A_390 = math.exp %add3A_389 : vector<16xf32>
    %add3A_391 = arith.constant 1.000000e+00 : f32
    %add3A_392 = vector.broadcast %add3A_391 : f32 to vector<16xf32>
    %add3A_393 = arith.addf %add3A_392, %exp3A_390 : vector<16xf32>
    %div3A_394 = arith.constant 1.000000e+00 : f32
    %div3A_395 = vector.broadcast %div3A_394 : f32 to vector<16xf32>
    %div3A_396 = arith.divf %div3A_395, %add3A_393 : vector<16xf32>
    %swap3A_397 = arith.constant 1 : i32
    %swap3A_398 = arith.index_cast %swap3A_397 : i32 to index
    %swap3A_399 = arith.constant 0 : index
    %swap3A_400 = tpu.vector_load %arg6[%swap3A_398, %swap3A_399] {strides = array<i32>} : memref<4x128xf32, #tpu.memory_space<vmem>>, vector<16xf32>,
    tpu.vector_store %arg6[%swap3A_398, %swap3A_399], %div3A_396 {strides = array<i32>} : memref<4x128xf32, #tpu.memory_space<vmem>>, vector<16xf32>,
    %get3A_401 = arith.constant 1 : i32
    %get3A_402 = arith.index_cast %get3A_401 : i32 to index
    %get3A_403 = arith.constant 16 : index
    %get3A_404 = tpu.vector_load %arg4[%get3A_402, %get3A_403] {strides = array<i32>} : memref<4x128xf32, #tpu.memory_space<vmem>>, vector<16xf32>,
    %get3A_405 = arith.constant 1 : i32
    %get3A_406 = arith.index_cast %get3A_405 : i32 to index
    %get3A_407 = arith.constant 16 : index
    %get3A_408 = tpu.vector_load %arg5[%get3A_406, %get3A_407] {strides = array<i32>} : memref<4x128xf32, #tpu.memory_space<vmem>>, vector<16xf32>,
    %add3A_409 = arith.addf %get3A_404, %get3A_408 : vector<16xf32>
    %exp3A_410 = math.exp %add3A_409 : vector<16xf32>
    %add3A_411 = arith.constant 1.000000e+00 : f32
    %add3A_412 = vector.broadcast %add3A_411 : f32 to vector<16xf32>
    %add3A_413 = arith.addf %add3A_412, %exp3A_410 : vector<16xf32>
    %div3A_414 = arith.constant 1.000000e+00 : f32
    %div3A_415 = vector.broadcast %div3A_414 : f32 to vector<16xf32>
    %div3A_416 = arith.divf %div3A_415, %add3A_413 : vector<16xf32>
    %swap3A_417 = arith.constant 1 : i32
    %swap3A_418 = arith.index_cast %swap3A_417 : i32 to index
    %swap3A_419 = arith.constant 16 : index
    %swap3A_420 = tpu.vector_load %arg6[%swap3A_418, %swap3A_419] {strides = array<i32>} : memref<4x128xf32, #tpu.memory_space<vmem>>, vector<16xf32>,
    tpu.vector_store %arg6[%swap3A_418, %swap3A_419], %div3A_416 {strides = array<i32>} : memref<4x128xf32, #tpu.memory_space<vmem>>, vector<16xf32>,
    %get3A_421 = arith.constant 1 : i32
    %get3A_422 = arith.index_cast %get3A_421 : i32 to index
    %get3A_423 = arith.constant 32 : index
    %get3A_424 = tpu.vector_load %arg4[%get3A_422, %get3A_423] {strides = array<i32>} : memref<4x128xf32, #tpu.memory_space<vmem>>, vector<16xf32>,
    %get3A_425 = arith.constant 1 : i32
    %get3A_426 = arith.index_cast %get3A_425 : i32 to index
    %get3A_427 = arith.constant 32 : index
    %get3A_428 = tpu.vector_load %arg5[%get3A_426, %get3A_427] {strides = array<i32>} : memref<4x128xf32, #tpu.memory_space<vmem>>, vector<16xf32>,
    %add3A_429 = arith.addf %get3A_424, %get3A_428 : vector<16xf32>
    %exp3A_430 = math.exp %add3A_429 : vector<16xf32>
    %add3A_431 = arith.constant 1.000000e+00 : f32
    %add3A_432 = vector.broadcast %add3A_431 : f32 to vector<16xf32>
    %add3A_433 = arith.addf %add3A_432, %exp3A_430 : vector<16xf32>
    %div3A_434 = arith.constant 1.000000e+00 : f32
    %div3A_435 = vector.broadcast %div3A_434 : f32 to vector<16xf32>
    %div3A_436 = arith.divf %div3A_435, %add3A_433 : vector<16xf32>
    %swap3A_437 = arith.constant 1 : i32
    %swap3A_438 = arith.index_cast %swap3A_437 : i32 to index
    %swap3A_439 = arith.constant 32 : index
    %swap3A_440 = tpu.vector_load %arg6[%swap3A_438, %swap3A_439] {strides = array<i32>} : memref<4x128xf32, #tpu.memory_space<vmem>>, vector<16xf32>,
    tpu.vector_store %arg6[%swap3A_438, %swap3A_439], %div3A_436 {strides = array<i32>} : memref<4x128xf32, #tpu.memory_space<vmem>>, vector<16xf32>,
    %get3A_441 = arith.constant 1 : i32
    %get3A_442 = arith.index_cast %get3A_441 : i32 to index
    %get3A_443 = arith.constant 48 : index
    %get3A_444 = tpu.vector_load %arg4[%get3A_442, %get3A_443] {strides = array<i32>} : memref<4x128xf32, #tpu.memory_space<vmem>>, vector<16xf32>,
    %get3A_445 = arith.constant 1 : i32
    %get3A_446 = arith.index_cast %get3A_445 : i32 to index
    %get3A_447 = arith.constant 48 : index
    %get3A_448 = tpu.vector_load %arg5[%get3A_446, %get3A_447] {strides = array<i32>} : memref<4x128xf32, #tpu.memory_space<vmem>>, vector<16xf32>,
    %add3A_449 = arith.addf %get3A_444, %get3A_448 : vector<16xf32>
    %exp3A_450 = math.exp %add3A_449 : vector<16xf32>
    %add3A_451 = arith.constant 1.000000e+00 : f32
    %add3A_452 = vector.broadcast %add3A_451 : f32 to vector<16xf32>
    %add3A_453 = arith.addf %add3A_452, %exp3A_450 : vector<16xf32>
    %div3A_454 = arith.constant 1.000000e+00 : f32
    %div3A_455 = vector.broadcast %div3A_454 : f32 to vector<16xf32>
    %div3A_456 = arith.divf %div3A_455, %add3A_453 : vector<16xf32>
    %swap3A_457 = arith.constant 1 : i32
    %swap3A_458 = arith.index_cast %swap3A_457 : i32 to index
    %swap3A_459 = arith.constant 48 : index
    %swap3A_460 = tpu.vector_load %arg6[%swap3A_458, %swap3A_459] {strides = array<i32>} : memref<4x128xf32, #tpu.memory_space<vmem>>, vector<16xf32>,
    tpu.vector_store %arg6[%swap3A_458, %swap3A_459], %div3A_456 {strides = array<i32>} : memref<4x128xf32, #tpu.memory_space<vmem>>, vector<16xf32>,
    %get3A_461 = arith.constant 1 : i32
    %get3A_462 = arith.index_cast %get3A_461 : i32 to index
    %get3A_463 = arith.constant 64 : index
    %get3A_464 = tpu.vector_load %arg4[%get3A_462, %get3A_463] {strides = array<i32>} : memref<4x128xf32, #tpu.memory_space<vmem>>, vector<16xf32>,
    %get3A_465 = arith.constant 1 : i32
    %get3A_466 = arith.index_cast %get3A_465 : i32 to index
    %get3A_467 = arith.constant 64 : index
    %get3A_468 = tpu.vector_load %arg5[%get3A_466, %get3A_467] {strides = array<i32>} : memref<4x128xf32, #tpu.memory_space<vmem>>, vector<16xf32>,
    %add3A_469 = arith.addf %get3A_464, %get3A_468 : vector<16xf32>
    %exp3A_470 = math.exp %add3A_469 : vector<16xf32>
    %add3A_471 = arith.constant 1.000000e+00 : f32
    %add3A_472 = vector.broadcast %add3A_471 : f32 to vector<16xf32>
    %add3A_473 = arith.addf %add3A_472, %exp3A_470 : vector<16xf32>
    %div3A_474 = arith.constant 1.000000e+00 : f32
    %div3A_475 = vector.broadcast %div3A_474 : f32 to vector<16xf32>
    %div3A_476 = arith.divf %div3A_475, %add3A_473 : vector<16xf32>
    %swap3A_477 = arith.constant 1 : i32
    %swap3A_478 = arith.index_cast %swap3A_477 : i32 to index
    %swap3A_479 = arith.constant 64 : index
    %swap3A_480 = tpu.vector_load %arg6[%swap3A_478, %swap3A_479] {strides = array<i32>} : memref<4x128xf32, #tpu.memory_space<vmem>>, vector<16xf32>,
    tpu.vector_store %arg6[%swap3A_478, %swap3A_479], %div3A_476 {strides = array<i32>} : memref<4x128xf32, #tpu.memory_space<vmem>>, vector<16xf32>,
    %get3A_481 = arith.constant 1 : i32
    %get3A_482 = arith.index_cast %get3A_481 : i32 to index
    %get3A_483 = arith.constant 80 : index
    %get3A_484 = tpu.vector_load %arg4[%get3A_482, %get3A_483] {strides = array<i32>} : memref<4x128xf32, #tpu.memory_space<vmem>>, vector<16xf32>,
    %get3A_485 = arith.constant 1 : i32
    %get3A_486 = arith.index_cast %get3A_485 : i32 to index
    %get3A_487 = arith.constant 80 : index
    %get3A_488 = tpu.vector_load %arg5[%get3A_486, %get3A_487] {strides = array<i32>} : memref<4x128xf32, #tpu.memory_space<vmem>>, vector<16xf32>,
    %add3A_489 = arith.addf %get3A_484, %get3A_488 : vector<16xf32>
    %exp3A_490 = math.exp %add3A_489 : vector<16xf32>
    %add3A_491 = arith.constant 1.000000e+00 : f32
    %add3A_492 = vector.broadcast %add3A_491 : f32 to vector<16xf32>
    %add3A_493 = arith.addf %add3A_492, %exp3A_490 : vector<16xf32>
    %div3A_494 = arith.constant 1.000000e+00 : f32
    %div3A_495 = vector.broadcast %div3A_494 : f32 to vector<16xf32>
    %div3A_496 = arith.divf %div3A_495, %add3A_493 : vector<16xf32>
    %swap3A_497 = arith.constant 1 : i32
    %swap3A_498 = arith.index_cast %swap3A_497 : i32 to index
    %swap3A_499 = arith.constant 80 : index
    %swap3A_500 = tpu.vector_load %arg6[%swap3A_498, %swap3A_499] {strides = array<i32>} : memref<4x128xf32, #tpu.memory_space<vmem>>, vector<16xf32>,
    tpu.vector_store %arg6[%swap3A_498, %swap3A_499], %div3A_496 {strides = array<i32>} : memref<4x128xf32, #tpu.memory_space<vmem>>, vector<16xf32>,
    %get3A_501 = arith.constant 1 : i32
    %get3A_502 = arith.index_cast %get3A_501 : i32 to index
    %get3A_503 = arith.constant 96 : index
    %get3A_504 = tpu.vector_load %arg4[%get3A_502, %get3A_503] {strides = array<i32>} : memref<4x128xf32, #tpu.memory_space<vmem>>, vector<16xf32>,
    %get3A_505 = arith.constant 1 : i32
    %get3A_506 = arith.index_cast %get3A_505 : i32 to index
    %get3A_507 = arith.constant 96 : index
    %get3A_508 = tpu.vector_load %arg5[%get3A_506, %get3A_507] {strides = array<i32>} : memref<4x128xf32, #tpu.memory_space<vmem>>, vector<16xf32>,
    %add3A_509 = arith.addf %get3A_504, %get3A_508 : vector<16xf32>
    %exp3A_510 = math.exp %add3A_509 : vector<16xf32>
    %add3A_511 = arith.constant 1.000000e+00 : f32
    %add3A_512 = vector.broadcast %add3A_511 : f32 to vector<16xf32>
    %add3A_513 = arith.addf %add3A_512, %exp3A_510 : vector<16xf32>
    %div3A_514 = arith.constant 1.000000e+00 : f32
    %div3A_515 = vector.broadcast %div3A_514 : f32 to vector<16xf32>
    %div3A_516 = arith.divf %div3A_515, %add3A_513 : vector<16xf32>
    %swap3A_517 = arith.constant 1 : i32
    %swap3A_518 = arith.index_cast %swap3A_517 : i32 to index
    %swap3A_519 = arith.constant 96 : index
    %swap3A_520 = tpu.vector_load %arg6[%swap3A_518, %swap3A_519] {strides = array<i32>} : memref<4x128xf32, #tpu.memory_space<vmem>>, vector<16xf32>,
    tpu.vector_store %arg6[%swap3A_518, %swap3A_519], %div3A_516 {strides = array<i32>} : memref<4x128xf32, #tpu.memory_space<vmem>>, vector<16xf32>,
    %get3A_521 = arith.constant 1 : i32
    %get3A_522 = arith.index_cast %get3A_521 : i32 to index
    %get3A_523 = arith.constant 112 : index
    %get3A_524 = tpu.vector_load %arg4[%get3A_522, %get3A_523] {strides = array<i32>} : memref<4x128xf32, #tpu.memory_space<vmem>>, vector<16xf32>,
    %get3A_525 = arith.constant 1 : i32
    %get3A_526 = arith.index_cast %get3A_525 : i32 to index
    %get3A_527 = arith.constant 112 : index
    %get3A_528 = tpu.vector_load %arg5[%get3A_526, %get3A_527] {strides = array<i32>} : memref<4x128xf32, #tpu.memory_space<vmem>>, vector<16xf32>,
    %add3A_529 = arith.addf %get3A_524, %get3A_528 : vector<16xf32>
    %exp3A_530 = math.exp %add3A_529 : vector<16xf32>
    %add3A_531 = arith.constant 1.000000e+00 : f32
    %add3A_532 = vector.broadcast %add3A_531 : f32 to vector<16xf32>
    %add3A_533 = arith.addf %add3A_532, %exp3A_530 : vector<16xf32>
    %div3A_534 = arith.constant 1.000000e+00 : f32
    %div3A_535 = vector.broadcast %div3A_534 : f32 to vector<16xf32>
    %div3A_536 = arith.divf %div3A_535, %add3A_533 : vector<16xf32>
    %swap3A_537 = arith.constant 1 : i32
    %swap3A_538 = arith.index_cast %swap3A_537 : i32 to index
    %swap3A_539 = arith.constant 112 : index
    %swap3A_540 = tpu.vector_load %arg6[%swap3A_538, %swap3A_539] {strides = array<i32>} : memref<4x128xf32, #tpu.memory_space<vmem>>, vector<16xf32>,
    tpu.vector_store %arg6[%swap3A_538, %swap3A_539], %div3A_536 {strides = array<i32>} : memref<4x128xf32, #tpu.memory_space<vmem>>, vector<16xf32>,
    %get3A_541 = arith.constant 2 : i32
    %get3A_542 = arith.index_cast %get3A_541 : i32 to index
    %get3A_543 = arith.constant 0 : index
    %get3A_544 = tpu.vector_load %arg4[%get3A_542, %get3A_543] {strides = array<i32>} : memref<4x128xf32, #tpu.memory_space<vmem>>, vector<16xf32>,
    %get3A_545 = arith.constant 2 : i32
    %get3A_546 = arith.index_cast %get3A_545 : i32 to index
    %get3A_547 = arith.constant 0 : index
    %get3A_548 = tpu.vector_load %arg5[%get3A_546, %get3A_547] {strides = array<i32>} : memref<4x128xf32, #tpu.memory_space<vmem>>, vector<16xf32>,
    %add3A_549 = arith.addf %get3A_544, %get3A_548 : vector<16xf32>
    %exp3A_550 = math.exp %add3A_549 : vector<16xf32>
    %add3A_551 = arith.constant 1.000000e+00 : f32
    %add3A_552 = vector.broadcast %add3A_551 : f32 to vector<16xf32>
    %add3A_553 = arith.addf %add3A_552, %exp3A_550 : vector<16xf32>
    %div3A_554 = arith.constant 1.000000e+00 : f32
    %div3A_555 = vector.broadcast %div3A_554 : f32 to vector<16xf32>
    %div3A_556 = arith.divf %div3A_555, %add3A_553 : vector<16xf32>
    %swap3A_557 = arith.constant 2 : i32
    %swap3A_558 = arith.index_cast %swap3A_557 : i32 to index
    %swap3A_559 = arith.constant 0 : index
    %swap3A_560 = tpu.vector_load %arg6[%swap3A_558, %swap3A_559] {strides = array<i32>} : memref<4x128xf32, #tpu.memory_space<vmem>>, vector<16xf32>,
    tpu.vector_store %arg6[%swap3A_558, %swap3A_559], %div3A_556 {strides = array<i32>} : memref<4x128xf32, #tpu.memory_space<vmem>>, vector<16xf32>,
    %get3A_561 = arith.constant 2 : i32
    %get3A_562 = arith.index_cast %get3A_561 : i32 to index
    %get3A_563 = arith.constant 16 : index
    %get3A_564 = tpu.vector_load %arg4[%get3A_562, %get3A_563] {strides = array<i32>} : memref<4x128xf32, #tpu.memory_space<vmem>>, vector<16xf32>,
    %get3A_565 = arith.constant 2 : i32
    %get3A_566 = arith.index_cast %get3A_565 : i32 to index
    %get3A_567 = arith.constant 16 : index
    %get3A_568 = tpu.vector_load %arg5[%get3A_566, %get3A_567] {strides = array<i32>} : memref<4x128xf32, #tpu.memory_space<vmem>>, vector<16xf32>,
    %add3A_569 = arith.addf %get3A_564, %get3A_568 : vector<16xf32>
    %exp3A_570 = math.exp %add3A_569 : vector<16xf32>
    %add3A_571 = arith.constant 1.000000e+00 : f32
    %add3A_572 = vector.broadcast %add3A_571 : f32 to vector<16xf32>
    %add3A_573 = arith.addf %add3A_572, %exp3A_570 : vector<16xf32>
    %div3A_574 = arith.constant 1.000000e+00 : f32
    %div3A_575 = vector.broadcast %div3A_574 : f32 to vector<16xf32>
    %div3A_576 = arith.divf %div3A_575, %add3A_573 : vector<16xf32>
    %swap3A_577 = arith.constant 2 : i32
    %swap3A_578 = arith.index_cast %swap3A_577 : i32 to index
    %swap3A_579 = arith.constant 16 : index
    %swap3A_580 = tpu.vector_load %arg6[%swap3A_578, %swap3A_579] {strides = array<i32>} : memref<4x128xf32, #tpu.memory_space<vmem>>, vector<16xf32>,
    tpu.vector_store %arg6[%swap3A_578, %swap3A_579], %div3A_576 {strides = array<i32>} : memref<4x128xf32, #tpu.memory_space<vmem>>, vector<16xf32>,
    %get3A_581 = arith.constant 2 : i32
    %get3A_582 = arith.index_cast %get3A_581 : i32 to index
    %get3A_583 = arith.constant 32 : index
    %get3A_584 = tpu.vector_load %arg4[%get3A_582, %get3A_583] {strides = array<i32>} : memref<4x128xf32, #tpu.memory_space<vmem>>, vector<16xf32>,
    %get3A_585 = arith.constant 2 : i32
    %get3A_586 = arith.index_cast %get3A_585 : i32 to index
    %get3A_587 = arith.constant 32 : index
    %get3A_588 = tpu.vector_load %arg5[%get3A_586, %get3A_587] {strides = array<i32>} : memref<4x128xf32, #tpu.memory_space<vmem>>, vector<16xf32>,
    %add3A_589 = arith.addf %get3A_584, %get3A_588 : vector<16xf32>
    %exp3A_590 = math.exp %add3A_589 : vector<16xf32>
    %add3A_591 = arith.constant 1.000000e+00 : f32
    %add3A_592 = vector.broadcast %add3A_591 : f32 to vector<16xf32>
    %add3A_593 = arith.addf %add3A_592, %exp3A_590 : vector<16xf32>
    %div3A_594 = arith.constant 1.000000e+00 : f32
    %div3A_595 = vector.broadcast %div3A_594 : f32 to vector<16xf32>
    %div3A_596 = arith.divf %div3A_595, %add3A_593 : vector<16xf32>
    %swap3A_597 = arith.constant 2 : i32
    %swap3A_598 = arith.index_cast %swap3A_597 : i32 to index
    %swap3A_599 = arith.constant 32 : index
    %swap3A_600 = tpu.vector_load %arg6[%swap3A_598, %swap3A_599] {strides = array<i32>} : memref<4x128xf32, #tpu.memory_space<vmem>>, vector<16xf32>,
    tpu.vector_store %arg6[%swap3A_598, %swap3A_599], %div3A_596 {strides = array<i32>} : memref<4x128xf32, #tpu.memory_space<vmem>>, vector<16xf32>,
    %get3A_601 = arith.constant 2 : i32
    %get3A_602 = arith.index_cast %get3A_601 : i32 to index
    %get3A_603 = arith.constant 48 : index
    %get3A_604 = tpu.vector_load %arg4[%get3A_602, %get3A_603] {strides = array<i32>} : memref<4x128xf32, #tpu.memory_space<vmem>>, vector<16xf32>,
    %get3A_605 = arith.constant 2 : i32
    %get3A_606 = arith.index_cast %get3A_605 : i32 to index
    %get3A_607 = arith.constant 48 : index
    %get3A_608 = tpu.vector_load %arg5[%get3A_606, %get3A_607] {strides = array<i32>} : memref<4x128xf32, #tpu.memory_space<vmem>>, vector<16xf32>,
    %add3A_609 = arith.addf %get3A_604, %get3A_608 : vector<16xf32>
    %exp3A_610 = math.exp %add3A_609 : vector<16xf32>
    %add3A_611 = arith.constant 1.000000e+00 : f32
    %add3A_612 = vector.broadcast %add3A_611 : f32 to vector<16xf32>
    %add3A_613 = arith.addf %add3A_612, %exp3A_610 : vector<16xf32>
    %div3A_614 = arith.constant 1.000000e+00 : f32
    %div3A_615 = vector.broadcast %div3A_614 : f32 to vector<16xf32>
    %div3A_616 = arith.divf %div3A_615, %add3A_613 : vector<16xf32>
    %swap3A_617 = arith.constant 2 : i32
    %swap3A_618 = arith.index_cast %swap3A_617 : i32 to index
    %swap3A_619 = arith.constant 48 : index
    %swap3A_620 = tpu.vector_load %arg6[%swap3A_618, %swap3A_619] {strides = array<i32>} : memref<4x128xf32, #tpu.memory_space<vmem>>, vector<16xf32>,
    tpu.vector_store %arg6[%swap3A_618, %swap3A_619], %div3A_616 {strides = array<i32>} : memref<4x128xf32, #tpu.memory_space<vmem>>, vector<16xf32>,
    %get3A_621 = arith.constant 2 : i32
    %get3A_622 = arith.index_cast %get3A_621 : i32 to index
    %get3A_623 = arith.constant 64 : index
    %get3A_624 = tpu.vector_load %arg4[%get3A_622, %get3A_623] {strides = array<i32>} : memref<4x128xf32, #tpu.memory_space<vmem>>, vector<16xf32>,
    %get3A_625 = arith.constant 2 : i32
    %get3A_626 = arith.index_cast %get3A_625 : i32 to index
    %get3A_627 = arith.constant 64 : index
    %get3A_628 = tpu.vector_load %arg5[%get3A_626, %get3A_627] {strides = array<i32>} : memref<4x128xf32, #tpu.memory_space<vmem>>, vector<16xf32>,
    %add3A_629 = arith.addf %get3A_624, %get3A_628 : vector<16xf32>
    %exp3A_630 = math.exp %add3A_629 : vector<16xf32>
    %add3A_631 = arith.constant 1.000000e+00 : f32
    %add3A_632 = vector.broadcast %add3A_631 : f32 to vector<16xf32>
    %add3A_633 = arith.addf %add3A_632, %exp3A_630 : vector<16xf32>
    %div3A_634 = arith.constant 1.000000e+00 : f32
    %div3A_635 = vector.broadcast %div3A_634 : f32 to vector<16xf32>
    %div3A_636 = arith.divf %div3A_635, %add3A_633 : vector<16xf32>
    %swap3A_637 = arith.constant 2 : i32
    %swap3A_638 = arith.index_cast %swap3A_637 : i32 to index
    %swap3A_639 = arith.constant 64 : index
    %swap3A_640 = tpu.vector_load %arg6[%swap3A_638, %swap3A_639] {strides = array<i32>} : memref<4x128xf32, #tpu.memory_space<vmem>>, vector<16xf32>,
    tpu.vector_store %arg6[%swap3A_638, %swap3A_639], %div3A_636 {strides = array<i32>} : memref<4x128xf32, #tpu.memory_space<vmem>>, vector<16xf32>,
    %get3A_641 = arith.constant 2 : i32
    %get3A_642 = arith.index_cast %get3A_641 : i32 to index
    %get3A_643 = arith.constant 80 : index
    %get3A_644 = tpu.vector_load %arg4[%get3A_642, %get3A_643] {strides = array<i32>} : memref<4x128xf32, #tpu.memory_space<vmem>>, vector<16xf32>,
    %get3A_645 = arith.constant 2 : i32
    %get3A_646 = arith.index_cast %get3A_645 : i32 to index
    %get3A_647 = arith.constant 80 : index
    %get3A_648 = tpu.vector_load %arg5[%get3A_646, %get3A_647] {strides = array<i32>} : memref<4x128xf32, #tpu.memory_space<vmem>>, vector<16xf32>,
    %add3A_649 = arith.addf %get3A_644, %get3A_648 : vector<16xf32>
    %exp3A_650 = math.exp %add3A_649 : vector<16xf32>
    %add3A_651 = arith.constant 1.000000e+00 : f32
    %add3A_652 = vector.broadcast %add3A_651 : f32 to vector<16xf32>
    %add3A_653 = arith.addf %add3A_652, %exp3A_650 : vector<16xf32>
    %div3A_654 = arith.constant 1.000000e+00 : f32
    %div3A_655 = vector.broadcast %div3A_654 : f32 to vector<16xf32>
    %div3A_656 = arith.divf %div3A_655, %add3A_653 : vector<16xf32>
    %swap3A_657 = arith.constant 2 : i32
    %swap3A_658 = arith.index_cast %swap3A_657 : i32 to index
    %swap3A_659 = arith.constant 80 : index
    %swap3A_660 = tpu.vector_load %arg6[%swap3A_658, %swap3A_659] {strides = array<i32>} : memref<4x128xf32, #tpu.memory_space<vmem>>, vector<16xf32>,
    tpu.vector_store %arg6[%swap3A_658, %swap3A_659], %div3A_656 {strides = array<i32>} : memref<4x128xf32, #tpu.memory_space<vmem>>, vector<16xf32>,
    %get3A_661 = arith.constant 2 : i32
    %get3A_662 = arith.index_cast %get3A_661 : i32 to index
    %get3A_663 = arith.constant 96 : index
    %get3A_664 = tpu.vector_load %arg4[%get3A_662, %get3A_663] {strides = array<i32>} : memref<4x128xf32, #tpu.memory_space<vmem>>, vector<16xf32>,
    %get3A_665 = arith.constant 2 : i32
    %get3A_666 = arith.index_cast %get3A_665 : i32 to index
    %get3A_667 = arith.constant 96 : index
    %get3A_668 = tpu.vector_load %arg5[%get3A_666, %get3A_667] {strides = array<i32>} : memref<4x128xf32, #tpu.memory_space<vmem>>, vector<16xf32>,
    %add3A_669 = arith.addf %get3A_664, %get3A_668 : vector<16xf32>
    %exp3A_670 = math.exp %add3A_669 : vector<16xf32>
    %add3A_671 = arith.constant 1.000000e+00 : f32
    %add3A_672 = vector.broadcast %add3A_671 : f32 to vector<16xf32>
    %add3A_673 = arith.addf %add3A_672, %exp3A_670 : vector<16xf32>
    %div3A_674 = arith.constant 1.000000e+00 : f32
    %div3A_675 = vector.broadcast %div3A_674 : f32 to vector<16xf32>
    %div3A_676 = arith.divf %div3A_675, %add3A_673 : vector<16xf32>
    %swap3A_677 = arith.constant 2 : i32
    %swap3A_678 = arith.index_cast %swap3A_677 : i32 to index
    %swap3A_679 = arith.constant 96 : index
    %swap3A_680 = tpu.vector_load %arg6[%swap3A_678, %swap3A_679] {strides = array<i32>} : memref<4x128xf32, #tpu.memory_space<vmem>>, vector<16xf32>,
    tpu.vector_store %arg6[%swap3A_678, %swap3A_679], %div3A_676 {strides = array<i32>} : memref<4x128xf32, #tpu.memory_space<vmem>>, vector<16xf32>,
    %get3A_681 = arith.constant 2 : i32
    %get3A_682 = arith.index_cast %get3A_681 : i32 to index
    %get3A_683 = arith.constant 112 : index
    %get3A_684 = tpu.vector_load %arg4[%get3A_682, %get3A_683] {strides = array<i32>} : memref<4x128xf32, #tpu.memory_space<vmem>>, vector<16xf32>,
    %get3A_685 = arith.constant 2 : i32
    %get3A_686 = arith.index_cast %get3A_685 : i32 to index
    %get3A_687 = arith.constant 112 : index
    %get3A_688 = tpu.vector_load %arg5[%get3A_686, %get3A_687] {strides = array<i32>} : memref<4x128xf32, #tpu.memory_space<vmem>>, vector<16xf32>,
    %add3A_689 = arith.addf %get3A_684, %get3A_688 : vector<16xf32>
    %exp3A_690 = math.exp %add3A_689 : vector<16xf32>
    %add3A_691 = arith.constant 1.000000e+00 : f32
    %add3A_692 = vector.broadcast %add3A_691 : f32 to vector<16xf32>
    %add3A_693 = arith.addf %add3A_692, %exp3A_690 : vector<16xf32>
    %div3A_694 = arith.constant 1.000000e+00 : f32
    %div3A_695 = vector.broadcast %div3A_694 : f32 to vector<16xf32>
    %div3A_696 = arith.divf %div3A_695, %add3A_693 : vector<16xf32>
    %swap3A_697 = arith.constant 2 : i32
    %swap3A_698 = arith.index_cast %swap3A_697 : i32 to index
    %swap3A_699 = arith.constant 112 : index
    %swap3A_700 = tpu.vector_load %arg6[%swap3A_698, %swap3A_699] {strides = array<i32>} : memref<4x128xf32, #tpu.memory_space<vmem>>, vector<16xf32>,
    tpu.vector_store %arg6[%swap3A_698, %swap3A_699], %div3A_696 {strides = array<i32>} : memref<4x128xf32, #tpu.memory_space<vmem>>, vector<16xf32>,
    %get3A_701 = arith.constant 3 : i32
    %get3A_702 = arith.index_cast %get3A_701 : i32 to index
    %get3A_703 = arith.constant 0 : index
    %get3A_704 = tpu.vector_load %arg4[%get3A_702, %get3A_703] {strides = array<i32>} : memref<4x128xf32, #tpu.memory_space<vmem>>, vector<16xf32>,
    %get3A_705 = arith.constant 3 : i32
    %get3A_706 = arith.index_cast %get3A_705 : i32 to index
    %get3A_707 = arith.constant 0 : index
    %get3A_708 = tpu.vector_load %arg5[%get3A_706, %get3A_707] {strides = array<i32>} : memref<4x128xf32, #tpu.memory_space<vmem>>, vector<16xf32>,
    %add3A_709 = arith.addf %get3A_704, %get3A_708 : vector<16xf32>
    %exp3A_710 = math.exp %add3A_709 : vector<16xf32>
    %add3A_711 = arith.constant 1.000000e+00 : f32
    %add3A_712 = vector.broadcast %add3A_711 : f32 to vector<16xf32>
    %add3A_713 = arith.addf %add3A_712, %exp3A_710 : vector<16xf32>
    %div3A_714 = arith.constant 1.000000e+00 : f32
    %div3A_715 = vector.broadcast %div3A_714 : f32 to vector<16xf32>
    %div3A_716 = arith.divf %div3A_715, %add3A_713 : vector<16xf32>
    %swap3A_717 = arith.constant 3 : i32
    %swap3A_718 = arith.index_cast %swap3A_717 : i32 to index
    %swap3A_719 = arith.constant 0 : index
    %swap3A_720 = tpu.vector_load %arg6[%swap3A_718, %swap3A_719] {strides = array<i32>} : memref<4x128xf32, #tpu.memory_space<vmem>>, vector<16xf32>,
    tpu.vector_store %arg6[%swap3A_718, %swap3A_719], %div3A_716 {strides = array<i32>} : memref<4x128xf32, #tpu.memory_space<vmem>>, vector<16xf32>,
    %get3A_721 = arith.constant 3 : i32
    %get3A_722 = arith.index_cast %get3A_721 : i32 to index
    %get3A_723 = arith.constant 16 : index
    %get3A_724 = tpu.vector_load %arg4[%get3A_722, %get3A_723] {strides = array<i32>} : memref<4x128xf32, #tpu.memory_space<vmem>>, vector<16xf32>,
    %get3A_725 = arith.constant 3 : i32
    %get3A_726 = arith.index_cast %get3A_725 : i32 to index
    %get3A_727 = arith.constant 16 : index
    %get3A_728 = tpu.vector_load %arg5[%get3A_726, %get3A_727] {strides = array<i32>} : memref<4x128xf32, #tpu.memory_space<vmem>>, vector<16xf32>,
    %add3A_729 = arith.addf %get3A_724, %get3A_728 : vector<16xf32>
    %exp3A_730 = math.exp %add3A_729 : vector<16xf32>
    %add3A_731 = arith.constant 1.000000e+00 : f32
    %add3A_732 = vector.broadcast %add3A_731 : f32 to vector<16xf32>
    %add3A_733 = arith.addf %add3A_732, %exp3A_730 : vector<16xf32>
    %div3A_734 = arith.constant 1.000000e+00 : f32
    %div3A_735 = vector.broadcast %div3A_734 : f32 to vector<16xf32>
    %div3A_736 = arith.divf %div3A_735, %add3A_733 : vector<16xf32>
    %swap3A_737 = arith.constant 3 : i32
    %swap3A_738 = arith.index_cast %swap3A_737 : i32 to index
    %swap3A_739 = arith.constant 16 : index
    %swap3A_740 = tpu.vector_load %arg6[%swap3A_738, %swap3A_739] {strides = array<i32>} : memref<4x128xf32, #tpu.memory_space<vmem>>, vector<16xf32>,
    tpu.vector_store %arg6[%swap3A_738, %swap3A_739], %div3A_736 {strides = array<i32>} : memref<4x128xf32, #tpu.memory_space<vmem>>, vector<16xf32>,
    %get3A_741 = arith.constant 3 : i32
    %get3A_742 = arith.index_cast %get3A_741 : i32 to index
    %get3A_743 = arith.constant 32 : index
    %get3A_744 = tpu.vector_load %arg4[%get3A_742, %get3A_743] {strides = array<i32>} : memref<4x128xf32, #tpu.memory_space<vmem>>, vector<16xf32>,
    %get3A_745 = arith.constant 3 : i32
    %get3A_746 = arith.index_cast %get3A_745 : i32 to index
    %get3A_747 = arith.constant 32 : index
    %get3A_748 = tpu.vector_load %arg5[%get3A_746, %get3A_747] {strides = array<i32>} : memref<4x128xf32, #tpu.memory_space<vmem>>, vector<16xf32>,
    %add3A_749 = arith.addf %get3A_744, %get3A_748 : vector<16xf32>
    %exp3A_750 = math.exp %add3A_749 : vector<16xf32>
    %add3A_751 = arith.constant 1.000000e+00 : f32
    %add3A_752 = vector.broadcast %add3A_751 : f32 to vector<16xf32>
    %add3A_753 = arith.addf %add3A_752, %exp3A_750 : vector<16xf32>
    %div3A_754 = arith.constant 1.000000e+00 : f32
    %div3A_755 = vector.broadcast %div3A_754 : f32 to vector<16xf32>
    %div3A_756 = arith.divf %div3A_755, %add3A_753 : vector<16xf32>
    %swap3A_757 = arith.constant 3 : i32
    %swap3A_758 = arith.index_cast %swap3A_757 : i32 to index
    %swap3A_759 = arith.constant 32 : index
    %swap3A_760 = tpu.vector_load %arg6[%swap3A_758, %swap3A_759] {strides = array<i32>} : memref<4x128xf32, #tpu.memory_space<vmem>>, vector<16xf32>,
    tpu.vector_store %arg6[%swap3A_758, %swap3A_759], %div3A_756 {strides = array<i32>} : memref<4x128xf32, #tpu.memory_space<vmem>>, vector<16xf32>,
    %get3A_761 = arith.constant 3 : i32
    %get3A_762 = arith.index_cast %get3A_761 : i32 to index
    %get3A_763 = arith.constant 48 : index
    %get3A_764 = tpu.vector_load %arg4[%get3A_762, %get3A_763] {strides = array<i32>} : memref<4x128xf32, #tpu.memory_space<vmem>>, vector<16xf32>,
    %get3A_765 = arith.constant 3 : i32
    %get3A_766 = arith.index_cast %get3A_765 : i32 to index
    %get3A_767 = arith.constant 48 : index
    %get3A_768 = tpu.vector_load %arg5[%get3A_766, %get3A_767] {strides = array<i32>} : memref<4x128xf32, #tpu.memory_space<vmem>>, vector<16xf32>,
    %add3A_769 = arith.addf %get3A_764, %get3A_768 : vector<16xf32>
    %exp3A_770 = math.exp %add3A_769 : vector<16xf32>
    %add3A_771 = arith.constant 1.000000e+00 : f32
    %add3A_772 = vector.broadcast %add3A_771 : f32 to vector<16xf32>
    %add3A_773 = arith.addf %add3A_772, %exp3A_770 : vector<16xf32>
    %div3A_774 = arith.constant 1.000000e+00 : f32
    %div3A_775 = vector.broadcast %div3A_774 : f32 to vector<16xf32>
    %div3A_776 = arith.divf %div3A_775, %add3A_773 : vector<16xf32>
    %swap3A_777 = arith.constant 3 : i32
    %swap3A_778 = arith.index_cast %swap3A_777 : i32 to index
    %swap3A_779 = arith.constant 48 : index
    %swap3A_780 = tpu.vector_load %arg6[%swap3A_778, %swap3A_779] {strides = array<i32>} : memref<4x128xf32, #tpu.memory_space<vmem>>, vector<16xf32>,
    tpu.vector_store %arg6[%swap3A_778, %swap3A_779], %div3A_776 {strides = array<i32>} : memref<4x128xf32, #tpu.memory_space<vmem>>, vector<16xf32>,
    %get3A_781 = arith.constant 3 : i32
    %get3A_782 = arith.index_cast %get3A_781 : i32 to index
    %get3A_783 = arith.constant 64 : index
    %get3A_784 = tpu.vector_load %arg4[%get3A_782, %get3A_783] {strides = array<i32>} : memref<4x128xf32, #tpu.memory_space<vmem>>, vector<16xf32>,
    %get3A_785 = arith.constant 3 : i32
    %get3A_786 = arith.index_cast %get3A_785 : i32 to index
    %get3A_787 = arith.constant 64 : index
    %get3A_788 = tpu.vector_load %arg5[%get3A_786, %get3A_787] {strides = array<i32>} : memref<4x128xf32, #tpu.memory_space<vmem>>, vector<16xf32>,
    %add3A_789 = arith.addf %get3A_784, %get3A_788 : vector<16xf32>
    %exp3A_790 = math.exp %add3A_789 : vector<16xf32>
    %add3A_791 = arith.constant 1.000000e+00 : f32
    %add3A_792 = vector.broadcast %add3A_791 : f32 to vector<16xf32>
    %add3A_793 = arith.addf %add3A_792, %exp3A_790 : vector<16xf32>
    %div3A_794 = arith.constant 1.000000e+00 : f32
    %div3A_795 = vector.broadcast %div3A_794 : f32 to vector<16xf32>
    %div3A_796 = arith.divf %div3A_795, %add3A_793 : vector<16xf32>
    %swap3A_797 = arith.constant 3 : i32
    %swap3A_798 = arith.index_cast %swap3A_797 : i32 to index
    %swap3A_799 = arith.constant 64 : index
    %swap3A_800 = tpu.vector_load %arg6[%swap3A_798, %swap3A_799] {strides = array<i32>} : memref<4x128xf32, #tpu.memory_space<vmem>>, vector<16xf32>,
    tpu.vector_store %arg6[%swap3A_798, %swap3A_799], %div3A_796 {strides = array<i32>} : memref<4x128xf32, #tpu.memory_space<vmem>>, vector<16xf32>,
    %get3A_801 = arith.constant 3 : i32
    %get3A_802 = arith.index_cast %get3A_801 : i32 to index
    %get3A_803 = arith.constant 80 : index
    %get3A_804 = tpu.vector_load %arg4[%get3A_802, %get3A_803] {strides = array<i32>} : memref<4x128xf32, #tpu.memory_space<vmem>>, vector<16xf32>,
    %get3A_805 = arith.constant 3 : i32
    %get3A_806 = arith.index_cast %get3A_805 : i32 to index
    %get3A_807 = arith.constant 80 : index
    %get3A_808 = tpu.vector_load %arg5[%get3A_806, %get3A_807] {strides = array<i32>} : memref<4x128xf32, #tpu.memory_space<vmem>>, vector<16xf32>,
    %add3A_809 = arith.addf %get3A_804, %get3A_808 : vector<16xf32>
    %exp3A_810 = math.exp %add3A_809 : vector<16xf32>
    %add3A_811 = arith.constant 1.000000e+00 : f32
    %add3A_812 = vector.broadcast %add3A_811 : f32 to vector<16xf32>
    %add3A_813 = arith.addf %add3A_812, %exp3A_810 : vector<16xf32>
    %div3A_814 = arith.constant 1.000000e+00 : f32
    %div3A_815 = vector.broadcast %div3A_814 : f32 to vector<16xf32>
    %div3A_816 = arith.divf %div3A_815, %add3A_813 : vector<16xf32>
    %swap3A_817 = arith.constant 3 : i32
    %swap3A_818 = arith.index_cast %swap3A_817 : i32 to index
    %swap3A_819 = arith.constant 80 : index
    %swap3A_820 = tpu.vector_load %arg6[%swap3A_818, %swap3A_819] {strides = array<i32>} : memref<4x128xf32, #tpu.memory_space<vmem>>, vector<16xf32>,
    tpu.vector_store %arg6[%swap3A_818, %swap3A_819], %div3A_816 {strides = array<i32>} : memref<4x128xf32, #tpu.memory_space<vmem>>, vector<16xf32>,
    %get3A_821 = arith.constant 3 : i32
    %get3A_822 = arith.index_cast %get3A_821 : i32 to index
    %get3A_823 = arith.constant 96 : index
    %get3A_824 = tpu.vector_load %arg4[%get3A_822, %get3A_823] {strides = array<i32>} : memref<4x128xf32, #tpu.memory_space<vmem>>, vector<16xf32>,
    %get3A_825 = arith.constant 3 : i32
    %get3A_826 = arith.index_cast %get3A_825 : i32 to index
    %get3A_827 = arith.constant 96 : index
    %get3A_828 = tpu.vector_load %arg5[%get3A_826, %get3A_827] {strides = array<i32>} : memref<4x128xf32, #tpu.memory_space<vmem>>, vector<16xf32>,
    %add3A_829 = arith.addf %get3A_824, %get3A_828 : vector<16xf32>
    %exp3A_830 = math.exp %add3A_829 : vector<16xf32>
    %add3A_831 = arith.constant 1.000000e+00 : f32
    %add3A_832 = vector.broadcast %add3A_831 : f32 to vector<16xf32>
    %add3A_833 = arith.addf %add3A_832, %exp3A_830 : vector<16xf32>
    %div3A_834 = arith.constant 1.000000e+00 : f32
    %div3A_835 = vector.broadcast %div3A_834 : f32 to vector<16xf32>
    %div3A_836 = arith.divf %div3A_835, %add3A_833 : vector<16xf32>
    %swap3A_837 = arith.constant 3 : i32
    %swap3A_838 = arith.index_cast %swap3A_837 : i32 to index
    %swap3A_839 = arith.constant 96 : index
    %swap3A_840 = tpu.vector_load %arg6[%swap3A_838, %swap3A_839] {strides = array<i32>} : memref<4x128xf32, #tpu.memory_space<vmem>>, vector<16xf32>,
    tpu.vector_store %arg6[%swap3A_838, %swap3A_839], %div3A_836 {strides = array<i32>} : memref<4x128xf32, #tpu.memory_space<vmem>>, vector<16xf32>,
    %get3A_841 = arith.constant 3 : i32
    %get3A_842 = arith.index_cast %get3A_841 : i32 to index
    %get3A_843 = arith.constant 112 : index
    %get3A_844 = tpu.vector_load %arg4[%get3A_842, %get3A_843] {strides = array<i32>} : memref<4x128xf32, #tpu.memory_space<vmem>>, vector<16xf32>,
    %get3A_845 = arith.constant 3 : i32
    %get3A_846 = arith.index_cast %get3A_845 : i32 to index
    %get3A_847 = arith.constant 112 : index
    %get3A_848 = tpu.vector_load %arg5[%get3A_846, %get3A_847] {strides = array<i32>} : memref<4x128xf32, #tpu.memory_space<vmem>>, vector<16xf32>,
    %add3A_849 = arith.addf %get3A_844, %get3A_848 : vector<16xf32>
    %exp3A_850 = math.exp %add3A_849 : vector<16xf32>
    %add3A_851 = arith.constant 1.000000e+00 : f32
    %add3A_852 = vector.broadcast %add3A_851 : f32 to vector<16xf32>
    %add3A_853 = arith.addf %add3A_852, %exp3A_850 : vector<16xf32>
    %div3A_854 = arith.constant 1.000000e+00 : f32
    %div3A_855 = vector.broadcast %div3A_854 : f32 to vector<16xf32>
    %div3A_856 = arith.divf %div3A_855, %add3A_853 : vector<16xf32>
    %swap3A_857 = arith.constant 3 : i32
    %swap3A_858 = arith.index_cast %swap3A_857 : i32 to index
    %swap3A_859 = arith.constant 112 : index
    %swap3A_860 = tpu.vector_load %arg6[%swap3A_858, %swap3A_859] {strides = array<i32>} : memref<4x128xf32, #tpu.memory_space<vmem>>, vector<16xf32>,
    tpu.vector_store %arg6[%swap3A_858, %swap3A_859], %div3A_856 {strides = array<i32>} : memref<4x128xf32, #tpu.memory_space<vmem>>, vector<16xf32>,
    %add3A_861 = arith.constant 0 : i32
    %add3A_862 = arith.addi %mul3A_2, %add3A_861 : i32
    %run_scoped3A = arith.constant 0 : i32
    "tpu.region"() ({
      %run_scoped3A_872 = tpu.sem_alloc : memref<!tpu.dma_semaphore, #tpu.memory_space<semaphore_mem>>
      %dma_start3A_873 = arith.constant 0 : i32
      %dma_start3A_874 = tpu.memref_slice %arg6[%run_scoped3A, %dma_start3A_873] : memref<4x128xf32, #tpu.memory_space<vmem>> -> memref<1x128xf32, #tpu.memory_space<vmem>>
      %dma_start3A_875 = tpu.memref_squeeze %dma_start3A_874 : memref<1x128xf32, #tpu.memory_space<vmem>> -> memref<128xf32, #tpu.memory_space<vmem>>
      %dma_start3A_876 = tpu.memref_slice %arg3[%add3A_862] : memref<16384xf32, #tpu.memory_space<hbm>> -> memref<128xf32, #tpu.memory_space<hbm>>
      %dma_start3A_877 = tpu.memref_slice %arg3[%add3A_862] : memref<16384xf32, #tpu.memory_space<hbm>> -> memref<128xf32, #tpu.memory_space<hbm>>
      %dma_start3A_878 = arith.constant 0 : i32
      %dma_start3A_879 = tpu.memref_slice %arg6[%run_scoped3A, %dma_start3A_878] : memref<4x128xf32, #tpu.memory_space<vmem>> -> memref<1x128xf32, #tpu.memory_space<vmem>>
      %dma_start3A_880 = tpu.memref_squeeze %dma_start3A_879 : memref<1x128xf32, #tpu.memory_space<vmem>> -> memref<128xf32, #tpu.memory_space<vmem>>
      tpu.enqueue_dma source(%dma_start3A_880 : memref<128xf32, #tpu.memory_space<vmem>>) target(%dma_start3A_877 : memref<128xf32, #tpu.memory_space<hbm>>) target_semaphore(%run_scoped3A_872 : memref<!tpu.dma_semaphore, #tpu.memory_space<semaphore_mem>>)
      %dma_wait3A_881 = arith.constant 0 : i32
      %dma_wait3A_882 = tpu.memref_slice %arg6[%run_scoped3A, %dma_wait3A_881] : memref<4x128xf32, #tpu.memory_space<vmem>> -> memref<1x128xf32, #tpu.memory_space<vmem>>
      %dma_wait3A_883 = tpu.memref_squeeze %dma_wait3A_882 : memref<1x128xf32, #tpu.memory_space<vmem>> -> memref<128xf32, #tpu.memory_space<vmem>>
      %dma_wait3A_884 = tpu.memref_slice %arg3[%add3A_862] : memref<16384xf32, #tpu.memory_space<hbm>> -> memref<128xf32, #tpu.memory_space<hbm>>
      %dma_wait3A_885 = tpu.memref_slice %arg3[%add3A_862] : memref<16384xf32, #tpu.memory_space<hbm>> -> memref<128xf32, #tpu.memory_space<hbm>>
      %dma_wait3A_886 = arith.constant 0 : i32
      %dma_wait3A_887 = tpu.memref_slice %arg6[%run_scoped3A, %dma_wait3A_886] : memref<4x128xf32, #tpu.memory_space<vmem>> -> memref<1x128xf32, #tpu.memory_space<vmem>>
      %dma_wait3A_888 = tpu.memref_squeeze %dma_wait3A_887 : memref<1x128xf32, #tpu.memory_space<vmem>> -> memref<128xf32, #tpu.memory_space<vmem>>
      tpu.wait_dma2 semaphore(%run_scoped3A_872 : memref<!tpu.dma_semaphore, #tpu.memory_space<semaphore_mem>>) src(%dma_wait3A_888 : memref<128xf32, #tpu.memory_space<vmem>>) dst(%dma_wait3A_885 : memref<128xf32, #tpu.memory_space<hbm>>)
      tpu.yield
    }) : () -> ()
    %add3A_863 = arith.constant 128 : i32
    %add3A_864 = arith.addi %mul3A_2, %add3A_863 : i32
    %run_scoped3A_865 = arith.constant 1 : i32
    "tpu.region"() ({
      %run_scoped3A_872 = tpu.sem_alloc : memref<!tpu.dma_semaphore, #tpu.memory_space<semaphore_mem>>
      %dma_start3A_873 = arith.constant 0 : i32
      %dma_start3A_874 = tpu.memref_slice %arg6[%run_scoped3A_865, %dma_start3A_873] : memref<4x128xf32, #tpu.memory_space<vmem>> -> memref<1x128xf32, #tpu.memory_space<vmem>>
      %dma_start3A_875 = tpu.memref_squeeze %dma_start3A_874 : memref<1x128xf32, #tpu.memory_space<vmem>> -> memref<128xf32, #tpu.memory_space<vmem>>
      %dma_start3A_876 = tpu.memref_slice %arg3[%add3A_864] : memref<16384xf32, #tpu.memory_space<hbm>> -> memref<128xf32, #tpu.memory_space<hbm>>
      %dma_start3A_877 = tpu.memref_slice %arg3[%add3A_864] : memref<16384xf32, #tpu.memory_space<hbm>> -> memref<128xf32, #tpu.memory_space<hbm>>
      %dma_start3A_878 = arith.constant 0 : i32
      %dma_start3A_879 = tpu.memref_slice %arg6[%run_scoped3A_865, %dma_start3A_878] : memref<4x128xf32, #tpu.memory_space<vmem>> -> memref<1x128xf32, #tpu.memory_space<vmem>>
      %dma_start3A_880 = tpu.memref_squeeze %dma_start3A_879 : memref<1x128xf32, #tpu.memory_space<vmem>> -> memref<128xf32, #tpu.memory_space<vmem>>
      tpu.enqueue_dma source(%dma_start3A_880 : memref<128xf32, #tpu.memory_space<vmem>>) target(%dma_start3A_877 : memref<128xf32, #tpu.memory_space<hbm>>) target_semaphore(%run_scoped3A_872 : memref<!tpu.dma_semaphore, #tpu.memory_space<semaphore_mem>>)
      %dma_wait3A_881 = arith.constant 0 : i32
      %dma_wait3A_882 = tpu.memref_slice %arg6[%run_scoped3A_865, %dma_wait3A_881] : memref<4x128xf32, #tpu.memory_space<vmem>> -> memref<1x128xf32, #tpu.memory_space<vmem>>
      %dma_wait3A_883 = tpu.memref_squeeze %dma_wait3A_882 : memref<1x128xf32, #tpu.memory_space<vmem>> -> memref<128xf32, #tpu.memory_space<vmem>>
      %dma_wait3A_884 = tpu.memref_slice %arg3[%add3A_864] : memref<16384xf32, #tpu.memory_space<hbm>> -> memref<128xf32, #tpu.memory_space<hbm>>
      %dma_wait3A_885 = tpu.memref_slice %arg3[%add3A_864] : memref<16384xf32, #tpu.memory_space<hbm>> -> memref<128xf32, #tpu.memory_space<hbm>>
      %dma_wait3A_886 = arith.constant 0 : i32
      %dma_wait3A_887 = tpu.memref_slice %arg6[%run_scoped3A_865, %dma_wait3A_886] : memref<4x128xf32, #tpu.memory_space<vmem>> -> memref<1x128xf32, #tpu.memory_space<vmem>>
      %dma_wait3A_888 = tpu.memref_squeeze %dma_wait3A_887 : memref<1x128xf32, #tpu.memory_space<vmem>> -> memref<128xf32, #tpu.memory_space<vmem>>
      tpu.wait_dma2 semaphore(%run_scoped3A_872 : memref<!tpu.dma_semaphore, #tpu.memory_space<semaphore_mem>>) src(%dma_wait3A_888 : memref<128xf32, #tpu.memory_space<vmem>>) dst(%dma_wait3A_885 : memref<128xf32, #tpu.memory_space<hbm>>)
      tpu.yield
    }) : () -> ()
    %add3A_866 = arith.constant 256 : i32
    %add3A_867 = arith.addi %mul3A_2, %add3A_866 : i32
    %run_scoped3A_868 = arith.constant 2 : i32
    "tpu.region"() ({
      %run_scoped3A_872 = tpu.sem_alloc : memref<!tpu.dma_semaphore, #tpu.memory_space<semaphore_mem>>
      %dma_start3A_873 = arith.constant 0 : i32
      %dma_start3A_874 = tpu.memref_slice %arg6[%run_scoped3A_868, %dma_start3A_873] : memref<4x128xf32, #tpu.memory_space<vmem>> -> memref<1x128xf32, #tpu.memory_space<vmem>>
      %dma_start3A_875 = tpu.memref_squeeze %dma_start3A_874 : memref<1x128xf32, #tpu.memory_space<vmem>> -> memref<128xf32, #tpu.memory_space<vmem>>
      %dma_start3A_876 = tpu.memref_slice %arg3[%add3A_867] : memref<16384xf32, #tpu.memory_space<hbm>> -> memref<128xf32, #tpu.memory_space<hbm>>
      %dma_start3A_877 = tpu.memref_slice %arg3[%add3A_867] : memref<16384xf32, #tpu.memory_space<hbm>> -> memref<128xf32, #tpu.memory_space<hbm>>
      %dma_start3A_878 = arith.constant 0 : i32
      %dma_start3A_879 = tpu.memref_slice %arg6[%run_scoped3A_868, %dma_start3A_878] : memref<4x128xf32, #tpu.memory_space<vmem>> -> memref<1x128xf32, #tpu.memory_space<vmem>>
      %dma_start3A_880 = tpu.memref_squeeze %dma_start3A_879 : memref<1x128xf32, #tpu.memory_space<vmem>> -> memref<128xf32, #tpu.memory_space<vmem>>
      tpu.enqueue_dma source(%dma_start3A_880 : memref<128xf32, #tpu.memory_space<vmem>>) target(%dma_start3A_877 : memref<128xf32, #tpu.memory_space<hbm>>) target_semaphore(%run_scoped3A_872 : memref<!tpu.dma_semaphore, #tpu.memory_space<semaphore_mem>>)
      %dma_wait3A_881 = arith.constant 0 : i32
      %dma_wait3A_882 = tpu.memref_slice %arg6[%run_scoped3A_868, %dma_wait3A_881] : memref<4x128xf32, #tpu.memory_space<vmem>> -> memref<1x128xf32, #tpu.memory_space<vmem>>
      %dma_wait3A_883 = tpu.memref_squeeze %dma_wait3A_882 : memref<1x128xf32, #tpu.memory_space<vmem>> -> memref<128xf32, #tpu.memory_space<vmem>>
      %dma_wait3A_884 = tpu.memref_slice %arg3[%add3A_867] : memref<16384xf32, #tpu.memory_space<hbm>> -> memref<128xf32, #tpu.memory_space<hbm>>
      %dma_wait3A_885 = tpu.memref_slice %arg3[%add3A_867] : memref<16384xf32, #tpu.memory_space<hbm>> -> memref<128xf32, #tpu.memory_space<hbm>>
      %dma_wait3A_886 = arith.constant 0 : i32
      %dma_wait3A_887 = tpu.memref_slice %arg6[%run_scoped3A_868, %dma_wait3A_886] : memref<4x128xf32, #tpu.memory_space<vmem>> -> memref<1x128xf32, #tpu.memory_space<vmem>>
      %dma_wait3A_888 = tpu.memref_squeeze %dma_wait3A_887 : memref<1x128xf32, #tpu.memory_space<vmem>> -> memref<128xf32, #tpu.memory_space<vmem>>
      tpu.wait_dma2 semaphore(%run_scoped3A_872 : memref<!tpu.dma_semaphore, #tpu.memory_space<semaphore_mem>>) src(%dma_wait3A_888 : memref<128xf32, #tpu.memory_space<vmem>>) dst(%dma_wait3A_885 : memref<128xf32, #tpu.memory_space<hbm>>)
      tpu.yield
    }) : () -> ()
    %add3A_869 = arith.constant 384 : i32
    %add3A_870 = arith.addi %mul3A_2, %add3A_869 : i32
    %run_scoped3A_871 = arith.constant 3 : i32
    "tpu.region"() ({
      %run_scoped3A_872 = tpu.sem_alloc : memref<!tpu.dma_semaphore, #tpu.memory_space<semaphore_mem>>
      %dma_start3A_873 = arith.constant 0 : i32
      %dma_start3A_874 = tpu.memref_slice %arg6[%run_scoped3A_871, %dma_start3A_873] : memref<4x128xf32, #tpu.memory_space<vmem>> -> memref<1x128xf32, #tpu.memory_space<vmem>>
      %dma_start3A_875 = tpu.memref_squeeze %dma_start3A_874 : memref<1x128xf32, #tpu.memory_space<vmem>> -> memref<128xf32, #tpu.memory_space<vmem>>
      %dma_start3A_876 = tpu.memref_slice %arg3[%add3A_870] : memref<16384xf32, #tpu.memory_space<hbm>> -> memref<128xf32, #tpu.memory_space<hbm>>
      %dma_start3A_877 = tpu.memref_slice %arg3[%add3A_870] : memref<16384xf32, #tpu.memory_space<hbm>> -> memref<128xf32, #tpu.memory_space<hbm>>
      %dma_start3A_878 = arith.constant 0 : i32
      %dma_start3A_879 = tpu.memref_slice %arg6[%run_scoped3A_871, %dma_start3A_878] : memref<4x128xf32, #tpu.memory_space<vmem>> -> memref<1x128xf32, #tpu.memory_space<vmem>>
      %dma_start3A_880 = tpu.memref_squeeze %dma_start3A_879 : memref<1x128xf32, #tpu.memory_space<vmem>> -> memref<128xf32, #tpu.memory_space<vmem>>
      tpu.enqueue_dma source(%dma_start3A_880 : memref<128xf32, #tpu.memory_space<vmem>>) target(%dma_start3A_877 : memref<128xf32, #tpu.memory_space<hbm>>) target_semaphore(%run_scoped3A_872 : memref<!tpu.dma_semaphore, #tpu.memory_space<semaphore_mem>>)
      %dma_wait3A_881 = arith.constant 0 : i32
      %dma_wait3A_882 = tpu.memref_slice %arg6[%run_scoped3A_871, %dma_wait3A_881] : memref<4x128xf32, #tpu.memory_space<vmem>> -> memref<1x128xf32, #tpu.memory_space<vmem>>
      %dma_wait3A_883 = tpu.memref_squeeze %dma_wait3A_882 : memref<1x128xf32, #tpu.memory_space<vmem>> -> memref<128xf32, #tpu.memory_space<vmem>>
      %dma_wait3A_884 = tpu.memref_slice %arg3[%add3A_870] : memref<16384xf32, #tpu.memory_space<hbm>> -> memref<128xf32, #tpu.memory_space<hbm>>
      %dma_wait3A_885 = tpu.memref_slice %arg3[%add3A_870] : memref<16384xf32, #tpu.memory_space<hbm>> -> memref<128xf32, #tpu.memory_space<hbm>>
      %dma_wait3A_886 = arith.constant 0 : i32
      %dma_wait3A_887 = tpu.memref_slice %arg6[%run_scoped3A_871, %dma_wait3A_886] : memref<4x128xf32, #tpu.memory_space<vmem>> -> memref<1x128xf32, #tpu.memory_space<vmem>>
      %dma_wait3A_888 = tpu.memref_squeeze %dma_wait3A_887 : memref<1x128xf32, #tpu.memory_space<vmem>> -> memref<128xf32, #tpu.memory_space<vmem>>
      tpu.wait_dma2 semaphore(%run_scoped3A_872 : memref<!tpu.dma_semaphore, #tpu.memory_space<semaphore_mem>>) src(%dma_wait3A_888 : memref<128xf32, #tpu.memory_space<vmem>>) dst(%dma_wait3A_885 : memref<128xf32, #tpu.memory_space<hbm>>)
      tpu.yield
    }) : () -> ()
    return
  }
}

</mosaic_0001>

<sc_bundles>
// kernel: kernel.4.cloned.1.call-start
scs
__scs_entry_jumppad:
0x0: {  	(pc) =	sbr.rel $0x88, $3  }
0x1: {  	(tag) =	ssettag $0x0;
	lr =	simm.s32 $0x1  }
0x2: {  	[smem:$0x3F9F] =	sst lr;
	_ =	strace $0xD0000000  }
0x3: {  	_ = 	snop  }
0x4: {  	_ = 	snop  }
0x5: {  	_ = 	snop  }
0x6: {  	_ = 	snop  }
0x7: {  	_ = 	snop  }
__scs_overlays_trampoline_lowered:
0x8: {  	[smem:$0x3FAE] =	sst s0  }
0x9: {  	[smem:$0x3FAF] =	sst s1  }
0xa: {  	[smem:$0x3FB0] =	sst s2  }
0xb: {  	[smem:$0x3FB1] =	sst s3  }
0xc: {  	[smem:$0x3FB2] =	sst s4  }
0xd: {  	[smem:$0x3FB3] =	sst s5  }
0xe: {  	[smem:$0x3FB4] =	sst s6  }
0xf: {  	[smem:$0x3FB5] =	sst s7  }
0x10: {  	[smem:$0x3FB6] =	sst s8  }
0x11: {  	[smem:$0x3FB7] =	sst s9;
	s0 =	simm.s32 @!p0 $0x0  }
0x12: {  	s1 =	sld [smem:$0x3F9D];
	s0 =	simm.s32 @p0 $0x1  }
0x13: {  	[smem:$0x3FB8] =	sst s0;
	s0 =	simm.s32 @!p1 $0x0  }
0x14: {  	s2 =	sld [smem:$0x3F9C];
	s0 =	simm.s32 @p1 $0x1  }
0x15: {  	[smem:$0x3FB9] =	sst s0;
	s0 =	simm.s32 @!p2 $0x0  }
0x16: {  	s3 =	sld [smem:$0x3FDB];
	s0 =	simm.s32 @p2 $0x1  }
0x17: {  	s4 =	simm.s32 $0x1BF5;
	[smem:$0x3FBB] =	sst s0  }
0x18: {  	s0 =	sld [smem:$0x3F9E];
	_ =	swait.ge [sflag:s4], $0x0  }
0x19: {  	s7 =	sld [smem:$0x3F9F]  }
0x1a: {  	s8 =	sadd.s32 $0xFFFFE003, lr  }
0x1b: {  	s9 =	sadd.s32 $0xFFFFFEF7, lr;
	s5 =	simm.s32 $0xFFFFFFFF;
	p2 =	slt.u32 s8, $0xFFFFF086  }
0x1c: {  	p1 =	slt.u32 s9, $0xF7A;
	s5 =	simm.s32 @!p2 $0x0  }
0x1d: {  	s5 =	simm.s32 @p1 $0x1;
	p0 =	seq.s32 s7, s2  }
0x1e: {  	s7 =	smul.u32 @!p0 $0xF7A, s2;
	p2 =	seq.s32 @!p0 s5, $0x0  }
0x1f: {  	s9 =	smul.u32 $0xF7A, s1;
	s8 =	simm.s32 @!p0 $0x1BF5;
	p2 =	por !p2, p0  }
0x20: {  	[sflag:s8] =	ssyncset.s32 @!p0 $0xFFFFF086;
	s6 =	sadd.s32 @!p0 s3, s7;
	s7 =	simm.s32 @!p0 $0x108  }
0x21: {  	s3 =	sadd.s32 s3, s9;
	s6 =	sadd.s32 @!p0 $0x88, s6;
	s7 =	simm.s32 @p2 $0x1082  }
0x22: {  	[simem:s7], [sflag:s8] =	dma.local @!p0 [hbm:s6], $0xF7A  }
0x23: {  	s9 =	sor.u32 $0xD0000000, s2;
	s6 =	simm.s32 $0x108;
	_ =	swait.ge @!p0 [sflag:s8], $0x0  }
0x24: {  	s3 =	sadd.s32 $0x88, s3;
	s6 =	simm.s32 @!p1 $0x1082;
	[sflag:s4] =	ssyncset.s32 $0xFFFFF086  }
0x25: {  	[simem:s6], [sflag:s4] =	dma.local [hbm:s3], $0xF7A  }
0x26: {  	[smem:$0x3F9F] =	sst s1;
	(tag) =	ssettag s2;
	_ =	strace s9  }
0x27: {  	s1 =	sld [smem:$0x3FAF]  }
0x28: {  	s2 =	sld [smem:$0x3FB0]  }
0x29: {  	s4 =	sld [smem:$0x3FB2]  }
0x2a: {  	p0 =	seq.s32 s5, $0x0;
	s5 =	sld [smem:$0x3FB3]  }
0x2b: {  	s6 =	sld [smem:$0x3FB4]  }
0x2c: {  	s7 =	sld [smem:$0x3FB5]  }
0x2d: {  	s3 =	simm.s32 $0x108;
	s8 =	sld [smem:$0x3FB6]  }
0x2e: {  	s3 =	simm.s32 @!p0 $0x1082;
	s9 =	sld [smem:$0x3FB7]  }
0x2f: {  	lr =	sadd.s32 s0, s3;
	s0 =	sld [smem:$0x3FAE]  }
0x30: {  	s3 =	sld [smem:$0x3FB1]  }
0x31: {  	[smem:$0x3FBA] =	sst s10  }
0x32: {  	s10 =	sld [smem:$0x3FB8];
	_ =	sdelay $0x3  }
0x33: {  	p0 =	seq.s32 s10, $0x1;
	s10 =	sld [smem:$0x3FBA];
	_ =	sdelay $0x3  }
0x34: {  	[smem:$0x3FBA] =	sst s10  }
0x35: {  	s10 =	sld [smem:$0x3FB9];
	_ =	sdelay $0x3  }
0x36: {  	p1 =	seq.s32 s10, $0x1;
	s10 =	sld [smem:$0x3FBA];
	_ =	sdelay $0x3  }
0x37: {  	[smem:$0x3FBA] =	sst s10  }
0x38: {  	s10 =	sld [smem:$0x3FBB]  }
0x39: {  	_ = 	snop;
	(pc) =	sbr.ind lr, $3  }
0x3a: {  	_ = 	snop  }
0x3b: {  	_ = 	snop  }
0x3c: {  	p2 =	seq.s32 s10, $0x1;
	s10 =	sld [smem:$0x3FBA]  }
0x3d: {  	_ =	shalt  }
0x3e: {  	_ =	shalt  }
0x3f: {  	_ =	shalt  }
0x40: {  	_ =	shalt  }
0x41: {  	_ =	shalt  }
0x42: {  	_ =	shalt  }
0x43: {  	_ =	shalt  }
0x44: {  	_ =	shalt  }
0x45: {  	_ =	shalt  }
0x46: {  	_ =	shalt  }
0x47: {  	_ =	shalt  }
0x48: {  	_ =	shalt  }
0x49: {  	_ =	shalt  }
0x4a: {  	_ =	shalt  }
0x4b: {  	_ =	shalt  }
0x4c: {  	_ =	shalt  }
0x4d: {  	_ =	shalt  }
0x4e: {  	_ =	shalt  }
0x4f: {  	_ =	shalt  }
0x50: {  	_ =	shalt  }
0x51: {  	_ =	shalt  }
0x52: {  	_ =	shalt  }
0x53: {  	_ =	shalt  }
0x54: {  	_ =	shalt  }
0x55: {  	_ =	shalt  }
0x56: {  	_ =	shalt  }
0x57: {  	_ =	shalt  }
0x58: {  	_ =	shalt  }
0x59: {  	_ =	shalt  }
0x5a: {  	_ =	shalt  }
0x5b: {  	_ =	shalt  }
0x5c: {  	_ =	shalt  }
0x5d: {  	_ =	shalt  }
0x5e: {  	_ =	shalt  }
0x5f: {  	_ =	shalt  }
0x60: {  	_ =	shalt  }
0x61: {  	_ =	shalt  }
0x62: {  	_ =	shalt  }
0x63: {  	_ =	shalt  }
0x64: {  	_ =	shalt  }
0x65: {  	_ =	shalt  }
0x66: {  	_ =	shalt  }
0x67: {  	_ =	shalt  }
0x68: {  	_ =	shalt  }
0x69: {  	_ =	shalt  }
0x6a: {  	_ =	shalt  }
0x6b: {  	_ =	shalt  }
0x6c: {  	_ =	shalt  }
0x6d: {  	_ =	shalt  }
0x6e: {  	_ =	shalt  }
0x6f: {  	_ =	shalt  }
0x70: {  	_ =	shalt  }
0x71: {  	_ =	shalt  }
0x72: {  	_ =	shalt  }
0x73: {  	_ =	shalt  }
0x74: {  	_ =	shalt  }
0x75: {  	_ =	shalt  }
0x76: {  	_ =	shalt  }
0x77: {  	_ =	shalt  }
0x78: {  	_ =	shalt  }
0x79: {  	_ =	shalt  }
0x7a: {  	_ =	shalt  }
0x7b: {  	_ =	shalt  }
0x7c: {  	_ =	shalt  }
0x7d: {  	_ =	shalt  }
0x7e: {  	_ =	shalt  }
0x7f: {  	_ =	shalt  }
0x80: {  	_ =	shalt  }
0x81: {  	_ =	shalt  }
0x82: {  	_ =	shalt  }
0x83: {  	_ =	shalt  }
0x84: {  	_ =	shalt  }
0x85: {  	_ =	shalt  }
0x86: {  	_ =	shalt  }
0x87: {  	_ =	shalt  }
.Lfunc_end0:
.L_simem_size_0:
called_computation_lowered:
.L_overlay_start_0:
0x88: {  	s2 =	sld [smem:$0x3FD9]  }
0x89: {  	s3 =	sld [smem:$0x3FFE];
	_ =	sdelay $0x1  }
0x8a: {  	s1 =	srdreg.scid  }
0x8b: {  	s0 =	sand.u32 $0x1, s1  }
0x8c: {  	s17 =	sshll.u32 s0, $0xA;
	s2 =	sadd.s32 s3, s2  }
0x8d: {  	s2 =	sadd.s32 s2, s17  }
0x8e: {  	[smem:$0x3FC6] =	sst s2  }
0x8f: {  	_ = 	snop  }
0x90: {  	s2 =	sld [smem:$0x3FC9]  }
0x91: {  	s18 =	sld [smem:$0x3FC8];
	(tm) =	ssettm $0x1  }
0x92: {  	s4 =	sld [smem:$0x3FFB];
	_ =	sdelay $0x3  }
0x93: {  	_ =	strace s4  }
0x94: {  	s4 =	sld [smem:$0x3FFC];
	_ =	sdelay $0x3  }
0x95: {  	_ =	strace s4  }
0x96: {  	s4 =	sld [smem:$0x3FFD];
	_ =	sdelay $0x3  }
0x97: {  	_ =	strace s4  }
0x98: {  	_ =	strace $0x8FFFFFFF  }
0x99: {  	s19 =	sld [smem:$0x3FDB];
	_ =	sdelay $0x1  }
0x9a: {  	s5 =	simm.s32 $_scs_section_size  }
0x9b: {  	s6 =	simm.s32 $_size__tile_overlayer_lowered;
	s7 =	simm.s32 $_tile_overlayer_lowered  }
0x9c: {  	s22 =	simm.s32 $0x1BFF;
	s21 =	sshll.u32 s7, $0x1;
	s4 =	sadd.s32 s5, s19  }
0x9d: {  	s8 =	simm.s32 $0x0;
	s20 =	sshll.u32 s6, $0x1;
	s6 =	sadd.s32 s21, s4  }
0x9e: {  	[timem:s8], [sflag:s22] =	dma.local [hbm:s6], s20  }
0x9f: {  	_ =	swait.ge [sflag:s22], s20  }
0xa0: {  	s5 =	ssub.s32 $0x0, s20;
	[sflag:s22] =	ssyncset.done $0x0  }
0xa1: {  	[sflag:s22] =	ssyncadd.s32 s5;
	_ =	sdelay $0x1  }
0xa2: {  	s23 =	simm.s32 $0x1B8B  }
0xa3: {  	_ =	swait.ge [sflag:s23], $0x1  }
0xa4: {  	[sflag:s23] =	ssyncset.done $0x0  }
0xa5: {  	s25 =	simm.s32 $0x1B8E;
	s24 =	sld [smem:$0x3FFE];
	[sflag:s23] =	ssyncadd.s32 $0xFFFFFFFF  }
0xa6: {  	s26 =	simm.s32 $execute0_lowered;
	[smem:$0x3FD2] =	sst s25  }
0xa7: {  	s6 =	sshll.u32 s26, $0x1;
	_ =	strace $0x80000046;
	[dreg:$0x1] =	wrdreg $0xFFFFFFFF  }
0xa8: {  	s28 =	simm.s32 $_size_execute0_lowered;
	s4 =	sadd.s32 s4, s6;
	[dreg:$0x0] =	wrdreg $0x0  }
0xa9: {  	s6 =	sshll.u32 s28, $0x1;
	[dreg:$0x2] =	wrdreg s4  }
0xaa: {  	[dreg:$0x3] =	wrdreg s6  }
0xab: {  	[dreg:$0x4] =	wrdreg $0xC0  }
0xac: {  	_ =	task [dreg:s8], $0x5FFFF  }
0xad: {  	[dreg:$0x1] =	wrdreg $0xFFFFFFFF  }
0xae: {  	[dreg:$0x0] =	wrdreg $0x60  }
0xaf: {  	[dreg:$0x2] =	wrdreg s2  }
0xb0: {  	[dreg:$0x3] =	wrdreg s18  }
0xb1: {  	[dreg:$0x4] =	wrdreg s24  }
0xb2: {  	[dreg:$0x5] =	wrdreg $0x14000  }
0xb3: {  	[dreg:$0x6] =	wrdreg $0x108280  }
0xb4: {  	[dreg:$0x7] =	wrdreg $0x9  }
0xb5: {  	_ =	task.clear_ibuf [dreg:s8], $0x8FFFF;
	_ =	strace $0x90000046  }
0xb6: {  	s29 =	simm.s32 $0x9;
	_ =	strace $0x80000048  }
0xb7: {  	_ =	swait.ge [sflag:s29], $0x1  }
0xb8: {  	[sflag:s29] =	ssyncadd.s32 $0xFFFFFFFF  }
0xb9: {  	_ =	strace $0x90000048  }
0xba: {  	_ =	sfence  }
0xbb: {  	s30 =	sld [smem:$0x0];
	_ =	sdelay $0x2  }
0xbc: {  	s31 =	sshll.u32 s1, $0xD;
	s1 =	sshrl.u32 s1, $0x2  }
0xbd: {  	s3 =	sand.u32 $0x4000, s31;
	s1 =	sadd.s32 s1, s30  }
0xbe: {  	s0 =	sor.u32 s3, s0;
	s1 =	sshll.u32 s1, $0x11  }
0xbf: {  	s0 =	sor.u32 s1, s0  }
0xc0: {  	s0 =	sadd.s32 $0x8F2B, s0  }
0xc1: {  	[sflag:s0] =	ssyncadd.remote.s32 $0x1  }
0xc2: {  	_ =	sfence.sel $0xFFFF  }
0xc3: {  	[dreg:$0x0] =	wrdreg $0xFFFFFFFF;
	(pc) =	sbr.abs _section_cstart, $3  }
0xc4: {  	[dreg:$0x1] =	wrdreg $0xFFFFFFFF  }
0xc5: {  	_ =	task.clear_ibuf [dreg:s8], $0x2FFFF;
	_ =	strace $0x9FFFFFFF  }
0xc6: {  	(tm) =	ssettm $0x7FFFFFFF  }
0xc7: {  	_ =	shalt  }
tec
execute0_lowered:
.L_overlay_start_1:
0x0: {  	(tag) =	ssettag $0x1  }
0x1: {  	s4 =	rddreg [dreg:$0x0]  }
0x2: {  	s17 =	rddreg [dreg:$0x1]  }
0x3: {  	s0 =	rddreg [dreg:$0x2]  }
0x4: {  	s1 =	rddreg [dreg:$0x3]  }
0x5: {  	s2 =	rddreg [dreg:$0x4]  }
0x6: {  	s3 =	srdreg.scid;
	s25 =	simm.s32 $0x0;
	s18 =	stileid.u32  }
0x7: {  	s29 =	simm.s32 $0x10;
	s3 =	sand.u32 $0x1, s3;
	[smem:$0x7FF] =	sst s25  }
0x8: {  	s6 =	sshll.u32 s18, $0xB;
	s7 =	sadd.s32 $0x1C00, s0;
	s15 =	sshll.u32 s18, $0x8  }
0x9: {  	s5 =	ssub.s32 $0x2, s3;
	s9 =	sor.u32 $0x100, s6;
	s19 =	sadd.s32 s4, s15  }
0xa: {  	s20 =	sor.u32 $0x200, s6;
	s11 =	sor.u32 $0x300, s6;
	s12 =	sor.u32 $0x400, s6  }
0xb: {  	s24 =	sor.u32 $0x500, s6;
	s14 =	sor.u32 $0x600, s6;
	s10 =	sshrl.u32 s9, $0x3  }
0xc: {  	s15 =	sor.u32 $0x700, s6;
	s21 =	sshrl.u32 s20, $0x3;
	s16 =	sadd.s32 s4, s10  }
0xd: {  	s13 =	sshrl.u32 s12, $0x3;
	s10 =	sadd.s32 s4, s21;
	[dreg:$0x7] =	wrdreg s16  }
0xe: {  	s26 =	sshrl.u32 s24, $0x3;
	s23 =	sadd.s32 s4, s13;
	[dreg:$0x8] =	wrdreg s10  }
0xf: {  	s22 =	sshrl.u32 s11, $0x3;
	s13 =	sadd.s32 s4, s26;
	[dreg:$0xa] =	wrdreg s23  }
0x10: {  	s28 =	sshrl.u32 s14, $0x3;
	s10 =	sadd.s32 s4, s22;
	[dreg:$0xb] =	wrdreg s13  }
0x11: {  	s16 =	sshrl.u32 s15, $0x3;
	s13 =	sadd.s32 s4, s28;
	[dreg:$0x9] =	wrdreg s10  }
0x12: {  	s8 =	sshrl.u32 s5, $0x1;
	[dreg:$0xc] =	wrdreg s13;
	s4 =	sadd.s32 s4, s16  }
0x13: {  	s5 =	ssub.s32 s5, s8;
	s13 =	sshll.u32 s3, $0x7;
	[dreg:$0xd] =	wrdreg s4  }
0x14: {  	s6 =	sor.u32 s13, s6;
	s9 =	sor.u32 s13, s9;
	s8 =	sor.u32 s13, s20  }
0x15: {  	s11 =	sor.u32 s13, s11;
	s12 =	sor.u32 s13, s12;
	s10 =	sor.u32 s13, s24  }
0x16: {  	s14 =	sor.u32 s13, s14;
	s4 =	sor.u32 s13, s15;
	s6 =	sshrl.u32 s6, $0x3  }
0x17: {  	s9 =	sshrl.u32 s9, $0x3;
	s8 =	sshrl.u32 s8, $0x3;
	s6 =	sadd.s32 s7, s6  }
0x18: {  	s20 =	sshrl.u32 s11, $0x3;
	s15 =	sadd.s32 s7, s9;
	[dreg:$0xe] =	wrdreg s6  }
0x19: {  	s21 =	sshrl.u32 s12, $0x3;
	s16 =	sadd.s32 s7, s8;
	[dreg:$0xf] =	wrdreg s15  }
0x1a: {  	s22 =	sshrl.u32 s10, $0x3;
	s23 =	sadd.s32 s7, s21;
	[dreg:$0x10] =	wrdreg s16  }
0x1b: {  	s4 =	sshrl.u32 s4, $0x3;
	s24 =	sadd.s32 s7, s22;
	[dreg:$0x12] =	wrdreg s23  }
0x1c: {  	s26 =	sshrl.u32 s14, $0x3;
	s4 =	sadd.s32 s7, s4;
	[dreg:$0x13] =	wrdreg s24  }
0x1d: {  	s9 =	smul.u32 $0xF400, s18;
	s6 =	sadd.s32 s7, s20;
	[dreg:$0x15] =	wrdreg s4  }
0x1e: {  	s30 =	simm.s32 $0xD80;
	[dreg:$0x11] =	wrdreg s6;
	s6 =	sadd.s32 s7, s26  }
0x1f: {  	s31 =	simm.s32 $0xA00;
	s11 =	sadd.s32 s9, s1;
	[dreg:$0x14] =	wrdreg s6  }
0x20: {  	s14 =	smax.u32 s5, $0x1;
	_ =	strace $0x80000047;
	[dreg:$0x18] =	wrdreg s11  }
0x21: {  	p0 =	sne.s32 s18, $0x0;
	s15 =	sadd.s32 $0x10, s19;
	[dreg:$0x19] =	wrdreg s14  }
0x22: {  	s28 =	smul.u32 $0x1E85000, s3;
	s16 =	sadd.s32 $0x30, s19;
	[dreg:$0x1c] =	wrdreg s15  }
0x23: {  	s13 =	smul.u32 $0x7A000, s18;
	s18 =	sadd.s32 $0x70, s19;
	[dreg:$0x1d] =	wrdreg s16  }
0x24: {  	s21 =	sadd.s32 $0xB0, s19;
	s20 =	sadd.s32 $0x90, s19;
	[dreg:$0x1f] =	wrdreg s18  }
0x25: {  	s22 =	sadd.s32 $0xD0, s19;
	s23 =	sadd.s32 $0x800, s0;
	[smem:$0x7F9] =	sst s20  }
0x26: {  	s24 =	sshll.u32 s3, $0x5;
	s4 =	simm.s32 $0x380;
	[smem:$0x7FA] =	sst s21  }
0x27: {  	s7 =	smul.u32 $0xA00, s3;
	s12 =	sadd.s32 s9, s2;
	[smem:$0x7FB] =	sst s22  }
0x28: {  	s26 =	sadd.s32 $0xF0, s19;
	s9 =	simm.s32 $0x980;
	[dreg:$0x6] =	wrdreg s19  }
0x29: {  	s6 =	sadd.s32 s13, s28;
	s28 =	sadd.s32 $0xF4000, s1;
	[smem:$0x7FC] =	sst s26  }
0x2a: {  	s8 =	sshrl.u32 s6, $0x3;
	s10 =	sadd.s32 s23, s7;
	[smem:$0x7FD] =	sst s28  }
0x2b: {  	s15 =	simm.s32 $0x80;
	s20 =	simm.s32 $0x700;
	s6 =	simm.s32 $0x780  }
0x2c: {  	s7 =	simm.s32 $0x2;
	s14 =	simm.s32 $0xE00;
	s16 =	simm.s32 $0xA80  }
0x2d: {  	s18 =	simm.s32 $0xB00;
	s21 =	simm.s32 $0xB80;
	s22 =	simm.s32 $0xF80  }
0x2e: {  	s0 =	sadd.s32 s17, s8;
	[dreg:$0x17] =	wrdreg s10;
	s17 =	sadd.s32 $0x50, s19  }
0x2f: {  	s8 =	simm.s32 $0x1;
	[dreg:$0x16] =	wrdreg s0;
	s0 =	sshrl.u32 s12, $0x3  }
0x30: {  	s19 =	simm.s32 $0xF00;
	[dreg:$0x1a] =	wrdreg s0;
	s0 =	sadd.s32 $0xF4000, s2  }
0x31: {  	s10 =	simm.s32 $0x0;
	[dreg:$0x1e] =	wrdreg s17;
	s0 =	sshrl.u32 @!p0 s0, $0x3  }
0x32: {  	v0 =	vimm.f32 $0.0e+00;
	s17 =	simm.s32 $0xE80;
	[dreg:$0x1b] =	wrdreg s0;
	s0 =	simm.s32 $0xD00  }
.LBB2_1:
0x33: {  	[smem:$0x7F7] =	sst s10  }
0x34: {  	s5 =	rddreg [dreg:$0x6]  }
0x35: {  	s11 =	rddreg [dreg:$0x1c]  }
0x36: {  	[tilespmem:s25], [sflag:$0x2] =	stream.linear.gather [hbm4b:s5+s25], $0x80, $0x38;
	[tilespmem:$0x1FC50] =	vst v63  }
0x37: {  	s12 =	simm.s32 $0x400;
	s26 =	rddreg [dreg:$0x7]  }
0x38: {  	[tilespmem:s12], [sflag:$0x2] =	stream.linear.gather [hbm4b:s11+s25], $0x80, $0x38;
	[tilespmem:$0x1FC50] =	vst v63  }
0x39: {  	s28 =	rddreg [dreg:$0x1d]  }
0x3a: {  	[tilespmem:s15], [sflag:$0x2] =	stream.linear.gather [hbm4b:s26+s25], $0x80, $0x38;
	[tilespmem:$0x1FC50] =	vst v63  }
0x3b: {  	s3 =	simm.s32 $0x480;
	s10 =	rddreg [dreg:$0x8]  }
0x3c: {  	[tilespmem:s3], [sflag:$0x2] =	stream.linear.gather [hbm4b:s28+s25], $0x80, $0x38;
	[tilespmem:$0x1FC50] =	vst v63  }
0x3d: {  	s11 =	simm.s32 $0x100;
	s12 =	rddreg [dreg:$0x1e]  }
0x3e: {  	[tilespmem:s11], [sflag:$0x2] =	stream.linear.gather [hbm4b:s10+s25], $0x80, $0x38;
	[tilespmem:$0x1FC50] =	vst v63  }
0x3f: {  	s26 =	simm.s32 $0x500;
	s28 =	rddreg [dreg:$0x9]  }
0x40: {  	[tilespmem:s26], [sflag:$0x2] =	stream.linear.gather [hbm4b:s12+s25], $0x80, $0x38;
	[tilespmem:$0x1FC50] =	vst v63  }
0x41: {  	s3 =	simm.s32 $0x180;
	s10 =	rddreg [dreg:$0x1f]  }
0x42: {  	[tilespmem:s3], [sflag:$0x2] =	stream.linear.gather [hbm4b:s28+s25], $0x80, $0x38;
	[tilespmem:$0x1FC50] =	vst v63  }
0x43: {  	s11 =	simm.s32 $0x580;
	s12 =	rddreg [dreg:$0xa]  }
0x44: {  	[tilespmem:s11], [sflag:$0x2] =	stream.linear.gather [hbm4b:s10+s25], $0x80, $0x38;
	[tilespmem:$0x1FC50] =	vst v63  }
0x45: {  	s26 =	simm.s32 $0x200;
	s28 =	sld [smem:$0x7F9]  }
0x46: {  	[tilespmem:s26], [sflag:$0x2] =	stream.linear.gather [hbm4b:s12+s25], $0x80, $0x38;
	[tilespmem:$0x1FC50] =	vst v63  }
0x47: {  	s3 =	simm.s32 $0x600;
	s10 =	rddreg [dreg:$0xb]  }
0x48: {  	[tilespmem:s3], [sflag:$0x2] =	stream.linear.gather [hbm4b:s28+s25], $0x80, $0x38;
	[tilespmem:$0x1FC50] =	vst v63  }
0x49: {  	s11 =	simm.s32 $0x280;
	s12 =	sld [smem:$0x7FA]  }
0x4a: {  	[tilespmem:s11], [sflag:$0x2] =	stream.linear.gather [hbm4b:s10+s25], $0x80, $0x38;
	[tilespmem:$0x1FC50] =	vst v63  }
0x4b: {  	s26 =	simm.s32 $0x680;
	s28 =	rddreg [dreg:$0xc]  }
0x4c: {  	[tilespmem:s26], [sflag:$0x2] =	stream.linear.gather [hbm4b:s12+s25], $0x80, $0x38;
	[tilespmem:$0x1FC50] =	vst v63  }
0x4d: {  	s3 =	simm.s32 $0x300;
	s10 =	sld [smem:$0x7FB]  }
0x4e: {  	[tilespmem:s3], [sflag:$0x2] =	stream.linear.gather [hbm4b:s28+s25], $0x80, $0x38;
	[tilespmem:$0x1FC50] =	vst v63  }
0x4f: {  	s11 =	rddreg [dreg:$0xd]  }
0x50: {  	[tilespmem:s20], [sflag:$0x2] =	stream.linear.gather [hbm4b:s10+s25], $0x80, $0x38;
	[tilespmem:$0x1FC50] =	vst v63  }
0x51: {  	s12 =	sld [smem:$0x7FC]  }
0x52: {  	[tilespmem:s4], [sflag:$0x2] =	stream.linear.gather [hbm4b:s11+s25], $0x80, $0x38;
	[tilespmem:$0x1FC50] =	vst v63  }
0x53: {  	_ = 	snop  }
0x54: {  	[tilespmem:s6], [sflag:$0x2] =	stream.linear.gather [hbm4b:s12+s25], $0x80, $0x38;
	[tilespmem:$0x1FC50] =	vst v63  }
0x55: {  	_ =	swait.ge [sflag:s7], $0x80  }
0x56: {  	[sflag:s7] =	ssyncset.done $0x0  }
0x57: {  	[sflag:s7] =	ssyncadd.s32 $0xFFFFFF80  }
0x58: {  	_ =	swait.ge [sflag:s7], $0x80  }
0x59: {  	[sflag:s7] =	ssyncset.done $0x0  }
0x5a: {  	[sflag:s7] =	ssyncadd.s32 $0xFFFFFF80  }
0x5b: {  	_ =	swait.ge [sflag:s7], $0x80  }
0x5c: {  	[sflag:s7] =	ssyncset.done $0x0  }
0x5d: {  	[sflag:s7] =	ssyncadd.s32 $0xFFFFFF80  }
0x5e: {  	_ =	swait.ge [sflag:s7], $0x80  }
0x5f: {  	[sflag:s7] =	ssyncset.done $0x0  }
0x60: {  	[sflag:s7] =	ssyncadd.s32 $0xFFFFFF80  }
0x61: {  	_ =	swait.ge [sflag:s7], $0x80  }
0x62: {  	[sflag:s7] =	ssyncset.done $0x0  }
0x63: {  	[sflag:s7] =	ssyncadd.s32 $0xFFFFFF80  }
0x64: {  	_ =	swait.ge [sflag:s7], $0x80  }
0x65: {  	[sflag:s7] =	ssyncset.done $0x0  }
0x66: {  	[sflag:s7] =	ssyncadd.s32 $0xFFFFFF80  }
0x67: {  	_ =	swait.ge [sflag:s7], $0x80  }
0x68: {  	[sflag:s7] =	ssyncset.done $0x0  }
0x69: {  	[sflag:s7] =	ssyncadd.s32 $0xFFFFFF80  }
0x6a: {  	_ =	swait.ge [sflag:s7], $0x80  }
0x6b: {  	[sflag:s7] =	ssyncset.done $0x0  }
0x6c: {  	[sflag:s7] =	ssyncadd.s32 $0xFFFFFF80  }
0x6d: {  	_ =	swait.ge [sflag:s7], $0x80  }
0x6e: {  	[sflag:s7] =	ssyncset.done $0x0  }
0x6f: {  	[sflag:s7] =	ssyncadd.s32 $0xFFFFFF80  }
0x70: {  	_ =	swait.ge [sflag:s7], $0x80  }
0x71: {  	[sflag:s7] =	ssyncset.done $0x0  }
0x72: {  	[sflag:s7] =	ssyncadd.s32 $0xFFFFFF80  }
0x73: {  	_ =	swait.ge [sflag:s7], $0x80  }
0x74: {  	[sflag:s7] =	ssyncset.done $0x0  }
0x75: {  	[sflag:s7] =	ssyncadd.s32 $0xFFFFFF80  }
0x76: {  	_ =	swait.ge [sflag:s7], $0x80  }
0x77: {  	[sflag:s7] =	ssyncset.done $0x0  }
0x78: {  	[sflag:s7] =	ssyncadd.s32 $0xFFFFFF80  }
0x79: {  	_ =	swait.ge [sflag:s7], $0x80  }
0x7a: {  	[sflag:s7] =	ssyncset.done $0x0  }
0x7b: {  	[sflag:s7] =	ssyncadd.s32 $0xFFFFFF80  }
0x7c: {  	_ =	swait.ge [sflag:s7], $0x80  }
0x7d: {  	[sflag:s7] =	ssyncset.done $0x0  }
0x7e: {  	[sflag:s7] =	ssyncadd.s32 $0xFFFFFF80  }
0x7f: {  	_ =	swait.ge [sflag:s7], $0x80  }
0x80: {  	[sflag:s7] =	ssyncset.done $0x0  }
0x81: {  	[sflag:s7] =	ssyncadd.s32 $0xFFFFFF80  }
0x82: {  	_ =	swait.ge [sflag:s7], $0x80  }
0x83: {  	[sflag:s7] =	ssyncset.done $0x0  }
0x84: {  	[sflag:s7] =	ssyncadd.s32 $0xFFFFFF80  }
0x85: {  	[tilespmem:$0x1000] =	vst v0  }
0x86: {  	[tilespmem:$0x1010] =	vst v0  }
0x87: {  	[tilespmem:$0x1020] =	vst v0  }
0x88: {  	[tilespmem:$0x1030] =	vst v0  }
0x89: {  	[tilespmem:$0x1040] =	vst v0  }
0x8a: {  	[tilespmem:$0x1050] =	vst v0  }
0x8b: {  	[tilespmem:$0x1060] =	vst v0  }
0x8c: {  	[tilespmem:$0x1070] =	vst v0  }
0x8d: {  	[tilespmem:$0x1080] =	vst v0  }
0x8e: {  	[tilespmem:$0x1090] =	vst v0  }
0x8f: {  	[tilespmem:$0x10A0] =	vst v0  }
0x90: {  	[tilespmem:$0x10B0] =	vst v0  }
0x91: {  	[tilespmem:$0x10C0] =	vst v0  }
0x92: {  	[tilespmem:$0x10D0] =	vst v0  }
0x93: {  	[tilespmem:$0x10E0] =	vst v0  }
0x94: {  	[tilespmem:$0x10F0] =	vst v0  }
0x95: {  	[tilespmem:$0x1100] =	vst v0  }
0x96: {  	[tilespmem:$0x1110] =	vst v0  }
0x97: {  	[tilespmem:$0x1120] =	vst v0  }
0x98: {  	[tilespmem:$0x1130] =	vst v0  }
0x99: {  	[tilespmem:$0x1140] =	vst v0  }
0x9a: {  	[tilespmem:$0x1150] =	vst v0  }
0x9b: {  	[tilespmem:$0x1160] =	vst v0  }
0x9c: {  	[tilespmem:$0x1170] =	vst v0  }
0x9d: {  	[tilespmem:$0x1180] =	vst v0  }
0x9e: {  	[tilespmem:$0x1190] =	vst v0  }
0x9f: {  	[tilespmem:$0x11A0] =	vst v0  }
0xa0: {  	[tilespmem:$0x11B0] =	vst v0  }
0xa1: {  	[tilespmem:$0x11C0] =	vst v0  }
0xa2: {  	[tilespmem:$0x11D0] =	vst v0  }
0xa3: {  	[tilespmem:$0x11E0] =	vst v0  }
0xa4: {  	[tilespmem:$0x11F0] =	vst v0  }
0xa5: {  	[tilespmem:$0x1200] =	vst v0  }
0xa6: {  	[tilespmem:$0x1210] =	vst v0  }
0xa7: {  	[tilespmem:$0x1220] =	vst v0  }
0xa8: {  	[tilespmem:$0x1230] =	vst v0  }
0xa9: {  	[tilespmem:$0x1240] =	vst v0  }
0xaa: {  	[tilespmem:$0x1250] =	vst v0  }
0xab: {  	[tilespmem:$0x1260] =	vst v0  }
0xac: {  	[tilespmem:$0x1270] =	vst v0  }
0xad: {  	[tilespmem:$0x1280] =	vst v0  }
0xae: {  	[tilespmem:$0x1290] =	vst v0  }
0xaf: {  	[tilespmem:$0x12A0] =	vst v0  }
0xb0: {  	[tilespmem:$0x12B0] =	vst v0  }
0xb1: {  	[tilespmem:$0x12C0] =	vst v0  }
0xb2: {  	[tilespmem:$0x12D0] =	vst v0  }
0xb3: {  	[tilespmem:$0x12E0] =	vst v0  }
0xb4: {  	[tilespmem:$0x12F0] =	vst v0  }
0xb5: {  	[tilespmem:$0x1300] =	vst v0  }
0xb6: {  	[tilespmem:$0x1310] =	vst v0  }
0xb7: {  	[tilespmem:$0x1320] =	vst v0  }
0xb8: {  	[tilespmem:$0x1330] =	vst v0  }
0xb9: {  	[tilespmem:$0x1340] =	vst v0  }
0xba: {  	[tilespmem:$0x1350] =	vst v0  }
0xbb: {  	[tilespmem:$0x1360] =	vst v0  }
0xbc: {  	[tilespmem:$0x1370] =	vst v0  }
0xbd: {  	[tilespmem:$0x1380] =	vst v0  }
0xbe: {  	[tilespmem:$0x1390] =	vst v0  }
0xbf: {  	[tilespmem:$0x13A0] =	vst v0  }
0xc0: {  	[tilespmem:$0x13B0] =	vst v0  }
0xc1: {  	[tilespmem:$0x13C0] =	vst v0  }
0xc2: {  	s25 =	stileid.u32;
	s26 =	rddreg [dreg:$0x18];
	[tilespmem:$0x13D0] =	vst v0  }
0xc3: {  	s5 =	sshll.u32 s25, $0x6;
	s28 =	rddreg [dreg:$0x16];
	s3 =	sshrl.u32 s26, $0x3;
	[tilespmem:$0x13E0] =	vst v0  }
0xc4: {  	s10 =	sor.u32 $0x1C01, s5;
	[tilespmem:$0x13F0] =	vst v0;
	[smem:$0x7F8] =	sst s3  }
0xc5: {  	[spmem:s3@s29], [sflag:s10] =	dma.strided [hbm:s28@s15], $0x1E80, s8, $0x10   }
0xc6: {  	s5 =	sld [smem:$0x7FD];
	_ =	sdelay $0x1  }
0xc7: {  	s12 =	simm.s32 @!p0 $0x80;
	s25 =	simm.s32 @!p0 $0x1  }
0xc8: {  	s3 =	simm.s32 @!p0 $0x10;
	s11 =	rddreg [dreg:$0x17];
	s5 =	sshrl.u32 @!p0 s5, $0x3  }
0xc9: {  	[spmem:s5@s3], [sflag:s10] =	dma.strided @!p0 [hbm:s11@s12], $0x50, s25, $0x10   }
0xca: {  	s11 =	simm.s32 $0x0  }
.LBB2_2:
0xcb: {  	s26 =	sshll.u32 s11, $0x1  }
0xcc: {  	s5 =	sor.u32 s24, s26  }
0xcd: {  	s5 =	sshrl.u32 s5, $0x3  }
0xce: {  	s12 =	sshll.u32 s11, $0x8;
	s28 =	smul.u32 $0x7A1400, s5  }
0xcf: {  	s12 =	sand.u32 $0x300, s12  }
0xd0: {  	s12 =	sor.u32 $0x80, s12;
	s28 =	sadd.s32 s13, s28  }
0xd1: {  	[bflag:$0x0] =	sbarrier.arrive $0xFFFF;
	s28 =	sor.u32 s12, s28  }
0xd2: {  	s3 =	simm.s32 $0x10;
	s29 =	rddreg [dreg:$0x1];
	s28 =	sshrl.u32 s28, $0x3  }
0xd3: {  	s5 =	smul.u32 @!p0 $0x1400, s5;
	s28 =	sadd.s32 s29, s28;
	s29 =	rddreg [dreg:$0x1a]  }
0xd4: {  	[spmem:s29@s3], [sflag:s10] =	dma.strided [hbm:s28@s15], $0x1E80, s8, $0x10   }
0xd5: {  	s5 =	sor.u32 @!p0 s12, s5;
	s28 =	simm.s32 @p0 $0x1  }
0xd6: {  	s5 =	sshrl.u32 @!p0 s5, $0x3;
	_ =	swait.ge @p0 [sflag:s28], $0x1E80  }
0xd7: {  	s5 =	sadd.s32 @!p0 s23, s5;
	s3 =	simm.s32 @!p0 $0x10;
	[sflag:s28] =	ssyncset.done @p0 $0x0  }
0xd8: {  	s12 =	rddreg [dreg:$0x1b];
	[sflag:s28] =	ssyncadd.s32 @p0 $0xFFFFE180;
	s28 =	simm.s32 @!p0 $0x80  }
0xd9: {  	[spmem:s12@s3], [sflag:s10] =	dma.strided @!p0 [hbm:s5@s28], $0x50, s25, $0x10   }
0xda: {  	_ =	swait.ge @!p0 [sflag:s25], $0x1E80  }
0xdb: {  	[sflag:s25] =	ssyncset.done @!p0 $0x0  }
0xdc: {  	[sflag:s25] =	ssyncadd.s32 @!p0 $0xFFFFE180  }
0xdd: {  	_ =	swait.ge @!p0 [sflag:s25], $0x50  }
0xde: {  	[sflag:s25] =	ssyncset.done @!p0 $0x0  }
0xdf: {  	[sflag:s25] =	ssyncadd.s32 @!p0 $0xFFFFFFB0  }
0xe0: {  	s3 =	simm.s32 $0x0;
	s12 =	simm.s32 $0x800;
	[bflag:$0x0] =	sbarrier.arrive $0xFFFF  }
0xe1: {  	[tilespmem:s12], [sflag:$0x2] =	stream.indirect.gather [spmem:s1], $0x1, s3, s15, $0xb8;
	[tilespmem:$0x1FC50] =	vst v63  }
0xe2: {  	s3 =	simm.s32 $0x400;
	s12 =	simm.s32 $0xC00  }
0xe3: {  	[tilespmem:s12], [sflag:$0x2] =	stream.indirect.gather [spmem:s1], $0x1, s3, s15, $0xb8;
	[tilespmem:$0x1FC50] =	vst v63  }
0xe4: {  	s12 =	simm.s32 $0x880  }
0xe5: {  	[tilespmem:s12], [sflag:$0x2] =	stream.indirect.gather [spmem:s1], $0x1, s15, s15, $0xb8;
	[tilespmem:$0x1FC50] =	vst v63  }
0xe6: {  	s3 =	simm.s32 $0x480;
	s12 =	simm.s32 $0xC80  }
0xe7: {  	[tilespmem:s12], [sflag:$0x2] =	stream.indirect.gather [spmem:s1], $0x1, s3, s15, $0xb8;
	[tilespmem:$0x1FC50] =	vst v63  }
0xe8: {  	s3 =	simm.s32 $0x100;
	s12 =	simm.s32 $0x900  }
0xe9: {  	[tilespmem:s12], [sflag:$0x2] =	stream.indirect.gather [spmem:s1], $0x1, s3, s15, $0xb8;
	[tilespmem:$0x1FC50] =	vst v63  }
0xea: {  	s3 =	simm.s32 $0x500  }
0xeb: {  	[tilespmem:s0], [sflag:$0x2] =	stream.indirect.gather [spmem:s1], $0x1, s3, s15, $0xb8;
	[tilespmem:$0x1FC50] =	vst v63  }
0xec: {  	s12 =	simm.s32 $0x180  }
0xed: {  	[tilespmem:s9], [sflag:$0x2] =	stream.indirect.gather [spmem:s1], $0x1, s12, s15, $0xb8;
	[tilespmem:$0x1FC50] =	vst v63  }
0xee: {  	s3 =	simm.s32 $0x580  }
0xef: {  	[tilespmem:s30], [sflag:$0x2] =	stream.indirect.gather [spmem:s1], $0x1, s3, s15, $0xb8;
	[tilespmem:$0x1FC50] =	vst v63  }
0xf0: {  	s12 =	simm.s32 $0x200  }
0xf1: {  	[tilespmem:s31], [sflag:$0x2] =	stream.indirect.gather [spmem:s1], $0x1, s12, s15, $0xb8;
	[tilespmem:$0x1FC50] =	vst v63  }
0xf2: {  	s3 =	simm.s32 $0x600  }
0xf3: {  	[tilespmem:s14], [sflag:$0x2] =	stream.indirect.gather [spmem:s1], $0x1, s3, s15, $0xb8;
	[tilespmem:$0x1FC50] =	vst v63  }
0xf4: {  	s12 =	simm.s32 $0x280  }
0xf5: {  	[tilespmem:s16], [sflag:$0x2] =	stream.indirect.gather [spmem:s1], $0x1, s12, s15, $0xb8;
	[tilespmem:$0x1FC50] =	vst v63  }
0xf6: {  	s3 =	simm.s32 $0x680  }
0xf7: {  	[tilespmem:s17], [sflag:$0x2] =	stream.indirect.gather [spmem:s1], $0x1, s3, s15, $0xb8;
	[tilespmem:$0x1FC50] =	vst v63  }
0xf8: {  	s12 =	simm.s32 $0x300  }
0xf9: {  	[tilespmem:s18], [sflag:$0x2] =	stream.indirect.gather [spmem:s1], $0x1, s12, s15, $0xb8;
	[tilespmem:$0x1FC50] =	vst v63  }
0xfa: {  	_ = 	snop  }
0xfb: {  	[tilespmem:s19], [sflag:$0x2] =	stream.indirect.gather [spmem:s1], $0x1, s20, s15, $0xb8;
	[tilespmem:$0x1FC50] =	vst v63  }
0xfc: {  	_ = 	snop  }
0xfd: {  	[tilespmem:s21], [sflag:$0x2] =	stream.indirect.gather [spmem:s1], $0x1, s4, s15, $0xb8;
	[tilespmem:$0x1FC50] =	vst v63  }
0xfe: {  	_ = 	snop  }
0xff: {  	[tilespmem:s22], [sflag:$0x2] =	stream.indirect.gather [spmem:s1], $0x1, s6, s15, $0xb8;
	[tilespmem:$0x1FC50] =	vst v63  }
0x100: {  	_ =	swait.ge [sflag:s7], $0x80  }
0x101: {  	[sflag:s7] =	ssyncset.done $0x0  }
0x102: {  	[sflag:s7] =	ssyncadd.s32 $0xFFFFFF80  }
0x103: {  	_ =	swait.ge [sflag:s7], $0x80  }
0x104: {  	[sflag:s7] =	ssyncset.done $0x0  }
0x105: {  	s5 =	simm.s32 $0x0;
	[sflag:s7] =	ssyncadd.s32 $0xFFFFFF80  }
0x106: {  	v2 =	vld [tilespmem:s5+$0x1010]  }
0x107: {  	v1 =	vld [tilespmem:s5+$0x1040]  }
0x108: {  	v3 =	vld [tilespmem:s5+$0x1070]  }
0x109: {  	v5 =	vld [tilespmem:s5+$0x1030]  }
0x10a: {  	v4 =	vld [tilespmem:s5+$0x1050]  }
0x10b: {  	v6 =	vld [tilespmem:s5+$0xC70]  }
0x10c: {  	v7 =	vld [tilespmem:s5+$0x1060]  }
0x10d: {  	v9 =	vld [tilespmem:s5+$0xC60]  }
0x10e: {  	s29 =	simm.s32 $0x10;
	s28 =	simm.s32 $0x200;
	v8 =	vld [tilespmem:s5+$0xC50]  }
.LBB2_3:
0x10f: {  	p1 =	sne.s32 s28, $0xE00;
	v10 =	vld [tilespmem:s5+$0xC10];
	s12 =	smov.u32 s28;
	s28 =	sadd.s32 $0x200, s28  }
0x110: {  	v11 =	vld [tilespmem:s5+$0xC40]  }
0x111: {  	v12 =	vld [tilespmem:s5+$0xC30]  }
0x112: {  	v13 =	vld [tilespmem:s5+$0xC20]  }
0x113: {  	v14 =	vld [tilespmem:s5+$0x860]  }
0x114: {  	v15 =	vld [tilespmem:s5+$0x830]  }
0x115: {  	v16 =	vld [tilespmem:s5+$0x800]  }
0x116: {  	v17 =	vld [tilespmem:s5+$0x850]  }
0x117: {  	v18 =	vld [tilespmem:s5+$0x870]  }
0x118: {  	v19 =	vld [tilespmem:s5+$0x810];
	v9 =	vmul.f32 v9, v14  }
0x119: {  	v12 =	vmul.f32 v12, v15;
	v14 =	vld [tilespmem:s5+$0x840]  }
0x11a: {  	v15 =	vld [tilespmem:s5+$0x820];
	v7 =	vadd.f32 v9, v7  }
0x11b: {  	v9 =	vld [tilespmem:s5+$0xC00];
	v5 =	vadd.f32 v12, v5;
	v8 =	vmul.f32 v8, v17  }
0x11c: {  	v12 =	vld [tilespmem:s5+$0x1020];
	v6 =	vmul.f32 v6, v18  }
0x11d: {  	v17 =	vld [tilespmem:s5+$0x1000];
	v10 =	vmul.f32 v10, v19;
	v4 =	vadd.f32 v8, v4;
	[tilespmem:s5+$0x1060] =	vst v7  }
0x11e: {  	[tilespmem:s5+$0x1030] =	vst v5;
	v5 =	vmul.f32 v11, v14;
	v3 =	vadd.f32 v6, v3  }
0x11f: {  	v2 =	vadd.f32 v10, v2;
	v6 =	vmul.f32 v13, v15;
	[tilespmem:s5+$0x1050] =	vst v4  }
0x120: {  	v4 =	vmul.f32 v9, v16;
	v1 =	vadd.f32 v5, v1;
	[tilespmem:s5+$0x1070] =	vst v3  }
0x121: {  	[tilespmem:s5+$0x1010] =	vst v2;
	v2 =	vadd.f32 v6, v12  }
0x122: {  	v3 =	vadd.f32 v4, v17;
	[tilespmem:s5+$0x1040] =	vst v1  }
0x123: {  	[tilespmem:s5+$0x1020] =	vst v2  }
0x124: {  	[tilespmem:s5+$0x1000] =	vst v3  }
0x125: {  	_ =	swait.ge [sflag:s7], $0x80  }
0x126: {  	[sflag:s7] =	ssyncset.done $0x0  }
0x127: {  	[sflag:s7] =	ssyncadd.s32 $0xFFFFFF80  }
0x128: {  	_ =	swait.ge [sflag:s7], $0x80  }
0x129: {  	[sflag:s7] =	ssyncset.done $0x0  }
0x12a: {  	s5 =	sshra.s32 s12, $0x2;
	[sflag:s7] =	ssyncadd.s32 $0xFFFFFF80  }
0x12b: {  	v2 =	vld [tilespmem:s5+$0x1010]  }
0x12c: {  	v1 =	vld [tilespmem:s5+$0x1040]  }
0x12d: {  	v3 =	vld [tilespmem:s5+$0x1070]  }
0x12e: {  	v5 =	vld [tilespmem:s5+$0x1030]  }
.Ltmp0:
0x12f: {  	v4 =	vld [tilespmem:s5+$0x1050];
	(pc) =	sbr.rel @p1 .LBB2_3-.Ltmp0, $4  }
0x130: {  	v6 =	vld [tilespmem:s5+$0xC70]  }
0x131: {  	v7 =	vld [tilespmem:s5+$0x1060]  }
0x132: {  	v9 =	vld [tilespmem:s5+$0xC60]  }
0x133: {  	v8 =	vld [tilespmem:s5+$0xC50]  }
0x134: {  	v10 =	vld [tilespmem:s5+$0xC10]  }
0x135: {  	v11 =	vld [tilespmem:s5+$0xC40]  }
0x136: {  	v12 =	vld [tilespmem:s5+$0xC30]  }
0x137: {  	v13 =	vld [tilespmem:s5+$0xC20]  }
0x138: {  	v14 =	vld [tilespmem:s5+$0x860]  }
0x139: {  	v15 =	vld [tilespmem:s5+$0x830]  }
0x13a: {  	v16 =	vld [tilespmem:s5+$0x800]  }
0x13b: {  	v17 =	vld [tilespmem:s5+$0x850]  }
0x13c: {  	v18 =	vld [tilespmem:s5+$0x870]  }
0x13d: {  	v19 =	vld [tilespmem:s5+$0x810]  }
0x13e: {  	v20 =	vld [tilespmem:s5+$0x840];
	v9 =	vmul.f32 v9, v14  }
0x13f: {  	v57 =	vld [tilespmem:s5+$0x820];
	v12 =	vmul.f32 v12, v15  }
0x140: {  	v58 =	vld [tilespmem:s5+$0xC00];
	v8 =	vmul.f32 v8, v17;
	v7 =	vadd.f32 v9, v7  }
0x141: {  	v59 =	vld [tilespmem:s5+$0x1020];
	v6 =	vmul.f32 v6, v18;
	v5 =	vadd.f32 v12, v5  }
0x142: {  	v60 =	vld [tilespmem:s5+$0x1000];
	v10 =	vmul.f32 v10, v19;
	v4 =	vadd.f32 v8, v4;
	[tilespmem:s5+$0x1060] =	vst v7  }
0x143: {  	v61 =	vmul.f32 v11, v20;
	v3 =	vadd.f32 v6, v3;
	[tilespmem:s5+$0x1030] =	vst v5  }
0x144: {  	v62 =	vmul.f32 v13, v57;
	v2 =	vadd.f32 v10, v2;
	[tilespmem:s5+$0x1050] =	vst v4  }
0x145: {  	v63 =	vmul.f32 v58, v16;
	v1 =	vadd.f32 v61, v1;
	[tilespmem:s5+$0x1070] =	vst v3  }
0x146: {  	p1 =	seq.s32 s11, $0xF;
	[tilespmem:s5+$0x1010] =	vst v2;
	v2 =	vadd.f32 v62, v59  }
.Ltmp1:
0x147: {  	v3 =	vadd.f32 v63, v60;
	[tilespmem:s5+$0x1040] =	vst v1;
	(pc) =	sbr.rel @!p1 .LBB2_5-.Ltmp1, $3  }
0x148: {  	[tilespmem:s5+$0x1020] =	vst v2  }
0x149: {  	[tilespmem:s5+$0x1000] =	vst v3  }
0x14a: {  	[bflag:$0x0] =	sbarrier.arrive $0xFFFF;
	_ =	sdelay $0x1  }
.Ltmp2:
0x14b: {  	(pc) =	sbr.rel @p0 .LBB2_10-.Ltmp2, $4  }
.Ltmp3:
0x14c: {  	(pc) =	sbr.rel @!p0 .LBB2_8-.Ltmp3, $4  }
0x14d: {  	_ =	swait.ge [sflag:s8], $0x1E80  }
0x14e: {  	[sflag:s8] =	ssyncset.done $0x0  }
0x14f: {  	[sflag:s8] =	ssyncadd.s32 $0xFFFFE180  }
0x150: {  	_ = 	snop  }
.LBB2_5:
0x151: {  	s12 =	sadd.s32 $0x2, s26  }
0x152: {  	s5 =	sadd.s32 s24, s12  }
0x153: {  	s5 =	sshrl.u32 s5, $0x3  }
0x154: {  	s28 =	smul.u32 $0x7A1400, s5  }
0x155: {  	s12 =	sshll.u32 s12, $0x7  }
.Ltmp4:
0x156: {  	s12 =	sand.u32 $0x300, s12;
	s26 =	sadd.s32 s13, s28;
	(pc) =	sbr.rel @!p0 .LBB2_6-.Ltmp4, $4  }
0x157: {  	s3 =	sld [smem:$0x7F8];
	s26 =	sor.u32 s12, s26  }
0x158: {  	s28 =	rddreg [dreg:$0x1];
	s26 =	sshrl.u32 s26, $0x3  }
0x159: {  	s26 =	sadd.s32 s28, s26  }
0x15a: {  	[spmem:s3@s29], [sflag:s10] =	dma.strided [hbm:s26@s15], $0x1E80, s8, $0x10   }
.Ltmp5:
0x15b: {  	(pc) =	sbr.rel .LBB2_10-.Ltmp5, $4  }
0x15c: {  	_ = 	snop  }
0x15d: {  	_ =	swait.ge [sflag:s8], $0x1E80  }
0x15e: {  	[sflag:s8] =	ssyncset.done $0x0  }
0x15f: {  	[sflag:s8] =	ssyncadd.s32 $0xFFFFE180  }
.LBB2_6:
0x160: {  	s5 =	smul.u32 $0x1400, s5  }
0x161: {  	s28 =	sld [smem:$0x7FD]  }
0x162: {  	s5 =	sor.u32 s12, s5  }
0x163: {  	s5 =	sshrl.u32 s5, $0x3  }
0x164: {  	s12 =	sshrl.u32 s28, $0x3;
	s5 =	sadd.s32 s23, s5  }
0x165: {  	[spmem:s12@s29], [sflag:s10] =	dma.strided [hbm:s5@s15], $0x50, s8, $0x10   }
0x166: {  	_ =	swait.ge [sflag:s8], $0x1E80  }
0x167: {  	[sflag:s8] =	ssyncset.done $0x0  }
0x168: {  	[sflag:s8] =	ssyncadd.s32 $0xFFFFE180  }
.LBB2_8:
0x169: {  	_ =	swait.ge [sflag:s8], $0x50  }
0x16a: {  	[sflag:s8] =	ssyncset.done $0x0  }
0x16b: {  	[sflag:s8] =	ssyncadd.s32 $0xFFFFFFB0  }
.LBB2_10:
0x16c: {  	[bflag:$0x0] =	sbarrier.arrive $0xFFFF;
	s5 =	simm.s32 $0x0;
	s3 =	simm.s32 $0x800  }
0x16d: {  	[tilespmem:s3], [sflag:$0x2] =	stream.indirect.gather [spmem:s2], $0x1, s5, s15, $0xb8;
	[tilespmem:$0x1FC50] =	vst v63  }
0x16e: {  	s12 =	simm.s32 $0x400;
	s26 =	simm.s32 $0xC00  }
0x16f: {  	[tilespmem:s26], [sflag:$0x2] =	stream.indirect.gather [spmem:s2], $0x1, s12, s15, $0xb8;
	[tilespmem:$0x1FC50] =	vst v63  }
0x170: {  	s28 =	simm.s32 $0x880  }
0x171: {  	[tilespmem:s28], [sflag:$0x2] =	stream.indirect.gather [spmem:s2], $0x1, s15, s15, $0xb8;
	[tilespmem:$0x1FC50] =	vst v63  }
0x172: {  	s3 =	simm.s32 $0x480;
	s12 =	simm.s32 $0xC80  }
0x173: {  	[tilespmem:s12], [sflag:$0x2] =	stream.indirect.gather [spmem:s2], $0x1, s3, s15, $0xb8;
	[tilespmem:$0x1FC50] =	vst v63  }
0x174: {  	s26 =	simm.s32 $0x100;
	s28 =	simm.s32 $0x900  }
0x175: {  	[tilespmem:s28], [sflag:$0x2] =	stream.indirect.gather [spmem:s2], $0x1, s26, s15, $0xb8;
	[tilespmem:$0x1FC50] =	vst v63  }
0x176: {  	s3 =	simm.s32 $0x500  }
0x177: {  	[tilespmem:s0], [sflag:$0x2] =	stream.indirect.gather [spmem:s2], $0x1, s3, s15, $0xb8;
	[tilespmem:$0x1FC50] =	vst v63  }
0x178: {  	s12 =	simm.s32 $0x180  }
0x179: {  	[tilespmem:s9], [sflag:$0x2] =	stream.indirect.gather [spmem:s2], $0x1, s12, s15, $0xb8;
	[tilespmem:$0x1FC50] =	vst v63  }
0x17a: {  	s26 =	simm.s32 $0x580  }
0x17b: {  	[tilespmem:s30], [sflag:$0x2] =	stream.indirect.gather [spmem:s2], $0x1, s26, s15, $0xb8;
	[tilespmem:$0x1FC50] =	vst v63  }
0x17c: {  	s28 =	simm.s32 $0x200  }
0x17d: {  	[tilespmem:s31], [sflag:$0x2] =	stream.indirect.gather [spmem:s2], $0x1, s28, s15, $0xb8;
	[tilespmem:$0x1FC50] =	vst v63  }
0x17e: {  	s3 =	simm.s32 $0x600  }
0x17f: {  	[tilespmem:s14], [sflag:$0x2] =	stream.indirect.gather [spmem:s2], $0x1, s3, s15, $0xb8;
	[tilespmem:$0x1FC50] =	vst v63  }
0x180: {  	s12 =	simm.s32 $0x280  }
0x181: {  	[tilespmem:s16], [sflag:$0x2] =	stream.indirect.gather [spmem:s2], $0x1, s12, s15, $0xb8;
	[tilespmem:$0x1FC50] =	vst v63  }
0x182: {  	s26 =	simm.s32 $0x680  }
0x183: {  	[tilespmem:s17], [sflag:$0x2] =	stream.indirect.gather [spmem:s2], $0x1, s26, s15, $0xb8;
	[tilespmem:$0x1FC50] =	vst v63  }
0x184: {  	s28 =	simm.s32 $0x300  }
0x185: {  	[tilespmem:s18], [sflag:$0x2] =	stream.indirect.gather [spmem:s2], $0x1, s28, s15, $0xb8;
	[tilespmem:$0x1FC50] =	vst v63  }
0x186: {  	_ = 	snop  }
0x187: {  	[tilespmem:s19], [sflag:$0x2] =	stream.indirect.gather [spmem:s2], $0x1, s20, s15, $0xb8;
	[tilespmem:$0x1FC50] =	vst v63  }
0x188: {  	_ = 	snop  }
0x189: {  	[tilespmem:s21], [sflag:$0x2] =	stream.indirect.gather [spmem:s2], $0x1, s4, s15, $0xb8;
	[tilespmem:$0x1FC50] =	vst v63  }
0x18a: {  	_ = 	snop  }
0x18b: {  	[tilespmem:s22], [sflag:$0x2] =	stream.indirect.gather [spmem:s2], $0x1, s6, s15, $0xb8;
	[tilespmem:$0x1FC50] =	vst v63  }
0x18c: {  	_ =	swait.ge [sflag:s7], $0x80  }
0x18d: {  	[sflag:s7] =	ssyncset.done $0x0  }
0x18e: {  	[sflag:s7] =	ssyncadd.s32 $0xFFFFFF80  }
0x18f: {  	_ =	swait.ge [sflag:s7], $0x80  }
0x190: {  	[sflag:s7] =	ssyncset.done $0x0  }
0x191: {  	s26 =	simm.s32 $0x0;
	[sflag:s7] =	ssyncadd.s32 $0xFFFFFF80  }
0x192: {  	v2 =	vld [tilespmem:s26+$0x1010]  }
0x193: {  	v1 =	vld [tilespmem:s26+$0x1040]  }
0x194: {  	v3 =	vld [tilespmem:s26+$0x1070]  }
0x195: {  	v5 =	vld [tilespmem:s26+$0x1030]  }
0x196: {  	v4 =	vld [tilespmem:s26+$0x1050]  }
0x197: {  	v6 =	vld [tilespmem:s26+$0xC70]  }
0x198: {  	v7 =	vld [tilespmem:s26+$0x1060]  }
0x199: {  	v9 =	vld [tilespmem:s26+$0xC60]  }
0x19a: {  	s5 =	simm.s32 $0x200;
	v8 =	vld [tilespmem:s26+$0xC50]  }
.LBB2_11:
0x19b: {  	p1 =	sne.s32 s5, $0xE00;
	v10 =	vld [tilespmem:s26+$0xC10];
	s12 =	smov.u32 s5;
	s5 =	sadd.s32 $0x200, s5  }
0x19c: {  	v11 =	vld [tilespmem:s26+$0xC40]  }
0x19d: {  	v12 =	vld [tilespmem:s26+$0xC30]  }
0x19e: {  	v13 =	vld [tilespmem:s26+$0xC20]  }
0x19f: {  	v14 =	vld [tilespmem:s26+$0x860]  }
0x1a0: {  	v15 =	vld [tilespmem:s26+$0x830]  }
0x1a1: {  	v16 =	vld [tilespmem:s26+$0x800]  }
0x1a2: {  	v17 =	vld [tilespmem:s26+$0x850]  }
0x1a3: {  	v18 =	vld [tilespmem:s26+$0x870]  }
0x1a4: {  	v19 =	vld [tilespmem:s26+$0x810];
	v9 =	vmul.f32 v9, v14  }
0x1a5: {  	v12 =	vmul.f32 v12, v15;
	v14 =	vld [tilespmem:s26+$0x840]  }
0x1a6: {  	v15 =	vld [tilespmem:s26+$0x820];
	v7 =	vadd.f32 v9, v7  }
0x1a7: {  	v9 =	vld [tilespmem:s26+$0xC00];
	v5 =	vadd.f32 v12, v5;
	v8 =	vmul.f32 v8, v17  }
0x1a8: {  	v12 =	vld [tilespmem:s26+$0x1020];
	v6 =	vmul.f32 v6, v18  }
0x1a9: {  	v17 =	vld [tilespmem:s26+$0x1000];
	v10 =	vmul.f32 v10, v19;
	v4 =	vadd.f32 v8, v4;
	[tilespmem:s26+$0x1060] =	vst v7  }
0x1aa: {  	[tilespmem:s26+$0x1030] =	vst v5;
	v5 =	vmul.f32 v11, v14;
	v3 =	vadd.f32 v6, v3  }
0x1ab: {  	v2 =	vadd.f32 v10, v2;
	v6 =	vmul.f32 v13, v15;
	[tilespmem:s26+$0x1050] =	vst v4  }
0x1ac: {  	v4 =	vmul.f32 v9, v16;
	v1 =	vadd.f32 v5, v1;
	[tilespmem:s26+$0x1070] =	vst v3  }
0x1ad: {  	[tilespmem:s26+$0x1010] =	vst v2;
	v2 =	vadd.f32 v6, v12  }
0x1ae: {  	v3 =	vadd.f32 v4, v17;
	[tilespmem:s26+$0x1040] =	vst v1  }
0x1af: {  	[tilespmem:s26+$0x1020] =	vst v2  }
0x1b0: {  	[tilespmem:s26+$0x1000] =	vst v3  }
0x1b1: {  	_ =	swait.ge [sflag:s7], $0x80  }
0x1b2: {  	[sflag:s7] =	ssyncset.done $0x0  }
0x1b3: {  	[sflag:s7] =	ssyncadd.s32 $0xFFFFFF80  }
0x1b4: {  	_ =	swait.ge [sflag:s7], $0x80  }
0x1b5: {  	[sflag:s7] =	ssyncset.done $0x0  }
0x1b6: {  	s26 =	sshra.s32 s12, $0x2;
	[sflag:s7] =	ssyncadd.s32 $0xFFFFFF80  }
0x1b7: {  	v2 =	vld [tilespmem:s26+$0x1010]  }
0x1b8: {  	v1 =	vld [tilespmem:s26+$0x1040]  }
0x1b9: {  	v3 =	vld [tilespmem:s26+$0x1070]  }
0x1ba: {  	v5 =	vld [tilespmem:s26+$0x1030]  }
.Ltmp6:
0x1bb: {  	v4 =	vld [tilespmem:s26+$0x1050];
	(pc) =	sbr.rel @p1 .LBB2_11-.Ltmp6, $4  }
0x1bc: {  	v6 =	vld [tilespmem:s26+$0xC70]  }
0x1bd: {  	v7 =	vld [tilespmem:s26+$0x1060]  }
0x1be: {  	v9 =	vld [tilespmem:s26+$0xC60]  }
0x1bf: {  	v8 =	vld [tilespmem:s26+$0xC50]  }
0x1c0: {  	v10 =	vld [tilespmem:s26+$0xC10]  }
0x1c1: {  	v11 =	vld [tilespmem:s26+$0xC40]  }
0x1c2: {  	v12 =	vld [tilespmem:s26+$0xC30]  }
0x1c3: {  	v13 =	vld [tilespmem:s26+$0xC20]  }
0x1c4: {  	v14 =	vld [tilespmem:s26+$0x860]  }
0x1c5: {  	v15 =	vld [tilespmem:s26+$0x830]  }
0x1c6: {  	v16 =	vld [tilespmem:s26+$0x800]  }
0x1c7: {  	v17 =	vld [tilespmem:s26+$0x850]  }
0x1c8: {  	v18 =	vld [tilespmem:s26+$0x870]  }
0x1c9: {  	v19 =	vld [tilespmem:s26+$0x810]  }
0x1ca: {  	v20 =	vld [tilespmem:s26+$0x840];
	v9 =	vmul.f32 v9, v14  }
0x1cb: {  	v57 =	vld [tilespmem:s26+$0x820];
	v12 =	vmul.f32 v12, v15  }
0x1cc: {  	v58 =	vld [tilespmem:s26+$0xC00];
	v8 =	vmul.f32 v8, v17;
	v7 =	vadd.f32 v9, v7  }
0x1cd: {  	v59 =	vld [tilespmem:s26+$0x1020];
	v6 =	vmul.f32 v6, v18;
	v5 =	vadd.f32 v12, v5  }
0x1ce: {  	v60 =	vld [tilespmem:s26+$0x1000];
	v10 =	vmul.f32 v10, v19;
	v4 =	vadd.f32 v8, v4;
	[tilespmem:s26+$0x1060] =	vst v7  }
0x1cf: {  	s11 =	sadd.s32 $0x1, s11;
	v61 =	vmul.f32 v11, v20;
	v3 =	vadd.f32 v6, v3;
	[tilespmem:s26+$0x1030] =	vst v5  }
0x1d0: {  	p1 =	sne.s32 s11, $0x10;
	v62 =	vmul.f32 v13, v57;
	v2 =	vadd.f32 v10, v2;
	[tilespmem:s26+$0x1050] =	vst v4  }
.Ltmp7:
0x1d1: {  	v63 =	vmul.f32 v58, v16;
	v1 =	vadd.f32 v61, v1;
	[tilespmem:s26+$0x1070] =	vst v3;
	(pc) =	sbr.rel @p1 .LBB2_2-.Ltmp7, $4  }
0x1d2: {  	[tilespmem:s26+$0x1010] =	vst v2;
	v2 =	vadd.f32 v62, v59  }
0x1d3: {  	v3 =	vadd.f32 v63, v60;
	[tilespmem:s26+$0x1040] =	vst v1  }
0x1d4: {  	[tilespmem:s26+$0x1020] =	vst v2  }
0x1d5: {  	[tilespmem:s26+$0x1000] =	vst v3  }
0x1d6: {  	s25 =	simm.s32 $0x0;
	s5 =	rddreg [dreg:$0xe];
	s3 =	simm.s32 $0x1000  }
0x1d7: {  	[hbm4b:s5+s25] =	stream.linear.scatter [tilespmem:s3], [sflag:$0x3], $0x80, $0x38;
	[tilespmem:$0x1FC50] =	vst v63  }
0x1d8: {  	s3 =	simm.s32 $0x3  }
0x1d9: {  	_ =	swait.ge [sflag:s3], $0x80  }
0x1da: {  	[sflag:s3] =	ssyncset.done $0x0  }
0x1db: {  	s10 =	simm.s32 $0x1080;
	s12 =	rddreg [dreg:$0xf];
	[sflag:s3] =	ssyncadd.s32 $0xFFFFFF80  }
0x1dc: {  	[hbm4b:s12+s25] =	stream.linear.scatter [tilespmem:s10], [sflag:$0x3], $0x80, $0x38;
	[tilespmem:$0x1FC50] =	vst v63  }
0x1dd: {  	_ =	swait.ge [sflag:s3], $0x80  }
0x1de: {  	[sflag:s3] =	ssyncset.done $0x0  }
0x1df: {  	s28 =	simm.s32 $0x1100;
	s26 =	rddreg [dreg:$0x10];
	[sflag:s3] =	ssyncadd.s32 $0xFFFFFF80  }
0x1e0: {  	[hbm4b:s26+s25] =	stream.linear.scatter [tilespmem:s28], [sflag:$0x3], $0x80, $0x38;
	[tilespmem:$0x1FC50] =	vst v63  }
0x1e1: {  	_ =	swait.ge [sflag:s3], $0x80  }
0x1e2: {  	[sflag:s3] =	ssyncset.done $0x0  }
0x1e3: {  	s12 =	simm.s32 $0x1180;
	s11 =	rddreg [dreg:$0x11];
	[sflag:s3] =	ssyncadd.s32 $0xFFFFFF80  }
0x1e4: {  	[hbm4b:s11+s25] =	stream.linear.scatter [tilespmem:s12], [sflag:$0x3], $0x80, $0x38;
	[tilespmem:$0x1FC50] =	vst v63  }
0x1e5: {  	_ =	swait.ge [sflag:s3], $0x80  }
0x1e6: {  	[sflag:s3] =	ssyncset.done $0x0  }
0x1e7: {  	s28 =	simm.s32 $0x1200;
	s26 =	rddreg [dreg:$0x12];
	[sflag:s3] =	ssyncadd.s32 $0xFFFFFF80  }
0x1e8: {  	[hbm4b:s26+s25] =	stream.linear.scatter [tilespmem:s28], [sflag:$0x3], $0x80, $0x38;
	[tilespmem:$0x1FC50] =	vst v63  }
0x1e9: {  	_ =	swait.ge [sflag:s3], $0x80  }
0x1ea: {  	[sflag:s3] =	ssyncset.done $0x0  }
0x1eb: {  	s12 =	simm.s32 $0x1280;
	s11 =	rddreg [dreg:$0x13];
	[sflag:s3] =	ssyncadd.s32 $0xFFFFFF80  }
0x1ec: {  	[hbm4b:s11+s25] =	stream.linear.scatter [tilespmem:s12], [sflag:$0x3], $0x80, $0x38;
	[tilespmem:$0x1FC50] =	vst v63  }
0x1ed: {  	_ =	swait.ge [sflag:s3], $0x80  }
0x1ee: {  	[sflag:s3] =	ssyncset.done $0x0  }
0x1ef: {  	s28 =	simm.s32 $0x1300;
	s26 =	rddreg [dreg:$0x14];
	[sflag:s3] =	ssyncadd.s32 $0xFFFFFF80  }
0x1f0: {  	[hbm4b:s26+s25] =	stream.linear.scatter [tilespmem:s28], [sflag:$0x3], $0x80, $0x38;
	[tilespmem:$0x1FC50] =	vst v63  }
0x1f1: {  	_ =	swait.ge [sflag:s3], $0x80  }
0x1f2: {  	[sflag:s3] =	ssyncset.done $0x0  }
0x1f3: {  	s12 =	simm.s32 $0x1380;
	s11 =	rddreg [dreg:$0x15];
	[sflag:s3] =	ssyncadd.s32 $0xFFFFFF80  }
0x1f4: {  	[hbm4b:s11+s25] =	stream.linear.scatter [tilespmem:s12], [sflag:$0x3], $0x80, $0x38;
	[tilespmem:$0x1FC50] =	vst v63  }
0x1f5: {  	_ =	swait.ge [sflag:s3], $0x80  }
0x1f6: {  	s26 =	sld [smem:$0x7F7];
	_ =	sdelay $0x2  }
0x1f7: {  	s28 =	rddreg [dreg:$0x19];
	s10 =	sadd.s32 $0x1, s26  }
0x1f8: {  	p1 =	sne.s32 s10, s28  }
.Ltmp8:
0x1f9: {  	_ = 	snop;
	(pc) =	sbr.rel @p1 .LBB2_1-.Ltmp8, $3  }
0x1fa: {  	_ =	sdelay $0x1  }
0x1fb: {  	[sflag:s3] =	ssyncset.done $0x0  }
0x1fc: {  	[sflag:s3] =	ssyncadd.s32 $0xFFFFFF80  }
0x1fd: {  	_ =	sfence.sel $0x180000  }
0x1fe: {  	[bflag:$0x0] =	sbarrier.arrive $0xFFFF  }
0x1ff: {  	_ =	strace $0x90000047  }
0x200: {  	[bflag:$0x2] =	sbarrier.arrive $0xFFFF  }
0x201: {  	s0 =	rddreg [dreg:$0x5]  }
0x202: {  	s0 =	sadd.s32 @!p0 $0x100000, s0  }
0x203: {  	[sflag:s0] =	ssyncadd.tile.s32 @!p0 $0x1;
	_ =	shalt  }
.Lfunc_end2:
_tile_overlayer_lowered:
.L_overlay_start_2:
0x204: {  	(tag) =	ssettag $0x2  }
0x205: {  	s0 =	rddreg [dreg:$0x0];
	s2 =	stileid.u32  }
0x206: {  	s1 =	rddreg [dreg:$0x1];
	p0 =	sne.s32 s2, $0x0  }
0x207: {  	s3 =	rddreg [dreg:$0x2];
	[bflag:$0x3] =	sbarrier.arrive $0xFFFF;
	s2 =	simm.s32 @!p0 $0x1C03  }
0x208: {  	[timem:s3], [sflag:s2] =	dma.local @!p0 [hbm:s0], s1  }
0x209: {  	s0 =	simm.s32 @!p0 $0x3  }
0x20a: {  	_ =	swait.ge @!p0 [sflag:s0], s1  }
0x20b: {  	s1 =	ssub.s32 @!p0 $0x0, s1;
	[sflag:s0] =	ssyncset.done @!p0 $0x0  }
0x20c: {  	[sflag:s0] =	ssyncadd.s32 @!p0 s1  }
0x20d: {  	[bflag:$0x3] =	sbarrier.arrive $0xFFFF  }
0x20e: {  	_ =	shalt  }

// kernel: kernel.7.cloned.1.call-start
scs
__scs_entry_jumppad:
0x0: {  	(pc) =	sbr.rel $0x88, $3  }
0x1: {  	(tag) =	ssettag $0x0;
	lr =	simm.s32 $0x1  }
0x2: {  	[smem:$0x3F9F] =	sst lr;
	_ =	strace $0xD0000000  }
0x3: {  	_ = 	snop  }
0x4: {  	_ = 	snop  }
0x5: {  	_ = 	snop  }
0x6: {  	_ = 	snop  }
0x7: {  	_ = 	snop  }
__scs_overlays_trampoline_lowered:
0x8: {  	[smem:$0x3FAE] =	sst s0  }
0x9: {  	[smem:$0x3FAF] =	sst s1  }
0xa: {  	[smem:$0x3FB0] =	sst s2  }
0xb: {  	[smem:$0x3FB1] =	sst s3  }
0xc: {  	[smem:$0x3FB2] =	sst s4  }
0xd: {  	[smem:$0x3FB3] =	sst s5  }
0xe: {  	[smem:$0x3FB4] =	sst s6  }
0xf: {  	[smem:$0x3FB5] =	sst s7  }
0x10: {  	[smem:$0x3FB6] =	sst s8  }
0x11: {  	[smem:$0x3FB7] =	sst s9;
	s0 =	simm.s32 @!p0 $0x0  }
0x12: {  	s1 =	sld [smem:$0x3F9D];
	s0 =	simm.s32 @p0 $0x1  }
0x13: {  	[smem:$0x3FB8] =	sst s0;
	s0 =	simm.s32 @!p1 $0x0  }
0x14: {  	s2 =	sld [smem:$0x3F9C];
	s0 =	simm.s32 @p1 $0x1  }
0x15: {  	[smem:$0x3FB9] =	sst s0;
	s0 =	simm.s32 @!p2 $0x0  }
0x16: {  	s3 =	sld [smem:$0x3FDB];
	s0 =	simm.s32 @p2 $0x1  }
0x17: {  	s4 =	simm.s32 $0x1BF5;
	[smem:$0x3FBB] =	sst s0  }
0x18: {  	s0 =	sld [smem:$0x3F9E];
	_ =	swait.ge [sflag:s4], $0x0  }
0x19: {  	s7 =	sld [smem:$0x3F9F]  }
0x1a: {  	s8 =	sadd.s32 $0xFFFFE003, lr  }
0x1b: {  	s9 =	sadd.s32 $0xFFFFFEF7, lr;
	s5 =	simm.s32 $0xFFFFFFFF;
	p2 =	slt.u32 s8, $0xFFFFF086  }
0x1c: {  	p1 =	slt.u32 s9, $0xF7A;
	s5 =	simm.s32 @!p2 $0x0  }
0x1d: {  	s5 =	simm.s32 @p1 $0x1;
	p0 =	seq.s32 s7, s2  }
0x1e: {  	s7 =	smul.u32 @!p0 $0xF7A, s2;
	p2 =	seq.s32 @!p0 s5, $0x0  }
0x1f: {  	s9 =	smul.u32 $0xF7A, s1;
	s8 =	simm.s32 @!p0 $0x1BF5;
	p2 =	por !p2, p0  }
0x20: {  	[sflag:s8] =	ssyncset.s32 @!p0 $0xFFFFF086;
	s6 =	sadd.s32 @!p0 s3, s7;
	s7 =	simm.s32 @!p0 $0x108  }
0x21: {  	s3 =	sadd.s32 s3, s9;
	s6 =	sadd.s32 @!p0 $0x88, s6;
	s7 =	simm.s32 @p2 $0x1082  }
0x22: {  	[simem:s7], [sflag:s8] =	dma.local @!p0 [hbm:s6], $0xF7A  }
0x23: {  	s9 =	sor.u32 $0xD0000000, s2;
	s6 =	simm.s32 $0x108;
	_ =	swait.ge @!p0 [sflag:s8], $0x0  }
0x24: {  	s3 =	sadd.s32 $0x88, s3;
	s6 =	simm.s32 @!p1 $0x1082;
	[sflag:s4] =	ssyncset.s32 $0xFFFFF086  }
0x25: {  	[simem:s6], [sflag:s4] =	dma.local [hbm:s3], $0xF7A  }
0x26: {  	[smem:$0x3F9F] =	sst s1;
	(tag) =	ssettag s2;
	_ =	strace s9  }
0x27: {  	s1 =	sld [smem:$0x3FAF]  }
0x28: {  	s2 =	sld [smem:$0x3FB0]  }
0x29: {  	s4 =	sld [smem:$0x3FB2]  }
0x2a: {  	p0 =	seq.s32 s5, $0x0;
	s5 =	sld [smem:$0x3FB3]  }
0x2b: {  	s6 =	sld [smem:$0x3FB4]  }
0x2c: {  	s7 =	sld [smem:$0x3FB5]  }
0x2d: {  	s3 =	simm.s32 $0x108;
	s8 =	sld [smem:$0x3FB6]  }
0x2e: {  	s3 =	simm.s32 @!p0 $0x1082;
	s9 =	sld [smem:$0x3FB7]  }
0x2f: {  	lr =	sadd.s32 s0, s3;
	s0 =	sld [smem:$0x3FAE]  }
0x30: {  	s3 =	sld [smem:$0x3FB1]  }
0x31: {  	[smem:$0x3FBA] =	sst s10  }
0x32: {  	s10 =	sld [smem:$0x3FB8];
	_ =	sdelay $0x3  }
0x33: {  	p0 =	seq.s32 s10, $0x1;
	s10 =	sld [smem:$0x3FBA];
	_ =	sdelay $0x3  }
0x34: {  	[smem:$0x3FBA] =	sst s10  }
0x35: {  	s10 =	sld [smem:$0x3FB9];
	_ =	sdelay $0x3  }
0x36: {  	p1 =	seq.s32 s10, $0x1;
	s10 =	sld [smem:$0x3FBA];
	_ =	sdelay $0x3  }
0x37: {  	[smem:$0x3FBA] =	sst s10  }
0x38: {  	s10 =	sld [smem:$0x3FBB]  }
0x39: {  	_ = 	snop;
	(pc) =	sbr.ind lr, $3  }
0x3a: {  	_ = 	snop  }
0x3b: {  	_ = 	snop  }
0x3c: {  	p2 =	seq.s32 s10, $0x1;
	s10 =	sld [smem:$0x3FBA]  }
0x3d: {  	_ =	shalt  }
0x3e: {  	_ =	shalt  }
0x3f: {  	_ =	shalt  }
0x40: {  	_ =	shalt  }
0x41: {  	_ =	shalt  }
0x42: {  	_ =	shalt  }
0x43: {  	_ =	shalt  }
0x44: {  	_ =	shalt  }
0x45: {  	_ =	shalt  }
0x46: {  	_ =	shalt  }
0x47: {  	_ =	shalt  }
0x48: {  	_ =	shalt  }
0x49: {  	_ =	shalt  }
0x4a: {  	_ =	shalt  }
0x4b: {  	_ =	shalt  }
0x4c: {  	_ =	shalt  }
0x4d: {  	_ =	shalt  }
0x4e: {  	_ =	shalt  }
0x4f: {  	_ =	shalt  }
0x50: {  	_ =	shalt  }
0x51: {  	_ =	shalt  }
0x52: {  	_ =	shalt  }
0x53: {  	_ =	shalt  }
0x54: {  	_ =	shalt  }
0x55: {  	_ =	shalt  }
0x56: {  	_ =	shalt  }
0x57: {  	_ =	shalt  }
0x58: {  	_ =	shalt  }
0x59: {  	_ =	shalt  }
0x5a: {  	_ =	shalt  }
0x5b: {  	_ =	shalt  }
0x5c: {  	_ =	shalt  }
0x5d: {  	_ =	shalt  }
0x5e: {  	_ =	shalt  }
0x5f: {  	_ =	shalt  }
0x60: {  	_ =	shalt  }
0x61: {  	_ =	shalt  }
0x62: {  	_ =	shalt  }
0x63: {  	_ =	shalt  }
0x64: {  	_ =	shalt  }
0x65: {  	_ =	shalt  }
0x66: {  	_ =	shalt  }
0x67: {  	_ =	shalt  }
0x68: {  	_ =	shalt  }
0x69: {  	_ =	shalt  }
0x6a: {  	_ =	shalt  }
0x6b: {  	_ =	shalt  }
0x6c: {  	_ =	shalt  }
0x6d: {  	_ =	shalt  }
0x6e: {  	_ =	shalt  }
0x6f: {  	_ =	shalt  }
0x70: {  	_ =	shalt  }
0x71: {  	_ =	shalt  }
0x72: {  	_ =	shalt  }
0x73: {  	_ =	shalt  }
0x74: {  	_ =	shalt  }
0x75: {  	_ =	shalt  }
0x76: {  	_ =	shalt  }
0x77: {  	_ =	shalt  }
0x78: {  	_ =	shalt  }
0x79: {  	_ =	shalt  }
0x7a: {  	_ =	shalt  }
0x7b: {  	_ =	shalt  }
0x7c: {  	_ =	shalt  }
0x7d: {  	_ =	shalt  }
0x7e: {  	_ =	shalt  }
0x7f: {  	_ =	shalt  }
0x80: {  	_ =	shalt  }
0x81: {  	_ =	shalt  }
0x82: {  	_ =	shalt  }
0x83: {  	_ =	shalt  }
0x84: {  	_ =	shalt  }
0x85: {  	_ =	shalt  }
0x86: {  	_ =	shalt  }
0x87: {  	_ =	shalt  }
.Lfunc_end0:
.L_simem_size_0:
called_computation.1_lowered:
.L_overlay_start_0:
0x88: {  	s2 =	sld [smem:$0x3FD9]  }
0x89: {  	s3 =	sld [smem:$0x3FFE];
	_ =	sdelay $0x1  }
0x8a: {  	s1 =	srdreg.scid  }
0x8b: {  	s0 =	sand.u32 $0x1, s1  }
0x8c: {  	s17 =	sshll.u32 s0, $0xA;
	s2 =	sadd.s32 s3, s2  }
0x8d: {  	s2 =	sadd.s32 s2, s17  }
0x8e: {  	[smem:$0x3FC6] =	sst s2  }
0x8f: {  	_ = 	snop  }
0x90: {  	s2 =	sld [smem:$0x3FD0];
	(tm) =	ssettm $0x1  }
0x91: {  	s18 =	sld [smem:$0x3FFB];
	_ =	sdelay $0x3  }
0x92: {  	_ =	strace s18  }
0x93: {  	s3 =	sld [smem:$0x3FFC];
	_ =	sdelay $0x3  }
0x94: {  	_ =	strace s3  }
0x95: {  	s3 =	sld [smem:$0x3FFD];
	_ =	sdelay $0x3  }
0x96: {  	_ =	strace s3  }
0x97: {  	_ =	strace $0x8FFFFFFF  }
0x98: {  	s19 =	sld [smem:$0x3FDB];
	_ =	sdelay $0x1  }
0x99: {  	s4 =	simm.s32 $_scs_section_size  }
0x9a: {  	s5 =	simm.s32 $_size__tile_overlayer_lowered;
	s6 =	simm.s32 $_tile_overlayer_lowered  }
0x9b: {  	s22 =	simm.s32 $0x1BFF;
	s21 =	sshll.u32 s6, $0x1;
	s3 =	sadd.s32 s4, s19  }
0x9c: {  	s7 =	simm.s32 $0x0;
	s20 =	sshll.u32 s5, $0x1;
	s5 =	sadd.s32 s21, s3  }
0x9d: {  	[timem:s7], [sflag:s22] =	dma.local [hbm:s5], s20  }
0x9e: {  	_ =	swait.ge [sflag:s22], s20  }
0x9f: {  	s4 =	ssub.s32 $0x0, s20;
	[sflag:s22] =	ssyncset.done $0x0  }
0xa0: {  	[sflag:s22] =	ssyncadd.s32 s4;
	_ =	sdelay $0x1  }
0xa1: {  	s23 =	simm.s32 $0x1B8B  }
0xa2: {  	_ =	swait.ge [sflag:s23], $0x1  }
0xa3: {  	[sflag:s23] =	ssyncset.done $0x0  }
0xa4: {  	s25 =	simm.s32 $0x1B8E;
	s24 =	sld [smem:$0x3FFE];
	[sflag:s23] =	ssyncadd.s32 $0xFFFFFFFF  }
0xa5: {  	s26 =	simm.s32 $execute0_lowered;
	[smem:$0x3FD2] =	sst s25  }
0xa6: {  	s5 =	sshll.u32 s26, $0x1;
	_ =	strace $0x80000049;
	[dreg:$0x1] =	wrdreg $0xFFFFFFFF  }
0xa7: {  	s28 =	simm.s32 $_size_execute0_lowered;
	s3 =	sadd.s32 s3, s5;
	[dreg:$0x0] =	wrdreg $0x0  }
0xa8: {  	s5 =	sshll.u32 s28, $0x1;
	[dreg:$0x2] =	wrdreg s3  }
0xa9: {  	[dreg:$0x3] =	wrdreg s5  }
0xaa: {  	[dreg:$0x4] =	wrdreg $0xC0  }
0xab: {  	_ =	task [dreg:s7], $0x5FFFF  }
0xac: {  	[dreg:$0x1] =	wrdreg $0xFFFFFFFF  }
0xad: {  	[dreg:$0x0] =	wrdreg $0x60  }
0xae: {  	[dreg:$0x2] =	wrdreg s24  }
0xaf: {  	[dreg:$0x3] =	wrdreg s2  }
0xb0: {  	[dreg:$0x4] =	wrdreg $0x9  }
0xb1: {  	_ =	task.clear_ibuf [dreg:s7], $0x5FFFF;
	_ =	strace $0x90000049  }
0xb2: {  	s29 =	simm.s32 $0x9;
	_ =	strace $0x8000004B  }
0xb3: {  	_ =	swait.ge [sflag:s29], $0x1  }
0xb4: {  	[sflag:s29] =	ssyncadd.s32 $0xFFFFFFFF  }
0xb5: {  	_ =	strace $0x9000004B  }
0xb6: {  	_ =	sfence  }
0xb7: {  	s30 =	sld [smem:$0x0];
	_ =	sdelay $0x2  }
0xb8: {  	s31 =	sshll.u32 s1, $0xD;
	s1 =	sshrl.u32 s1, $0x2  }
0xb9: {  	s3 =	sand.u32 $0x4000, s31;
	s1 =	sadd.s32 s1, s30  }
0xba: {  	s0 =	sor.u32 s3, s0;
	s1 =	sshll.u32 s1, $0x11  }
0xbb: {  	s0 =	sor.u32 s1, s0  }
0xbc: {  	s0 =	sadd.s32 $0x8F2B, s0  }
0xbd: {  	[sflag:s0] =	ssyncadd.remote.s32 $0x1  }
0xbe: {  	_ =	sfence.sel $0xFFFF  }
0xbf: {  	[dreg:$0x0] =	wrdreg $0xFFFFFFFF;
	(pc) =	sbr.abs _section_cstart, $3  }
0xc0: {  	[dreg:$0x1] =	wrdreg $0xFFFFFFFF  }
0xc1: {  	_ =	task.clear_ibuf [dreg:s7], $0x2FFFF;
	_ =	strace $0x9FFFFFFF  }
0xc2: {  	(tm) =	ssettm $0x7FFFFFFF  }
0xc3: {  	_ =	shalt  }
tec
execute0_lowered:
.L_overlay_start_1:
0x0: {  	(tag) =	ssettag $0x1  }
0x1: {  	s4 =	rddreg [dreg:$0x0]  }
0x2: {  	s14 =	rddreg [dreg:$0x1]  }
0x3: {  	s0 =	rddreg [dreg:$0x2];
	s3 =	srdreg.scid  }
0x4: {  	s2 =	simm.s32 $0x0;
	s1 =	stileid.u32;
	s18 =	simm.s32 $0x280  }
0x5: {  	s19 =	simm.s32 $0x100;
	s20 =	simm.s32 $0x300;
	s21 =	simm.s32 $0x180  }
0x6: {  	s22 =	simm.s32 $0x380;
	s23 =	simm.s32 $0x1;
	s24 =	simm.s32 $0x400  }
0x7: {  	s25 =	simm.s32 $0x2;
	s28 =	simm.s32 $0x500;
	s29 =	simm.s32 $0x580  }
0x8: {  	s3 =	sand.u32 $0x1, s3;
	[smem:$0x7FF] =	sst s2;
	s5 =	sshll.u32 s1, $0xA  }
0x9: {  	s9 =	sadd.s32 $0x1C00, s4;
	s6 =	sshll.u32 s3, $0x9;
	s3 =	ssub.s32 $0x2, s3  }
0xa: {  	s10 =	sadd.s32 $0x1C10, s4;
	s11 =	sor.u32 s6, s5;
	s26 =	sshrl.u32 s3, $0x1  }
0xb: {  	_ =	strace $0x8000004A;
	s7 =	sshrl.u32 s11, $0x7;
	s15 =	ssub.s32 s3, s26  }
0xc: {  	s30 =	sshrl.u32 s11, $0x2;
	s11 =	sshrl.u32 s11, $0x3;
	s26 =	simm.s32 $0x480  }
0xd: {  	s12 =	sor.u32 $0x1, s7;
	s3 =	sadd.s32 s9, s30;
	s4 =	sadd.s32 s30, s10  }
0xe: {  	s13 =	sor.u32 $0x2, s7;
	s16 =	sor.u32 $0x3, s7;
	s11 =	sadd.s32 s14, s11  }
0xf: {  	s15 =	smax.u32 s15, $0x1;
	s31 =	sshll.u32 s12, $0x5;
	s8 =	sshll.u32 s13, $0x5  }
0x10: {  	s17 =	sshll.u32 s16, $0x5;
	s12 =	sshll.u32 s12, $0x4;
	s13 =	sshll.u32 s13, $0x4  }
0x11: {  	s16 =	sshll.u32 s16, $0x4;
	s5 =	sadd.s32 s9, s31;
	s6 =	sadd.s32 s31, s10  }
0x12: {  	s7 =	sadd.s32 s9, s8;
	s8 =	sadd.s32 s8, s10;
	s9 =	sadd.s32 s9, s17  }
0x13: {  	s10 =	sadd.s32 s17, s10;
	s12 =	sadd.s32 s14, s12;
	s13 =	sadd.s32 s14, s13  }
0x14: {  	s14 =	sadd.s32 s14, s16;
	s16 =	simm.s32 $0x200;
	s17 =	simm.s32 $0x80  }
.LBB2_1:
0x15: {  	[tilespmem:s2], [sflag:$0x1] =	stream.linear.gather [hbm4b:s3+s2], $0x80, $0x38;
	[tilespmem:$0x600] =	vst v63  }
0x16: {  	_ = 	snop  }
0x17: {  	[tilespmem:s16], [sflag:$0x1] =	stream.linear.gather [hbm4b:s4+s2], $0x80, $0x38;
	[tilespmem:$0x600] =	vst v63  }
0x18: {  	_ = 	snop  }
0x19: {  	[tilespmem:s17], [sflag:$0x1] =	stream.linear.gather [hbm4b:s5+s2], $0x80, $0x38;
	[tilespmem:$0x600] =	vst v63  }
0x1a: {  	_ = 	snop  }
0x1b: {  	[tilespmem:s18], [sflag:$0x1] =	stream.linear.gather [hbm4b:s6+s2], $0x80, $0x38;
	[tilespmem:$0x600] =	vst v63  }
0x1c: {  	_ = 	snop  }
0x1d: {  	[tilespmem:s19], [sflag:$0x1] =	stream.linear.gather [hbm4b:s7+s2], $0x80, $0x38;
	[tilespmem:$0x600] =	vst v63  }
0x1e: {  	_ = 	snop  }
0x1f: {  	[tilespmem:s20], [sflag:$0x1] =	stream.linear.gather [hbm4b:s8+s2], $0x80, $0x38;
	[tilespmem:$0x600] =	vst v63  }
0x20: {  	_ = 	snop  }
0x21: {  	[tilespmem:s21], [sflag:$0x1] =	stream.linear.gather [hbm4b:s9+s2], $0x80, $0x38;
	[tilespmem:$0x600] =	vst v63  }
0x22: {  	_ = 	snop  }
0x23: {  	[tilespmem:s22], [sflag:$0x1] =	stream.linear.gather [hbm4b:s10+s2], $0x80, $0x38;
	[tilespmem:$0x600] =	vst v63  }
0x24: {  	_ =	swait.ge [sflag:s23], $0x80  }
0x25: {  	[sflag:s23] =	ssyncset.done $0x0  }
0x26: {  	[sflag:s23] =	ssyncadd.s32 $0xFFFFFF80  }
0x27: {  	_ =	swait.ge [sflag:s23], $0x80  }
0x28: {  	[sflag:s23] =	ssyncset.done $0x0  }
0x29: {  	[sflag:s23] =	ssyncadd.s32 $0xFFFFFF80  }
0x2a: {  	_ =	swait.ge [sflag:s23], $0x80  }
0x2b: {  	[sflag:s23] =	ssyncset.done $0x0  }
0x2c: {  	[sflag:s23] =	ssyncadd.s32 $0xFFFFFF80  }
0x2d: {  	_ =	swait.ge [sflag:s23], $0x80  }
0x2e: {  	[sflag:s23] =	ssyncset.done $0x0  }
0x2f: {  	[sflag:s23] =	ssyncadd.s32 $0xFFFFFF80  }
0x30: {  	_ =	swait.ge [sflag:s23], $0x80  }
0x31: {  	[sflag:s23] =	ssyncset.done $0x0  }
0x32: {  	[sflag:s23] =	ssyncadd.s32 $0xFFFFFF80  }
0x33: {  	_ =	swait.ge [sflag:s23], $0x80  }
0x34: {  	[sflag:s23] =	ssyncset.done $0x0  }
0x35: {  	[sflag:s23] =	ssyncadd.s32 $0xFFFFFF80  }
0x36: {  	_ =	swait.ge [sflag:s23], $0x80  }
0x37: {  	[sflag:s23] =	ssyncset.done $0x0  }
0x38: {  	[sflag:s23] =	ssyncadd.s32 $0xFFFFFF80  }
0x39: {  	_ =	swait.ge [sflag:s23], $0x80  }
0x3a: {  	[sflag:s23] =	ssyncset.done $0x0  }
0x3b: {  	[sflag:s23] =	ssyncadd.s32 $0xFFFFFF80  }
0x3c: {  	v0 =	vld [tilespmem:$0x0]  }
0x3d: {  	v1 =	vld [tilespmem:$0x200];
	_ =	sdelay $0x4  }
0x3e: {  	v0 =	vadd.f32 v1, v0;
	_ =	sdelay $0x1  }
0x3f: {  	v0 =	vmul.f32 $1.442695020e+00, v0;
	_ =	sdelay $0x1  }
0x40: {  	(erf) = vpow2.f32 v0;
	_ =	sdelay $0x2  }
0x41: {  	v44 =	vld [tilespmem:$0x10]  }
0x42: {  	v45 =	vld [tilespmem:$0x210];
	_ =	sdelay $0x4  }
0x43: {  	v0 =	vadd.f32 v45, v44;
	v2 =	vpop (erf)  }
0x44: {  	v46 =	vadd.f32 $1.000000000e+00, v2  }
0x45: {  	v0 =	vmul.f32 $1.442695020e+00, v0  }
0x46: {  	(erf) = vrcp.f32 v46  }
0x47: {  	(erf) = vpow2.f32 v0;
	_ =	sdelay $0x2  }
0x48: {  	v47 =	vld [tilespmem:$0x20]  }
0x49: {  	v48 =	vld [tilespmem:$0x220];
	_ =	sdelay $0x3  }
0x4a: {  	v0 =	vpop (erf)  }
0x4b: {  	v1 =	vadd.f32 v48, v47;
	v3 =	vpop (erf)  }
0x4c: {  	v49 =	vadd.f32 $1.000000000e+00, v3  }
0x4d: {  	v1 =	vmul.f32 $1.442695020e+00, v1  }
0x4e: {  	(erf) = vrcp.f32 v49  }
0x4f: {  	(erf) = vpow2.f32 v1;
	_ =	sdelay $0x2  }
0x50: {  	v50 =	vld [tilespmem:$0x30]  }
0x51: {  	v51 =	vld [tilespmem:$0x230];
	_ =	sdelay $0x3  }
0x52: {  	v1 =	vpop (erf)  }
0x53: {  	v2 =	vadd.f32 v51, v50;
	v4 =	vpop (erf)  }
0x54: {  	v52 =	vadd.f32 $1.000000000e+00, v4  }
0x55: {  	v2 =	vmul.f32 $1.442695020e+00, v2  }
0x56: {  	(erf) = vrcp.f32 v52  }
0x57: {  	(erf) = vpow2.f32 v2;
	_ =	sdelay $0x2  }
0x58: {  	v53 =	vld [tilespmem:$0x40]  }
0x59: {  	v54 =	vld [tilespmem:$0x240];
	_ =	sdelay $0x3  }
0x5a: {  	v2 =	vpop (erf)  }
0x5b: {  	v3 =	vadd.f32 v54, v53;
	v5 =	vpop (erf)  }
0x5c: {  	v55 =	vadd.f32 $1.000000000e+00, v5  }
0x5d: {  	v3 =	vmul.f32 $1.442695020e+00, v3  }
0x5e: {  	(erf) = vrcp.f32 v55  }
0x5f: {  	(erf) = vpow2.f32 v3;
	_ =	sdelay $0x2  }
0x60: {  	v56 =	vld [tilespmem:$0x50]  }
0x61: {  	v57 =	vld [tilespmem:$0x250];
	_ =	sdelay $0x3  }
0x62: {  	v3 =	vpop (erf)  }
0x63: {  	v4 =	vadd.f32 v57, v56;
	v6 =	vpop (erf)  }
0x64: {  	v58 =	vadd.f32 $1.000000000e+00, v6  }
0x65: {  	v4 =	vmul.f32 $1.442695020e+00, v4  }
0x66: {  	(erf) = vrcp.f32 v58  }
0x67: {  	(erf) = vpow2.f32 v4;
	_ =	sdelay $0x2  }
0x68: {  	v59 =	vld [tilespmem:$0x60]  }
0x69: {  	v60 =	vld [tilespmem:$0x260];
	_ =	sdelay $0x3  }
0x6a: {  	v4 =	vpop (erf)  }
0x6b: {  	v5 =	vadd.f32 v60, v59;
	v7 =	vpop (erf)  }
0x6c: {  	v61 =	vadd.f32 $1.000000000e+00, v7  }
0x6d: {  	v5 =	vmul.f32 $1.442695020e+00, v5  }
0x6e: {  	(erf) = vrcp.f32 v61  }
0x6f: {  	(erf) = vpow2.f32 v5;
	_ =	sdelay $0x2  }
0x70: {  	v62 =	vld [tilespmem:$0x70]  }
0x71: {  	v63 =	vld [tilespmem:$0x270];
	_ =	sdelay $0x3  }
0x72: {  	v5 =	vpop (erf)  }
0x73: {  	v6 =	vadd.f32 v63, v62;
	v8 =	vpop (erf)  }
0x74: {  	v12 =	vadd.f32 $1.000000000e+00, v8  }
0x75: {  	v6 =	vmul.f32 $1.442695020e+00, v6  }
0x76: {  	(erf) = vrcp.f32 v12  }
0x77: {  	(erf) = vpow2.f32 v6;
	_ =	sdelay $0x2  }
0x78: {  	v13 =	vld [tilespmem:$0x80]  }
0x79: {  	v14 =	vld [tilespmem:$0x280];
	_ =	sdelay $0x3  }
0x7a: {  	v6 =	vpop (erf)  }
0x7b: {  	v7 =	vadd.f32 v14, v13;
	v9 =	vpop (erf)  }
0x7c: {  	v15 =	vadd.f32 $1.000000000e+00, v9  }
0x7d: {  	v7 =	vmul.f32 $1.442695020e+00, v7  }
0x7e: {  	(erf) = vrcp.f32 v15  }
0x7f: {  	(erf) = vpow2.f32 v7;
	_ =	sdelay $0x2  }
0x80: {  	v16 =	vld [tilespmem:$0x90]  }
0x81: {  	v17 =	vld [tilespmem:$0x290];
	_ =	sdelay $0x3  }
0x82: {  	v7 =	vpop (erf)  }
0x83: {  	v8 =	vadd.f32 v17, v16;
	v10 =	vpop (erf)  }
0x84: {  	v18 =	vadd.f32 $1.000000000e+00, v10  }
0x85: {  	v8 =	vmul.f32 $1.442695020e+00, v8  }
0x86: {  	(erf) = vrcp.f32 v18  }
0x87: {  	(erf) = vpow2.f32 v8;
	_ =	sdelay $0x2  }
0x88: {  	v19 =	vld [tilespmem:$0xA0]  }
0x89: {  	v20 =	vld [tilespmem:$0x2A0];
	_ =	sdelay $0x3  }
0x8a: {  	v8 =	vpop (erf)  }
0x8b: {  	v9 =	vadd.f32 v20, v19;
	v11 =	vpop (erf)  }
0x8c: {  	v21 =	vadd.f32 $1.000000000e+00, v11  }
0x8d: {  	v9 =	vmul.f32 $1.442695020e+00, v9  }
0x8e: {  	(erf) = vrcp.f32 v21  }
0x8f: {  	(erf) = vpow2.f32 v9;
	_ =	sdelay $0x2  }
0x90: {  	v22 =	vld [tilespmem:$0xB0]  }
0x91: {  	v23 =	vld [tilespmem:$0x2B0];
	_ =	sdelay $0x3  }
0x92: {  	v9 =	vpop (erf)  }
0x93: {  	v10 =	vadd.f32 v23, v22;
	v12 =	vpop (erf)  }
0x94: {  	v24 =	vadd.f32 $1.000000000e+00, v12  }
0x95: {  	v10 =	vmul.f32 $1.442695020e+00, v10  }
0x96: {  	(erf) = vrcp.f32 v24  }
0x97: {  	(erf) = vpow2.f32 v10;
	_ =	sdelay $0x2  }
0x98: {  	v25 =	vld [tilespmem:$0xC0]  }
0x99: {  	v26 =	vld [tilespmem:$0x2C0];
	_ =	sdelay $0x3  }
0x9a: {  	v10 =	vpop (erf)  }
0x9b: {  	v11 =	vadd.f32 v26, v25;
	v13 =	vpop (erf)  }
0x9c: {  	v27 =	vadd.f32 $1.000000000e+00, v13  }
0x9d: {  	v11 =	vmul.f32 $1.442695020e+00, v11  }
0x9e: {  	(erf) = vrcp.f32 v27  }
0x9f: {  	(erf) = vpow2.f32 v11;
	_ =	sdelay $0x2  }
0xa0: {  	v28 =	vld [tilespmem:$0xD0]  }
0xa1: {  	v29 =	vld [tilespmem:$0x2D0];
	_ =	sdelay $0x3  }
0xa2: {  	v11 =	vpop (erf)  }
0xa3: {  	v12 =	vadd.f32 v29, v28;
	v14 =	vpop (erf)  }
0xa4: {  	v30 =	vadd.f32 $1.000000000e+00, v14  }
0xa5: {  	v12 =	vmul.f32 $1.442695020e+00, v12  }
0xa6: {  	(erf) = vrcp.f32 v30  }
0xa7: {  	(erf) = vpow2.f32 v12;
	_ =	sdelay $0x2  }
0xa8: {  	v31 =	vld [tilespmem:$0xE0]  }
0xa9: {  	v32 =	vld [tilespmem:$0x2E0];
	_ =	sdelay $0x3  }
0xaa: {  	v12 =	vpop (erf)  }
0xab: {  	v13 =	vadd.f32 v32, v31;
	v15 =	vpop (erf)  }
0xac: {  	v33 =	vadd.f32 $1.000000000e+00, v15  }
0xad: {  	v13 =	vmul.f32 $1.442695020e+00, v13  }
0xae: {  	(erf) = vrcp.f32 v33  }
0xaf: {  	(erf) = vpow2.f32 v13;
	_ =	sdelay $0x2  }
0xb0: {  	v34 =	vld [tilespmem:$0xF0]  }
0xb1: {  	v35 =	vld [tilespmem:$0x2F0];
	_ =	sdelay $0x3  }
0xb2: {  	v13 =	vpop (erf)  }
0xb3: {  	v14 =	vadd.f32 v35, v34;
	v16 =	vpop (erf)  }
0xb4: {  	v36 =	vadd.f32 $1.000000000e+00, v16  }
0xb5: {  	v14 =	vmul.f32 $1.442695020e+00, v14  }
0xb6: {  	(erf) = vrcp.f32 v36  }
0xb7: {  	(erf) = vpow2.f32 v14;
	_ =	sdelay $0x2  }
0xb8: {  	v37 =	vld [tilespmem:$0x100]  }
0xb9: {  	v38 =	vld [tilespmem:$0x300];
	_ =	sdelay $0x3  }
0xba: {  	v14 =	vpop (erf)  }
0xbb: {  	v15 =	vadd.f32 v38, v37;
	v17 =	vpop (erf)  }
0xbc: {  	v39 =	vadd.f32 $1.000000000e+00, v17  }
0xbd: {  	v15 =	vmul.f32 $1.442695020e+00, v15  }
0xbe: {  	(erf) = vrcp.f32 v39  }
0xbf: {  	(erf) = vpow2.f32 v15;
	_ =	sdelay $0x2  }
0xc0: {  	v40 =	vld [tilespmem:$0x110]  }
0xc1: {  	v41 =	vld [tilespmem:$0x310];
	_ =	sdelay $0x3  }
0xc2: {  	v15 =	vpop (erf)  }
0xc3: {  	v16 =	vadd.f32 v41, v40;
	v18 =	vpop (erf)  }
0xc4: {  	v42 =	vadd.f32 $1.000000000e+00, v18  }
0xc5: {  	v16 =	vmul.f32 $1.442695020e+00, v16  }
0xc6: {  	(erf) = vrcp.f32 v42  }
0xc7: {  	(erf) = vpow2.f32 v16;
	_ =	sdelay $0x2  }
0xc8: {  	v43 =	vld [tilespmem:$0x120]  }
0xc9: {  	v44 =	vld [tilespmem:$0x320];
	_ =	sdelay $0x3  }
0xca: {  	v16 =	vpop (erf)  }
0xcb: {  	v17 =	vadd.f32 v44, v43;
	v19 =	vpop (erf)  }
0xcc: {  	v45 =	vadd.f32 $1.000000000e+00, v19  }
0xcd: {  	v17 =	vmul.f32 $1.442695020e+00, v17  }
0xce: {  	(erf) = vrcp.f32 v45  }
0xcf: {  	(erf) = vpow2.f32 v17;
	_ =	sdelay $0x2  }
0xd0: {  	v47 =	vld [tilespmem:$0x330]  }
0xd1: {  	v46 =	vld [tilespmem:$0x130];
	_ =	sdelay $0x3  }
0xd2: {  	v17 =	vpop (erf)  }
0xd3: {  	v18 =	vadd.f32 v47, v46;
	v20 =	vpop (erf)  }
0xd4: {  	v48 =	vadd.f32 $1.000000000e+00, v20  }
0xd5: {  	v18 =	vmul.f32 $1.442695020e+00, v18  }
0xd6: {  	(erf) = vrcp.f32 v48  }
0xd7: {  	(erf) = vpow2.f32 v18;
	_ =	sdelay $0x2  }
0xd8: {  	v50 =	vld [tilespmem:$0x340]  }
0xd9: {  	v49 =	vld [tilespmem:$0x140];
	_ =	sdelay $0x3  }
0xda: {  	v20 =	vpop (erf)  }
0xdb: {  	v18 =	vadd.f32 v50, v49;
	v21 =	vpop (erf)  }
0xdc: {  	v51 =	vadd.f32 $1.000000000e+00, v21  }
0xdd: {  	v18 =	vmul.f32 $1.442695020e+00, v18  }
0xde: {  	(erf) = vrcp.f32 v51  }
0xdf: {  	(erf) = vpow2.f32 v18;
	_ =	sdelay $0x2  }
0xe0: {  	v53 =	vld [tilespmem:$0x350]  }
0xe1: {  	v52 =	vld [tilespmem:$0x150];
	_ =	sdelay $0x3  }
0xe2: {  	v21 =	vpop (erf)  }
0xe3: {  	v18 =	vadd.f32 v53, v52;
	v22 =	vpop (erf)  }
0xe4: {  	v54 =	vadd.f32 $1.000000000e+00, v22  }
0xe5: {  	v18 =	vmul.f32 $1.442695020e+00, v18  }
0xe6: {  	(erf) = vrcp.f32 v54  }
0xe7: {  	(erf) = vpow2.f32 v18;
	_ =	sdelay $0x2  }
0xe8: {  	v56 =	vld [tilespmem:$0x360]  }
0xe9: {  	v55 =	vld [tilespmem:$0x160];
	_ =	sdelay $0x3  }
0xea: {  	v22 =	vpop (erf)  }
0xeb: {  	v18 =	vadd.f32 v56, v55;
	v23 =	vpop (erf)  }
0xec: {  	v57 =	vadd.f32 $1.000000000e+00, v23  }
0xed: {  	v18 =	vmul.f32 $1.442695020e+00, v18  }
0xee: {  	(erf) = vrcp.f32 v57  }
0xef: {  	(erf) = vpow2.f32 v18;
	_ =	sdelay $0x2  }
0xf0: {  	v59 =	vld [tilespmem:$0x370]  }
0xf1: {  	v58 =	vld [tilespmem:$0x170];
	_ =	sdelay $0x3  }
0xf2: {  	v23 =	vpop (erf)  }
0xf3: {  	v18 =	vadd.f32 v59, v58;
	v24 =	vpop (erf)  }
0xf4: {  	v60 =	vadd.f32 $1.000000000e+00, v24  }
0xf5: {  	v18 =	vmul.f32 $1.442695020e+00, v18  }
0xf6: {  	(erf) = vrcp.f32 v60  }
0xf7: {  	(erf) = vpow2.f32 v18;
	_ =	sdelay $0x2  }
0xf8: {  	v62 =	vld [tilespmem:$0x380]  }
0xf9: {  	v61 =	vld [tilespmem:$0x180];
	_ =	sdelay $0x3  }
0xfa: {  	v63 =	vpop (erf)  }
0xfb: {  	v18 =	vadd.f32 v62, v61;
	v25 =	vpop (erf)  }
0xfc: {  	v32 =	vadd.f32 $1.000000000e+00, v25  }
0xfd: {  	v18 =	vmul.f32 $1.442695020e+00, v18  }
0xfe: {  	(erf) = vrcp.f32 v32  }
0xff: {  	(erf) = vpow2.f32 v18;
	_ =	sdelay $0x2  }
0x100: {  	v34 =	vld [tilespmem:$0x390]  }
0x101: {  	v33 =	vld [tilespmem:$0x190];
	_ =	sdelay $0x3  }
0x102: {  	v35 =	vpop (erf)  }
0x103: {  	v18 =	vadd.f32 v34, v33;
	v26 =	vpop (erf)  }
0x104: {  	v36 =	vadd.f32 $1.000000000e+00, v26  }
0x105: {  	v18 =	vmul.f32 $1.442695020e+00, v18  }
0x106: {  	(erf) = vrcp.f32 v36  }
0x107: {  	(erf) = vpow2.f32 v18;
	_ =	sdelay $0x2  }
0x108: {  	v37 =	vld [tilespmem:$0x1A0]  }
0x109: {  	v38 =	vld [tilespmem:$0x3A0];
	_ =	sdelay $0x3  }
0x10a: {  	v39 =	vpop (erf)  }
0x10b: {  	v18 =	vadd.f32 v38, v37;
	v27 =	vpop (erf)  }
0x10c: {  	v40 =	vadd.f32 $1.000000000e+00, v27  }
0x10d: {  	v18 =	vmul.f32 $1.442695020e+00, v18  }
0x10e: {  	(erf) = vrcp.f32 v40  }
0x10f: {  	(erf) = vpow2.f32 v18;
	_ =	sdelay $0x2  }
0x110: {  	v41 =	vld [tilespmem:$0x1B0]  }
0x111: {  	v42 =	vld [tilespmem:$0x3B0];
	_ =	sdelay $0x3  }
0x112: {  	v43 =	vpop (erf)  }
0x113: {  	v18 =	vadd.f32 v42, v41;
	v28 =	vpop (erf)  }
0x114: {  	v44 =	vadd.f32 $1.000000000e+00, v28  }
0x115: {  	v18 =	vmul.f32 $1.442695020e+00, v18  }
0x116: {  	(erf) = vrcp.f32 v44  }
0x117: {  	(erf) = vpow2.f32 v18;
	_ =	sdelay $0x2  }
0x118: {  	v46 =	vld [tilespmem:$0x3C0]  }
0x119: {  	v45 =	vld [tilespmem:$0x1C0];
	_ =	sdelay $0x3  }
0x11a: {  	v47 =	vpop (erf)  }
0x11b: {  	v18 =	vadd.f32 v46, v45;
	v29 =	vpop (erf)  }
0x11c: {  	v48 =	vadd.f32 $1.000000000e+00, v29  }
0x11d: {  	v18 =	vmul.f32 $1.442695020e+00, v18  }
0x11e: {  	(erf) = vrcp.f32 v48  }
0x11f: {  	(erf) = vpow2.f32 v18;
	_ =	sdelay $0x2  }
0x120: {  	v49 =	vld [tilespmem:$0x1D0]  }
0x121: {  	v50 =	vld [tilespmem:$0x3D0];
	_ =	sdelay $0x3  }
0x122: {  	v51 =	vpop (erf)  }
0x123: {  	v18 =	vadd.f32 v50, v49;
	v30 =	vpop (erf)  }
0x124: {  	v52 =	vadd.f32 $1.000000000e+00, v30  }
0x125: {  	v18 =	vmul.f32 $1.442695020e+00, v18  }
0x126: {  	(erf) = vrcp.f32 v52  }
0x127: {  	(erf) = vpow2.f32 v18;
	_ =	sdelay $0x2  }
0x128: {  	v53 =	vld [tilespmem:$0x1E0]  }
0x129: {  	v54 =	vld [tilespmem:$0x3E0];
	_ =	sdelay $0x3  }
0x12a: {  	v55 =	vpop (erf)  }
0x12b: {  	v18 =	vadd.f32 v54, v53;
	v56 =	vpop (erf)  }
0x12c: {  	v19 =	vadd.f32 $1.000000000e+00, v56  }
0x12d: {  	v18 =	vmul.f32 $1.442695020e+00, v18  }
0x12e: {  	(erf) = vrcp.f32 v19  }
0x12f: {  	(erf) = vpow2.f32 v18;
	_ =	sdelay $0x2  }
0x130: {  	v57 =	vld [tilespmem:$0x1F0]  }
0x131: {  	[tilespmem:$0x400] =	vst v0;
	v58 =	vld [tilespmem:$0x3F0]  }
0x132: {  	[tilespmem:$0x410] =	vst v1  }
0x133: {  	[tilespmem:$0x420] =	vst v2  }
0x134: {  	[tilespmem:$0x430] =	vst v3  }
0x135: {  	[tilespmem:$0x440] =	vst v4;
	v59 =	vpop (erf)  }
0x136: {  	[tilespmem:$0x450] =	vst v5;
	v0 =	vadd.f32 v58, v57;
	v60 =	vpop (erf)  }
0x137: {  	[tilespmem:$0x460] =	vst v6;
	v2 =	vadd.f32 $1.000000000e+00, v60  }
0x138: {  	[tilespmem:$0x470] =	vst v7;
	v0 =	vmul.f32 $1.442695020e+00, v0  }
0x139: {  	[tilespmem:$0x480] =	vst v8;
	(erf) = vrcp.f32 v2  }
0x13a: {  	[tilespmem:$0x490] =	vst v9;
	(erf) = vpow2.f32 v0  }
0x13b: {  	[tilespmem:$0x4A0] =	vst v10  }
0x13c: {  	[tilespmem:$0x4B0] =	vst v11  }
0x13d: {  	[tilespmem:$0x4C0] =	vst v12  }
0x13e: {  	[tilespmem:$0x4D0] =	vst v13  }
0x13f: {  	[tilespmem:$0x4E0] =	vst v14  }
0x140: {  	[tilespmem:$0x4F0] =	vst v15  }
0x141: {  	[tilespmem:$0x500] =	vst v16  }
0x142: {  	[tilespmem:$0x510] =	vst v17;
	v61 =	vpop (erf)  }
0x143: {  	[tilespmem:$0x520] =	vst v20;
	v62 =	vpop (erf)  }
0x144: {  	[tilespmem:$0x530] =	vst v21;
	v2 =	vadd.f32 $1.000000000e+00, v62  }
0x145: {  	[tilespmem:$0x540] =	vst v22  }
0x146: {  	[tilespmem:$0x550] =	vst v23;
	(erf) = vrcp.f32 v2  }
0x147: {  	[tilespmem:$0x560] =	vst v63  }
0x148: {  	[tilespmem:$0x570] =	vst v35  }
0x149: {  	[tilespmem:$0x580] =	vst v39  }
0x14a: {  	[tilespmem:$0x590] =	vst v43  }
0x14b: {  	[tilespmem:$0x5A0] =	vst v47  }
0x14c: {  	[tilespmem:$0x5B0] =	vst v51  }
0x14d: {  	[tilespmem:$0x5C0] =	vst v55  }
0x14e: {  	[tilespmem:$0x5D0] =	vst v59  }
0x14f: {  	[tilespmem:$0x5E0] =	vst v61;
	v63 =	vpop (erf)  }
0x150: {  	[tilespmem:$0x5F0] =	vst v63  }
0x151: {  	[hbm4b:s11+s2] =	stream.linear.scatter [tilespmem:s24], [sflag:$0x2], $0x80, $0x38;
	[tilespmem:$0x600] =	vst v63  }
0x152: {  	_ =	swait.ge [sflag:s25], $0x80  }
0x153: {  	[sflag:s25] =	ssyncset.done $0x0  }
0x154: {  	[sflag:s25] =	ssyncadd.s32 $0xFFFFFF80  }
0x155: {  	[hbm4b:s12+s2] =	stream.linear.scatter [tilespmem:s26], [sflag:$0x2], $0x80, $0x38;
	[tilespmem:$0x600] =	vst v63  }
0x156: {  	_ =	swait.ge [sflag:s25], $0x80  }
0x157: {  	[sflag:s25] =	ssyncset.done $0x0  }
0x158: {  	[sflag:s25] =	ssyncadd.s32 $0xFFFFFF80  }
0x159: {  	[hbm4b:s13+s2] =	stream.linear.scatter [tilespmem:s28], [sflag:$0x2], $0x80, $0x38;
	[tilespmem:$0x600] =	vst v63  }
0x15a: {  	_ =	swait.ge [sflag:s25], $0x80  }
0x15b: {  	p0 =	sne.s32 s15, $0x1;
	[sflag:s25] =	ssyncset.done $0x0  }
.Ltmp0:
0x15c: {  	[sflag:s25] =	ssyncadd.s32 $0xFFFFFF80;
	(pc) =	sbr.rel @p0 .LBB2_1-.Ltmp0, $4  }
0x15d: {  	[hbm4b:s14+s2] =	stream.linear.scatter [tilespmem:s29], [sflag:$0x2], $0x80, $0x38;
	[tilespmem:$0x600] =	vst v63  }
0x15e: {  	_ =	swait.ge [sflag:s25], $0x80  }
0x15f: {  	[sflag:s25] =	ssyncset.done $0x0  }
0x160: {  	s15 =	sadd.s32 $0xFFFFFFFF, s15;
	[sflag:s25] =	ssyncadd.s32 $0xFFFFFF80  }
0x161: {  	_ =	sfence.sel $0x180000  }
0x162: {  	[bflag:$0x0] =	sbarrier.arrive $0xFFFF  }
0x163: {  	p0 =	sne.s32 s1, $0x0;
	_ =	strace $0x9000004A  }
0x164: {  	s0 =	sadd.s32 @!p0 $0x100000, s0;
	[bflag:$0x2] =	sbarrier.arrive $0xFFFF  }
0x165: {  	[sflag:s0] =	ssyncadd.tile.s32 @!p0 $0x1;
	_ =	shalt  }
.Lfunc_end2:
_tile_overlayer_lowered:
.L_overlay_start_2:
0x166: {  	(tag) =	ssettag $0x2  }
0x167: {  	s0 =	rddreg [dreg:$0x0];
	s2 =	stileid.u32  }
0x168: {  	s1 =	rddreg [dreg:$0x1];
	p0 =	sne.s32 s2, $0x0  }
0x169: {  	s3 =	rddreg [dreg:$0x2];
	[bflag:$0x3] =	sbarrier.arrive $0xFFFF;
	s2 =	simm.s32 @!p0 $0x1C02  }
0x16a: {  	[timem:s3], [sflag:s2] =	dma.local @!p0 [hbm:s0], s1  }
0x16b: {  	s0 =	simm.s32 @!p0 $0x2  }
0x16c: {  	_ =	swait.ge @!p0 [sflag:s0], s1  }
0x16d: {  	s1 =	ssub.s32 @!p0 $0x0, s1;
	[sflag:s0] =	ssyncset.done @!p0 $0x0  }
0x16e: {  	[sflag:s0] =	ssyncadd.s32 @!p0 s1  }
0x16f: {  	[bflag:$0x3] =	sbarrier.arrive $0xFFFF  }
0x170: {  	_ =	shalt  }

</sc_bundles>
